<compile_context>
chip_gen: v7x
topology: tpu7x:2x2x1
jax: 0.10.2.dev20260603
libtpu: 0.0.44.dev20260713+nightly
codegen_flags: <defaults>
</compile_context>

<pallas_src>
import jax
import jax.numpy as jnp
from jax import lax
from jax.experimental import pallas as pl
from jax.experimental.pallas import tpu as pltpu
from jax.experimental.pallas import tpu_sc as plsc

NC = 2
NS = 16
L = 16
NW = NC * NS

N = 4096 * 64 * 64
PER_W = N // NW
CHUNK = 8192
NCHUNK = PER_W // CHUNK
NBUF = 2
GRP = 128

MAGIC = 8388608.0
RGB_SCALE = 127.5


def _sc_body(x_hbm, bk_hbm, mm_hbm, out_hbm, bk_v, mm_v, rtab_v, gtab_v,
             btab_v, in_bufs, out_bufs, isems, osems):
    wid = lax.axis_index("s") * NC + lax.axis_index("c")
    base = wid * PER_W

    pltpu.sync_copy(bk_hbm, bk_v)
    pltpu.sync_copy(mm_hbm, mm_v)
    for j in range(32 // L):
        bk = jnp.clip(bk_v[pl.ds(j * L, L)], 0, 31)
        mv = plsc.load_gather(mm_v, [bk])
        r = jnp.bitwise_and(jnp.right_shift(mv, 16), 255).astype(jnp.float32)
        g = jnp.bitwise_and(jnp.right_shift(mv, 8), 255).astype(jnp.float32)
        b = jnp.bitwise_and(mv, 255).astype(jnp.float32)
        rtab_v[pl.ds(j * L, L)] = (r - RGB_SCALE) / RGB_SCALE
        gtab_v[pl.ds(j * L, L)] = (g - RGB_SCALE) / RGB_SCALE
        btab_v[pl.ds(j * L, L)] = (b - RGB_SCALE) / RGB_SCALE

    for b in range(NBUF):
        pltpu.async_copy(x_hbm.at[pl.ds(base + b * CHUNK, CHUNK)], in_bufs[b],
                         isems[b])

    def process(c, in_v, out_v, isem, osem):
        pltpu.make_async_copy(x_hbm.at[pl.ds(0, CHUNK)], in_v, isem).wait()

        @pl.when(c >= NBUF)
        def _wait_out():
            pltpu.make_async_copy(out_v, out_hbm.at[pl.ds(0, 4 * CHUNK)],
                                  osem).wait()

        @plsc.parallel_loop(0, CHUNK // GRP, step=1, unroll=1)
        def _grp(j):
            ib = j * GRP
            ob = j * (4 * GRP)
            for v in range(GRP // L):
                xv = in_v[pl.ds(ib + v * L, L)]
                t = ((xv + 1.0) * 0.5) * 31.0
                idx = jnp.clip(((t + MAGIC) - MAGIC).astype(jnp.int32), 0, 31)
                out_v[pl.ds(ob + v * L, L)] = xv
                out_v[pl.ds(ob + GRP + v * L, L)] = plsc.load_gather(
                    rtab_v, [idx])
                out_v[pl.ds(ob + 2 * GRP + v * L, L)] = plsc.load_gather(
                    gtab_v, [idx])
                out_v[pl.ds(ob + 3 * GRP + v * L, L)] = plsc.load_gather(
                    btab_v, [idx])

        off = base + c * CHUNK
        pltpu.async_copy(out_v, out_hbm.at[pl.ds(off * 4, 4 * CHUNK)], osem)

        @pl.when(c + NBUF < NCHUNK)
        def _prefetch():
            pltpu.async_copy(x_hbm.at[pl.ds(off + NBUF * CHUNK, CHUNK)], in_v,
                             isem)

    def chunk_group(k, carry):
        for b in range(NBUF):
            process(NBUF * k + b, in_bufs[b], out_bufs[b], isems[b], osems[b])
        return carry

    lax.fori_loop(0, NCHUNK // NBUF, chunk_group, 0)

    for b in range(NBUF):
        pltpu.make_async_copy(out_bufs[b], out_hbm.at[pl.ds(0, 4 * CHUNK)],
                              osems[b]).wait()


@jax.jit
def kernel(x, backwards_table, minimap_table):
    x_flat = jnp.transpose(x, (1, 2, 3, 0)).reshape(N)
    run = pl.kernel(
        _sc_body,
        out_type=jax.ShapeDtypeStruct((4 * N,), jnp.float32),
        mesh=plsc.VectorSubcoreMesh(core_axis_name="c", subcore_axis_name="s"),
        compiler_params=pltpu.CompilerParams(needs_layout_passes=False),
        scratch_types=[
            pltpu.VMEM((32,), jnp.int32),
            pltpu.VMEM((32,), jnp.int32),
            pltpu.VMEM((32,), jnp.float32),
            pltpu.VMEM((32,), jnp.float32),
            pltpu.VMEM((32,), jnp.float32),
            [pltpu.VMEM((CHUNK,), jnp.float32) for _ in range(NBUF)],
            [pltpu.VMEM((4 * CHUNK,), jnp.float32) for _ in range(NBUF)],
            [pltpu.SemaphoreType.DMA for _ in range(NBUF)],
            [pltpu.SemaphoreType.DMA for _ in range(NBUF)],
        ],
    )
    out_flat = run(x_flat, backwards_table.astype(jnp.int32),
                   minimap_table.astype(jnp.int32))
    z = out_flat.reshape(64, 64, 4096 // GRP, 4, GRP)
    return jnp.transpose(z, (2, 4, 0, 1, 3)).reshape(4096, 64, 64, 4)

# --- scband reference (transcript-rebuilt; emitter-appended) ---
"""Pipeline reference for scband-add-minimap-values-77103252897810 (READ-ONLY COPY).

The authoritative reference and input builder live on the scoring server;
editing this copy changes nothing except your own understanding.
"""

import jax, jax.numpy as jnp
import numpy as np

BLOCK_COUNT = 32

def _build_tables():
    i = np.arange(BLOCK_COUNT)
    backwards = i.astype(np.int32)  # identity blockBackwardsDict: truncatedHash -> blockId
    minimap = ((((15 * i) % 256) << 16) | (((75 * i) % 256) << 8) | ((101 * i) % 256)).astype(np.int32)
    return jnp.asarray(backwards), jnp.asarray(minimap)

def setup_inputs(seed: int = 0) -> dict:
    key = jax.random.key(seed)
    # encoded block values in [-1, 1], matching the layer's decode convention
    x = jax.random.uniform(key, (4096, 64, 64, 1), dtype=jnp.float32, minval=-1.0, maxval=1.0)
    backwards_table, minimap_table = _build_tables()
    return {"x": x, "backwards_table": backwards_table, "minimap_table": minimap_table}

def reference(x, backwards_table, minimap_table):
    block_count = jnp.float32(BLOCK_COUNT)
    rgb_const = jnp.float32(127.5)
    bit_mask = jnp.int32(255)
    # decode_block_tensor
    hash_decimal = (x + 1.0) / 2.0 * (block_count - 1.0)
    truncated_hash = jnp.clip(jnp.round(hash_decimal).astype(jnp.int32), 0, BLOCK_COUNT - 1)
    block_id = jnp.take(backwards_table, truncated_hash, axis=0)
    # minimap color lookup (shared by R/G/B paths)
    v = jnp.take(minimap_table, block_id, axis=0)
    r = ((jnp.bitwise_and(jnp.right_shift(v, 16), bit_mask)).astype(jnp.float32) - rgb_const) / rgb_const
    g = ((jnp.bitwise_and(jnp.right_shift(v, 8), bit_mask)).astype(jnp.float32) - rgb_const) / rgb_const
    b = ((jnp.bitwise_and(v, bit_mask)).astype(jnp.float32) - rgb_const) / rgb_const
    return jnp.concatenate([x, r, g, b], axis=3)

if __name__ == "__main__":
    import jax
    _d = setup_inputs()
    print(jax.jit(kernel)(*tuple(_d.values())))

</pallas_src>

<mosaic_0001>
#map = affine_map<(d0, d1) -> (0)>
module attributes {stable_mosaic.version = 14 : i64} {
  func.func @_sc_body(%arg0: i32, %arg1: i32, %arg2: memref<16777216xf32, #tpu.memory_space<hbm>>, %arg3: memref<32xi32, #tpu.memory_space<hbm>>, %arg4: memref<32xi32, #tpu.memory_space<hbm>>, %arg5: memref<67108864xf32, #tpu.memory_space<hbm>>, %arg6: memref<32xi32, #tpu.memory_space<vmem>>, %arg7: memref<32xi32, #tpu.memory_space<vmem>>, %arg8: memref<32xf32, #tpu.memory_space<vmem>>, %arg9: memref<32xf32, #tpu.memory_space<vmem>>, %arg10: memref<32xf32, #tpu.memory_space<vmem>>, %arg11: memref<8192xf32, #tpu.memory_space<vmem>>, %arg12: memref<8192xf32, #tpu.memory_space<vmem>>, %arg13: memref<32768xf32, #tpu.memory_space<vmem>>, %arg14: memref<32768xf32, #tpu.memory_space<vmem>>, %arg15: memref<!tpu.dma_semaphore, #tpu.memory_space<semaphore_mem>>, %arg16: memref<!tpu.dma_semaphore, #tpu.memory_space<semaphore_mem>>, %arg17: memref<!tpu.dma_semaphore, #tpu.memory_space<semaphore_mem>>, %arg18: memref<!tpu.dma_semaphore, #tpu.memory_space<semaphore_mem>>) attributes {dimension_semantics = [#tpu.dimension_semantics<core_parallel>, #tpu.dimension_semantics<subcore_parallel>], iteration_bounds = array<i64: 2, 16>, scalar_prefetch = 0 : i64, scratch_operands = 13 : i64, tpu.core_type = #tpu.core_type<sc_vector_subcore>, window_params = [{transform_indices = #map}, {transform_indices = #map}, {transform_indices = #map}, {transform_indices = #map}]} {
    %mul3A = arith.constant 2 : i32
    %mul3A_0 = arith.muli %arg1, %mul3A : i32
    %add3A = arith.addi %mul3A_0, %arg0 : i32
    %mul3A_1 = arith.constant 524288 : i32
    %mul3A_2 = arith.muli %add3A, %mul3A_1 : i32
    "tpu.region"() ({
      %run_scoped3A = tpu.sem_alloc : memref<!tpu.dma_semaphore, #tpu.memory_space<semaphore_mem>>
      tpu.enqueue_dma source(%arg3 : memref<32xi32, #tpu.memory_space<hbm>>) target(%arg6 : memref<32xi32, #tpu.memory_space<vmem>>) target_semaphore(%run_scoped3A : memref<!tpu.dma_semaphore, #tpu.memory_space<semaphore_mem>>)
      tpu.wait_dma2 semaphore(%run_scoped3A : memref<!tpu.dma_semaphore, #tpu.memory_space<semaphore_mem>>) src(%arg3 : memref<32xi32, #tpu.memory_space<hbm>>) dst(%arg6 : memref<32xi32, #tpu.memory_space<vmem>>)
      tpu.yield
    }) : () -> ()
    "tpu.region"() ({
      %run_scoped3A = tpu.sem_alloc : memref<!tpu.dma_semaphore, #tpu.memory_space<semaphore_mem>>
      tpu.enqueue_dma source(%arg4 : memref<32xi32, #tpu.memory_space<hbm>>) target(%arg7 : memref<32xi32, #tpu.memory_space<vmem>>) target_semaphore(%run_scoped3A : memref<!tpu.dma_semaphore, #tpu.memory_space<semaphore_mem>>)
      tpu.wait_dma2 semaphore(%run_scoped3A : memref<!tpu.dma_semaphore, #tpu.memory_space<semaphore_mem>>) src(%arg4 : memref<32xi32, #tpu.memory_space<hbm>>) dst(%arg7 : memref<32xi32, #tpu.memory_space<vmem>>)
      tpu.yield
    }) : () -> ()
    %get3A = arith.constant 0 : index
    %get3A_3 = tpu.vector_load %arg6[%get3A] {strides = array<i32>} : memref<32xi32, #tpu.memory_space<vmem>>, vector<16xi32>,
    %jit3A = arith.constant 0 : i32
    %jit3A_4 = arith.constant 31 : i32
    %max3A = vector.broadcast %jit3A : i32 to vector<16xi32>
    %max3A_5 = arith.maxsi %max3A, %get3A_3 : vector<16xi32>
    %min3A = vector.broadcast %jit3A_4 : i32 to vector<16xi32>
    %min3A_6 = arith.minsi %min3A, %max3A_5 : vector<16xi32>
    %gather3A = tpu.vector_load_idx %arg7[%min3A_6] : memref<32xi32, #tpu.memory_space<vmem>>[vector<16xi32>], vector<16xi32>,
    %shift_right_arithmetic3A = arith.constant 16 : i32
    %shift_right_arithmetic3A_7 = vector.broadcast %shift_right_arithmetic3A : i32 to vector<16xi32>
    %shift_right_arithmetic3A_8 = arith.shrsi %gather3A, %shift_right_arithmetic3A_7 : vector<16xi32>
    %and3A = arith.constant 255 : i32
    %and3A_9 = vector.broadcast %and3A : i32 to vector<16xi32>
    %and3A_10 = arith.andi %shift_right_arithmetic3A_8, %and3A_9 : vector<16xi32>
    %convert_element_type3A = arith.sitofp %and3A_10 : vector<16xi32> to vector<16xf32>
    %shift_right_arithmetic3A_11 = arith.constant 8 : i32
    %shift_right_arithmetic3A_12 = vector.broadcast %shift_right_arithmetic3A_11 : i32 to vector<16xi32>
    %shift_right_arithmetic3A_13 = arith.shrsi %gather3A, %shift_right_arithmetic3A_12 : vector<16xi32>
    %and3A_14 = arith.constant 255 : i32
    %and3A_15 = vector.broadcast %and3A_14 : i32 to vector<16xi32>
    %and3A_16 = arith.andi %shift_right_arithmetic3A_13, %and3A_15 : vector<16xi32>
    %convert_element_type3A_17 = arith.sitofp %and3A_16 : vector<16xi32> to vector<16xf32>
    %and3A_18 = arith.constant 255 : i32
    %and3A_19 = vector.broadcast %and3A_18 : i32 to vector<16xi32>
    %and3A_20 = arith.andi %gather3A, %and3A_19 : vector<16xi32>
    %convert_element_type3A_21 = arith.sitofp %and3A_20 : vector<16xi32> to vector<16xf32>
    %sub3A = arith.constant 1.275000e+02 : f32
    %sub3A_22 = vector.broadcast %sub3A : f32 to vector<16xf32>
    %sub3A_23 = arith.subf %convert_element_type3A, %sub3A_22 : vector<16xf32>
    %div3A = arith.constant 1.275000e+02 : f32
    %div3A_24 = vector.broadcast %div3A : f32 to vector<16xf32>
    %div3A_25 = arith.divf %sub3A_23, %div3A_24 : vector<16xf32>
    %swap3A = arith.constant 0 : index
    %swap3A_26 = tpu.vector_load %arg8[%swap3A] {strides = array<i32>} : memref<32xf32, #tpu.memory_space<vmem>>, vector<16xf32>,
    tpu.vector_store %arg8[%swap3A], %div3A_25 {strides = array<i32>} : memref<32xf32, #tpu.memory_space<vmem>>, vector<16xf32>,
    %sub3A_27 = arith.constant 1.275000e+02 : f32
    %sub3A_28 = vector.broadcast %sub3A_27 : f32 to vector<16xf32>
    %sub3A_29 = arith.subf %convert_element_type3A_17, %sub3A_28 : vector<16xf32>
    %div3A_30 = arith.constant 1.275000e+02 : f32
    %div3A_31 = vector.broadcast %div3A_30 : f32 to vector<16xf32>
    %div3A_32 = arith.divf %sub3A_29, %div3A_31 : vector<16xf32>
    %swap3A_33 = arith.constant 0 : index
    %swap3A_34 = tpu.vector_load %arg9[%swap3A_33] {strides = array<i32>} : memref<32xf32, #tpu.memory_space<vmem>>, vector<16xf32>,
    tpu.vector_store %arg9[%swap3A_33], %div3A_32 {strides = array<i32>} : memref<32xf32, #tpu.memory_space<vmem>>, vector<16xf32>,
    %sub3A_35 = arith.constant 1.275000e+02 : f32
    %sub3A_36 = vector.broadcast %sub3A_35 : f32 to vector<16xf32>
    %sub3A_37 = arith.subf %convert_element_type3A_21, %sub3A_36 : vector<16xf32>
    %div3A_38 = arith.constant 1.275000e+02 : f32
    %div3A_39 = vector.broadcast %div3A_38 : f32 to vector<16xf32>
    %div3A_40 = arith.divf %sub3A_37, %div3A_39 : vector<16xf32>
    %swap3A_41 = arith.constant 0 : index
    %swap3A_42 = tpu.vector_load %arg10[%swap3A_41] {strides = array<i32>} : memref<32xf32, #tpu.memory_space<vmem>>, vector<16xf32>,
    tpu.vector_store %arg10[%swap3A_41], %div3A_40 {strides = array<i32>} : memref<32xf32, #tpu.memory_space<vmem>>, vector<16xf32>,
    %get3A_43 = arith.constant 16 : index
    %get3A_44 = tpu.vector_load %arg6[%get3A_43] {strides = array<i32>} : memref<32xi32, #tpu.memory_space<vmem>>, vector<16xi32>,
    %jit3A_45 = arith.constant 0 : i32
    %jit3A_46 = arith.constant 31 : i32
    %max3A_47 = vector.broadcast %jit3A_45 : i32 to vector<16xi32>
    %max3A_48 = arith.maxsi %max3A_47, %get3A_44 : vector<16xi32>
    %min3A_49 = vector.broadcast %jit3A_46 : i32 to vector<16xi32>
    %min3A_50 = arith.minsi %min3A_49, %max3A_48 : vector<16xi32>
    %gather3A_51 = tpu.vector_load_idx %arg7[%min3A_50] : memref<32xi32, #tpu.memory_space<vmem>>[vector<16xi32>], vector<16xi32>,
    %shift_right_arithmetic3A_52 = arith.constant 16 : i32
    %shift_right_arithmetic3A_53 = vector.broadcast %shift_right_arithmetic3A_52 : i32 to vector<16xi32>
    %shift_right_arithmetic3A_54 = arith.shrsi %gather3A_51, %shift_right_arithmetic3A_53 : vector<16xi32>
    %and3A_55 = arith.constant 255 : i32
    %and3A_56 = vector.broadcast %and3A_55 : i32 to vector<16xi32>
    %and3A_57 = arith.andi %shift_right_arithmetic3A_54, %and3A_56 : vector<16xi32>
    %convert_element_type3A_58 = arith.sitofp %and3A_57 : vector<16xi32> to vector<16xf32>
    %shift_right_arithmetic3A_59 = arith.constant 8 : i32
    %shift_right_arithmetic3A_60 = vector.broadcast %shift_right_arithmetic3A_59 : i32 to vector<16xi32>
    %shift_right_arithmetic3A_61 = arith.shrsi %gather3A_51, %shift_right_arithmetic3A_60 : vector<16xi32>
    %and3A_62 = arith.constant 255 : i32
    %and3A_63 = vector.broadcast %and3A_62 : i32 to vector<16xi32>
    %and3A_64 = arith.andi %shift_right_arithmetic3A_61, %and3A_63 : vector<16xi32>
    %convert_element_type3A_65 = arith.sitofp %and3A_64 : vector<16xi32> to vector<16xf32>
    %and3A_66 = arith.constant 255 : i32
    %and3A_67 = vector.broadcast %and3A_66 : i32 to vector<16xi32>
    %and3A_68 = arith.andi %gather3A_51, %and3A_67 : vector<16xi32>
    %convert_element_type3A_69 = arith.sitofp %and3A_68 : vector<16xi32> to vector<16xf32>
    %sub3A_70 = arith.constant 1.275000e+02 : f32
    %sub3A_71 = vector.broadcast %sub3A_70 : f32 to vector<16xf32>
    %sub3A_72 = arith.subf %convert_element_type3A_58, %sub3A_71 : vector<16xf32>
    %div3A_73 = arith.constant 1.275000e+02 : f32
    %div3A_74 = vector.broadcast %div3A_73 : f32 to vector<16xf32>
    %div3A_75 = arith.divf %sub3A_72, %div3A_74 : vector<16xf32>
    %swap3A_76 = arith.constant 16 : index
    %swap3A_77 = tpu.vector_load %arg8[%swap3A_76] {strides = array<i32>} : memref<32xf32, #tpu.memory_space<vmem>>, vector<16xf32>,
    tpu.vector_store %arg8[%swap3A_76], %div3A_75 {strides = array<i32>} : memref<32xf32, #tpu.memory_space<vmem>>, vector<16xf32>,
    %sub3A_78 = arith.constant 1.275000e+02 : f32
    %sub3A_79 = vector.broadcast %sub3A_78 : f32 to vector<16xf32>
    %sub3A_80 = arith.subf %convert_element_type3A_65, %sub3A_79 : vector<16xf32>
    %div3A_81 = arith.constant 1.275000e+02 : f32
    %div3A_82 = vector.broadcast %div3A_81 : f32 to vector<16xf32>
    %div3A_83 = arith.divf %sub3A_80, %div3A_82 : vector<16xf32>
    %swap3A_84 = arith.constant 16 : index
    %swap3A_85 = tpu.vector_load %arg9[%swap3A_84] {strides = array<i32>} : memref<32xf32, #tpu.memory_space<vmem>>, vector<16xf32>,
    tpu.vector_store %arg9[%swap3A_84], %div3A_83 {strides = array<i32>} : memref<32xf32, #tpu.memory_space<vmem>>, vector<16xf32>,
    %sub3A_86 = arith.constant 1.275000e+02 : f32
    %sub3A_87 = vector.broadcast %sub3A_86 : f32 to vector<16xf32>
    %sub3A_88 = arith.subf %convert_element_type3A_69, %sub3A_87 : vector<16xf32>
    %div3A_89 = arith.constant 1.275000e+02 : f32
    %div3A_90 = vector.broadcast %div3A_89 : f32 to vector<16xf32>
    %div3A_91 = arith.divf %sub3A_88, %div3A_90 : vector<16xf32>
    %swap3A_92 = arith.constant 16 : index
    %swap3A_93 = tpu.vector_load %arg10[%swap3A_92] {strides = array<i32>} : memref<32xf32, #tpu.memory_space<vmem>>, vector<16xf32>,
    tpu.vector_store %arg10[%swap3A_92], %div3A_91 {strides = array<i32>} : memref<32xf32, #tpu.memory_space<vmem>>, vector<16xf32>,
    %add3A_94 = arith.constant 0 : i32
    %add3A_95 = arith.addi %mul3A_2, %add3A_94 : i32
    %dma_start3A = tpu.memref_slice %arg2[%add3A_95] : memref<16777216xf32, #tpu.memory_space<hbm>> -> memref<8192xf32, #tpu.memory_space<hbm>>
    %dma_start3A_96 = tpu.memref_slice %arg2[%add3A_95] : memref<16777216xf32, #tpu.memory_space<hbm>> -> memref<8192xf32, #tpu.memory_space<hbm>>
    tpu.enqueue_dma source(%dma_start3A_96 : memref<8192xf32, #tpu.memory_space<hbm>>) target(%arg11 : memref<8192xf32, #tpu.memory_space<vmem>>) target_semaphore(%arg15 : memref<!tpu.dma_semaphore, #tpu.memory_space<semaphore_mem>>)
    %add3A_97 = arith.constant 8192 : i32
    %add3A_98 = arith.addi %mul3A_2, %add3A_97 : i32
    %dma_start3A_99 = tpu.memref_slice %arg2[%add3A_98] : memref<16777216xf32, #tpu.memory_space<hbm>> -> memref<8192xf32, #tpu.memory_space<hbm>>
    %dma_start3A_100 = tpu.memref_slice %arg2[%add3A_98] : memref<16777216xf32, #tpu.memory_space<hbm>> -> memref<8192xf32, #tpu.memory_space<hbm>>
    tpu.enqueue_dma source(%dma_start3A_100 : memref<8192xf32, #tpu.memory_space<hbm>>) target(%arg12 : memref<8192xf32, #tpu.memory_space<vmem>>) target_semaphore(%arg16 : memref<!tpu.dma_semaphore, #tpu.memory_space<semaphore_mem>>)
    %scan3A = arith.constant 0 : i32
    %scan3A_101 = arith.constant 0 : i32
    %scan3A_102 = arith.constant 32 : i32
    %scan3A_103 = arith.addi %scan3A_101, %scan3A_102 : i32
    %scan3A_104 = arith.constant 1 : i32
    scf.for %scan3A_113 = %scan3A_101 to %scan3A_103 step %scan3A_104  : i32 {
      %mul3A_114 = arith.constant 2 : i32
      %mul3A_115 = arith.muli %mul3A_114, %scan3A_113 : i32
      %add3A_116 = arith.constant 0 : i32
      %add3A_117 = arith.addi %mul3A_115, %add3A_116 : i32
      %dma_wait3A_118 = arith.constant 0 : i32
      %dma_wait3A_119 = tpu.memref_slice %arg2[%dma_wait3A_118] : memref<16777216xf32, #tpu.memory_space<hbm>> -> memref<8192xf32, #tpu.memory_space<hbm>>
      %dma_wait3A_120 = arith.constant 0 : i32
      %dma_wait3A_121 = tpu.memref_slice %arg2[%dma_wait3A_120] : memref<16777216xf32, #tpu.memory_space<hbm>> -> memref<8192xf32, #tpu.memory_space<hbm>>
      tpu.wait_dma2 semaphore(%arg15 : memref<!tpu.dma_semaphore, #tpu.memory_space<semaphore_mem>>) src(%dma_wait3A_121 : memref<8192xf32, #tpu.memory_space<hbm>>) dst(%arg11 : memref<8192xf32, #tpu.memory_space<vmem>>)
      %ge3A = arith.constant 2 : i32
      %ge3A_122 = arith.cmpi sge, %add3A_117, %ge3A : i32
      %convert_element_type3A_123 = arith.extui %ge3A_122 : i1 to i32
      %cond3A = arith.constant 0 : i32
      %cond3A_124 = arith.cmpi ne, %convert_element_type3A_123, %cond3A : i32
      scf.if %cond3A_124 {
        %dma_wait3A_170 = arith.constant 0 : i32
        %dma_wait3A_171 = tpu.memref_slice %arg5[%dma_wait3A_170] : memref<67108864xf32, #tpu.memory_space<hbm>> -> memref<32768xf32, #tpu.memory_space<hbm>>
        %dma_wait3A_172 = arith.constant 0 : i32
        %dma_wait3A_173 = tpu.memref_slice %arg5[%dma_wait3A_172] : memref<67108864xf32, #tpu.memory_space<hbm>> -> memref<32768xf32, #tpu.memory_space<hbm>>
        tpu.wait_dma2 semaphore(%arg17 : memref<!tpu.dma_semaphore, #tpu.memory_space<semaphore_mem>>) src(%arg13 : memref<32768xf32, #tpu.memory_space<vmem>>) dst(%dma_wait3A_173 : memref<32768xf32, #tpu.memory_space<hbm>>)
      } else {
      }
      %parallel_loop3A = arith.constant 0 : i32
      %parallel_loop3A_125 = arith.constant 64 : i32
      %parallel_loop3A_126 = arith.constant 1 : i32
      scf.for %parallel_loop3A_170 = %parallel_loop3A to %parallel_loop3A_125 step %parallel_loop3A_126  : i32 {
        %parallel_loop3A_171 = arith.constant 128 : i32
        %parallel_loop3A_172 = arith.muli %parallel_loop3A_170, %parallel_loop3A_171 : i32
        %parallel_loop3A_173 = arith.constant 512 : i32
        %parallel_loop3A_174 = arith.muli %parallel_loop3A_170, %parallel_loop3A_173 : i32
        %parallel_loop3A_175 = arith.constant 0 : i32
        %parallel_loop3A_176 = arith.addi %parallel_loop3A_172, %parallel_loop3A_175 : i32
        %parallel_loop3A_177 = arith.index_cast %parallel_loop3A_176 : i32 to index
        %parallel_loop3A_178 = tpu.vector_load %arg11[%parallel_loop3A_177] {strides = array<i32>} : memref<8192xf32, #tpu.memory_space<vmem>>, vector<16xf32>,
        %parallel_loop3A_179 = arith.constant 1.000000e+00 : f32
        %parallel_loop3A_180 = vector.broadcast %parallel_loop3A_179 : f32 to vector<16xf32>
        %parallel_loop3A_181 = arith.addf %parallel_loop3A_178, %parallel_loop3A_180 : vector<16xf32>
        %parallel_loop3A_182 = arith.constant 5.000000e-01 : f32
        %parallel_loop3A_183 = vector.broadcast %parallel_loop3A_182 : f32 to vector<16xf32>
        %parallel_loop3A_184 = arith.mulf %parallel_loop3A_181, %parallel_loop3A_183 : vector<16xf32>
        %parallel_loop3A_185 = arith.constant 3.100000e+01 : f32
        %parallel_loop3A_186 = vector.broadcast %parallel_loop3A_185 : f32 to vector<16xf32>
        %parallel_loop3A_187 = arith.mulf %parallel_loop3A_184, %parallel_loop3A_186 : vector<16xf32>
        %parallel_loop3A_188 = arith.constant 0x4B000000 : f32
        %parallel_loop3A_189 = vector.broadcast %parallel_loop3A_188 : f32 to vector<16xf32>
        %parallel_loop3A_190 = arith.addf %parallel_loop3A_187, %parallel_loop3A_189 : vector<16xf32>
        %parallel_loop3A_191 = arith.constant 0x4B000000 : f32
        %parallel_loop3A_192 = vector.broadcast %parallel_loop3A_191 : f32 to vector<16xf32>
        %parallel_loop3A_193 = arith.subf %parallel_loop3A_190, %parallel_loop3A_192 : vector<16xf32>
        %parallel_loop3A_194 = arith.fptosi %parallel_loop3A_193 : vector<16xf32> to vector<16xi32>
        %parallel_loop3A_195 = arith.constant 0 : i32
        %parallel_loop3A_196 = arith.constant 31 : i32
        %parallel_loop3A_197 = vector.broadcast %parallel_loop3A_195 : i32 to vector<16xi32>
        %parallel_loop3A_198 = arith.maxsi %parallel_loop3A_197, %parallel_loop3A_194 : vector<16xi32>
        %parallel_loop3A_199 = vector.broadcast %parallel_loop3A_196 : i32 to vector<16xi32>
        %parallel_loop3A_200 = arith.minsi %parallel_loop3A_199, %parallel_loop3A_198 : vector<16xi32>
        %parallel_loop3A_201 = arith.constant 0 : i32
        %parallel_loop3A_202 = arith.addi %parallel_loop3A_174, %parallel_loop3A_201 : i32
        %parallel_loop3A_203 = arith.index_cast %parallel_loop3A_202 : i32 to index
        %parallel_loop3A_204 = tpu.vector_load %arg13[%parallel_loop3A_203] {strides = array<i32>} : memref<32768xf32, #tpu.memory_space<vmem>>, vector<16xf32>,
        tpu.vector_store %arg13[%parallel_loop3A_203], %parallel_loop3A_178 {strides = array<i32>} : memref<32768xf32, #tpu.memory_space<vmem>>, vector<16xf32>,
        %parallel_loop3A_205 = tpu.vector_load_idx %arg8[%parallel_loop3A_200] : memref<32xf32, #tpu.memory_space<vmem>>[vector<16xi32>], vector<16xf32>,
        %parallel_loop3A_206 = arith.constant 128 : i32
        %parallel_loop3A_207 = arith.addi %parallel_loop3A_174, %parallel_loop3A_206 : i32
        %parallel_loop3A_208 = arith.constant 0 : i32
        %parallel_loop3A_209 = arith.addi %parallel_loop3A_207, %parallel_loop3A_208 : i32
        %parallel_loop3A_210 = arith.index_cast %parallel_loop3A_209 : i32 to index
        %parallel_loop3A_211 = tpu.vector_load %arg13[%parallel_loop3A_210] {strides = array<i32>} : memref<32768xf32, #tpu.memory_space<vmem>>, vector<16xf32>,
        tpu.vector_store %arg13[%parallel_loop3A_210], %parallel_loop3A_205 {strides = array<i32>} : memref<32768xf32, #tpu.memory_space<vmem>>, vector<16xf32>,
        %parallel_loop3A_212 = tpu.vector_load_idx %arg9[%parallel_loop3A_200] : memref<32xf32, #tpu.memory_space<vmem>>[vector<16xi32>], vector<16xf32>,
        %parallel_loop3A_213 = arith.constant 256 : i32
        %parallel_loop3A_214 = arith.addi %parallel_loop3A_174, %parallel_loop3A_213 : i32
        %parallel_loop3A_215 = arith.constant 0 : i32
        %parallel_loop3A_216 = arith.addi %parallel_loop3A_214, %parallel_loop3A_215 : i32
        %parallel_loop3A_217 = arith.index_cast %parallel_loop3A_216 : i32 to index
        %parallel_loop3A_218 = tpu.vector_load %arg13[%parallel_loop3A_217] {strides = array<i32>} : memref<32768xf32, #tpu.memory_space<vmem>>, vector<16xf32>,
        tpu.vector_store %arg13[%parallel_loop3A_217], %parallel_loop3A_212 {strides = array<i32>} : memref<32768xf32, #tpu.memory_space<vmem>>, vector<16xf32>,
        %parallel_loop3A_219 = tpu.vector_load_idx %arg10[%parallel_loop3A_200] : memref<32xf32, #tpu.memory_space<vmem>>[vector<16xi32>], vector<16xf32>,
        %parallel_loop3A_220 = arith.constant 384 : i32
        %parallel_loop3A_221 = arith.addi %parallel_loop3A_174, %parallel_loop3A_220 : i32
        %parallel_loop3A_222 = arith.constant 0 : i32
        %parallel_loop3A_223 = arith.addi %parallel_loop3A_221, %parallel_loop3A_222 : i32
        %parallel_loop3A_224 = arith.index_cast %parallel_loop3A_223 : i32 to index
        %parallel_loop3A_225 = tpu.vector_load %arg13[%parallel_loop3A_224] {strides = array<i32>} : memref<32768xf32, #tpu.memory_space<vmem>>, vector<16xf32>,
        tpu.vector_store %arg13[%parallel_loop3A_224], %parallel_loop3A_219 {strides = array<i32>} : memref<32768xf32, #tpu.memory_space<vmem>>, vector<16xf32>,
        %parallel_loop3A_226 = arith.constant 16 : i32
        %parallel_loop3A_227 = arith.addi %parallel_loop3A_172, %parallel_loop3A_226 : i32
        %parallel_loop3A_228 = arith.index_cast %parallel_loop3A_227 : i32 to index
        %parallel_loop3A_229 = tpu.vector_load %arg11[%parallel_loop3A_228] {strides = array<i32>} : memref<8192xf32, #tpu.memory_space<vmem>>, vector<16xf32>,
        %parallel_loop3A_230 = arith.constant 1.000000e+00 : f32
        %parallel_loop3A_231 = vector.broadcast %parallel_loop3A_230 : f32 to vector<16xf32>
        %parallel_loop3A_232 = arith.addf %parallel_loop3A_229, %parallel_loop3A_231 : vector<16xf32>
        %parallel_loop3A_233 = arith.constant 5.000000e-01 : f32
        %parallel_loop3A_234 = vector.broadcast %parallel_loop3A_233 : f32 to vector<16xf32>
        %parallel_loop3A_235 = arith.mulf %parallel_loop3A_232, %parallel_loop3A_234 : vector<16xf32>
        %parallel_loop3A_236 = arith.constant 3.100000e+01 : f32
        %parallel_loop3A_237 = vector.broadcast %parallel_loop3A_236 : f32 to vector<16xf32>
        %parallel_loop3A_238 = arith.mulf %parallel_loop3A_235, %parallel_loop3A_237 : vector<16xf32>
        %parallel_loop3A_239 = arith.constant 0x4B000000 : f32
        %parallel_loop3A_240 = vector.broadcast %parallel_loop3A_239 : f32 to vector<16xf32>
        %parallel_loop3A_241 = arith.addf %parallel_loop3A_238, %parallel_loop3A_240 : vector<16xf32>
        %parallel_loop3A_242 = arith.constant 0x4B000000 : f32
        %parallel_loop3A_243 = vector.broadcast %parallel_loop3A_242 : f32 to vector<16xf32>
        %parallel_loop3A_244 = arith.subf %parallel_loop3A_241, %parallel_loop3A_243 : vector<16xf32>
        %parallel_loop3A_245 = arith.fptosi %parallel_loop3A_244 : vector<16xf32> to vector<16xi32>
        %parallel_loop3A_246 = arith.constant 0 : i32
        %parallel_loop3A_247 = arith.constant 31 : i32
        %parallel_loop3A_248 = vector.broadcast %parallel_loop3A_246 : i32 to vector<16xi32>
        %parallel_loop3A_249 = arith.maxsi %parallel_loop3A_248, %parallel_loop3A_245 : vector<16xi32>
        %parallel_loop3A_250 = vector.broadcast %parallel_loop3A_247 : i32 to vector<16xi32>
        %parallel_loop3A_251 = arith.minsi %parallel_loop3A_250, %parallel_loop3A_249 : vector<16xi32>
        %parallel_loop3A_252 = arith.constant 16 : i32
        %parallel_loop3A_253 = arith.addi %parallel_loop3A_174, %parallel_loop3A_252 : i32
        %parallel_loop3A_254 = arith.index_cast %parallel_loop3A_253 : i32 to index
        %parallel_loop3A_255 = tpu.vector_load %arg13[%parallel_loop3A_254] {strides = array<i32>} : memref<32768xf32, #tpu.memory_space<vmem>>, vector<16xf32>,
        tpu.vector_store %arg13[%parallel_loop3A_254], %parallel_loop3A_229 {strides = array<i32>} : memref<32768xf32, #tpu.memory_space<vmem>>, vector<16xf32>,
        %parallel_loop3A_256 = tpu.vector_load_idx %arg8[%parallel_loop3A_251] : memref<32xf32, #tpu.memory_space<vmem>>[vector<16xi32>], vector<16xf32>,
        %parallel_loop3A_257 = arith.constant 128 : i32
        %parallel_loop3A_258 = arith.addi %parallel_loop3A_174, %parallel_loop3A_257 : i32
        %parallel_loop3A_259 = arith.constant 16 : i32
        %parallel_loop3A_260 = arith.addi %parallel_loop3A_258, %parallel_loop3A_259 : i32
        %parallel_loop3A_261 = arith.index_cast %parallel_loop3A_260 : i32 to index
        %parallel_loop3A_262 = tpu.vector_load %arg13[%parallel_loop3A_261] {strides = array<i32>} : memref<32768xf32, #tpu.memory_space<vmem>>, vector<16xf32>,
        tpu.vector_store %arg13[%parallel_loop3A_261], %parallel_loop3A_256 {strides = array<i32>} : memref<32768xf32, #tpu.memory_space<vmem>>, vector<16xf32>,
        %parallel_loop3A_263 = tpu.vector_load_idx %arg9[%parallel_loop3A_251] : memref<32xf32, #tpu.memory_space<vmem>>[vector<16xi32>], vector<16xf32>,
        %parallel_loop3A_264 = arith.constant 256 : i32
        %parallel_loop3A_265 = arith.addi %parallel_loop3A_174, %parallel_loop3A_264 : i32
        %parallel_loop3A_266 = arith.constant 16 : i32
        %parallel_loop3A_267 = arith.addi %parallel_loop3A_265, %parallel_loop3A_266 : i32
        %parallel_loop3A_268 = arith.index_cast %parallel_loop3A_267 : i32 to index
        %parallel_loop3A_269 = tpu.vector_load %arg13[%parallel_loop3A_268] {strides = array<i32>} : memref<32768xf32, #tpu.memory_space<vmem>>, vector<16xf32>,
        tpu.vector_store %arg13[%parallel_loop3A_268], %parallel_loop3A_263 {strides = array<i32>} : memref<32768xf32, #tpu.memory_space<vmem>>, vector<16xf32>,
        %parallel_loop3A_270 = tpu.vector_load_idx %arg10[%parallel_loop3A_251] : memref<32xf32, #tpu.memory_space<vmem>>[vector<16xi32>], vector<16xf32>,
        %parallel_loop3A_271 = arith.constant 384 : i32
        %parallel_loop3A_272 = arith.addi %parallel_loop3A_174, %parallel_loop3A_271 : i32
        %parallel_loop3A_273 = arith.constant 16 : i32
        %parallel_loop3A_274 = arith.addi %parallel_loop3A_272, %parallel_loop3A_273 : i32
        %parallel_loop3A_275 = arith.index_cast %parallel_loop3A_274 : i32 to index
        %parallel_loop3A_276 = tpu.vector_load %arg13[%parallel_loop3A_275] {strides = array<i32>} : memref<32768xf32, #tpu.memory_space<vmem>>, vector<16xf32>,
        tpu.vector_store %arg13[%parallel_loop3A_275], %parallel_loop3A_270 {strides = array<i32>} : memref<32768xf32, #tpu.memory_space<vmem>>, vector<16xf32>,
        %parallel_loop3A_277 = arith.constant 32 : i32
        %parallel_loop3A_278 = arith.addi %parallel_loop3A_172, %parallel_loop3A_277 : i32
        %parallel_loop3A_279 = arith.index_cast %parallel_loop3A_278 : i32 to index
        %parallel_loop3A_280 = tpu.vector_load %arg11[%parallel_loop3A_279] {strides = array<i32>} : memref<8192xf32, #tpu.memory_space<vmem>>, vector<16xf32>,
        %parallel_loop3A_281 = arith.constant 1.000000e+00 : f32
        %parallel_loop3A_282 = vector.broadcast %parallel_loop3A_281 : f32 to vector<16xf32>
        %parallel_loop3A_283 = arith.addf %parallel_loop3A_280, %parallel_loop3A_282 : vector<16xf32>
        %parallel_loop3A_284 = arith.constant 5.000000e-01 : f32
        %parallel_loop3A_285 = vector.broadcast %parallel_loop3A_284 : f32 to vector<16xf32>
        %parallel_loop3A_286 = arith.mulf %parallel_loop3A_283, %parallel_loop3A_285 : vector<16xf32>
        %parallel_loop3A_287 = arith.constant 3.100000e+01 : f32
        %parallel_loop3A_288 = vector.broadcast %parallel_loop3A_287 : f32 to vector<16xf32>
        %parallel_loop3A_289 = arith.mulf %parallel_loop3A_286, %parallel_loop3A_288 : vector<16xf32>
        %parallel_loop3A_290 = arith.constant 0x4B000000 : f32
        %parallel_loop3A_291 = vector.broadcast %parallel_loop3A_290 : f32 to vector<16xf32>
        %parallel_loop3A_292 = arith.addf %parallel_loop3A_289, %parallel_loop3A_291 : vector<16xf32>
        %parallel_loop3A_293 = arith.constant 0x4B000000 : f32
        %parallel_loop3A_294 = vector.broadcast %parallel_loop3A_293 : f32 to vector<16xf32>
        %parallel_loop3A_295 = arith.subf %parallel_loop3A_292, %parallel_loop3A_294 : vector<16xf32>
        %parallel_loop3A_296 = arith.fptosi %parallel_loop3A_295 : vector<16xf32> to vector<16xi32>
        %parallel_loop3A_297 = arith.constant 0 : i32
        %parallel_loop3A_298 = arith.constant 31 : i32
        %parallel_loop3A_299 = vector.broadcast %parallel_loop3A_297 : i32 to vector<16xi32>
        %parallel_loop3A_300 = arith.maxsi %parallel_loop3A_299, %parallel_loop3A_296 : vector<16xi32>
        %parallel_loop3A_301 = vector.broadcast %parallel_loop3A_298 : i32 to vector<16xi32>
        %parallel_loop3A_302 = arith.minsi %parallel_loop3A_301, %parallel_loop3A_300 : vector<16xi32>
        %parallel_loop3A_303 = arith.constant 32 : i32
        %parallel_loop3A_304 = arith.addi %parallel_loop3A_174, %parallel_loop3A_303 : i32
        %parallel_loop3A_305 = arith.index_cast %parallel_loop3A_304 : i32 to index
        %parallel_loop3A_306 = tpu.vector_load %arg13[%parallel_loop3A_305] {strides = array<i32>} : memref<32768xf32, #tpu.memory_space<vmem>>, vector<16xf32>,
        tpu.vector_store %arg13[%parallel_loop3A_305], %parallel_loop3A_280 {strides = array<i32>} : memref<32768xf32, #tpu.memory_space<vmem>>, vector<16xf32>,
        %parallel_loop3A_307 = tpu.vector_load_idx %arg8[%parallel_loop3A_302] : memref<32xf32, #tpu.memory_space<vmem>>[vector<16xi32>], vector<16xf32>,
        %parallel_loop3A_308 = arith.constant 128 : i32
        %parallel_loop3A_309 = arith.addi %parallel_loop3A_174, %parallel_loop3A_308 : i32
        %parallel_loop3A_310 = arith.constant 32 : i32
        %parallel_loop3A_311 = arith.addi %parallel_loop3A_309, %parallel_loop3A_310 : i32
        %parallel_loop3A_312 = arith.index_cast %parallel_loop3A_311 : i32 to index
        %parallel_loop3A_313 = tpu.vector_load %arg13[%parallel_loop3A_312] {strides = array<i32>} : memref<32768xf32, #tpu.memory_space<vmem>>, vector<16xf32>,
        tpu.vector_store %arg13[%parallel_loop3A_312], %parallel_loop3A_307 {strides = array<i32>} : memref<32768xf32, #tpu.memory_space<vmem>>, vector<16xf32>,
        %parallel_loop3A_314 = tpu.vector_load_idx %arg9[%parallel_loop3A_302] : memref<32xf32, #tpu.memory_space<vmem>>[vector<16xi32>], vector<16xf32>,
        %parallel_loop3A_315 = arith.constant 256 : i32
        %parallel_loop3A_316 = arith.addi %parallel_loop3A_174, %parallel_loop3A_315 : i32
        %parallel_loop3A_317 = arith.constant 32 : i32
        %parallel_loop3A_318 = arith.addi %parallel_loop3A_316, %parallel_loop3A_317 : i32
        %parallel_loop3A_319 = arith.index_cast %parallel_loop3A_318 : i32 to index
        %parallel_loop3A_320 = tpu.vector_load %arg13[%parallel_loop3A_319] {strides = array<i32>} : memref<32768xf32, #tpu.memory_space<vmem>>, vector<16xf32>,
        tpu.vector_store %arg13[%parallel_loop3A_319], %parallel_loop3A_314 {strides = array<i32>} : memref<32768xf32, #tpu.memory_space<vmem>>, vector<16xf32>,
        %parallel_loop3A_321 = tpu.vector_load_idx %arg10[%parallel_loop3A_302] : memref<32xf32, #tpu.memory_space<vmem>>[vector<16xi32>], vector<16xf32>,
        %parallel_loop3A_322 = arith.constant 384 : i32
        %parallel_loop3A_323 = arith.addi %parallel_loop3A_174, %parallel_loop3A_322 : i32
        %parallel_loop3A_324 = arith.constant 32 : i32
        %parallel_loop3A_325 = arith.addi %parallel_loop3A_323, %parallel_loop3A_324 : i32
        %parallel_loop3A_326 = arith.index_cast %parallel_loop3A_325 : i32 to index
        %parallel_loop3A_327 = tpu.vector_load %arg13[%parallel_loop3A_326] {strides = array<i32>} : memref<32768xf32, #tpu.memory_space<vmem>>, vector<16xf32>,
        tpu.vector_store %arg13[%parallel_loop3A_326], %parallel_loop3A_321 {strides = array<i32>} : memref<32768xf32, #tpu.memory_space<vmem>>, vector<16xf32>,
        %parallel_loop3A_328 = arith.constant 48 : i32
        %parallel_loop3A_329 = arith.addi %parallel_loop3A_172, %parallel_loop3A_328 : i32
        %parallel_loop3A_330 = arith.index_cast %parallel_loop3A_329 : i32 to index
        %parallel_loop3A_331 = tpu.vector_load %arg11[%parallel_loop3A_330] {strides = array<i32>} : memref<8192xf32, #tpu.memory_space<vmem>>, vector<16xf32>,
        %parallel_loop3A_332 = arith.constant 1.000000e+00 : f32
        %parallel_loop3A_333 = vector.broadcast %parallel_loop3A_332 : f32 to vector<16xf32>
        %parallel_loop3A_334 = arith.addf %parallel_loop3A_331, %parallel_loop3A_333 : vector<16xf32>
        %parallel_loop3A_335 = arith.constant 5.000000e-01 : f32
        %parallel_loop3A_336 = vector.broadcast %parallel_loop3A_335 : f32 to vector<16xf32>
        %parallel_loop3A_337 = arith.mulf %parallel_loop3A_334, %parallel_loop3A_336 : vector<16xf32>
        %parallel_loop3A_338 = arith.constant 3.100000e+01 : f32
        %parallel_loop3A_339 = vector.broadcast %parallel_loop3A_338 : f32 to vector<16xf32>
        %parallel_loop3A_340 = arith.mulf %parallel_loop3A_337, %parallel_loop3A_339 : vector<16xf32>
        %parallel_loop3A_341 = arith.constant 0x4B000000 : f32
        %parallel_loop3A_342 = vector.broadcast %parallel_loop3A_341 : f32 to vector<16xf32>
        %parallel_loop3A_343 = arith.addf %parallel_loop3A_340, %parallel_loop3A_342 : vector<16xf32>
        %parallel_loop3A_344 = arith.constant 0x4B000000 : f32
        %parallel_loop3A_345 = vector.broadcast %parallel_loop3A_344 : f32 to vector<16xf32>
        %parallel_loop3A_346 = arith.subf %parallel_loop3A_343, %parallel_loop3A_345 : vector<16xf32>
        %parallel_loop3A_347 = arith.fptosi %parallel_loop3A_346 : vector<16xf32> to vector<16xi32>
        %parallel_loop3A_348 = arith.constant 0 : i32
        %parallel_loop3A_349 = arith.constant 31 : i32
        %parallel_loop3A_350 = vector.broadcast %parallel_loop3A_348 : i32 to vector<16xi32>
        %parallel_loop3A_351 = arith.maxsi %parallel_loop3A_350, %parallel_loop3A_347 : vector<16xi32>
        %parallel_loop3A_352 = vector.broadcast %parallel_loop3A_349 : i32 to vector<16xi32>
        %parallel_loop3A_353 = arith.minsi %parallel_loop3A_352, %parallel_loop3A_351 : vector<16xi32>
        %parallel_loop3A_354 = arith.constant 48 : i32
        %parallel_loop3A_355 = arith.addi %parallel_loop3A_174, %parallel_loop3A_354 : i32
        %parallel_loop3A_356 = arith.index_cast %parallel_loop3A_355 : i32 to index
        %parallel_loop3A_357 = tpu.vector_load %arg13[%parallel_loop3A_356] {strides = array<i32>} : memref<32768xf32, #tpu.memory_space<vmem>>, vector<16xf32>,
        tpu.vector_store %arg13[%parallel_loop3A_356], %parallel_loop3A_331 {strides = array<i32>} : memref<32768xf32, #tpu.memory_space<vmem>>, vector<16xf32>,
        %parallel_loop3A_358 = tpu.vector_load_idx %arg8[%parallel_loop3A_353] : memref<32xf32, #tpu.memory_space<vmem>>[vector<16xi32>], vector<16xf32>,
        %parallel_loop3A_359 = arith.constant 128 : i32
        %parallel_loop3A_360 = arith.addi %parallel_loop3A_174, %parallel_loop3A_359 : i32
        %parallel_loop3A_361 = arith.constant 48 : i32
        %parallel_loop3A_362 = arith.addi %parallel_loop3A_360, %parallel_loop3A_361 : i32
        %parallel_loop3A_363 = arith.index_cast %parallel_loop3A_362 : i32 to index
        %parallel_loop3A_364 = tpu.vector_load %arg13[%parallel_loop3A_363] {strides = array<i32>} : memref<32768xf32, #tpu.memory_space<vmem>>, vector<16xf32>,
        tpu.vector_store %arg13[%parallel_loop3A_363], %parallel_loop3A_358 {strides = array<i32>} : memref<32768xf32, #tpu.memory_space<vmem>>, vector<16xf32>,
        %parallel_loop3A_365 = tpu.vector_load_idx %arg9[%parallel_loop3A_353] : memref<32xf32, #tpu.memory_space<vmem>>[vector<16xi32>], vector<16xf32>,
        %parallel_loop3A_366 = arith.constant 256 : i32
        %parallel_loop3A_367 = arith.addi %parallel_loop3A_174, %parallel_loop3A_366 : i32
        %parallel_loop3A_368 = arith.constant 48 : i32
        %parallel_loop3A_369 = arith.addi %parallel_loop3A_367, %parallel_loop3A_368 : i32
        %parallel_loop3A_370 = arith.index_cast %parallel_loop3A_369 : i32 to index
        %parallel_loop3A_371 = tpu.vector_load %arg13[%parallel_loop3A_370] {strides = array<i32>} : memref<32768xf32, #tpu.memory_space<vmem>>, vector<16xf32>,
        tpu.vector_store %arg13[%parallel_loop3A_370], %parallel_loop3A_365 {strides = array<i32>} : memref<32768xf32, #tpu.memory_space<vmem>>, vector<16xf32>,
        %parallel_loop3A_372 = tpu.vector_load_idx %arg10[%parallel_loop3A_353] : memref<32xf32, #tpu.memory_space<vmem>>[vector<16xi32>], vector<16xf32>,
        %parallel_loop3A_373 = arith.constant 384 : i32
        %parallel_loop3A_374 = arith.addi %parallel_loop3A_174, %parallel_loop3A_373 : i32
        %parallel_loop3A_375 = arith.constant 48 : i32
        %parallel_loop3A_376 = arith.addi %parallel_loop3A_374, %parallel_loop3A_375 : i32
        %parallel_loop3A_377 = arith.index_cast %parallel_loop3A_376 : i32 to index
        %parallel_loop3A_378 = tpu.vector_load %arg13[%parallel_loop3A_377] {strides = array<i32>} : memref<32768xf32, #tpu.memory_space<vmem>>, vector<16xf32>,
        tpu.vector_store %arg13[%parallel_loop3A_377], %parallel_loop3A_372 {strides = array<i32>} : memref<32768xf32, #tpu.memory_space<vmem>>, vector<16xf32>,
        %parallel_loop3A_379 = arith.constant 64 : i32
        %parallel_loop3A_380 = arith.addi %parallel_loop3A_172, %parallel_loop3A_379 : i32
        %parallel_loop3A_381 = arith.index_cast %parallel_loop3A_380 : i32 to index
        %parallel_loop3A_382 = tpu.vector_load %arg11[%parallel_loop3A_381] {strides = array<i32>} : memref<8192xf32, #tpu.memory_space<vmem>>, vector<16xf32>,
        %parallel_loop3A_383 = arith.constant 1.000000e+00 : f32
        %parallel_loop3A_384 = vector.broadcast %parallel_loop3A_383 : f32 to vector<16xf32>
        %parallel_loop3A_385 = arith.addf %parallel_loop3A_382, %parallel_loop3A_384 : vector<16xf32>
        %parallel_loop3A_386 = arith.constant 5.000000e-01 : f32
        %parallel_loop3A_387 = vector.broadcast %parallel_loop3A_386 : f32 to vector<16xf32>
        %parallel_loop3A_388 = arith.mulf %parallel_loop3A_385, %parallel_loop3A_387 : vector<16xf32>
        %parallel_loop3A_389 = arith.constant 3.100000e+01 : f32
        %parallel_loop3A_390 = vector.broadcast %parallel_loop3A_389 : f32 to vector<16xf32>
        %parallel_loop3A_391 = arith.mulf %parallel_loop3A_388, %parallel_loop3A_390 : vector<16xf32>
        %parallel_loop3A_392 = arith.constant 0x4B000000 : f32
        %parallel_loop3A_393 = vector.broadcast %parallel_loop3A_392 : f32 to vector<16xf32>
        %parallel_loop3A_394 = arith.addf %parallel_loop3A_391, %parallel_loop3A_393 : vector<16xf32>
        %parallel_loop3A_395 = arith.constant 0x4B000000 : f32
        %parallel_loop3A_396 = vector.broadcast %parallel_loop3A_395 : f32 to vector<16xf32>
        %parallel_loop3A_397 = arith.subf %parallel_loop3A_394, %parallel_loop3A_396 : vector<16xf32>
        %parallel_loop3A_398 = arith.fptosi %parallel_loop3A_397 : vector<16xf32> to vector<16xi32>
        %parallel_loop3A_399 = arith.constant 0 : i32
        %parallel_loop3A_400 = arith.constant 31 : i32
        %parallel_loop3A_401 = vector.broadcast %parallel_loop3A_399 : i32 to vector<16xi32>
        %parallel_loop3A_402 = arith.maxsi %parallel_loop3A_401, %parallel_loop3A_398 : vector<16xi32>
        %parallel_loop3A_403 = vector.broadcast %parallel_loop3A_400 : i32 to vector<16xi32>
        %parallel_loop3A_404 = arith.minsi %parallel_loop3A_403, %parallel_loop3A_402 : vector<16xi32>
        %parallel_loop3A_405 = arith.constant 64 : i32
        %parallel_loop3A_406 = arith.addi %parallel_loop3A_174, %parallel_loop3A_405 : i32
        %parallel_loop3A_407 = arith.index_cast %parallel_loop3A_406 : i32 to index
        %parallel_loop3A_408 = tpu.vector_load %arg13[%parallel_loop3A_407] {strides = array<i32>} : memref<32768xf32, #tpu.memory_space<vmem>>, vector<16xf32>,
        tpu.vector_store %arg13[%parallel_loop3A_407], %parallel_loop3A_382 {strides = array<i32>} : memref<32768xf32, #tpu.memory_space<vmem>>, vector<16xf32>,
        %parallel_loop3A_409 = tpu.vector_load_idx %arg8[%parallel_loop3A_404] : memref<32xf32, #tpu.memory_space<vmem>>[vector<16xi32>], vector<16xf32>,
        %parallel_loop3A_410 = arith.constant 128 : i32
        %parallel_loop3A_411 = arith.addi %parallel_loop3A_174, %parallel_loop3A_410 : i32
        %parallel_loop3A_412 = arith.constant 64 : i32
        %parallel_loop3A_413 = arith.addi %parallel_loop3A_411, %parallel_loop3A_412 : i32
        %parallel_loop3A_414 = arith.index_cast %parallel_loop3A_413 : i32 to index
        %parallel_loop3A_415 = tpu.vector_load %arg13[%parallel_loop3A_414] {strides = array<i32>} : memref<32768xf32, #tpu.memory_space<vmem>>, vector<16xf32>,
        tpu.vector_store %arg13[%parallel_loop3A_414], %parallel_loop3A_409 {strides = array<i32>} : memref<32768xf32, #tpu.memory_space<vmem>>, vector<16xf32>,
        %parallel_loop3A_416 = tpu.vector_load_idx %arg9[%parallel_loop3A_404] : memref<32xf32, #tpu.memory_space<vmem>>[vector<16xi32>], vector<16xf32>,
        %parallel_loop3A_417 = arith.constant 256 : i32
        %parallel_loop3A_418 = arith.addi %parallel_loop3A_174, %parallel_loop3A_417 : i32
        %parallel_loop3A_419 = arith.constant 64 : i32
        %parallel_loop3A_420 = arith.addi %parallel_loop3A_418, %parallel_loop3A_419 : i32
        %parallel_loop3A_421 = arith.index_cast %parallel_loop3A_420 : i32 to index
        %parallel_loop3A_422 = tpu.vector_load %arg13[%parallel_loop3A_421] {strides = array<i32>} : memref<32768xf32, #tpu.memory_space<vmem>>, vector<16xf32>,
        tpu.vector_store %arg13[%parallel_loop3A_421], %parallel_loop3A_416 {strides = array<i32>} : memref<32768xf32, #tpu.memory_space<vmem>>, vector<16xf32>,
        %parallel_loop3A_423 = tpu.vector_load_idx %arg10[%parallel_loop3A_404] : memref<32xf32, #tpu.memory_space<vmem>>[vector<16xi32>], vector<16xf32>,
        %parallel_loop3A_424 = arith.constant 384 : i32
        %parallel_loop3A_425 = arith.addi %parallel_loop3A_174, %parallel_loop3A_424 : i32
        %parallel_loop3A_426 = arith.constant 64 : i32
        %parallel_loop3A_427 = arith.addi %parallel_loop3A_425, %parallel_loop3A_426 : i32
        %parallel_loop3A_428 = arith.index_cast %parallel_loop3A_427 : i32 to index
        %parallel_loop3A_429 = tpu.vector_load %arg13[%parallel_loop3A_428] {strides = array<i32>} : memref<32768xf32, #tpu.memory_space<vmem>>, vector<16xf32>,
        tpu.vector_store %arg13[%parallel_loop3A_428], %parallel_loop3A_423 {strides = array<i32>} : memref<32768xf32, #tpu.memory_space<vmem>>, vector<16xf32>,
        %parallel_loop3A_430 = arith.constant 80 : i32
        %parallel_loop3A_431 = arith.addi %parallel_loop3A_172, %parallel_loop3A_430 : i32
        %parallel_loop3A_432 = arith.index_cast %parallel_loop3A_431 : i32 to index
        %parallel_loop3A_433 = tpu.vector_load %arg11[%parallel_loop3A_432] {strides = array<i32>} : memref<8192xf32, #tpu.memory_space<vmem>>, vector<16xf32>,
        %parallel_loop3A_434 = arith.constant 1.000000e+00 : f32
        %parallel_loop3A_435 = vector.broadcast %parallel_loop3A_434 : f32 to vector<16xf32>
        %parallel_loop3A_436 = arith.addf %parallel_loop3A_433, %parallel_loop3A_435 : vector<16xf32>
        %parallel_loop3A_437 = arith.constant 5.000000e-01 : f32
        %parallel_loop3A_438 = vector.broadcast %parallel_loop3A_437 : f32 to vector<16xf32>
        %parallel_loop3A_439 = arith.mulf %parallel_loop3A_436, %parallel_loop3A_438 : vector<16xf32>
        %parallel_loop3A_440 = arith.constant 3.100000e+01 : f32
        %parallel_loop3A_441 = vector.broadcast %parallel_loop3A_440 : f32 to vector<16xf32>
        %parallel_loop3A_442 = arith.mulf %parallel_loop3A_439, %parallel_loop3A_441 : vector<16xf32>
        %parallel_loop3A_443 = arith.constant 0x4B000000 : f32
        %parallel_loop3A_444 = vector.broadcast %parallel_loop3A_443 : f32 to vector<16xf32>
        %parallel_loop3A_445 = arith.addf %parallel_loop3A_442, %parallel_loop3A_444 : vector<16xf32>
        %parallel_loop3A_446 = arith.constant 0x4B000000 : f32
        %parallel_loop3A_447 = vector.broadcast %parallel_loop3A_446 : f32 to vector<16xf32>
        %parallel_loop3A_448 = arith.subf %parallel_loop3A_445, %parallel_loop3A_447 : vector<16xf32>
        %parallel_loop3A_449 = arith.fptosi %parallel_loop3A_448 : vector<16xf32> to vector<16xi32>
        %parallel_loop3A_450 = arith.constant 0 : i32
        %parallel_loop3A_451 = arith.constant 31 : i32
        %parallel_loop3A_452 = vector.broadcast %parallel_loop3A_450 : i32 to vector<16xi32>
        %parallel_loop3A_453 = arith.maxsi %parallel_loop3A_452, %parallel_loop3A_449 : vector<16xi32>
        %parallel_loop3A_454 = vector.broadcast %parallel_loop3A_451 : i32 to vector<16xi32>
        %parallel_loop3A_455 = arith.minsi %parallel_loop3A_454, %parallel_loop3A_453 : vector<16xi32>
        %parallel_loop3A_456 = arith.constant 80 : i32
        %parallel_loop3A_457 = arith.addi %parallel_loop3A_174, %parallel_loop3A_456 : i32
        %parallel_loop3A_458 = arith.index_cast %parallel_loop3A_457 : i32 to index
        %parallel_loop3A_459 = tpu.vector_load %arg13[%parallel_loop3A_458] {strides = array<i32>} : memref<32768xf32, #tpu.memory_space<vmem>>, vector<16xf32>,
        tpu.vector_store %arg13[%parallel_loop3A_458], %parallel_loop3A_433 {strides = array<i32>} : memref<32768xf32, #tpu.memory_space<vmem>>, vector<16xf32>,
        %parallel_loop3A_460 = tpu.vector_load_idx %arg8[%parallel_loop3A_455] : memref<32xf32, #tpu.memory_space<vmem>>[vector<16xi32>], vector<16xf32>,
        %parallel_loop3A_461 = arith.constant 128 : i32
        %parallel_loop3A_462 = arith.addi %parallel_loop3A_174, %parallel_loop3A_461 : i32
        %parallel_loop3A_463 = arith.constant 80 : i32
        %parallel_loop3A_464 = arith.addi %parallel_loop3A_462, %parallel_loop3A_463 : i32
        %parallel_loop3A_465 = arith.index_cast %parallel_loop3A_464 : i32 to index
        %parallel_loop3A_466 = tpu.vector_load %arg13[%parallel_loop3A_465] {strides = array<i32>} : memref<32768xf32, #tpu.memory_space<vmem>>, vector<16xf32>,
        tpu.vector_store %arg13[%parallel_loop3A_465], %parallel_loop3A_460 {strides = array<i32>} : memref<32768xf32, #tpu.memory_space<vmem>>, vector<16xf32>,
        %parallel_loop3A_467 = tpu.vector_load_idx %arg9[%parallel_loop3A_455] : memref<32xf32, #tpu.memory_space<vmem>>[vector<16xi32>], vector<16xf32>,
        %parallel_loop3A_468 = arith.constant 256 : i32
        %parallel_loop3A_469 = arith.addi %parallel_loop3A_174, %parallel_loop3A_468 : i32
        %parallel_loop3A_470 = arith.constant 80 : i32
        %parallel_loop3A_471 = arith.addi %parallel_loop3A_469, %parallel_loop3A_470 : i32
        %parallel_loop3A_472 = arith.index_cast %parallel_loop3A_471 : i32 to index
        %parallel_loop3A_473 = tpu.vector_load %arg13[%parallel_loop3A_472] {strides = array<i32>} : memref<32768xf32, #tpu.memory_space<vmem>>, vector<16xf32>,
        tpu.vector_store %arg13[%parallel_loop3A_472], %parallel_loop3A_467 {strides = array<i32>} : memref<32768xf32, #tpu.memory_space<vmem>>, vector<16xf32>,
        %parallel_loop3A_474 = tpu.vector_load_idx %arg10[%parallel_loop3A_455] : memref<32xf32, #tpu.memory_space<vmem>>[vector<16xi32>], vector<16xf32>,
        %parallel_loop3A_475 = arith.constant 384 : i32
        %parallel_loop3A_476 = arith.addi %parallel_loop3A_174, %parallel_loop3A_475 : i32
        %parallel_loop3A_477 = arith.constant 80 : i32
        %parallel_loop3A_478 = arith.addi %parallel_loop3A_476, %parallel_loop3A_477 : i32
        %parallel_loop3A_479 = arith.index_cast %parallel_loop3A_478 : i32 to index
        %parallel_loop3A_480 = tpu.vector_load %arg13[%parallel_loop3A_479] {strides = array<i32>} : memref<32768xf32, #tpu.memory_space<vmem>>, vector<16xf32>,
        tpu.vector_store %arg13[%parallel_loop3A_479], %parallel_loop3A_474 {strides = array<i32>} : memref<32768xf32, #tpu.memory_space<vmem>>, vector<16xf32>,
        %parallel_loop3A_481 = arith.constant 96 : i32
        %parallel_loop3A_482 = arith.addi %parallel_loop3A_172, %parallel_loop3A_481 : i32
        %parallel_loop3A_483 = arith.index_cast %parallel_loop3A_482 : i32 to index
        %parallel_loop3A_484 = tpu.vector_load %arg11[%parallel_loop3A_483] {strides = array<i32>} : memref<8192xf32, #tpu.memory_space<vmem>>, vector<16xf32>,
        %parallel_loop3A_485 = arith.constant 1.000000e+00 : f32
        %parallel_loop3A_486 = vector.broadcast %parallel_loop3A_485 : f32 to vector<16xf32>
        %parallel_loop3A_487 = arith.addf %parallel_loop3A_484, %parallel_loop3A_486 : vector<16xf32>
        %parallel_loop3A_488 = arith.constant 5.000000e-01 : f32
        %parallel_loop3A_489 = vector.broadcast %parallel_loop3A_488 : f32 to vector<16xf32>
        %parallel_loop3A_490 = arith.mulf %parallel_loop3A_487, %parallel_loop3A_489 : vector<16xf32>
        %parallel_loop3A_491 = arith.constant 3.100000e+01 : f32
        %parallel_loop3A_492 = vector.broadcast %parallel_loop3A_491 : f32 to vector<16xf32>
        %parallel_loop3A_493 = arith.mulf %parallel_loop3A_490, %parallel_loop3A_492 : vector<16xf32>
        %parallel_loop3A_494 = arith.constant 0x4B000000 : f32
        %parallel_loop3A_495 = vector.broadcast %parallel_loop3A_494 : f32 to vector<16xf32>
        %parallel_loop3A_496 = arith.addf %parallel_loop3A_493, %parallel_loop3A_495 : vector<16xf32>
        %parallel_loop3A_497 = arith.constant 0x4B000000 : f32
        %parallel_loop3A_498 = vector.broadcast %parallel_loop3A_497 : f32 to vector<16xf32>
        %parallel_loop3A_499 = arith.subf %parallel_loop3A_496, %parallel_loop3A_498 : vector<16xf32>
        %parallel_loop3A_500 = arith.fptosi %parallel_loop3A_499 : vector<16xf32> to vector<16xi32>
        %parallel_loop3A_501 = arith.constant 0 : i32
        %parallel_loop3A_502 = arith.constant 31 : i32
        %parallel_loop3A_503 = vector.broadcast %parallel_loop3A_501 : i32 to vector<16xi32>
        %parallel_loop3A_504 = arith.maxsi %parallel_loop3A_503, %parallel_loop3A_500 : vector<16xi32>
        %parallel_loop3A_505 = vector.broadcast %parallel_loop3A_502 : i32 to vector<16xi32>
        %parallel_loop3A_506 = arith.minsi %parallel_loop3A_505, %parallel_loop3A_504 : vector<16xi32>
        %parallel_loop3A_507 = arith.constant 96 : i32
        %parallel_loop3A_508 = arith.addi %parallel_loop3A_174, %parallel_loop3A_507 : i32
        %parallel_loop3A_509 = arith.index_cast %parallel_loop3A_508 : i32 to index
        %parallel_loop3A_510 = tpu.vector_load %arg13[%parallel_loop3A_509] {strides = array<i32>} : memref<32768xf32, #tpu.memory_space<vmem>>, vector<16xf32>,
        tpu.vector_store %arg13[%parallel_loop3A_509], %parallel_loop3A_484 {strides = array<i32>} : memref<32768xf32, #tpu.memory_space<vmem>>, vector<16xf32>,
        %parallel_loop3A_511 = tpu.vector_load_idx %arg8[%parallel_loop3A_506] : memref<32xf32, #tpu.memory_space<vmem>>[vector<16xi32>], vector<16xf32>,
        %parallel_loop3A_512 = arith.constant 128 : i32
        %parallel_loop3A_513 = arith.addi %parallel_loop3A_174, %parallel_loop3A_512 : i32
        %parallel_loop3A_514 = arith.constant 96 : i32
        %parallel_loop3A_515 = arith.addi %parallel_loop3A_513, %parallel_loop3A_514 : i32
        %parallel_loop3A_516 = arith.index_cast %parallel_loop3A_515 : i32 to index
        %parallel_loop3A_517 = tpu.vector_load %arg13[%parallel_loop3A_516] {strides = array<i32>} : memref<32768xf32, #tpu.memory_space<vmem>>, vector<16xf32>,
        tpu.vector_store %arg13[%parallel_loop3A_516], %parallel_loop3A_511 {strides = array<i32>} : memref<32768xf32, #tpu.memory_space<vmem>>, vector<16xf32>,
        %parallel_loop3A_518 = tpu.vector_load_idx %arg9[%parallel_loop3A_506] : memref<32xf32, #tpu.memory_space<vmem>>[vector<16xi32>], vector<16xf32>,
        %parallel_loop3A_519 = arith.constant 256 : i32
        %parallel_loop3A_520 = arith.addi %parallel_loop3A_174, %parallel_loop3A_519 : i32
        %parallel_loop3A_521 = arith.constant 96 : i32
        %parallel_loop3A_522 = arith.addi %parallel_loop3A_520, %parallel_loop3A_521 : i32
        %parallel_loop3A_523 = arith.index_cast %parallel_loop3A_522 : i32 to index
        %parallel_loop3A_524 = tpu.vector_load %arg13[%parallel_loop3A_523] {strides = array<i32>} : memref<32768xf32, #tpu.memory_space<vmem>>, vector<16xf32>,
        tpu.vector_store %arg13[%parallel_loop3A_523], %parallel_loop3A_518 {strides = array<i32>} : memref<32768xf32, #tpu.memory_space<vmem>>, vector<16xf32>,
        %parallel_loop3A_525 = tpu.vector_load_idx %arg10[%parallel_loop3A_506] : memref<32xf32, #tpu.memory_space<vmem>>[vector<16xi32>], vector<16xf32>,
        %parallel_loop3A_526 = arith.constant 384 : i32
        %parallel_loop3A_527 = arith.addi %parallel_loop3A_174, %parallel_loop3A_526 : i32
        %parallel_loop3A_528 = arith.constant 96 : i32
        %parallel_loop3A_529 = arith.addi %parallel_loop3A_527, %parallel_loop3A_528 : i32
        %parallel_loop3A_530 = arith.index_cast %parallel_loop3A_529 : i32 to index
        %parallel_loop3A_531 = tpu.vector_load %arg13[%parallel_loop3A_530] {strides = array<i32>} : memref<32768xf32, #tpu.memory_space<vmem>>, vector<16xf32>,
        tpu.vector_store %arg13[%parallel_loop3A_530], %parallel_loop3A_525 {strides = array<i32>} : memref<32768xf32, #tpu.memory_space<vmem>>, vector<16xf32>,
        %parallel_loop3A_532 = arith.constant 112 : i32
        %parallel_loop3A_533 = arith.addi %parallel_loop3A_172, %parallel_loop3A_532 : i32
        %parallel_loop3A_534 = arith.index_cast %parallel_loop3A_533 : i32 to index
        %parallel_loop3A_535 = tpu.vector_load %arg11[%parallel_loop3A_534] {strides = array<i32>} : memref<8192xf32, #tpu.memory_space<vmem>>, vector<16xf32>,
        %parallel_loop3A_536 = arith.constant 1.000000e+00 : f32
        %parallel_loop3A_537 = vector.broadcast %parallel_loop3A_536 : f32 to vector<16xf32>
        %parallel_loop3A_538 = arith.addf %parallel_loop3A_535, %parallel_loop3A_537 : vector<16xf32>
        %parallel_loop3A_539 = arith.constant 5.000000e-01 : f32
        %parallel_loop3A_540 = vector.broadcast %parallel_loop3A_539 : f32 to vector<16xf32>
        %parallel_loop3A_541 = arith.mulf %parallel_loop3A_538, %parallel_loop3A_540 : vector<16xf32>
        %parallel_loop3A_542 = arith.constant 3.100000e+01 : f32
        %parallel_loop3A_543 = vector.broadcast %parallel_loop3A_542 : f32 to vector<16xf32>
        %parallel_loop3A_544 = arith.mulf %parallel_loop3A_541, %parallel_loop3A_543 : vector<16xf32>
        %parallel_loop3A_545 = arith.constant 0x4B000000 : f32
        %parallel_loop3A_546 = vector.broadcast %parallel_loop3A_545 : f32 to vector<16xf32>
        %parallel_loop3A_547 = arith.addf %parallel_loop3A_544, %parallel_loop3A_546 : vector<16xf32>
        %parallel_loop3A_548 = arith.constant 0x4B000000 : f32
        %parallel_loop3A_549 = vector.broadcast %parallel_loop3A_548 : f32 to vector<16xf32>
        %parallel_loop3A_550 = arith.subf %parallel_loop3A_547, %parallel_loop3A_549 : vector<16xf32>
        %parallel_loop3A_551 = arith.fptosi %parallel_loop3A_550 : vector<16xf32> to vector<16xi32>
        %parallel_loop3A_552 = arith.constant 0 : i32
        %parallel_loop3A_553 = arith.constant 31 : i32
        %parallel_loop3A_554 = vector.broadcast %parallel_loop3A_552 : i32 to vector<16xi32>
        %parallel_loop3A_555 = arith.maxsi %parallel_loop3A_554, %parallel_loop3A_551 : vector<16xi32>
        %parallel_loop3A_556 = vector.broadcast %parallel_loop3A_553 : i32 to vector<16xi32>
        %parallel_loop3A_557 = arith.minsi %parallel_loop3A_556, %parallel_loop3A_555 : vector<16xi32>
        %parallel_loop3A_558 = arith.constant 112 : i32
        %parallel_loop3A_559 = arith.addi %parallel_loop3A_174, %parallel_loop3A_558 : i32
        %parallel_loop3A_560 = arith.index_cast %parallel_loop3A_559 : i32 to index
        %parallel_loop3A_561 = tpu.vector_load %arg13[%parallel_loop3A_560] {strides = array<i32>} : memref<32768xf32, #tpu.memory_space<vmem>>, vector<16xf32>,
        tpu.vector_store %arg13[%parallel_loop3A_560], %parallel_loop3A_535 {strides = array<i32>} : memref<32768xf32, #tpu.memory_space<vmem>>, vector<16xf32>,
        %parallel_loop3A_562 = tpu.vector_load_idx %arg8[%parallel_loop3A_557] : memref<32xf32, #tpu.memory_space<vmem>>[vector<16xi32>], vector<16xf32>,
        %parallel_loop3A_563 = arith.constant 128 : i32
        %parallel_loop3A_564 = arith.addi %parallel_loop3A_174, %parallel_loop3A_563 : i32
        %parallel_loop3A_565 = arith.constant 112 : i32
        %parallel_loop3A_566 = arith.addi %parallel_loop3A_564, %parallel_loop3A_565 : i32
        %parallel_loop3A_567 = arith.index_cast %parallel_loop3A_566 : i32 to index
        %parallel_loop3A_568 = tpu.vector_load %arg13[%parallel_loop3A_567] {strides = array<i32>} : memref<32768xf32, #tpu.memory_space<vmem>>, vector<16xf32>,
        tpu.vector_store %arg13[%parallel_loop3A_567], %parallel_loop3A_562 {strides = array<i32>} : memref<32768xf32, #tpu.memory_space<vmem>>, vector<16xf32>,
        %parallel_loop3A_569 = tpu.vector_load_idx %arg9[%parallel_loop3A_557] : memref<32xf32, #tpu.memory_space<vmem>>[vector<16xi32>], vector<16xf32>,
        %parallel_loop3A_570 = arith.constant 256 : i32
        %parallel_loop3A_571 = arith.addi %parallel_loop3A_174, %parallel_loop3A_570 : i32
        %parallel_loop3A_572 = arith.constant 112 : i32
        %parallel_loop3A_573 = arith.addi %parallel_loop3A_571, %parallel_loop3A_572 : i32
        %parallel_loop3A_574 = arith.index_cast %parallel_loop3A_573 : i32 to index
        %parallel_loop3A_575 = tpu.vector_load %arg13[%parallel_loop3A_574] {strides = array<i32>} : memref<32768xf32, #tpu.memory_space<vmem>>, vector<16xf32>,
        tpu.vector_store %arg13[%parallel_loop3A_574], %parallel_loop3A_569 {strides = array<i32>} : memref<32768xf32, #tpu.memory_space<vmem>>, vector<16xf32>,
        %parallel_loop3A_576 = tpu.vector_load_idx %arg10[%parallel_loop3A_557] : memref<32xf32, #tpu.memory_space<vmem>>[vector<16xi32>], vector<16xf32>,
        %parallel_loop3A_577 = arith.constant 384 : i32
        %parallel_loop3A_578 = arith.addi %parallel_loop3A_174, %parallel_loop3A_577 : i32
        %parallel_loop3A_579 = arith.constant 112 : i32
        %parallel_loop3A_580 = arith.addi %parallel_loop3A_578, %parallel_loop3A_579 : i32
        %parallel_loop3A_581 = arith.index_cast %parallel_loop3A_580 : i32 to index
        %parallel_loop3A_582 = tpu.vector_load %arg13[%parallel_loop3A_581] {strides = array<i32>} : memref<32768xf32, #tpu.memory_space<vmem>>, vector<16xf32>,
        tpu.vector_store %arg13[%parallel_loop3A_581], %parallel_loop3A_576 {strides = array<i32>} : memref<32768xf32, #tpu.memory_space<vmem>>, vector<16xf32>,
      } {sc.loop_unroll_factor = 1 : i64, sc.parallel_access}
      %mul3A_127 = arith.constant 8192 : i32
      %mul3A_128 = arith.muli %add3A_117, %mul3A_127 : i32
      %add3A_129 = arith.addi %mul3A_2, %mul3A_128 : i32
      %mul3A_130 = arith.constant 4 : i32
      %mul3A_131 = arith.muli %add3A_129, %mul3A_130 : i32
      %dma_start3A_132 = tpu.memref_slice %arg5[%mul3A_131] : memref<67108864xf32, #tpu.memory_space<hbm>> -> memref<32768xf32, #tpu.memory_space<hbm>>
      %dma_start3A_133 = tpu.memref_slice %arg5[%mul3A_131] : memref<67108864xf32, #tpu.memory_space<hbm>> -> memref<32768xf32, #tpu.memory_space<hbm>>
      tpu.enqueue_dma source(%arg13 : memref<32768xf32, #tpu.memory_space<vmem>>) target(%dma_start3A_133 : memref<32768xf32, #tpu.memory_space<hbm>>) target_semaphore(%arg17 : memref<!tpu.dma_semaphore, #tpu.memory_space<semaphore_mem>>)
      %add3A_134 = arith.constant 2 : i32
      %add3A_135 = arith.addi %add3A_117, %add3A_134 : i32
      %lt3A = arith.constant 64 : i32
      %lt3A_136 = arith.cmpi slt, %add3A_135, %lt3A : i32
      %convert_element_type3A_137 = arith.extui %lt3A_136 : i1 to i32
      %cond3A_138 = arith.constant 0 : i32
      %cond3A_139 = arith.cmpi ne, %convert_element_type3A_137, %cond3A_138 : i32
      scf.if %cond3A_139 {
        %add3A_170 = arith.constant 16384 : i32
        %add3A_171 = arith.addi %add3A_129, %add3A_170 : i32
        %dma_start3A_172 = tpu.memref_slice %arg2[%add3A_171] : memref<16777216xf32, #tpu.memory_space<hbm>> -> memref<8192xf32, #tpu.memory_space<hbm>>
        %dma_start3A_173 = tpu.memref_slice %arg2[%add3A_171] : memref<16777216xf32, #tpu.memory_space<hbm>> -> memref<8192xf32, #tpu.memory_space<hbm>>
        tpu.enqueue_dma source(%dma_start3A_173 : memref<8192xf32, #tpu.memory_space<hbm>>) target(%arg11 : memref<8192xf32, #tpu.memory_space<vmem>>) target_semaphore(%arg15 : memref<!tpu.dma_semaphore, #tpu.memory_space<semaphore_mem>>)
      } else {
      }
      %mul3A_140 = arith.constant 2 : i32
      %mul3A_141 = arith.muli %mul3A_140, %scan3A_113 : i32
      %add3A_142 = arith.constant 1 : i32
      %add3A_143 = arith.addi %mul3A_141, %add3A_142 : i32
      %dma_wait3A_144 = arith.constant 0 : i32
      %dma_wait3A_145 = tpu.memref_slice %arg2[%dma_wait3A_144] : memref<16777216xf32, #tpu.memory_space<hbm>> -> memref<8192xf32, #tpu.memory_space<hbm>>
      %dma_wait3A_146 = arith.constant 0 : i32
      %dma_wait3A_147 = tpu.memref_slice %arg2[%dma_wait3A_146] : memref<16777216xf32, #tpu.memory_space<hbm>> -> memref<8192xf32, #tpu.memory_space<hbm>>
      tpu.wait_dma2 semaphore(%arg16 : memref<!tpu.dma_semaphore, #tpu.memory_space<semaphore_mem>>) src(%dma_wait3A_147 : memref<8192xf32, #tpu.memory_space<hbm>>) dst(%arg12 : memref<8192xf32, #tpu.memory_space<vmem>>)
      %ge3A_148 = arith.constant 2 : i32
      %ge3A_149 = arith.cmpi sge, %add3A_143, %ge3A_148 : i32
      %convert_element_type3A_150 = arith.extui %ge3A_149 : i1 to i32
      %cond3A_151 = arith.constant 0 : i32
      %cond3A_152 = arith.cmpi ne, %convert_element_type3A_150, %cond3A_151 : i32
      scf.if %cond3A_152 {
        %dma_wait3A_170 = arith.constant 0 : i32
        %dma_wait3A_171 = tpu.memref_slice %arg5[%dma_wait3A_170] : memref<67108864xf32, #tpu.memory_space<hbm>> -> memref<32768xf32, #tpu.memory_space<hbm>>
        %dma_wait3A_172 = arith.constant 0 : i32
        %dma_wait3A_173 = tpu.memref_slice %arg5[%dma_wait3A_172] : memref<67108864xf32, #tpu.memory_space<hbm>> -> memref<32768xf32, #tpu.memory_space<hbm>>
        tpu.wait_dma2 semaphore(%arg18 : memref<!tpu.dma_semaphore, #tpu.memory_space<semaphore_mem>>) src(%arg14 : memref<32768xf32, #tpu.memory_space<vmem>>) dst(%dma_wait3A_173 : memref<32768xf32, #tpu.memory_space<hbm>>)
      } else {
      }
      %parallel_loop3A_153 = arith.constant 0 : i32
      %parallel_loop3A_154 = arith.constant 64 : i32
      %parallel_loop3A_155 = arith.constant 1 : i32
      scf.for %parallel_loop3A_170 = %parallel_loop3A_153 to %parallel_loop3A_154 step %parallel_loop3A_155  : i32 {
        %parallel_loop3A_171 = arith.constant 128 : i32
        %parallel_loop3A_172 = arith.muli %parallel_loop3A_170, %parallel_loop3A_171 : i32
        %parallel_loop3A_173 = arith.constant 512 : i32
        %parallel_loop3A_174 = arith.muli %parallel_loop3A_170, %parallel_loop3A_173 : i32
        %parallel_loop3A_175 = arith.constant 0 : i32
        %parallel_loop3A_176 = arith.addi %parallel_loop3A_172, %parallel_loop3A_175 : i32
        %parallel_loop3A_177 = arith.index_cast %parallel_loop3A_176 : i32 to index
        %parallel_loop3A_178 = tpu.vector_load %arg12[%parallel_loop3A_177] {strides = array<i32>} : memref<8192xf32, #tpu.memory_space<vmem>>, vector<16xf32>,
        %parallel_loop3A_179 = arith.constant 1.000000e+00 : f32
        %parallel_loop3A_180 = vector.broadcast %parallel_loop3A_179 : f32 to vector<16xf32>
        %parallel_loop3A_181 = arith.addf %parallel_loop3A_178, %parallel_loop3A_180 : vector<16xf32>
        %parallel_loop3A_182 = arith.constant 5.000000e-01 : f32
        %parallel_loop3A_183 = vector.broadcast %parallel_loop3A_182 : f32 to vector<16xf32>
        %parallel_loop3A_184 = arith.mulf %parallel_loop3A_181, %parallel_loop3A_183 : vector<16xf32>
        %parallel_loop3A_185 = arith.constant 3.100000e+01 : f32
        %parallel_loop3A_186 = vector.broadcast %parallel_loop3A_185 : f32 to vector<16xf32>
        %parallel_loop3A_187 = arith.mulf %parallel_loop3A_184, %parallel_loop3A_186 : vector<16xf32>
        %parallel_loop3A_188 = arith.constant 0x4B000000 : f32
        %parallel_loop3A_189 = vector.broadcast %parallel_loop3A_188 : f32 to vector<16xf32>
        %parallel_loop3A_190 = arith.addf %parallel_loop3A_187, %parallel_loop3A_189 : vector<16xf32>
        %parallel_loop3A_191 = arith.constant 0x4B000000 : f32
        %parallel_loop3A_192 = vector.broadcast %parallel_loop3A_191 : f32 to vector<16xf32>
        %parallel_loop3A_193 = arith.subf %parallel_loop3A_190, %parallel_loop3A_192 : vector<16xf32>
        %parallel_loop3A_194 = arith.fptosi %parallel_loop3A_193 : vector<16xf32> to vector<16xi32>
        %parallel_loop3A_195 = arith.constant 0 : i32
        %parallel_loop3A_196 = arith.constant 31 : i32
        %parallel_loop3A_197 = vector.broadcast %parallel_loop3A_195 : i32 to vector<16xi32>
        %parallel_loop3A_198 = arith.maxsi %parallel_loop3A_197, %parallel_loop3A_194 : vector<16xi32>
        %parallel_loop3A_199 = vector.broadcast %parallel_loop3A_196 : i32 to vector<16xi32>
        %parallel_loop3A_200 = arith.minsi %parallel_loop3A_199, %parallel_loop3A_198 : vector<16xi32>
        %parallel_loop3A_201 = arith.constant 0 : i32
        %parallel_loop3A_202 = arith.addi %parallel_loop3A_174, %parallel_loop3A_201 : i32
        %parallel_loop3A_203 = arith.index_cast %parallel_loop3A_202 : i32 to index
        %parallel_loop3A_204 = tpu.vector_load %arg14[%parallel_loop3A_203] {strides = array<i32>} : memref<32768xf32, #tpu.memory_space<vmem>>, vector<16xf32>,
        tpu.vector_store %arg14[%parallel_loop3A_203], %parallel_loop3A_178 {strides = array<i32>} : memref<32768xf32, #tpu.memory_space<vmem>>, vector<16xf32>,
        %parallel_loop3A_205 = tpu.vector_load_idx %arg8[%parallel_loop3A_200] : memref<32xf32, #tpu.memory_space<vmem>>[vector<16xi32>], vector<16xf32>,
        %parallel_loop3A_206 = arith.constant 128 : i32
        %parallel_loop3A_207 = arith.addi %parallel_loop3A_174, %parallel_loop3A_206 : i32
        %parallel_loop3A_208 = arith.constant 0 : i32
        %parallel_loop3A_209 = arith.addi %parallel_loop3A_207, %parallel_loop3A_208 : i32
        %parallel_loop3A_210 = arith.index_cast %parallel_loop3A_209 : i32 to index
        %parallel_loop3A_211 = tpu.vector_load %arg14[%parallel_loop3A_210] {strides = array<i32>} : memref<32768xf32, #tpu.memory_space<vmem>>, vector<16xf32>,
        tpu.vector_store %arg14[%parallel_loop3A_210], %parallel_loop3A_205 {strides = array<i32>} : memref<32768xf32, #tpu.memory_space<vmem>>, vector<16xf32>,
        %parallel_loop3A_212 = tpu.vector_load_idx %arg9[%parallel_loop3A_200] : memref<32xf32, #tpu.memory_space<vmem>>[vector<16xi32>], vector<16xf32>,
        %parallel_loop3A_213 = arith.constant 256 : i32
        %parallel_loop3A_214 = arith.addi %parallel_loop3A_174, %parallel_loop3A_213 : i32
        %parallel_loop3A_215 = arith.constant 0 : i32
        %parallel_loop3A_216 = arith.addi %parallel_loop3A_214, %parallel_loop3A_215 : i32
        %parallel_loop3A_217 = arith.index_cast %parallel_loop3A_216 : i32 to index
        %parallel_loop3A_218 = tpu.vector_load %arg14[%parallel_loop3A_217] {strides = array<i32>} : memref<32768xf32, #tpu.memory_space<vmem>>, vector<16xf32>,
        tpu.vector_store %arg14[%parallel_loop3A_217], %parallel_loop3A_212 {strides = array<i32>} : memref<32768xf32, #tpu.memory_space<vmem>>, vector<16xf32>,
        %parallel_loop3A_219 = tpu.vector_load_idx %arg10[%parallel_loop3A_200] : memref<32xf32, #tpu.memory_space<vmem>>[vector<16xi32>], vector<16xf32>,
        %parallel_loop3A_220 = arith.constant 384 : i32
        %parallel_loop3A_221 = arith.addi %parallel_loop3A_174, %parallel_loop3A_220 : i32
        %parallel_loop3A_222 = arith.constant 0 : i32
        %parallel_loop3A_223 = arith.addi %parallel_loop3A_221, %parallel_loop3A_222 : i32
        %parallel_loop3A_224 = arith.index_cast %parallel_loop3A_223 : i32 to index
        %parallel_loop3A_225 = tpu.vector_load %arg14[%parallel_loop3A_224] {strides = array<i32>} : memref<32768xf32, #tpu.memory_space<vmem>>, vector<16xf32>,
        tpu.vector_store %arg14[%parallel_loop3A_224], %parallel_loop3A_219 {strides = array<i32>} : memref<32768xf32, #tpu.memory_space<vmem>>, vector<16xf32>,
        %parallel_loop3A_226 = arith.constant 16 : i32
        %parallel_loop3A_227 = arith.addi %parallel_loop3A_172, %parallel_loop3A_226 : i32
        %parallel_loop3A_228 = arith.index_cast %parallel_loop3A_227 : i32 to index
        %parallel_loop3A_229 = tpu.vector_load %arg12[%parallel_loop3A_228] {strides = array<i32>} : memref<8192xf32, #tpu.memory_space<vmem>>, vector<16xf32>,
        %parallel_loop3A_230 = arith.constant 1.000000e+00 : f32
        %parallel_loop3A_231 = vector.broadcast %parallel_loop3A_230 : f32 to vector<16xf32>
        %parallel_loop3A_232 = arith.addf %parallel_loop3A_229, %parallel_loop3A_231 : vector<16xf32>
        %parallel_loop3A_233 = arith.constant 5.000000e-01 : f32
        %parallel_loop3A_234 = vector.broadcast %parallel_loop3A_233 : f32 to vector<16xf32>
        %parallel_loop3A_235 = arith.mulf %parallel_loop3A_232, %parallel_loop3A_234 : vector<16xf32>
        %parallel_loop3A_236 = arith.constant 3.100000e+01 : f32
        %parallel_loop3A_237 = vector.broadcast %parallel_loop3A_236 : f32 to vector<16xf32>
        %parallel_loop3A_238 = arith.mulf %parallel_loop3A_235, %parallel_loop3A_237 : vector<16xf32>
        %parallel_loop3A_239 = arith.constant 0x4B000000 : f32
        %parallel_loop3A_240 = vector.broadcast %parallel_loop3A_239 : f32 to vector<16xf32>
        %parallel_loop3A_241 = arith.addf %parallel_loop3A_238, %parallel_loop3A_240 : vector<16xf32>
        %parallel_loop3A_242 = arith.constant 0x4B000000 : f32
        %parallel_loop3A_243 = vector.broadcast %parallel_loop3A_242 : f32 to vector<16xf32>
        %parallel_loop3A_244 = arith.subf %parallel_loop3A_241, %parallel_loop3A_243 : vector<16xf32>
        %parallel_loop3A_245 = arith.fptosi %parallel_loop3A_244 : vector<16xf32> to vector<16xi32>
        %parallel_loop3A_246 = arith.constant 0 : i32
        %parallel_loop3A_247 = arith.constant 31 : i32
        %parallel_loop3A_248 = vector.broadcast %parallel_loop3A_246 : i32 to vector<16xi32>
        %parallel_loop3A_249 = arith.maxsi %parallel_loop3A_248, %parallel_loop3A_245 : vector<16xi32>
        %parallel_loop3A_250 = vector.broadcast %parallel_loop3A_247 : i32 to vector<16xi32>
        %parallel_loop3A_251 = arith.minsi %parallel_loop3A_250, %parallel_loop3A_249 : vector<16xi32>
        %parallel_loop3A_252 = arith.constant 16 : i32
        %parallel_loop3A_253 = arith.addi %parallel_loop3A_174, %parallel_loop3A_252 : i32
        %parallel_loop3A_254 = arith.index_cast %parallel_loop3A_253 : i32 to index
        %parallel_loop3A_255 = tpu.vector_load %arg14[%parallel_loop3A_254] {strides = array<i32>} : memref<32768xf32, #tpu.memory_space<vmem>>, vector<16xf32>,
        tpu.vector_store %arg14[%parallel_loop3A_254], %parallel_loop3A_229 {strides = array<i32>} : memref<32768xf32, #tpu.memory_space<vmem>>, vector<16xf32>,
        %parallel_loop3A_256 = tpu.vector_load_idx %arg8[%parallel_loop3A_251] : memref<32xf32, #tpu.memory_space<vmem>>[vector<16xi32>], vector<16xf32>,
        %parallel_loop3A_257 = arith.constant 128 : i32
        %parallel_loop3A_258 = arith.addi %parallel_loop3A_174, %parallel_loop3A_257 : i32
        %parallel_loop3A_259 = arith.constant 16 : i32
        %parallel_loop3A_260 = arith.addi %parallel_loop3A_258, %parallel_loop3A_259 : i32
        %parallel_loop3A_261 = arith.index_cast %parallel_loop3A_260 : i32 to index
        %parallel_loop3A_262 = tpu.vector_load %arg14[%parallel_loop3A_261] {strides = array<i32>} : memref<32768xf32, #tpu.memory_space<vmem>>, vector<16xf32>,
        tpu.vector_store %arg14[%parallel_loop3A_261], %parallel_loop3A_256 {strides = array<i32>} : memref<32768xf32, #tpu.memory_space<vmem>>, vector<16xf32>,
        %parallel_loop3A_263 = tpu.vector_load_idx %arg9[%parallel_loop3A_251] : memref<32xf32, #tpu.memory_space<vmem>>[vector<16xi32>], vector<16xf32>,
        %parallel_loop3A_264 = arith.constant 256 : i32
        %parallel_loop3A_265 = arith.addi %parallel_loop3A_174, %parallel_loop3A_264 : i32
        %parallel_loop3A_266 = arith.constant 16 : i32
        %parallel_loop3A_267 = arith.addi %parallel_loop3A_265, %parallel_loop3A_266 : i32
        %parallel_loop3A_268 = arith.index_cast %parallel_loop3A_267 : i32 to index
        %parallel_loop3A_269 = tpu.vector_load %arg14[%parallel_loop3A_268] {strides = array<i32>} : memref<32768xf32, #tpu.memory_space<vmem>>, vector<16xf32>,
        tpu.vector_store %arg14[%parallel_loop3A_268], %parallel_loop3A_263 {strides = array<i32>} : memref<32768xf32, #tpu.memory_space<vmem>>, vector<16xf32>,
        %parallel_loop3A_270 = tpu.vector_load_idx %arg10[%parallel_loop3A_251] : memref<32xf32, #tpu.memory_space<vmem>>[vector<16xi32>], vector<16xf32>,
        %parallel_loop3A_271 = arith.constant 384 : i32
        %parallel_loop3A_272 = arith.addi %parallel_loop3A_174, %parallel_loop3A_271 : i32
        %parallel_loop3A_273 = arith.constant 16 : i32
        %parallel_loop3A_274 = arith.addi %parallel_loop3A_272, %parallel_loop3A_273 : i32
        %parallel_loop3A_275 = arith.index_cast %parallel_loop3A_274 : i32 to index
        %parallel_loop3A_276 = tpu.vector_load %arg14[%parallel_loop3A_275] {strides = array<i32>} : memref<32768xf32, #tpu.memory_space<vmem>>, vector<16xf32>,
        tpu.vector_store %arg14[%parallel_loop3A_275], %parallel_loop3A_270 {strides = array<i32>} : memref<32768xf32, #tpu.memory_space<vmem>>, vector<16xf32>,
        %parallel_loop3A_277 = arith.constant 32 : i32
        %parallel_loop3A_278 = arith.addi %parallel_loop3A_172, %parallel_loop3A_277 : i32
        %parallel_loop3A_279 = arith.index_cast %parallel_loop3A_278 : i32 to index
        %parallel_loop3A_280 = tpu.vector_load %arg12[%parallel_loop3A_279] {strides = array<i32>} : memref<8192xf32, #tpu.memory_space<vmem>>, vector<16xf32>,
        %parallel_loop3A_281 = arith.constant 1.000000e+00 : f32
        %parallel_loop3A_282 = vector.broadcast %parallel_loop3A_281 : f32 to vector<16xf32>
        %parallel_loop3A_283 = arith.addf %parallel_loop3A_280, %parallel_loop3A_282 : vector<16xf32>
        %parallel_loop3A_284 = arith.constant 5.000000e-01 : f32
        %parallel_loop3A_285 = vector.broadcast %parallel_loop3A_284 : f32 to vector<16xf32>
        %parallel_loop3A_286 = arith.mulf %parallel_loop3A_283, %parallel_loop3A_285 : vector<16xf32>
        %parallel_loop3A_287 = arith.constant 3.100000e+01 : f32
        %parallel_loop3A_288 = vector.broadcast %parallel_loop3A_287 : f32 to vector<16xf32>
        %parallel_loop3A_289 = arith.mulf %parallel_loop3A_286, %parallel_loop3A_288 : vector<16xf32>
        %parallel_loop3A_290 = arith.constant 0x4B000000 : f32
        %parallel_loop3A_291 = vector.broadcast %parallel_loop3A_290 : f32 to vector<16xf32>
        %parallel_loop3A_292 = arith.addf %parallel_loop3A_289, %parallel_loop3A_291 : vector<16xf32>
        %parallel_loop3A_293 = arith.constant 0x4B000000 : f32
        %parallel_loop3A_294 = vector.broadcast %parallel_loop3A_293 : f32 to vector<16xf32>
        %parallel_loop3A_295 = arith.subf %parallel_loop3A_292, %parallel_loop3A_294 : vector<16xf32>
        %parallel_loop3A_296 = arith.fptosi %parallel_loop3A_295 : vector<16xf32> to vector<16xi32>
        %parallel_loop3A_297 = arith.constant 0 : i32
        %parallel_loop3A_298 = arith.constant 31 : i32
        %parallel_loop3A_299 = vector.broadcast %parallel_loop3A_297 : i32 to vector<16xi32>
        %parallel_loop3A_300 = arith.maxsi %parallel_loop3A_299, %parallel_loop3A_296 : vector<16xi32>
        %parallel_loop3A_301 = vector.broadcast %parallel_loop3A_298 : i32 to vector<16xi32>
        %parallel_loop3A_302 = arith.minsi %parallel_loop3A_301, %parallel_loop3A_300 : vector<16xi32>
        %parallel_loop3A_303 = arith.constant 32 : i32
        %parallel_loop3A_304 = arith.addi %parallel_loop3A_174, %parallel_loop3A_303 : i32
        %parallel_loop3A_305 = arith.index_cast %parallel_loop3A_304 : i32 to index
        %parallel_loop3A_306 = tpu.vector_load %arg14[%parallel_loop3A_305] {strides = array<i32>} : memref<32768xf32, #tpu.memory_space<vmem>>, vector<16xf32>,
        tpu.vector_store %arg14[%parallel_loop3A_305], %parallel_loop3A_280 {strides = array<i32>} : memref<32768xf32, #tpu.memory_space<vmem>>, vector<16xf32>,
        %parallel_loop3A_307 = tpu.vector_load_idx %arg8[%parallel_loop3A_302] : memref<32xf32, #tpu.memory_space<vmem>>[vector<16xi32>], vector<16xf32>,
        %parallel_loop3A_308 = arith.constant 128 : i32
        %parallel_loop3A_309 = arith.addi %parallel_loop3A_174, %parallel_loop3A_308 : i32
        %parallel_loop3A_310 = arith.constant 32 : i32
        %parallel_loop3A_311 = arith.addi %parallel_loop3A_309, %parallel_loop3A_310 : i32
        %parallel_loop3A_312 = arith.index_cast %parallel_loop3A_311 : i32 to index
        %parallel_loop3A_313 = tpu.vector_load %arg14[%parallel_loop3A_312] {strides = array<i32>} : memref<32768xf32, #tpu.memory_space<vmem>>, vector<16xf32>,
        tpu.vector_store %arg14[%parallel_loop3A_312], %parallel_loop3A_307 {strides = array<i32>} : memref<32768xf32, #tpu.memory_space<vmem>>, vector<16xf32>,
        %parallel_loop3A_314 = tpu.vector_load_idx %arg9[%parallel_loop3A_302] : memref<32xf32, #tpu.memory_space<vmem>>[vector<16xi32>], vector<16xf32>,
        %parallel_loop3A_315 = arith.constant 256 : i32
        %parallel_loop3A_316 = arith.addi %parallel_loop3A_174, %parallel_loop3A_315 : i32
        %parallel_loop3A_317 = arith.constant 32 : i32
        %parallel_loop3A_318 = arith.addi %parallel_loop3A_316, %parallel_loop3A_317 : i32
        %parallel_loop3A_319 = arith.index_cast %parallel_loop3A_318 : i32 to index
        %parallel_loop3A_320 = tpu.vector_load %arg14[%parallel_loop3A_319] {strides = array<i32>} : memref<32768xf32, #tpu.memory_space<vmem>>, vector<16xf32>,
        tpu.vector_store %arg14[%parallel_loop3A_319], %parallel_loop3A_314 {strides = array<i32>} : memref<32768xf32, #tpu.memory_space<vmem>>, vector<16xf32>,
        %parallel_loop3A_321 = tpu.vector_load_idx %arg10[%parallel_loop3A_302] : memref<32xf32, #tpu.memory_space<vmem>>[vector<16xi32>], vector<16xf32>,
        %parallel_loop3A_322 = arith.constant 384 : i32
        %parallel_loop3A_323 = arith.addi %parallel_loop3A_174, %parallel_loop3A_322 : i32
        %parallel_loop3A_324 = arith.constant 32 : i32
        %parallel_loop3A_325 = arith.addi %parallel_loop3A_323, %parallel_loop3A_324 : i32
        %parallel_loop3A_326 = arith.index_cast %parallel_loop3A_325 : i32 to index
        %parallel_loop3A_327 = tpu.vector_load %arg14[%parallel_loop3A_326] {strides = array<i32>} : memref<32768xf32, #tpu.memory_space<vmem>>, vector<16xf32>,
        tpu.vector_store %arg14[%parallel_loop3A_326], %parallel_loop3A_321 {strides = array<i32>} : memref<32768xf32, #tpu.memory_space<vmem>>, vector<16xf32>,
        %parallel_loop3A_328 = arith.constant 48 : i32
        %parallel_loop3A_329 = arith.addi %parallel_loop3A_172, %parallel_loop3A_328 : i32
        %parallel_loop3A_330 = arith.index_cast %parallel_loop3A_329 : i32 to index
        %parallel_loop3A_331 = tpu.vector_load %arg12[%parallel_loop3A_330] {strides = array<i32>} : memref<8192xf32, #tpu.memory_space<vmem>>, vector<16xf32>,
        %parallel_loop3A_332 = arith.constant 1.000000e+00 : f32
        %parallel_loop3A_333 = vector.broadcast %parallel_loop3A_332 : f32 to vector<16xf32>
        %parallel_loop3A_334 = arith.addf %parallel_loop3A_331, %parallel_loop3A_333 : vector<16xf32>
        %parallel_loop3A_335 = arith.constant 5.000000e-01 : f32
        %parallel_loop3A_336 = vector.broadcast %parallel_loop3A_335 : f32 to vector<16xf32>
        %parallel_loop3A_337 = arith.mulf %parallel_loop3A_334, %parallel_loop3A_336 : vector<16xf32>
        %parallel_loop3A_338 = arith.constant 3.100000e+01 : f32
        %parallel_loop3A_339 = vector.broadcast %parallel_loop3A_338 : f32 to vector<16xf32>
        %parallel_loop3A_340 = arith.mulf %parallel_loop3A_337, %parallel_loop3A_339 : vector<16xf32>
        %parallel_loop3A_341 = arith.constant 0x4B000000 : f32
        %parallel_loop3A_342 = vector.broadcast %parallel_loop3A_341 : f32 to vector<16xf32>
        %parallel_loop3A_343 = arith.addf %parallel_loop3A_340, %parallel_loop3A_342 : vector<16xf32>
        %parallel_loop3A_344 = arith.constant 0x4B000000 : f32
        %parallel_loop3A_345 = vector.broadcast %parallel_loop3A_344 : f32 to vector<16xf32>
        %parallel_loop3A_346 = arith.subf %parallel_loop3A_343, %parallel_loop3A_345 : vector<16xf32>
        %parallel_loop3A_347 = arith.fptosi %parallel_loop3A_346 : vector<16xf32> to vector<16xi32>
        %parallel_loop3A_348 = arith.constant 0 : i32
        %parallel_loop3A_349 = arith.constant 31 : i32
        %parallel_loop3A_350 = vector.broadcast %parallel_loop3A_348 : i32 to vector<16xi32>
        %parallel_loop3A_351 = arith.maxsi %parallel_loop3A_350, %parallel_loop3A_347 : vector<16xi32>
        %parallel_loop3A_352 = vector.broadcast %parallel_loop3A_349 : i32 to vector<16xi32>
        %parallel_loop3A_353 = arith.minsi %parallel_loop3A_352, %parallel_loop3A_351 : vector<16xi32>
        %parallel_loop3A_354 = arith.constant 48 : i32
        %parallel_loop3A_355 = arith.addi %parallel_loop3A_174, %parallel_loop3A_354 : i32
        %parallel_loop3A_356 = arith.index_cast %parallel_loop3A_355 : i32 to index
        %parallel_loop3A_357 = tpu.vector_load %arg14[%parallel_loop3A_356] {strides = array<i32>} : memref<32768xf32, #tpu.memory_space<vmem>>, vector<16xf32>,
        tpu.vector_store %arg14[%parallel_loop3A_356], %parallel_loop3A_331 {strides = array<i32>} : memref<32768xf32, #tpu.memory_space<vmem>>, vector<16xf32>,
        %parallel_loop3A_358 = tpu.vector_load_idx %arg8[%parallel_loop3A_353] : memref<32xf32, #tpu.memory_space<vmem>>[vector<16xi32>], vector<16xf32>,
        %parallel_loop3A_359 = arith.constant 128 : i32
        %parallel_loop3A_360 = arith.addi %parallel_loop3A_174, %parallel_loop3A_359 : i32
        %parallel_loop3A_361 = arith.constant 48 : i32
        %parallel_loop3A_362 = arith.addi %parallel_loop3A_360, %parallel_loop3A_361 : i32
        %parallel_loop3A_363 = arith.index_cast %parallel_loop3A_362 : i32 to index
        %parallel_loop3A_364 = tpu.vector_load %arg14[%parallel_loop3A_363] {strides = array<i32>} : memref<32768xf32, #tpu.memory_space<vmem>>, vector<16xf32>,
        tpu.vector_store %arg14[%parallel_loop3A_363], %parallel_loop3A_358 {strides = array<i32>} : memref<32768xf32, #tpu.memory_space<vmem>>, vector<16xf32>,
        %parallel_loop3A_365 = tpu.vector_load_idx %arg9[%parallel_loop3A_353] : memref<32xf32, #tpu.memory_space<vmem>>[vector<16xi32>], vector<16xf32>,
        %parallel_loop3A_366 = arith.constant 256 : i32
        %parallel_loop3A_367 = arith.addi %parallel_loop3A_174, %parallel_loop3A_366 : i32
        %parallel_loop3A_368 = arith.constant 48 : i32
        %parallel_loop3A_369 = arith.addi %parallel_loop3A_367, %parallel_loop3A_368 : i32
        %parallel_loop3A_370 = arith.index_cast %parallel_loop3A_369 : i32 to index
        %parallel_loop3A_371 = tpu.vector_load %arg14[%parallel_loop3A_370] {strides = array<i32>} : memref<32768xf32, #tpu.memory_space<vmem>>, vector<16xf32>,
        tpu.vector_store %arg14[%parallel_loop3A_370], %parallel_loop3A_365 {strides = array<i32>} : memref<32768xf32, #tpu.memory_space<vmem>>, vector<16xf32>,
        %parallel_loop3A_372 = tpu.vector_load_idx %arg10[%parallel_loop3A_353] : memref<32xf32, #tpu.memory_space<vmem>>[vector<16xi32>], vector<16xf32>,
        %parallel_loop3A_373 = arith.constant 384 : i32
        %parallel_loop3A_374 = arith.addi %parallel_loop3A_174, %parallel_loop3A_373 : i32
        %parallel_loop3A_375 = arith.constant 48 : i32
        %parallel_loop3A_376 = arith.addi %parallel_loop3A_374, %parallel_loop3A_375 : i32
        %parallel_loop3A_377 = arith.index_cast %parallel_loop3A_376 : i32 to index
        %parallel_loop3A_378 = tpu.vector_load %arg14[%parallel_loop3A_377] {strides = array<i32>} : memref<32768xf32, #tpu.memory_space<vmem>>, vector<16xf32>,
        tpu.vector_store %arg14[%parallel_loop3A_377], %parallel_loop3A_372 {strides = array<i32>} : memref<32768xf32, #tpu.memory_space<vmem>>, vector<16xf32>,
        %parallel_loop3A_379 = arith.constant 64 : i32
        %parallel_loop3A_380 = arith.addi %parallel_loop3A_172, %parallel_loop3A_379 : i32
        %parallel_loop3A_381 = arith.index_cast %parallel_loop3A_380 : i32 to index
        %parallel_loop3A_382 = tpu.vector_load %arg12[%parallel_loop3A_381] {strides = array<i32>} : memref<8192xf32, #tpu.memory_space<vmem>>, vector<16xf32>,
        %parallel_loop3A_383 = arith.constant 1.000000e+00 : f32
        %parallel_loop3A_384 = vector.broadcast %parallel_loop3A_383 : f32 to vector<16xf32>
        %parallel_loop3A_385 = arith.addf %parallel_loop3A_382, %parallel_loop3A_384 : vector<16xf32>
        %parallel_loop3A_386 = arith.constant 5.000000e-01 : f32
        %parallel_loop3A_387 = vector.broadcast %parallel_loop3A_386 : f32 to vector<16xf32>
        %parallel_loop3A_388 = arith.mulf %parallel_loop3A_385, %parallel_loop3A_387 : vector<16xf32>
        %parallel_loop3A_389 = arith.constant 3.100000e+01 : f32
        %parallel_loop3A_390 = vector.broadcast %parallel_loop3A_389 : f32 to vector<16xf32>
        %parallel_loop3A_391 = arith.mulf %parallel_loop3A_388, %parallel_loop3A_390 : vector<16xf32>
        %parallel_loop3A_392 = arith.constant 0x4B000000 : f32
        %parallel_loop3A_393 = vector.broadcast %parallel_loop3A_392 : f32 to vector<16xf32>
        %parallel_loop3A_394 = arith.addf %parallel_loop3A_391, %parallel_loop3A_393 : vector<16xf32>
        %parallel_loop3A_395 = arith.constant 0x4B000000 : f32
        %parallel_loop3A_396 = vector.broadcast %parallel_loop3A_395 : f32 to vector<16xf32>
        %parallel_loop3A_397 = arith.subf %parallel_loop3A_394, %parallel_loop3A_396 : vector<16xf32>
        %parallel_loop3A_398 = arith.fptosi %parallel_loop3A_397 : vector<16xf32> to vector<16xi32>
        %parallel_loop3A_399 = arith.constant 0 : i32
        %parallel_loop3A_400 = arith.constant 31 : i32
        %parallel_loop3A_401 = vector.broadcast %parallel_loop3A_399 : i32 to vector<16xi32>
        %parallel_loop3A_402 = arith.maxsi %parallel_loop3A_401, %parallel_loop3A_398 : vector<16xi32>
        %parallel_loop3A_403 = vector.broadcast %parallel_loop3A_400 : i32 to vector<16xi32>
        %parallel_loop3A_404 = arith.minsi %parallel_loop3A_403, %parallel_loop3A_402 : vector<16xi32>
        %parallel_loop3A_405 = arith.constant 64 : i32
        %parallel_loop3A_406 = arith.addi %parallel_loop3A_174, %parallel_loop3A_405 : i32
        %parallel_loop3A_407 = arith.index_cast %parallel_loop3A_406 : i32 to index
        %parallel_loop3A_408 = tpu.vector_load %arg14[%parallel_loop3A_407] {strides = array<i32>} : memref<32768xf32, #tpu.memory_space<vmem>>, vector<16xf32>,
        tpu.vector_store %arg14[%parallel_loop3A_407], %parallel_loop3A_382 {strides = array<i32>} : memref<32768xf32, #tpu.memory_space<vmem>>, vector<16xf32>,
        %parallel_loop3A_409 = tpu.vector_load_idx %arg8[%parallel_loop3A_404] : memref<32xf32, #tpu.memory_space<vmem>>[vector<16xi32>], vector<16xf32>,
        %parallel_loop3A_410 = arith.constant 128 : i32
        %parallel_loop3A_411 = arith.addi %parallel_loop3A_174, %parallel_loop3A_410 : i32
        %parallel_loop3A_412 = arith.constant 64 : i32
        %parallel_loop3A_413 = arith.addi %parallel_loop3A_411, %parallel_loop3A_412 : i32
        %parallel_loop3A_414 = arith.index_cast %parallel_loop3A_413 : i32 to index
        %parallel_loop3A_415 = tpu.vector_load %arg14[%parallel_loop3A_414] {strides = array<i32>} : memref<32768xf32, #tpu.memory_space<vmem>>, vector<16xf32>,
        tpu.vector_store %arg14[%parallel_loop3A_414], %parallel_loop3A_409 {strides = array<i32>} : memref<32768xf32, #tpu.memory_space<vmem>>, vector<16xf32>,
        %parallel_loop3A_416 = tpu.vector_load_idx %arg9[%parallel_loop3A_404] : memref<32xf32, #tpu.memory_space<vmem>>[vector<16xi32>], vector<16xf32>,
        %parallel_loop3A_417 = arith.constant 256 : i32
        %parallel_loop3A_418 = arith.addi %parallel_loop3A_174, %parallel_loop3A_417 : i32
        %parallel_loop3A_419 = arith.constant 64 : i32
        %parallel_loop3A_420 = arith.addi %parallel_loop3A_418, %parallel_loop3A_419 : i32
        %parallel_loop3A_421 = arith.index_cast %parallel_loop3A_420 : i32 to index
        %parallel_loop3A_422 = tpu.vector_load %arg14[%parallel_loop3A_421] {strides = array<i32>} : memref<32768xf32, #tpu.memory_space<vmem>>, vector<16xf32>,
        tpu.vector_store %arg14[%parallel_loop3A_421], %parallel_loop3A_416 {strides = array<i32>} : memref<32768xf32, #tpu.memory_space<vmem>>, vector<16xf32>,
        %parallel_loop3A_423 = tpu.vector_load_idx %arg10[%parallel_loop3A_404] : memref<32xf32, #tpu.memory_space<vmem>>[vector<16xi32>], vector<16xf32>,
        %parallel_loop3A_424 = arith.constant 384 : i32
        %parallel_loop3A_425 = arith.addi %parallel_loop3A_174, %parallel_loop3A_424 : i32
        %parallel_loop3A_426 = arith.constant 64 : i32
        %parallel_loop3A_427 = arith.addi %parallel_loop3A_425, %parallel_loop3A_426 : i32
        %parallel_loop3A_428 = arith.index_cast %parallel_loop3A_427 : i32 to index
        %parallel_loop3A_429 = tpu.vector_load %arg14[%parallel_loop3A_428] {strides = array<i32>} : memref<32768xf32, #tpu.memory_space<vmem>>, vector<16xf32>,
        tpu.vector_store %arg14[%parallel_loop3A_428], %parallel_loop3A_423 {strides = array<i32>} : memref<32768xf32, #tpu.memory_space<vmem>>, vector<16xf32>,
        %parallel_loop3A_430 = arith.constant 80 : i32
        %parallel_loop3A_431 = arith.addi %parallel_loop3A_172, %parallel_loop3A_430 : i32
        %parallel_loop3A_432 = arith.index_cast %parallel_loop3A_431 : i32 to index
        %parallel_loop3A_433 = tpu.vector_load %arg12[%parallel_loop3A_432] {strides = array<i32>} : memref<8192xf32, #tpu.memory_space<vmem>>, vector<16xf32>,
        %parallel_loop3A_434 = arith.constant 1.000000e+00 : f32
        %parallel_loop3A_435 = vector.broadcast %parallel_loop3A_434 : f32 to vector<16xf32>
        %parallel_loop3A_436 = arith.addf %parallel_loop3A_433, %parallel_loop3A_435 : vector<16xf32>
        %parallel_loop3A_437 = arith.constant 5.000000e-01 : f32
        %parallel_loop3A_438 = vector.broadcast %parallel_loop3A_437 : f32 to vector<16xf32>
        %parallel_loop3A_439 = arith.mulf %parallel_loop3A_436, %parallel_loop3A_438 : vector<16xf32>
        %parallel_loop3A_440 = arith.constant 3.100000e+01 : f32
        %parallel_loop3A_441 = vector.broadcast %parallel_loop3A_440 : f32 to vector<16xf32>
        %parallel_loop3A_442 = arith.mulf %parallel_loop3A_439, %parallel_loop3A_441 : vector<16xf32>
        %parallel_loop3A_443 = arith.constant 0x4B000000 : f32
        %parallel_loop3A_444 = vector.broadcast %parallel_loop3A_443 : f32 to vector<16xf32>
        %parallel_loop3A_445 = arith.addf %parallel_loop3A_442, %parallel_loop3A_444 : vector<16xf32>
        %parallel_loop3A_446 = arith.constant 0x4B000000 : f32
        %parallel_loop3A_447 = vector.broadcast %parallel_loop3A_446 : f32 to vector<16xf32>
        %parallel_loop3A_448 = arith.subf %parallel_loop3A_445, %parallel_loop3A_447 : vector<16xf32>
        %parallel_loop3A_449 = arith.fptosi %parallel_loop3A_448 : vector<16xf32> to vector<16xi32>
        %parallel_loop3A_450 = arith.constant 0 : i32
        %parallel_loop3A_451 = arith.constant 31 : i32
        %parallel_loop3A_452 = vector.broadcast %parallel_loop3A_450 : i32 to vector<16xi32>
        %parallel_loop3A_453 = arith.maxsi %parallel_loop3A_452, %parallel_loop3A_449 : vector<16xi32>
        %parallel_loop3A_454 = vector.broadcast %parallel_loop3A_451 : i32 to vector<16xi32>
        %parallel_loop3A_455 = arith.minsi %parallel_loop3A_454, %parallel_loop3A_453 : vector<16xi32>
        %parallel_loop3A_456 = arith.constant 80 : i32
        %parallel_loop3A_457 = arith.addi %parallel_loop3A_174, %parallel_loop3A_456 : i32
        %parallel_loop3A_458 = arith.index_cast %parallel_loop3A_457 : i32 to index
        %parallel_loop3A_459 = tpu.vector_load %arg14[%parallel_loop3A_458] {strides = array<i32>} : memref<32768xf32, #tpu.memory_space<vmem>>, vector<16xf32>,
        tpu.vector_store %arg14[%parallel_loop3A_458], %parallel_loop3A_433 {strides = array<i32>} : memref<32768xf32, #tpu.memory_space<vmem>>, vector<16xf32>,
        %parallel_loop3A_460 = tpu.vector_load_idx %arg8[%parallel_loop3A_455] : memref<32xf32, #tpu.memory_space<vmem>>[vector<16xi32>], vector<16xf32>,
        %parallel_loop3A_461 = arith.constant 128 : i32
        %parallel_loop3A_462 = arith.addi %parallel_loop3A_174, %parallel_loop3A_461 : i32
        %parallel_loop3A_463 = arith.constant 80 : i32
        %parallel_loop3A_464 = arith.addi %parallel_loop3A_462, %parallel_loop3A_463 : i32
        %parallel_loop3A_465 = arith.index_cast %parallel_loop3A_464 : i32 to index
        %parallel_loop3A_466 = tpu.vector_load %arg14[%parallel_loop3A_465] {strides = array<i32>} : memref<32768xf32, #tpu.memory_space<vmem>>, vector<16xf32>,
        tpu.vector_store %arg14[%parallel_loop3A_465], %parallel_loop3A_460 {strides = array<i32>} : memref<32768xf32, #tpu.memory_space<vmem>>, vector<16xf32>,
        %parallel_loop3A_467 = tpu.vector_load_idx %arg9[%parallel_loop3A_455] : memref<32xf32, #tpu.memory_space<vmem>>[vector<16xi32>], vector<16xf32>,
        %parallel_loop3A_468 = arith.constant 256 : i32
        %parallel_loop3A_469 = arith.addi %parallel_loop3A_174, %parallel_loop3A_468 : i32
        %parallel_loop3A_470 = arith.constant 80 : i32
        %parallel_loop3A_471 = arith.addi %parallel_loop3A_469, %parallel_loop3A_470 : i32
        %parallel_loop3A_472 = arith.index_cast %parallel_loop3A_471 : i32 to index
        %parallel_loop3A_473 = tpu.vector_load %arg14[%parallel_loop3A_472] {strides = array<i32>} : memref<32768xf32, #tpu.memory_space<vmem>>, vector<16xf32>,
        tpu.vector_store %arg14[%parallel_loop3A_472], %parallel_loop3A_467 {strides = array<i32>} : memref<32768xf32, #tpu.memory_space<vmem>>, vector<16xf32>,
        %parallel_loop3A_474 = tpu.vector_load_idx %arg10[%parallel_loop3A_455] : memref<32xf32, #tpu.memory_space<vmem>>[vector<16xi32>], vector<16xf32>,
        %parallel_loop3A_475 = arith.constant 384 : i32
        %parallel_loop3A_476 = arith.addi %parallel_loop3A_174, %parallel_loop3A_475 : i32
        %parallel_loop3A_477 = arith.constant 80 : i32
        %parallel_loop3A_478 = arith.addi %parallel_loop3A_476, %parallel_loop3A_477 : i32
        %parallel_loop3A_479 = arith.index_cast %parallel_loop3A_478 : i32 to index
        %parallel_loop3A_480 = tpu.vector_load %arg14[%parallel_loop3A_479] {strides = array<i32>} : memref<32768xf32, #tpu.memory_space<vmem>>, vector<16xf32>,
        tpu.vector_store %arg14[%parallel_loop3A_479], %parallel_loop3A_474 {strides = array<i32>} : memref<32768xf32, #tpu.memory_space<vmem>>, vector<16xf32>,
        %parallel_loop3A_481 = arith.constant 96 : i32
        %parallel_loop3A_482 = arith.addi %parallel_loop3A_172, %parallel_loop3A_481 : i32
        %parallel_loop3A_483 = arith.index_cast %parallel_loop3A_482 : i32 to index
        %parallel_loop3A_484 = tpu.vector_load %arg12[%parallel_loop3A_483] {strides = array<i32>} : memref<8192xf32, #tpu.memory_space<vmem>>, vector<16xf32>,
        %parallel_loop3A_485 = arith.constant 1.000000e+00 : f32
        %parallel_loop3A_486 = vector.broadcast %parallel_loop3A_485 : f32 to vector<16xf32>
        %parallel_loop3A_487 = arith.addf %parallel_loop3A_484, %parallel_loop3A_486 : vector<16xf32>
        %parallel_loop3A_488 = arith.constant 5.000000e-01 : f32
        %parallel_loop3A_489 = vector.broadcast %parallel_loop3A_488 : f32 to vector<16xf32>
        %parallel_loop3A_490 = arith.mulf %parallel_loop3A_487, %parallel_loop3A_489 : vector<16xf32>
        %parallel_loop3A_491 = arith.constant 3.100000e+01 : f32
        %parallel_loop3A_492 = vector.broadcast %parallel_loop3A_491 : f32 to vector<16xf32>
        %parallel_loop3A_493 = arith.mulf %parallel_loop3A_490, %parallel_loop3A_492 : vector<16xf32>
        %parallel_loop3A_494 = arith.constant 0x4B000000 : f32
        %parallel_loop3A_495 = vector.broadcast %parallel_loop3A_494 : f32 to vector<16xf32>
        %parallel_loop3A_496 = arith.addf %parallel_loop3A_493, %parallel_loop3A_495 : vector<16xf32>
        %parallel_loop3A_497 = arith.constant 0x4B000000 : f32
        %parallel_loop3A_498 = vector.broadcast %parallel_loop3A_497 : f32 to vector<16xf32>
        %parallel_loop3A_499 = arith.subf %parallel_loop3A_496, %parallel_loop3A_498 : vector<16xf32>
        %parallel_loop3A_500 = arith.fptosi %parallel_loop3A_499 : vector<16xf32> to vector<16xi32>
        %parallel_loop3A_501 = arith.constant 0 : i32
        %parallel_loop3A_502 = arith.constant 31 : i32
        %parallel_loop3A_503 = vector.broadcast %parallel_loop3A_501 : i32 to vector<16xi32>
        %parallel_loop3A_504 = arith.maxsi %parallel_loop3A_503, %parallel_loop3A_500 : vector<16xi32>
        %parallel_loop3A_505 = vector.broadcast %parallel_loop3A_502 : i32 to vector<16xi32>
        %parallel_loop3A_506 = arith.minsi %parallel_loop3A_505, %parallel_loop3A_504 : vector<16xi32>
        %parallel_loop3A_507 = arith.constant 96 : i32
        %parallel_loop3A_508 = arith.addi %parallel_loop3A_174, %parallel_loop3A_507 : i32
        %parallel_loop3A_509 = arith.index_cast %parallel_loop3A_508 : i32 to index
        %parallel_loop3A_510 = tpu.vector_load %arg14[%parallel_loop3A_509] {strides = array<i32>} : memref<32768xf32, #tpu.memory_space<vmem>>, vector<16xf32>,
        tpu.vector_store %arg14[%parallel_loop3A_509], %parallel_loop3A_484 {strides = array<i32>} : memref<32768xf32, #tpu.memory_space<vmem>>, vector<16xf32>,
        %parallel_loop3A_511 = tpu.vector_load_idx %arg8[%parallel_loop3A_506] : memref<32xf32, #tpu.memory_space<vmem>>[vector<16xi32>], vector<16xf32>,
        %parallel_loop3A_512 = arith.constant 128 : i32
        %parallel_loop3A_513 = arith.addi %parallel_loop3A_174, %parallel_loop3A_512 : i32
        %parallel_loop3A_514 = arith.constant 96 : i32
        %parallel_loop3A_515 = arith.addi %parallel_loop3A_513, %parallel_loop3A_514 : i32
        %parallel_loop3A_516 = arith.index_cast %parallel_loop3A_515 : i32 to index
        %parallel_loop3A_517 = tpu.vector_load %arg14[%parallel_loop3A_516] {strides = array<i32>} : memref<32768xf32, #tpu.memory_space<vmem>>, vector<16xf32>,
        tpu.vector_store %arg14[%parallel_loop3A_516], %parallel_loop3A_511 {strides = array<i32>} : memref<32768xf32, #tpu.memory_space<vmem>>, vector<16xf32>,
        %parallel_loop3A_518 = tpu.vector_load_idx %arg9[%parallel_loop3A_506] : memref<32xf32, #tpu.memory_space<vmem>>[vector<16xi32>], vector<16xf32>,
        %parallel_loop3A_519 = arith.constant 256 : i32
        %parallel_loop3A_520 = arith.addi %parallel_loop3A_174, %parallel_loop3A_519 : i32
        %parallel_loop3A_521 = arith.constant 96 : i32
        %parallel_loop3A_522 = arith.addi %parallel_loop3A_520, %parallel_loop3A_521 : i32
        %parallel_loop3A_523 = arith.index_cast %parallel_loop3A_522 : i32 to index
        %parallel_loop3A_524 = tpu.vector_load %arg14[%parallel_loop3A_523] {strides = array<i32>} : memref<32768xf32, #tpu.memory_space<vmem>>, vector<16xf32>,
        tpu.vector_store %arg14[%parallel_loop3A_523], %parallel_loop3A_518 {strides = array<i32>} : memref<32768xf32, #tpu.memory_space<vmem>>, vector<16xf32>,
        %parallel_loop3A_525 = tpu.vector_load_idx %arg10[%parallel_loop3A_506] : memref<32xf32, #tpu.memory_space<vmem>>[vector<16xi32>], vector<16xf32>,
        %parallel_loop3A_526 = arith.constant 384 : i32
        %parallel_loop3A_527 = arith.addi %parallel_loop3A_174, %parallel_loop3A_526 : i32
        %parallel_loop3A_528 = arith.constant 96 : i32
        %parallel_loop3A_529 = arith.addi %parallel_loop3A_527, %parallel_loop3A_528 : i32
        %parallel_loop3A_530 = arith.index_cast %parallel_loop3A_529 : i32 to index
        %parallel_loop3A_531 = tpu.vector_load %arg14[%parallel_loop3A_530] {strides = array<i32>} : memref<32768xf32, #tpu.memory_space<vmem>>, vector<16xf32>,
        tpu.vector_store %arg14[%parallel_loop3A_530], %parallel_loop3A_525 {strides = array<i32>} : memref<32768xf32, #tpu.memory_space<vmem>>, vector<16xf32>,
        %parallel_loop3A_532 = arith.constant 112 : i32
        %parallel_loop3A_533 = arith.addi %parallel_loop3A_172, %parallel_loop3A_532 : i32
        %parallel_loop3A_534 = arith.index_cast %parallel_loop3A_533 : i32 to index
        %parallel_loop3A_535 = tpu.vector_load %arg12[%parallel_loop3A_534] {strides = array<i32>} : memref<8192xf32, #tpu.memory_space<vmem>>, vector<16xf32>,
        %parallel_loop3A_536 = arith.constant 1.000000e+00 : f32
        %parallel_loop3A_537 = vector.broadcast %parallel_loop3A_536 : f32 to vector<16xf32>
        %parallel_loop3A_538 = arith.addf %parallel_loop3A_535, %parallel_loop3A_537 : vector<16xf32>
        %parallel_loop3A_539 = arith.constant 5.000000e-01 : f32
        %parallel_loop3A_540 = vector.broadcast %parallel_loop3A_539 : f32 to vector<16xf32>
        %parallel_loop3A_541 = arith.mulf %parallel_loop3A_538, %parallel_loop3A_540 : vector<16xf32>
        %parallel_loop3A_542 = arith.constant 3.100000e+01 : f32
        %parallel_loop3A_543 = vector.broadcast %parallel_loop3A_542 : f32 to vector<16xf32>
        %parallel_loop3A_544 = arith.mulf %parallel_loop3A_541, %parallel_loop3A_543 : vector<16xf32>
        %parallel_loop3A_545 = arith.constant 0x4B000000 : f32
        %parallel_loop3A_546 = vector.broadcast %parallel_loop3A_545 : f32 to vector<16xf32>
        %parallel_loop3A_547 = arith.addf %parallel_loop3A_544, %parallel_loop3A_546 : vector<16xf32>
        %parallel_loop3A_548 = arith.constant 0x4B000000 : f32
        %parallel_loop3A_549 = vector.broadcast %parallel_loop3A_548 : f32 to vector<16xf32>
        %parallel_loop3A_550 = arith.subf %parallel_loop3A_547, %parallel_loop3A_549 : vector<16xf32>
        %parallel_loop3A_551 = arith.fptosi %parallel_loop3A_550 : vector<16xf32> to vector<16xi32>
        %parallel_loop3A_552 = arith.constant 0 : i32
        %parallel_loop3A_553 = arith.constant 31 : i32
        %parallel_loop3A_554 = vector.broadcast %parallel_loop3A_552 : i32 to vector<16xi32>
        %parallel_loop3A_555 = arith.maxsi %parallel_loop3A_554, %parallel_loop3A_551 : vector<16xi32>
        %parallel_loop3A_556 = vector.broadcast %parallel_loop3A_553 : i32 to vector<16xi32>
        %parallel_loop3A_557 = arith.minsi %parallel_loop3A_556, %parallel_loop3A_555 : vector<16xi32>
        %parallel_loop3A_558 = arith.constant 112 : i32
        %parallel_loop3A_559 = arith.addi %parallel_loop3A_174, %parallel_loop3A_558 : i32
        %parallel_loop3A_560 = arith.index_cast %parallel_loop3A_559 : i32 to index
        %parallel_loop3A_561 = tpu.vector_load %arg14[%parallel_loop3A_560] {strides = array<i32>} : memref<32768xf32, #tpu.memory_space<vmem>>, vector<16xf32>,
        tpu.vector_store %arg14[%parallel_loop3A_560], %parallel_loop3A_535 {strides = array<i32>} : memref<32768xf32, #tpu.memory_space<vmem>>, vector<16xf32>,
        %parallel_loop3A_562 = tpu.vector_load_idx %arg8[%parallel_loop3A_557] : memref<32xf32, #tpu.memory_space<vmem>>[vector<16xi32>], vector<16xf32>,
        %parallel_loop3A_563 = arith.constant 128 : i32
        %parallel_loop3A_564 = arith.addi %parallel_loop3A_174, %parallel_loop3A_563 : i32
        %parallel_loop3A_565 = arith.constant 112 : i32
        %parallel_loop3A_566 = arith.addi %parallel_loop3A_564, %parallel_loop3A_565 : i32
        %parallel_loop3A_567 = arith.index_cast %parallel_loop3A_566 : i32 to index
        %parallel_loop3A_568 = tpu.vector_load %arg14[%parallel_loop3A_567] {strides = array<i32>} : memref<32768xf32, #tpu.memory_space<vmem>>, vector<16xf32>,
        tpu.vector_store %arg14[%parallel_loop3A_567], %parallel_loop3A_562 {strides = array<i32>} : memref<32768xf32, #tpu.memory_space<vmem>>, vector<16xf32>,
        %parallel_loop3A_569 = tpu.vector_load_idx %arg9[%parallel_loop3A_557] : memref<32xf32, #tpu.memory_space<vmem>>[vector<16xi32>], vector<16xf32>,
        %parallel_loop3A_570 = arith.constant 256 : i32
        %parallel_loop3A_571 = arith.addi %parallel_loop3A_174, %parallel_loop3A_570 : i32
        %parallel_loop3A_572 = arith.constant 112 : i32
        %parallel_loop3A_573 = arith.addi %parallel_loop3A_571, %parallel_loop3A_572 : i32
        %parallel_loop3A_574 = arith.index_cast %parallel_loop3A_573 : i32 to index
        %parallel_loop3A_575 = tpu.vector_load %arg14[%parallel_loop3A_574] {strides = array<i32>} : memref<32768xf32, #tpu.memory_space<vmem>>, vector<16xf32>,
        tpu.vector_store %arg14[%parallel_loop3A_574], %parallel_loop3A_569 {strides = array<i32>} : memref<32768xf32, #tpu.memory_space<vmem>>, vector<16xf32>,
        %parallel_loop3A_576 = tpu.vector_load_idx %arg10[%parallel_loop3A_557] : memref<32xf32, #tpu.memory_space<vmem>>[vector<16xi32>], vector<16xf32>,
        %parallel_loop3A_577 = arith.constant 384 : i32
        %parallel_loop3A_578 = arith.addi %parallel_loop3A_174, %parallel_loop3A_577 : i32
        %parallel_loop3A_579 = arith.constant 112 : i32
        %parallel_loop3A_580 = arith.addi %parallel_loop3A_578, %parallel_loop3A_579 : i32
        %parallel_loop3A_581 = arith.index_cast %parallel_loop3A_580 : i32 to index
        %parallel_loop3A_582 = tpu.vector_load %arg14[%parallel_loop3A_581] {strides = array<i32>} : memref<32768xf32, #tpu.memory_space<vmem>>, vector<16xf32>,
        tpu.vector_store %arg14[%parallel_loop3A_581], %parallel_loop3A_576 {strides = array<i32>} : memref<32768xf32, #tpu.memory_space<vmem>>, vector<16xf32>,
      } {sc.loop_unroll_factor = 1 : i64, sc.parallel_access}
      %mul3A_156 = arith.constant 8192 : i32
      %mul3A_157 = arith.muli %add3A_143, %mul3A_156 : i32
      %add3A_158 = arith.addi %mul3A_2, %mul3A_157 : i32
      %mul3A_159 = arith.constant 4 : i32
      %mul3A_160 = arith.muli %add3A_158, %mul3A_159 : i32
      %dma_start3A_161 = tpu.memref_slice %arg5[%mul3A_160] : memref<67108864xf32, #tpu.memory_space<hbm>> -> memref<32768xf32, #tpu.memory_space<hbm>>
      %dma_start3A_162 = tpu.memref_slice %arg5[%mul3A_160] : memref<67108864xf32, #tpu.memory_space<hbm>> -> memref<32768xf32, #tpu.memory_space<hbm>>
      tpu.enqueue_dma source(%arg14 : memref<32768xf32, #tpu.memory_space<vmem>>) target(%dma_start3A_162 : memref<32768xf32, #tpu.memory_space<hbm>>) target_semaphore(%arg18 : memref<!tpu.dma_semaphore, #tpu.memory_space<semaphore_mem>>)
      %add3A_163 = arith.constant 2 : i32
      %add3A_164 = arith.addi %add3A_143, %add3A_163 : i32
      %lt3A_165 = arith.constant 64 : i32
      %lt3A_166 = arith.cmpi slt, %add3A_164, %lt3A_165 : i32
      %convert_element_type3A_167 = arith.extui %lt3A_166 : i1 to i32
      %cond3A_168 = arith.constant 0 : i32
      %cond3A_169 = arith.cmpi ne, %convert_element_type3A_167, %cond3A_168 : i32
      scf.if %cond3A_169 {
        %add3A_170 = arith.constant 16384 : i32
        %add3A_171 = arith.addi %add3A_158, %add3A_170 : i32
        %dma_start3A_172 = tpu.memref_slice %arg2[%add3A_171] : memref<16777216xf32, #tpu.memory_space<hbm>> -> memref<8192xf32, #tpu.memory_space<hbm>>
        %dma_start3A_173 = tpu.memref_slice %arg2[%add3A_171] : memref<16777216xf32, #tpu.memory_space<hbm>> -> memref<8192xf32, #tpu.memory_space<hbm>>
        tpu.enqueue_dma source(%dma_start3A_173 : memref<8192xf32, #tpu.memory_space<hbm>>) target(%arg12 : memref<8192xf32, #tpu.memory_space<vmem>>) target_semaphore(%arg16 : memref<!tpu.dma_semaphore, #tpu.memory_space<semaphore_mem>>)
      } else {
      }
    }
    %scan3A_105 = arith.constant 32 : i32
    %dma_wait3A = arith.constant 0 : i32
    %dma_wait3A_106 = tpu.memref_slice %arg5[%dma_wait3A] : memref<67108864xf32, #tpu.memory_space<hbm>> -> memref<32768xf32, #tpu.memory_space<hbm>>
    %dma_wait3A_107 = arith.constant 0 : i32
    %dma_wait3A_108 = tpu.memref_slice %arg5[%dma_wait3A_107] : memref<67108864xf32, #tpu.memory_space<hbm>> -> memref<32768xf32, #tpu.memory_space<hbm>>
    tpu.wait_dma2 semaphore(%arg17 : memref<!tpu.dma_semaphore, #tpu.memory_space<semaphore_mem>>) src(%arg13 : memref<32768xf32, #tpu.memory_space<vmem>>) dst(%dma_wait3A_108 : memref<32768xf32, #tpu.memory_space<hbm>>)
    %dma_wait3A_109 = arith.constant 0 : i32
    %dma_wait3A_110 = tpu.memref_slice %arg5[%dma_wait3A_109] : memref<67108864xf32, #tpu.memory_space<hbm>> -> memref<32768xf32, #tpu.memory_space<hbm>>
    %dma_wait3A_111 = arith.constant 0 : i32
    %dma_wait3A_112 = tpu.memref_slice %arg5[%dma_wait3A_111] : memref<67108864xf32, #tpu.memory_space<hbm>> -> memref<32768xf32, #tpu.memory_space<hbm>>
    tpu.wait_dma2 semaphore(%arg18 : memref<!tpu.dma_semaphore, #tpu.memory_space<semaphore_mem>>) src(%arg14 : memref<32768xf32, #tpu.memory_space<vmem>>) dst(%dma_wait3A_112 : memref<32768xf32, #tpu.memory_space<hbm>>)
    return
  }
}

</mosaic_0001>

<sc_bundles>
// kernel: kernel.3.cloned.1.call-start
scs
__scs_entry_jumppad:
0x0: {  	(pc) =	sbr.rel $0x88, $3  }
0x1: {  	(tag) =	ssettag $0x0;
	lr =	simm.s32 $0x1  }
0x2: {  	[smem:$0x3F9E] =	sst lr;
	_ =	strace $0xD0000000  }
0x3: {  	_ = 	snop  }
0x4: {  	_ = 	snop  }
0x5: {  	_ = 	snop  }
0x6: {  	_ = 	snop  }
0x7: {  	_ = 	snop  }
__scs_overlays_trampoline_lowered:
0x8: {  	[smem:$0x3FAD] =	sst s0  }
0x9: {  	[smem:$0x3FAE] =	sst s1  }
0xa: {  	[smem:$0x3FAF] =	sst s2  }
0xb: {  	[smem:$0x3FB0] =	sst s3  }
0xc: {  	[smem:$0x3FB1] =	sst s4  }
0xd: {  	[smem:$0x3FB2] =	sst s5  }
0xe: {  	[smem:$0x3FB3] =	sst s6  }
0xf: {  	[smem:$0x3FB4] =	sst s7  }
0x10: {  	[smem:$0x3FB5] =	sst s8  }
0x11: {  	[smem:$0x3FB6] =	sst s9;
	s0 =	simm.s32 @!p0 $0x0  }
0x12: {  	s1 =	sld [smem:$0x3F9C];
	s0 =	simm.s32 @p0 $0x1  }
0x13: {  	[smem:$0x3FB7] =	sst s0;
	s0 =	simm.s32 @!p1 $0x0  }
0x14: {  	s2 =	sld [smem:$0x3F9B];
	s0 =	simm.s32 @p1 $0x1  }
0x15: {  	[smem:$0x3FB8] =	sst s0;
	s0 =	simm.s32 @!p2 $0x0  }
0x16: {  	s3 =	sld [smem:$0x3FDB];
	s0 =	simm.s32 @p2 $0x1  }
0x17: {  	s4 =	simm.s32 $0x1BF5;
	[smem:$0x3FBA] =	sst s0  }
0x18: {  	s0 =	sld [smem:$0x3F9D];
	_ =	swait.ge [sflag:s4], $0x0  }
0x19: {  	s7 =	sld [smem:$0x3F9E]  }
0x1a: {  	s8 =	sadd.s32 $0xFFFFE003, lr  }
0x1b: {  	s9 =	sadd.s32 $0xFFFFFEF7, lr;
	s5 =	simm.s32 $0xFFFFFFFF;
	p2 =	slt.u32 s8, $0xFFFFF086  }
0x1c: {  	p1 =	slt.u32 s9, $0xF7A;
	s5 =	simm.s32 @!p2 $0x0  }
0x1d: {  	s5 =	simm.s32 @p1 $0x1;
	p0 =	seq.s32 s7, s2  }
0x1e: {  	s7 =	smul.u32 @!p0 $0xF7A, s2;
	p2 =	seq.s32 @!p0 s5, $0x0  }
0x1f: {  	s9 =	smul.u32 $0xF7A, s1;
	s8 =	simm.s32 @!p0 $0x1BF5;
	p2 =	por !p2, p0  }
0x20: {  	[sflag:s8] =	ssyncset.s32 @!p0 $0xFFFFF086;
	s6 =	sadd.s32 @!p0 s3, s7;
	s7 =	simm.s32 @!p0 $0x108  }
0x21: {  	s3 =	sadd.s32 s3, s9;
	s6 =	sadd.s32 @!p0 $0x88, s6;
	s7 =	simm.s32 @p2 $0x1082  }
0x22: {  	[simem:s7], [sflag:s8] =	dma.local @!p0 [hbm:s6], $0xF7A  }
0x23: {  	s9 =	sor.u32 $0xD0000000, s2;
	s6 =	simm.s32 $0x108;
	_ =	swait.ge @!p0 [sflag:s8], $0x0  }
0x24: {  	s3 =	sadd.s32 $0x88, s3;
	s6 =	simm.s32 @!p1 $0x1082;
	[sflag:s4] =	ssyncset.s32 $0xFFFFF086  }
0x25: {  	[simem:s6], [sflag:s4] =	dma.local [hbm:s3], $0xF7A  }
0x26: {  	[smem:$0x3F9E] =	sst s1;
	(tag) =	ssettag s2;
	_ =	strace s9  }
0x27: {  	s1 =	sld [smem:$0x3FAE]  }
0x28: {  	s2 =	sld [smem:$0x3FAF]  }
0x29: {  	s4 =	sld [smem:$0x3FB1]  }
0x2a: {  	p0 =	seq.s32 s5, $0x0;
	s5 =	sld [smem:$0x3FB2]  }
0x2b: {  	s6 =	sld [smem:$0x3FB3]  }
0x2c: {  	s7 =	sld [smem:$0x3FB4]  }
0x2d: {  	s3 =	simm.s32 $0x108;
	s8 =	sld [smem:$0x3FB5]  }
0x2e: {  	s3 =	simm.s32 @!p0 $0x1082;
	s9 =	sld [smem:$0x3FB6]  }
0x2f: {  	lr =	sadd.s32 s0, s3;
	s0 =	sld [smem:$0x3FAD]  }
0x30: {  	s3 =	sld [smem:$0x3FB0]  }
0x31: {  	[smem:$0x3FB9] =	sst s10  }
0x32: {  	s10 =	sld [smem:$0x3FB7];
	_ =	sdelay $0x3  }
0x33: {  	p0 =	seq.s32 s10, $0x1;
	s10 =	sld [smem:$0x3FB9];
	_ =	sdelay $0x3  }
0x34: {  	[smem:$0x3FB9] =	sst s10  }
0x35: {  	s10 =	sld [smem:$0x3FB8];
	_ =	sdelay $0x3  }
0x36: {  	p1 =	seq.s32 s10, $0x1;
	s10 =	sld [smem:$0x3FB9];
	_ =	sdelay $0x3  }
0x37: {  	[smem:$0x3FB9] =	sst s10  }
0x38: {  	s10 =	sld [smem:$0x3FBA]  }
0x39: {  	_ = 	snop;
	(pc) =	sbr.ind lr, $3  }
0x3a: {  	_ = 	snop  }
0x3b: {  	_ = 	snop  }
0x3c: {  	p2 =	seq.s32 s10, $0x1;
	s10 =	sld [smem:$0x3FB9]  }
0x3d: {  	_ =	shalt  }
0x3e: {  	_ =	shalt  }
0x3f: {  	_ =	shalt  }
0x40: {  	_ =	shalt  }
0x41: {  	_ =	shalt  }
0x42: {  	_ =	shalt  }
0x43: {  	_ =	shalt  }
0x44: {  	_ =	shalt  }
0x45: {  	_ =	shalt  }
0x46: {  	_ =	shalt  }
0x47: {  	_ =	shalt  }
0x48: {  	_ =	shalt  }
0x49: {  	_ =	shalt  }
0x4a: {  	_ =	shalt  }
0x4b: {  	_ =	shalt  }
0x4c: {  	_ =	shalt  }
0x4d: {  	_ =	shalt  }
0x4e: {  	_ =	shalt  }
0x4f: {  	_ =	shalt  }
0x50: {  	_ =	shalt  }
0x51: {  	_ =	shalt  }
0x52: {  	_ =	shalt  }
0x53: {  	_ =	shalt  }
0x54: {  	_ =	shalt  }
0x55: {  	_ =	shalt  }
0x56: {  	_ =	shalt  }
0x57: {  	_ =	shalt  }
0x58: {  	_ =	shalt  }
0x59: {  	_ =	shalt  }
0x5a: {  	_ =	shalt  }
0x5b: {  	_ =	shalt  }
0x5c: {  	_ =	shalt  }
0x5d: {  	_ =	shalt  }
0x5e: {  	_ =	shalt  }
0x5f: {  	_ =	shalt  }
0x60: {  	_ =	shalt  }
0x61: {  	_ =	shalt  }
0x62: {  	_ =	shalt  }
0x63: {  	_ =	shalt  }
0x64: {  	_ =	shalt  }
0x65: {  	_ =	shalt  }
0x66: {  	_ =	shalt  }
0x67: {  	_ =	shalt  }
0x68: {  	_ =	shalt  }
0x69: {  	_ =	shalt  }
0x6a: {  	_ =	shalt  }
0x6b: {  	_ =	shalt  }
0x6c: {  	_ =	shalt  }
0x6d: {  	_ =	shalt  }
0x6e: {  	_ =	shalt  }
0x6f: {  	_ =	shalt  }
0x70: {  	_ =	shalt  }
0x71: {  	_ =	shalt  }
0x72: {  	_ =	shalt  }
0x73: {  	_ =	shalt  }
0x74: {  	_ =	shalt  }
0x75: {  	_ =	shalt  }
0x76: {  	_ =	shalt  }
0x77: {  	_ =	shalt  }
0x78: {  	_ =	shalt  }
0x79: {  	_ =	shalt  }
0x7a: {  	_ =	shalt  }
0x7b: {  	_ =	shalt  }
0x7c: {  	_ =	shalt  }
0x7d: {  	_ =	shalt  }
0x7e: {  	_ =	shalt  }
0x7f: {  	_ =	shalt  }
0x80: {  	_ =	shalt  }
0x81: {  	_ =	shalt  }
0x82: {  	_ =	shalt  }
0x83: {  	_ =	shalt  }
0x84: {  	_ =	shalt  }
0x85: {  	_ =	shalt  }
0x86: {  	_ =	shalt  }
0x87: {  	_ =	shalt  }
.Lfunc_end0:
.L_simem_size_0:
called_computation_lowered:
.L_overlay_start_0:
0x88: {  	s2 =	sld [smem:$0x3FD9]  }
0x89: {  	s3 =	sld [smem:$0x3FFE];
	_ =	sdelay $0x1  }
0x8a: {  	s1 =	srdreg.scid  }
0x8b: {  	s0 =	sand.u32 $0x1, s1  }
0x8c: {  	s18 =	sshll.u32 s0, $0xA;
	s2 =	sadd.s32 s3, s2  }
0x8d: {  	s2 =	sadd.s32 s2, s18  }
0x8e: {  	[smem:$0x3FC5] =	sst s2  }
0x8f: {  	_ = 	snop  }
0x90: {  	s2 =	sld [smem:$0x3FC9]  }
0x91: {  	s19 =	sld [smem:$0x3FC8]  }
0x92: {  	s4 =	sld [smem:$0x3FC7]  }
0x93: {  	s5 =	sld [smem:$0x3FD0];
	(tm) =	ssettm $0x1  }
0x94: {  	s6 =	sld [smem:$0x3FFB];
	_ =	sdelay $0x3  }
0x95: {  	_ =	strace s6  }
0x96: {  	s6 =	sld [smem:$0x3FFC];
	_ =	sdelay $0x3  }
0x97: {  	_ =	strace s6  }
0x98: {  	s6 =	sld [smem:$0x3FFD];
	_ =	sdelay $0x3  }
0x99: {  	_ =	strace s6  }
0x9a: {  	_ =	strace $0x8FFFFFFF  }
0x9b: {  	s20 =	sld [smem:$0x3FDB];
	_ =	sdelay $0x1  }
0x9c: {  	s7 =	simm.s32 $_scs_section_size  }
0x9d: {  	s8 =	simm.s32 $_size__tile_overlayer_lowered;
	s9 =	simm.s32 $_tile_overlayer_lowered  }
0x9e: {  	s23 =	simm.s32 $0x1BFF;
	s22 =	sshll.u32 s9, $0x1;
	s6 =	sadd.s32 s7, s20  }
0x9f: {  	s10 =	simm.s32 $0x0;
	s21 =	sshll.u32 s8, $0x1;
	s8 =	sadd.s32 s22, s6  }
0xa0: {  	[timem:s10], [sflag:s23] =	dma.local [hbm:s8], s21  }
0xa1: {  	_ =	swait.ge [sflag:s23], s21  }
0xa2: {  	s7 =	ssub.s32 $0x0, s21;
	[sflag:s23] =	ssyncset.done $0x0  }
0xa3: {  	[sflag:s23] =	ssyncadd.s32 s7;
	_ =	sdelay $0x1  }
0xa4: {  	s24 =	simm.s32 $0x1B8B  }
0xa5: {  	_ =	swait.ge [sflag:s24], $0x1  }
0xa6: {  	[sflag:s24] =	ssyncset.done $0x0  }
0xa7: {  	s25 =	simm.s32 $0x1B8E;
	[sflag:s24] =	ssyncadd.s32 $0xFFFFFFFF  }
0xa8: {  	s26 =	simm.s32 $execute0_lowered;
	[smem:$0x3FD2] =	sst s25  }
0xa9: {  	s7 =	sshll.u32 s26, $0x1;
	_ =	strace $0x80000046;
	[dreg:$0x1] =	wrdreg $0xFFFFFFFF  }
0xaa: {  	s28 =	simm.s32 $_size_execute0_lowered;
	s6 =	sadd.s32 s6, s7;
	[dreg:$0x0] =	wrdreg $0x0  }
0xab: {  	s7 =	sshll.u32 s28, $0x1;
	[dreg:$0x2] =	wrdreg s6  }
0xac: {  	[dreg:$0x3] =	wrdreg s7  }
0xad: {  	[dreg:$0x4] =	wrdreg $0xC0  }
0xae: {  	_ =	task [dreg:s10], $0x5FFFF  }
0xaf: {  	[dreg:$0x1] =	wrdreg $0xFFFFFFFF  }
0xb0: {  	[dreg:$0x0] =	wrdreg $0x60  }
0xb1: {  	[dreg:$0x2] =	wrdreg s2  }
0xb2: {  	[dreg:$0x3] =	wrdreg s19  }
0xb3: {  	[dreg:$0x4] =	wrdreg s4  }
0xb4: {  	[dreg:$0x5] =	wrdreg s5  }
0xb5: {  	[dreg:$0x6] =	wrdreg $0x9  }
0xb6: {  	_ =	task.clear_ibuf [dreg:s10], $0x7FFFF;
	_ =	strace $0x90000046  }
0xb7: {  	s29 =	simm.s32 $0x9;
	_ =	strace $0x80000048  }
0xb8: {  	_ =	swait.ge [sflag:s29], $0x1  }
0xb9: {  	[sflag:s29] =	ssyncadd.s32 $0xFFFFFFFF  }
0xba: {  	_ =	strace $0x90000048  }
0xbb: {  	_ =	sfence  }
0xbc: {  	s30 =	sld [smem:$0x0];
	_ =	sdelay $0x2  }
0xbd: {  	s31 =	sshll.u32 s1, $0xD;
	s1 =	sshrl.u32 s1, $0x2  }
0xbe: {  	s3 =	sand.u32 $0x4000, s31;
	s1 =	sadd.s32 s1, s30  }
0xbf: {  	s0 =	sor.u32 s3, s0;
	s1 =	sshll.u32 s1, $0x11  }
0xc0: {  	s0 =	sor.u32 s1, s0  }
0xc1: {  	s0 =	sadd.s32 $0x8F2B, s0  }
0xc2: {  	[sflag:s0] =	ssyncadd.remote.s32 $0x1  }
0xc3: {  	_ =	sfence.sel $0xFFFF  }
0xc4: {  	[dreg:$0x0] =	wrdreg $0xFFFFFFFF;
	(pc) =	sbr.abs _section_cstart, $3  }
0xc5: {  	[dreg:$0x1] =	wrdreg $0xFFFFFFFF  }
0xc6: {  	_ =	task.clear_ibuf [dreg:s10], $0x2FFFF;
	_ =	strace $0x9FFFFFFF  }
0xc7: {  	(tm) =	ssettm $0x7FFFFFFF  }
tec
execute0_lowered:
.L_overlay_start_1:
0x0: {  	(tag) =	ssettag $0x1  }
0x1: {  	s3 =	rddreg [dreg:$0x0];
	s6 =	simm.s32 $0x0  }
0x2: {  	[smem:$0x7FF] =	sst s6  }
0x3: {  	s15 =	rddreg [dreg:$0x3];
	v0 =	vimm.f32 $1.275000000e+02;
	_ =	strace $0x80000047  }
0x4: {  	(erf) = vrcp.f32 v0  }
0x5: {  	s0 =	srdreg.scid  }
0x6: {  	s1 =	stileid.u32;
	s0 =	sand.u32 $0x1, s0  }
0x7: {  	s1 =	sshll.u32 s1, $0x14;
	s2 =	sshll.u32 s0, $0x13;
	s0 =	ssub.s32 $0x2, s0  }
0x8: {  	s1 =	sor.u32 s2, s1;
	s31 =	sshrl.u32 s0, $0x1  }
.Ltmp0:
0x9: {  	[dreg:$0x5] =	wrdreg s1;
	s1 =	sshrl.u32 s1, $0x3;
	(pc) =	sbr.rel .LBB2_1-.Ltmp0, $4  }
0xa: {  	s16 =	simm.s32 $0x100;
	s0 =	ssub.s32 s0, s31;
	s1 =	sadd.s32 s3, s1  }
0xb: {  	s17 =	simm.s32 $0x180;
	s0 =	smax.u32 s0, $0x1;
	[dreg:$0x6] =	wrdreg s1  }
0xc: {  	s18 =	simm.s32 $0x200;
	s1 =	sadd.s32 $0x400, s1;
	[dreg:$0x8] =	wrdreg s0  }
0xd: {  	s20 =	simm.s32 $0x2;
	s2 =	simm.s32 $0x0;
	[dreg:$0x7] =	wrdreg s1;
	v0 =	vpop (erf)  }
.LBB2_12:
0xe: {  	s0 =	simm.s32 $0x3  }
0xf: {  	_ =	swait.ge [sflag:s0], $0x8000  }
0x10: {  	[sflag:s0] =	ssyncset.done $0x0  }
0x11: {  	s1 =	simm.s32 $0x4;
	[sflag:s0] =	ssyncadd.s32 $0xFFFF8000  }
0x12: {  	_ =	swait.ge [sflag:s1], $0x8000  }
0x13: {  	s2 =	rddreg [dreg:$0x9]  }
0x14: {  	s31 =	rddreg [dreg:$0x8];
	s2 =	sadd.s32 $0x1, s2  }
0x15: {  	p0 =	sne.s32 s2, s31  }
.Ltmp1:
0x16: {  	_ = 	snop;
	(pc) =	sbr.rel @!p0 .LBB2_13-.Ltmp1, $3  }
0x17: {  	_ =	sdelay $0x1  }
0x18: {  	[sflag:s1] =	ssyncset.done $0x0  }
0x19: {  	[sflag:s1] =	ssyncadd.s32 $0xFFFF8000  }
.LBB2_1:
0x1a: {  	[dreg:$0x9] =	wrdreg s2  }
0x1b: {  	s0 =	rddreg [dreg:$0x1];
	s1 =	simm.s32 $0x5  }
0x1c: {  	[tilespmem:s6], [sflag:$0x5] =	stream.linear.gather [hbm4b:s0+s6], $0x80, $0x38;
	[tilespmem:$0x14280] =	vst v63  }
0x1d: {  	_ =	swait.ge [sflag:s1], $0x80  }
0x1e: {  	[sflag:s1] =	ssyncset.done $0x0  }
0x1f: {  	[sflag:s1] =	ssyncadd.s32 $0xFFFFFF80  }
0x20: {  	s26 =	simm.s32 $0x80;
	s25 =	rddreg [dreg:$0x2]  }
0x21: {  	[tilespmem:s26], [sflag:$0x5] =	stream.linear.gather [hbm4b:s25+s6], $0x80, $0x38;
	[tilespmem:$0x14280] =	vst v63  }
0x22: {  	_ =	swait.ge [sflag:s1], $0x80  }
0x23: {  	[sflag:s1] =	ssyncset.done $0x0  }
0x24: {  	[sflag:s1] =	ssyncadd.s32 $0xFFFFFF80  }
0x25: {  	v1 =	vld [tilespmem:$0x0];
	_ =	sdelay $0x4  }
0x26: {  	vm0 =	vgt.s32 v1, $0x0  }
0x27: {  	v1 =	vnsel vm0, $0x0, v1  }
0x28: {  	v1 =	vmin.u32 v1, $0x1F;
	_ =	sdelay $0x4  }
0x29: {  	v1 =	vld.idx.msk [tilespmem:v1+s26+$0x0], $0xffff;
	_ =	sdelay $0x2  }
0x2a: {  	v2 =	vld [tilespmem:$0x10];
	_ =	sdelay $0x1  }
0x2b: {  	v3 =	vshrl.u32 v1, $0x10;
	v4 =	vshrl.u32 v1, $0x8;
	v1 =	vand.u32 $0xFF, v1  }
0x2c: {  	v3 =	vand.u32 $0xFF, v3;
	v1 =	vcvt.s32.f32 v1  }
0x2d: {  	v4 =	vand.u32 $0xFF, v4;
	v3 =	vcvt.s32.f32 v3  }
0x2e: {  	vm15 =	vgt.s32 v2, $0x0;
	v4 =	vcvt.s32.f32 v4;
	v1 =	vadd.f32 $-1.275000000e+02, v1  }
0x2f: {  	v2 =	vnsel vm15, $0x0, v2;
	v3 =	vadd.f32 $-1.275000000e+02, v3  }
0x30: {  	v2 =	vmin.u32 v2, $0x1F;
	v4 =	vadd.f32 $-1.275000000e+02, v4;
	v1 =	vmul.f32 v1, v0  }
0x31: {  	v3 =	vmul.f32 v3, v0  }
0x32: {  	v4 =	vmul.f32 v4, v0;
	[tilespmem:$0x200] =	vst v1  }
0x33: {  	[tilespmem:$0x100] =	vst v3  }
0x34: {  	[tilespmem:$0x180] =	vst v4  }
0x35: {  	v1 =	vld.idx.msk [tilespmem:v2+s26+$0x0], $0xffff;
	_ =	sdelay $0x4  }
0x36: {  	v2 =	vshrl.u32 v1, $0x10;
	v3 =	vshrl.u32 v1, $0x8;
	v1 =	vand.u32 $0xFF, v1  }
0x37: {  	v2 =	vand.u32 $0xFF, v2;
	v1 =	vcvt.s32.f32 v1  }
0x38: {  	v3 =	vand.u32 $0xFF, v3;
	v2 =	vcvt.s32.f32 v2  }
0x39: {  	v3 =	vcvt.s32.f32 v3;
	v1 =	vadd.f32 $-1.275000000e+02, v1  }
0x3a: {  	v2 =	vadd.f32 $-1.275000000e+02, v2  }
0x3b: {  	v3 =	vadd.f32 $-1.275000000e+02, v3;
	v1 =	vmul.f32 v1, v0  }
0x3c: {  	v2 =	vmul.f32 v2, v0  }
0x3d: {  	v3 =	vmul.f32 v3, v0;
	[tilespmem:$0x210] =	vst v1  }
0x3e: {  	[tilespmem:$0x110] =	vst v2  }
0x3f: {  	s29 =	simm.s32 $0x280;
	s28 =	rddreg [dreg:$0x6];
	[tilespmem:$0x190] =	vst v3  }
0x40: {  	[tilespmem:s29], [sflag:$0x1] =	stream.linear.gather [hbm4b:s28+s6], $0x2000, $0x38;
	[tilespmem:$0x14280] =	vst v63  }
0x41: {  	s31 =	simm.s32 $0x2280;
	s25 =	simm.s32 $0x0;
	s30 =	rddreg [dreg:$0x7]  }
0x42: {  	[tilespmem:s31], [sflag:$0x2] =	stream.linear.gather [hbm4b:s30+s6], $0x2000, $0x38;
	[tilespmem:$0x14280] =	vst v63  }
.LBB2_2:
0x43: {  	s0 =	simm.s32 $0x1  }
0x44: {  	_ =	swait.ge [sflag:s0], $0x2000  }
0x45: {  	p0 =	seq.s32 s25, $0x0;
	[sflag:s0] =	ssyncset.done $0x0  }
0x46: {  	[sflag:s0] =	ssyncadd.s32 $0xFFFFE000;
	s0 =	simm.s32 @!p0 $0x3  }
0x47: {  	_ =	swait.ge @!p0 [sflag:s0], $0x8000  }
0x48: {  	[sflag:s0] =	ssyncset.done @!p0 $0x0  }
0x49: {  	s1 =	simm.s32 $0x0;
	[sflag:s0] =	ssyncadd.s32 @!p0 $0xFFFF8000  }
0x4a: {  	v1 =	vld [tilespmem:s1+$0x280];
	_ =	sdelay $0x4  }
0x4b: {  	v2 =	vadd.f32 $1.000000000e+00, v1;
	_ =	sdelay $0x1  }
0x4c: {  	v2 =	vmul.f32 $5.000000000e-01, v2;
	_ =	sdelay $0x1  }
0x4d: {  	v2 =	vmul.f32 $3.100000000e+01, v2;
	_ =	sdelay $0x1  }
0x4e: {  	v2 =	vadd.f32 $8.388608000e+06, v2;
	_ =	sdelay $0x1  }
0x4f: {  	v2 =	vadd.f32 $-8.388608000e+06, v2;
	_ =	sdelay $0x1  }
0x50: {  	v2 =	vtrunc.f32 v2  }
0x51: {  	v2 =	vcvt.f32.s32 v2;
	_ =	sdelay $0x1  }
0x52: {  	vm0 =	vgt.s32 v2, $0x0  }
0x53: {  	v2 =	vnsel vm0, $0x0, v2  }
0x54: {  	v2 =	vmin.u32 v2, $0x1F;
	_ =	sdelay $0x2  }
0x55: {  	s26 =	simm.s32 $0x4380  }
0x56: {  	[tilespmem:s26+$0xFFFFFF00] =	vst v1  }
0x57: {  	v1 =	vld.idx.msk [tilespmem:v2+s16+$0x0], $0xffff;
	_ =	sdelay $0x4  }
0x58: {  	[tilespmem:s26+$0xFFFFFF80] =	vst v1  }
0x59: {  	s7 =	simm.s32 $0x80;
	v1 =	vld.idx.msk [tilespmem:v2+s17+$0x0], $0xffff  }
0x5a: {  	v3 =	vld [tilespmem:s7+$0x280];
	_ =	sdelay $0x3  }
0x5b: {  	[tilespmem:s26+$0x0] =	vst v1  }
0x5c: {  	v1 =	vadd.f32 $1.000000000e+00, v3;
	v2 =	vld.idx.msk [tilespmem:v2+s18+$0x0], $0xffff;
	_ =	sdelay $0x1  }
0x5d: {  	v1 =	vmul.f32 $5.000000000e-01, v1;
	_ =	sdelay $0x1  }
0x5e: {  	v1 =	vmul.f32 $3.100000000e+01, v1  }
0x5f: {  	[tilespmem:s26+$0x80] =	vst v2  }
0x60: {  	v1 =	vadd.f32 $8.388608000e+06, v1;
	v2 =	vld [tilespmem:s1+$0x290];
	_ =	sdelay $0x1  }
0x61: {  	v1 =	vadd.f32 $-8.388608000e+06, v1;
	_ =	sdelay $0x1  }
0x62: {  	v1 =	vtrunc.f32 v1  }
0x63: {  	v1 =	vcvt.f32.s32 v1;
	v4 =	vadd.f32 $1.000000000e+00, v2;
	_ =	sdelay $0x1  }
0x64: {  	vm5 =	vgt.s32 v1, $0x0;
	v4 =	vmul.f32 $5.000000000e-01, v4  }
0x65: {  	v1 =	vnsel vm5, $0x0, v1  }
0x66: {  	v1 =	vmin.u32 v1, $0x1F;
	v4 =	vmul.f32 $3.100000000e+01, v4;
	_ =	sdelay $0x1  }
0x67: {  	v4 =	vadd.f32 $8.388608000e+06, v4  }
0x68: {  	s28 =	simm.s32 $0x4580  }
0x69: {  	[tilespmem:s28+$0xFFFFFF00] =	vst v3;
	v3 =	vadd.f32 $-8.388608000e+06, v4  }
0x6a: {  	v4 =	vld.idx.msk [tilespmem:v1+s16+$0x0], $0xffff  }
0x6b: {  	s5 =	simm.s32 $0x100;
	v3 =	vtrunc.f32 v3  }
0x6c: {  	v5 =	vld [tilespmem:s5+$0x280];
	v3 =	vcvt.f32.s32 v3;
	_ =	sdelay $0x1  }
0x6d: {  	vm6 =	vgt.s32 v3, $0x0  }
0x6e: {  	[tilespmem:s28+$0xFFFFFF80] =	vst v4;
	v3 =	vnsel vm6, $0x0, v3  }
0x6f: {  	v4 =	vld.idx.msk [tilespmem:v1+s17+$0x0], $0xffff;
	v3 =	vmin.u32 v3, $0x1F  }
0x70: {  	v6 =	vadd.f32 $1.000000000e+00, v5;
	_ =	sdelay $0x1  }
0x71: {  	v6 =	vmul.f32 $5.000000000e-01, v6  }
0x72: {  	[tilespmem:s26+$0xFFFFFF10] =	vst v2  }
0x73: {  	v2 =	vmul.f32 $3.100000000e+01, v6;
	[tilespmem:s28+$0x0] =	vst v4;
	v4 =	vld.idx.msk [tilespmem:v3+s16+$0x0], $0xffff  }
0x74: {  	v1 =	vld.idx.msk [tilespmem:v1+s18+$0x0], $0xffff  }
0x75: {  	v2 =	vadd.f32 $8.388608000e+06, v2;
	_ =	sdelay $0x1  }
0x76: {  	v2 =	vadd.f32 $-8.388608000e+06, v2  }
0x77: {  	[tilespmem:s26+$0xFFFFFF90] =	vst v4  }
0x78: {  	v2 =	vtrunc.f32 v2;
	[tilespmem:s28+$0x80] =	vst v1;
	v1 =	vld.idx.msk [tilespmem:v3+s17+$0x0], $0xffff  }
0x79: {  	v2 =	vcvt.f32.s32 v2;
	v4 =	vld [tilespmem:s7+$0x290];
	_ =	sdelay $0x1  }
0x7a: {  	vm7 =	vgt.s32 v2, $0x0  }
0x7b: {  	v2 =	vnsel vm7, $0x0, v2  }
0x7c: {  	[tilespmem:s26+$0x10] =	vst v1;
	v1 =	vmin.u32 v2, $0x1F  }
0x7d: {  	v2 =	vadd.f32 $1.000000000e+00, v4;
	v3 =	vld.idx.msk [tilespmem:v3+s18+$0x0], $0xffff;
	_ =	sdelay $0x1  }
0x7e: {  	s29 =	simm.s32 $0x4780;
	v2 =	vmul.f32 $5.000000000e-01, v2  }
0x7f: {  	[tilespmem:s29+$0xFFFFFF00] =	vst v5  }
0x80: {  	v2 =	vmul.f32 $3.100000000e+01, v2;
	v5 =	vld.idx.msk [tilespmem:v1+s16+$0x0], $0xffff  }
0x81: {  	[tilespmem:s26+$0x90] =	vst v3  }
0x82: {  	v2 =	vadd.f32 $8.388608000e+06, v2;
	v3 =	vld [tilespmem:s1+$0x2A0];
	_ =	sdelay $0x1  }
0x83: {  	v2 =	vadd.f32 $-8.388608000e+06, v2  }
0x84: {  	[tilespmem:s29+$0xFFFFFF80] =	vst v5  }
0x85: {  	s3 =	simm.s32 $0x180;
	v2 =	vtrunc.f32 v2;
	v5 =	vld.idx.msk [tilespmem:v1+s17+$0x0], $0xffff  }
0x86: {  	v6 =	vld [tilespmem:s3+$0x280];
	v2 =	vcvt.f32.s32 v2;
	v7 =	vadd.f32 $1.000000000e+00, v3;
	_ =	sdelay $0x1  }
0x87: {  	vm8 =	vgt.s32 v2, $0x0;
	v7 =	vmul.f32 $5.000000000e-01, v7  }
0x88: {  	v2 =	vnsel vm8, $0x0, v2  }
0x89: {  	v2 =	vmin.u32 v2, $0x1F;
	v7 =	vmul.f32 $3.100000000e+01, v7;
	[tilespmem:s29+$0x0] =	vst v5  }
0x8a: {  	v5 =	vadd.f32 $1.000000000e+00, v6;
	v1 =	vld.idx.msk [tilespmem:v1+s18+$0x0], $0xffff  }
0x8b: {  	v7 =	vadd.f32 $8.388608000e+06, v7  }
0x8c: {  	v5 =	vmul.f32 $5.000000000e-01, v5  }
0x8d: {  	[tilespmem:s28+$0xFFFFFF10] =	vst v4;
	v4 =	vadd.f32 $-8.388608000e+06, v7  }
0x8e: {  	v5 =	vmul.f32 $3.100000000e+01, v5;
	v7 =	vld.idx.msk [tilespmem:v2+s16+$0x0], $0xffff  }
0x8f: {  	v4 =	vtrunc.f32 v4;
	[tilespmem:s29+$0x80] =	vst v1  }
0x90: {  	v1 =	vadd.f32 $8.388608000e+06, v5;
	v4 =	vcvt.f32.s32 v4;
	v5 =	vld [tilespmem:s5+$0x290];
	_ =	sdelay $0x1  }
0x91: {  	v1 =	vadd.f32 $-8.388608000e+06, v1;
	vm9 =	vgt.s32 v4, $0x0  }
0x92: {  	[tilespmem:s28+$0xFFFFFF90] =	vst v7;
	v4 =	vnsel vm9, $0x0, v4  }
0x93: {  	v1 =	vtrunc.f32 v1;
	v7 =	vld.idx.msk [tilespmem:v2+s17+$0x0], $0xffff;
	v4 =	vmin.u32 v4, $0x1F  }
0x94: {  	v1 =	vcvt.f32.s32 v1;
	v8 =	vadd.f32 $1.000000000e+00, v5;
	_ =	sdelay $0x1  }
0x95: {  	vm10 =	vgt.s32 v1, $0x0;
	v8 =	vmul.f32 $5.000000000e-01, v8  }
0x96: {  	[tilespmem:s26+$0xFFFFFF20] =	vst v3;
	v1 =	vnsel vm10, $0x0, v1  }
0x97: {  	[tilespmem:s28+$0x10] =	vst v7;
	v1 =	vmin.u32 v1, $0x1F;
	v3 =	vld.idx.msk [tilespmem:v4+s16+$0x0], $0xffff;
	v7 =	vmul.f32 $3.100000000e+01, v8  }
0x98: {  	v2 =	vld.idx.msk [tilespmem:v2+s18+$0x0], $0xffff  }
0x99: {  	v7 =	vadd.f32 $8.388608000e+06, v7  }
0x9a: {  	s30 =	simm.s32 $0x4980  }
0x9b: {  	[tilespmem:s30+$0xFFFFFF00] =	vst v6;
	v6 =	vadd.f32 $-8.388608000e+06, v7  }
0x9c: {  	v7 =	vld.idx.msk [tilespmem:v1+s16+$0x0], $0xffff;
	[tilespmem:s26+$0xFFFFFFA0] =	vst v3  }
0x9d: {  	[tilespmem:s28+$0x90] =	vst v2;
	v2 =	vld.idx.msk [tilespmem:v4+s17+$0x0], $0xffff;
	v3 =	vtrunc.f32 v6  }
0x9e: {  	v6 =	vld [tilespmem:s7+$0x2A0];
	v3 =	vcvt.f32.s32 v3;
	_ =	sdelay $0x1  }
0x9f: {  	s10 =	simm.s32 $0x200;
	vm11 =	vgt.s32 v3, $0x0  }
0xa0: {  	v8 =	vld [tilespmem:s10+$0x280];
	[tilespmem:s30+$0xFFFFFF80] =	vst v7;
	v3 =	vnsel vm11, $0x0, v3  }
0xa1: {  	v7 =	vld.idx.msk [tilespmem:v1+s17+$0x0], $0xffff;
	v3 =	vmin.u32 v3, $0x1F;
	[tilespmem:s26+$0x20] =	vst v2  }
0xa2: {  	v2 =	vadd.f32 $1.000000000e+00, v6;
	v4 =	vld.idx.msk [tilespmem:v4+s18+$0x0], $0xffff;
	_ =	sdelay $0x1  }
0xa3: {  	v2 =	vmul.f32 $5.000000000e-01, v2  }
0xa4: {  	[tilespmem:s29+$0xFFFFFF10] =	vst v5;
	v9 =	vadd.f32 $1.000000000e+00, v8  }
0xa5: {  	v2 =	vmul.f32 $3.100000000e+01, v2;
	[tilespmem:s30+$0x0] =	vst v7;
	v5 =	vld.idx.msk [tilespmem:v3+s16+$0x0], $0xffff  }
0xa6: {  	v7 =	vmul.f32 $5.000000000e-01, v9;
	v1 =	vld.idx.msk [tilespmem:v1+s18+$0x0], $0xffff;
	[tilespmem:s26+$0xA0] =	vst v4  }
0xa7: {  	v2 =	vadd.f32 $8.388608000e+06, v2;
	v4 =	vld [tilespmem:s1+$0x2B0]  }
0xa8: {  	v7 =	vmul.f32 $3.100000000e+01, v7  }
0xa9: {  	v2 =	vadd.f32 $-8.388608000e+06, v2  }
0xaa: {  	v7 =	vadd.f32 $8.388608000e+06, v7;
	[tilespmem:s29+$0xFFFFFF90] =	vst v5  }
0xab: {  	v2 =	vtrunc.f32 v2;
	[tilespmem:s30+$0x80] =	vst v1;
	v1 =	vld.idx.msk [tilespmem:v3+s17+$0x0], $0xffff  }
0xac: {  	v5 =	vadd.f32 $-8.388608000e+06, v7;
	v2 =	vcvt.f32.s32 v2;
	v7 =	vld [tilespmem:s3+$0x290];
	v9 =	vadd.f32 $1.000000000e+00, v4;
	_ =	sdelay $0x1  }
0xad: {  	v5 =	vtrunc.f32 v5;
	vm12 =	vgt.s32 v2, $0x0;
	v9 =	vmul.f32 $5.000000000e-01, v9  }
0xae: {  	v5 =	vcvt.f32.s32 v5;
	v2 =	vnsel vm12, $0x0, v2  }
0xaf: {  	v2 =	vmin.u32 v2, $0x1F;
	v9 =	vmul.f32 $3.100000000e+01, v9;
	[tilespmem:s29+$0x10] =	vst v1  }
0xb0: {  	vm13 =	vgt.s32 v5, $0x0;
	v1 =	vadd.f32 $1.000000000e+00, v7;
	v3 =	vld.idx.msk [tilespmem:v3+s18+$0x0], $0xffff  }
0xb1: {  	v5 =	vnsel vm13, $0x0, v5;
	v9 =	vadd.f32 $8.388608000e+06, v9  }
0xb2: {  	v5 =	vmin.u32 v5, $0x1F;
	v1 =	vmul.f32 $5.000000000e-01, v1  }
0xb3: {  	[tilespmem:s28+$0xFFFFFF20] =	vst v6;
	v6 =	vadd.f32 $-8.388608000e+06, v9  }
0xb4: {  	v9 =	vld.idx.msk [tilespmem:v2+s16+$0x0], $0xffff;
	v1 =	vmul.f32 $3.100000000e+01, v1  }
0xb5: {  	s0 =	simm.s32 $0x4B80;
	v6 =	vtrunc.f32 v6;
	[tilespmem:s29+$0x90] =	vst v3  }
0xb6: {  	[tilespmem:s0+$0xFFFFFF00] =	vst v8;
	v1 =	vadd.f32 $8.388608000e+06, v1;
	v3 =	vcvt.f32.s32 v6;
	v6 =	vld [tilespmem:s5+$0x2A0]  }
0xb7: {  	v8 =	vld.idx.msk [tilespmem:v5+s16+$0x0], $0xffff  }
0xb8: {  	v1 =	vadd.f32 $-8.388608000e+06, v1;
	vm14 =	vgt.s32 v3, $0x0  }
0xb9: {  	[tilespmem:s28+$0xFFFFFFA0] =	vst v9;
	v3 =	vnsel vm14, $0x0, v3  }
0xba: {  	s8 =	simm.s32 $0x280;
	v9 =	vld.idx.msk [tilespmem:v2+s17+$0x0], $0xffff;
	v1 =	vtrunc.f32 v1;
	v3 =	vmin.u32 v3, $0x1F  }
0xbb: {  	v10 =	vld [tilespmem:s8+$0x280];
	v1 =	vcvt.f32.s32 v1;
	v11 =	vadd.f32 $1.000000000e+00, v6  }
0xbc: {  	[tilespmem:s0+$0xFFFFFF80] =	vst v8  }
0xbd: {  	v8 =	vld.idx.msk [tilespmem:v5+s17+$0x0], $0xffff;
	vm15 =	vgt.s32 v1, $0x0;
	v11 =	vmul.f32 $5.000000000e-01, v11  }
0xbe: {  	[tilespmem:s26+$0xFFFFFF30] =	vst v4;
	v1 =	vnsel vm15, $0x0, v1  }
0xbf: {  	v1 =	vmin.u32 v1, $0x1F;
	[tilespmem:s28+$0x20] =	vst v9;
	v4 =	vld.idx.msk [tilespmem:v3+s16+$0x0], $0xffff;
	v9 =	vmul.f32 $3.100000000e+01, v11  }
0xc0: {  	v11 =	vadd.f32 $1.000000000e+00, v10;
	v2 =	vld.idx.msk [tilespmem:v2+s18+$0x0], $0xffff  }
0xc1: {  	v9 =	vadd.f32 $8.388608000e+06, v9  }
0xc2: {  	[tilespmem:s0+$0x0] =	vst v8;
	v11 =	vmul.f32 $5.000000000e-01, v11  }
0xc3: {  	[tilespmem:s30+$0xFFFFFF10] =	vst v7;
	v5 =	vld.idx.msk [tilespmem:v5+s18+$0x0], $0xffff;
	v7 =	vadd.f32 $-8.388608000e+06, v9  }
0xc4: {  	v8 =	vmul.f32 $3.100000000e+01, v11;
	v9 =	vld.idx.msk [tilespmem:v1+s16+$0x0], $0xffff;
	[tilespmem:s26+$0xFFFFFFB0] =	vst v4  }
0xc5: {  	[tilespmem:s28+$0xA0] =	vst v2;
	v2 =	vld.idx.msk [tilespmem:v3+s17+$0x0], $0xffff;
	v4 =	vtrunc.f32 v7  }
0xc6: {  	v7 =	vadd.f32 $8.388608000e+06, v8;
	v8 =	vld [tilespmem:s7+$0x2B0];
	v4 =	vcvt.f32.s32 v4;
	_ =	sdelay $0x1  }
0xc7: {  	[tilespmem:s0+$0x80] =	vst v5;
	v7 =	vadd.f32 $-8.388608000e+06, v7;
	vm4 =	vgt.s32 v4, $0x0  }
0xc8: {  	v5 =	vld [tilespmem:s10+$0x290];
	[tilespmem:s30+$0xFFFFFF90] =	vst v9;
	v4 =	vnsel vm4, $0x0, v4  }
0xc9: {  	v7 =	vtrunc.f32 v7;
	v9 =	vld.idx.msk [tilespmem:v1+s17+$0x0], $0xffff;
	[tilespmem:s26+$0x30] =	vst v2;
	v2 =	vmin.u32 v4, $0x1F  }
0xca: {  	v4 =	vadd.f32 $1.000000000e+00, v8;
	v7 =	vcvt.f32.s32 v7;
	v3 =	vld.idx.msk [tilespmem:v3+s18+$0x0], $0xffff;
	_ =	sdelay $0x1  }
0xcb: {  	v4 =	vmul.f32 $5.000000000e-01, v4;
	vm5 =	vgt.s32 v7, $0x0  }
0xcc: {  	[tilespmem:s29+$0xFFFFFF20] =	vst v6;
	v11 =	vadd.f32 $1.000000000e+00, v5;
	v7 =	vnsel vm5, $0x0, v7  }
0xcd: {  	v4 =	vmul.f32 $3.100000000e+01, v4;
	[tilespmem:s30+$0x10] =	vst v9;
	v6 =	vmin.u32 v7, $0x1F;
	v7 =	vld.idx.msk [tilespmem:v2+s16+$0x0], $0xffff  }
0xce: {  	v9 =	vmul.f32 $5.000000000e-01, v11;
	v1 =	vld.idx.msk [tilespmem:v1+s18+$0x0], $0xffff;
	[tilespmem:s26+$0xB0] =	vst v3  }
0xcf: {  	v3 =	vadd.f32 $8.388608000e+06, v4;
	v4 =	vld [tilespmem:s1+$0x2C0]  }
0xd0: {  	s2 =	simm.s32 $0x4D80;
	v9 =	vmul.f32 $3.100000000e+01, v9  }
0xd1: {  	[tilespmem:s2+$0xFFFFFF00] =	vst v10;
	v3 =	vadd.f32 $-8.388608000e+06, v3  }
0xd2: {  	v9 =	vadd.f32 $8.388608000e+06, v9;
	v10 =	vld.idx.msk [tilespmem:v6+s16+$0x0], $0xffff;
	[tilespmem:s29+$0xFFFFFFA0] =	vst v7  }
0xd3: {  	v3 =	vtrunc.f32 v3;
	[tilespmem:s30+$0x90] =	vst v1;
	v1 =	vld.idx.msk [tilespmem:v2+s17+$0x0], $0xffff  }
0xd4: {  	v7 =	vadd.f32 $-8.388608000e+06, v9;
	v3 =	vcvt.f32.s32 v3;
	v9 =	vld [tilespmem:s3+$0x2A0];
	v11 =	vadd.f32 $1.000000000e+00, v4;
	_ =	sdelay $0x1  }
0xd5: {  	s23 =	simm.s32 $0x300;
	v7 =	vtrunc.f32 v7;
	vm6 =	vgt.s32 v3, $0x0;
	v11 =	vmul.f32 $5.000000000e-01, v11  }
0xd6: {  	v12 =	vld [tilespmem:s23+$0x280];
	v7 =	vcvt.f32.s32 v7;
	v3 =	vnsel vm6, $0x0, v3  }
0xd7: {  	[tilespmem:s2+$0xFFFFFF80] =	vst v10;
	v3 =	vmin.u32 v3, $0x1F;
	v11 =	vmul.f32 $3.100000000e+01, v11  }
0xd8: {  	v10 =	vld.idx.msk [tilespmem:v6+s17+$0x0], $0xffff;
	vm7 =	vgt.s32 v7, $0x0;
	[tilespmem:s29+$0x20] =	vst v1;
	v1 =	vadd.f32 $1.000000000e+00, v9  }
0xd9: {  	v7 =	vnsel vm7, $0x0, v7;
	v2 =	vld.idx.msk [tilespmem:v2+s18+$0x0], $0xffff;
	v11 =	vadd.f32 $8.388608000e+06, v11  }
0xda: {  	v7 =	vmin.u32 v7, $0x1F;
	v1 =	vmul.f32 $5.000000000e-01, v1  }
0xdb: {  	v13 =	vadd.f32 $1.000000000e+00, v12;
	[tilespmem:s28+$0xFFFFFF30] =	vst v8;
	v8 =	vadd.f32 $-8.388608000e+06, v11  }
0xdc: {  	[tilespmem:s0+$0xFFFFFF10] =	vst v5;
	v11 =	vld.idx.msk [tilespmem:v3+s16+$0x0], $0xffff;
	v1 =	vmul.f32 $3.100000000e+01, v1  }
0xdd: {  	[tilespmem:s2+$0x0] =	vst v10;
	v10 =	vmul.f32 $5.000000000e-01, v13;
	v8 =	vtrunc.f32 v8  }
0xde: {  	v6 =	vld.idx.msk [tilespmem:v6+s18+$0x0], $0xffff;
	[tilespmem:s29+$0xA0] =	vst v2;
	v1 =	vadd.f32 $8.388608000e+06, v1;
	v2 =	vcvt.f32.s32 v8  }
0xdf: {  	v8 =	vmul.f32 $3.100000000e+01, v10;
	v10 =	vld.idx.msk [tilespmem:v7+s16+$0x0], $0xffff  }
0xe0: {  	v5 =	vld [tilespmem:s5+$0x2B0];
	v1 =	vadd.f32 $-8.388608000e+06, v1;
	vm8 =	vgt.s32 v2, $0x0  }
0xe1: {  	[tilespmem:s28+$0xFFFFFFB0] =	vst v11;
	v2 =	vnsel vm8, $0x0, v2  }
0xe2: {  	v8 =	vadd.f32 $8.388608000e+06, v8;
	v11 =	vld.idx.msk [tilespmem:v3+s17+$0x0], $0xffff;
	v1 =	vtrunc.f32 v1;
	v2 =	vmin.u32 v2, $0x1F  }
0xe3: {  	[tilespmem:s2+$0x80] =	vst v6;
	v1 =	vcvt.f32.s32 v1  }
0xe4: {  	v8 =	vadd.f32 $-8.388608000e+06, v8;
	[tilespmem:s0+$0xFFFFFF90] =	vst v10;
	v10 =	vld [tilespmem:s8+$0x290]  }
0xe5: {  	v6 =	vadd.f32 $1.000000000e+00, v5;
	v13 =	vld.idx.msk [tilespmem:v7+s17+$0x0], $0xffff;
	vm9 =	vgt.s32 v1, $0x0  }
0xe6: {  	[tilespmem:s26+$0xFFFFFF40] =	vst v4;
	v8 =	vtrunc.f32 v8;
	v1 =	vnsel vm9, $0x0, v1  }
0xe7: {  	v6 =	vmul.f32 $5.000000000e-01, v6;
	v4 =	vcvt.f32.s32 v8;
	[tilespmem:s28+$0x30] =	vst v11;
	v1 =	vmin.u32 v1, $0x1F;
	v8 =	vld.idx.msk [tilespmem:v2+s16+$0x0], $0xffff  }
0xe8: {  	v3 =	vld.idx.msk [tilespmem:v3+s18+$0x0], $0xffff  }
0xe9: {  	v6 =	vmul.f32 $3.100000000e+01, v6;
	vm10 =	vgt.s32 v4, $0x0;
	v11 =	vadd.f32 $1.000000000e+00, v10  }
0xea: {  	v4 =	vnsel vm10, $0x0, v4;
	[tilespmem:s0+$0x10] =	vst v13  }
0xeb: {  	[tilespmem:s30+$0xFFFFFF20] =	vst v9;
	v6 =	vadd.f32 $8.388608000e+06, v6;
	v4 =	vmin.u32 v4, $0x1F;
	v7 =	vld.idx.msk [tilespmem:v7+s18+$0x0], $0xffff;
	v9 =	vmul.f32 $5.000000000e-01, v11  }
0xec: {  	v11 =	vld.idx.msk [tilespmem:v1+s16+$0x0], $0xffff;
	[tilespmem:s26+$0xFFFFFFC0] =	vst v8  }
0xed: {  	v6 =	vadd.f32 $-8.388608000e+06, v6;
	[tilespmem:s28+$0xB0] =	vst v3;
	v3 =	vmul.f32 $3.100000000e+01, v9;
	v8 =	vld.idx.msk [tilespmem:v2+s17+$0x0], $0xffff  }
0xee: {  	s9 =	simm.s32 $0x4F80;
	v9 =	vld [tilespmem:s7+$0x2C0]  }
0xef: {  	[tilespmem:s9+$0xFFFFFF00] =	vst v12;
	v6 =	vtrunc.f32 v6;
	v3 =	vadd.f32 $8.388608000e+06, v3  }
0xf0: {  	v6 =	vcvt.f32.s32 v6;
	v12 =	vld.idx.msk [tilespmem:v4+s16+$0x0], $0xffff;
	[tilespmem:s0+$0x90] =	vst v7  }
0xf1: {  	v3 =	vadd.f32 $-8.388608000e+06, v3;
	v7 =	vld [tilespmem:s10+$0x2A0];
	[tilespmem:s30+$0xFFFFFFA0] =	vst v11  }
0xf2: {  	vm11 =	vgt.s32 v6, $0x0;
	v11 =	vld.idx.msk [tilespmem:v1+s17+$0x0], $0xffff  }
0xf3: {  	v6 =	vnsel vm11, $0x0, v6;
	[tilespmem:s26+$0x40] =	vst v8;
	v3 =	vtrunc.f32 v3;
	v8 =	vadd.f32 $1.000000000e+00, v9  }
0xf4: {  	s11 =	simm.s32 $0x380;
	v6 =	vmin.u32 v6, $0x1F;
	v2 =	vld.idx.msk [tilespmem:v2+s18+$0x0], $0xffff;
	v3 =	vcvt.f32.s32 v3  }
0xf5: {  	v13 =	vld [tilespmem:s11+$0x280];
	[tilespmem:s9+$0xFFFFFF80] =	vst v12;
	v8 =	vmul.f32 $5.000000000e-01, v8  }
0xf6: {  	[tilespmem:s29+$0xFFFFFF30] =	vst v5;
	v12 =	vld.idx.msk [tilespmem:v4+s17+$0x0], $0xffff;
	vm12 =	vgt.s32 v3, $0x0;
	v5 =	vadd.f32 $1.000000000e+00, v7  }
0xf7: {  	v3 =	vnsel vm12, $0x0, v3;
	v8 =	vmul.f32 $3.100000000e+01, v8;
	[tilespmem:s30+$0x20] =	vst v11  }
0xf8: {  	v3 =	vmin.u32 v3, $0x1F;
	v1 =	vld.idx.msk [tilespmem:v1+s18+$0x0], $0xffff;
	v5 =	vmul.f32 $5.000000000e-01, v5  }
0xf9: {  	v11 =	vld.idx.msk [tilespmem:v6+s16+$0x0], $0xffff;
	[tilespmem:s26+$0xC0] =	vst v2;
	v8 =	vadd.f32 $8.388608000e+06, v8  }
0xfa: {  	v2 =	vadd.f32 $1.000000000e+00, v13;
	v14 =	vld [tilespmem:s1+$0x2D0];
	v5 =	vmul.f32 $3.100000000e+01, v5  }
0xfb: {  	[tilespmem:s9+$0x0] =	vst v12;
	v8 =	vadd.f32 $-8.388608000e+06, v8  }
0xfc: {  	[tilespmem:s2+$0xFFFFFF10] =	vst v10;
	v2 =	vmul.f32 $5.000000000e-01, v2;
	v4 =	vld.idx.msk [tilespmem:v4+s18+$0x0], $0xffff;
	v5 =	vadd.f32 $8.388608000e+06, v5  }
0xfd: {  	v10 =	vld.idx.msk [tilespmem:v3+s16+$0x0], $0xffff;
	v8 =	vtrunc.f32 v8;
	[tilespmem:s30+$0xA0] =	vst v1  }
0xfe: {  	v2 =	vmul.f32 $3.100000000e+01, v2;
	[tilespmem:s29+$0xFFFFFFB0] =	vst v11;
	v1 =	vcvt.f32.s32 v8;
	v5 =	vadd.f32 $-8.388608000e+06, v5;
	v8 =	vld [tilespmem:s3+$0x2B0]  }
0xff: {  	v12 =	vld.idx.msk [tilespmem:v6+s17+$0x0], $0xffff;
	v11 =	vadd.f32 $1.000000000e+00, v14  }
0x100: {  	v2 =	vadd.f32 $8.388608000e+06, v2;
	v5 =	vtrunc.f32 v5  }
0x101: {  	vm13 =	vgt.s32 v1, $0x0;
	[tilespmem:s9+$0x80] =	vst v4;
	v11 =	vmul.f32 $5.000000000e-01, v11;
	v4 =	vcvt.f32.s32 v5  }
0x102: {  	v1 =	vnsel vm13, $0x0, v1;
	v5 =	vld [tilespmem:s23+$0x290];
	v2 =	vadd.f32 $-8.388608000e+06, v2;
	[tilespmem:s2+$0xFFFFFF90] =	vst v10  }
0x103: {  	v1 =	vmin.u32 v1, $0x1F;
	v10 =	vmul.f32 $3.100000000e+01, v11;
	v11 =	vld.idx.msk [tilespmem:v3+s17+$0x0], $0xffff;
	vm14 =	vgt.s32 v4, $0x0  }
0x104: {  	v15 =	vadd.f32 $1.000000000e+00, v8;
	[tilespmem:s29+$0x30] =	vst v12;
	v4 =	vnsel vm14, $0x0, v4  }
0x105: {  	v2 =	vtrunc.f32 v2;
	v6 =	vld.idx.msk [tilespmem:v6+s18+$0x0], $0xffff;
	v10 =	vadd.f32 $8.388608000e+06, v10;
	v4 =	vmin.u32 v4, $0x1F  }
0x106: {  	v2 =	vcvt.f32.s32 v2;
	v12 =	vmul.f32 $5.000000000e-01, v15  }
0x107: {  	[tilespmem:s28+$0xFFFFFF40] =	vst v9;
	v9 =	vadd.f32 $-8.388608000e+06, v10;
	v10 =	vadd.f32 $1.000000000e+00, v5  }
0x108: {  	vm15 =	vgt.s32 v2, $0x0;
	v15 =	vld.idx.msk [tilespmem:v1+s16+$0x0], $0xffff;
	v12 =	vmul.f32 $3.100000000e+01, v12;
	[tilespmem:s2+$0x10] =	vst v11  }
0x109: {  	[tilespmem:s0+$0xFFFFFF20] =	vst v7;
	v2 =	vnsel vm15, $0x0, v2;
	v9 =	vtrunc.f32 v9;
	v10 =	vmul.f32 $5.000000000e-01, v10;
	v3 =	vld.idx.msk [tilespmem:v3+s18+$0x0], $0xffff  }
0x10a: {  	v2 =	vmin.u32 v2, $0x1F;
	v7 =	vadd.f32 $8.388608000e+06, v12;
	[tilespmem:s29+$0xB0] =	vst v6;
	v9 =	vcvt.f32.s32 v9;
	v11 =	vld.idx.msk [tilespmem:v4+s16+$0x0], $0xffff  }
0x10b: {  	v6 =	vmul.f32 $3.100000000e+01, v10;
	v10 =	vld [tilespmem:s5+$0x2C0]  }
0x10c: {  	v7 =	vadd.f32 $-8.388608000e+06, v7;
	vm4 =	vgt.s32 v9, $0x0  }
0x10d: {  	s12 =	simm.s32 $0x5180;
	[tilespmem:s28+$0xFFFFFFC0] =	vst v15;
	v9 =	vnsel vm4, $0x0, v9  }
0x10e: {  	[tilespmem:s12+$0xFFFFFF00] =	vst v13;
	v6 =	vadd.f32 $8.388608000e+06, v6;
	v12 =	vld.idx.msk [tilespmem:v1+s17+$0x0], $0xffff;
	v7 =	vtrunc.f32 v7;
	v9 =	vmin.u32 v9, $0x1F  }
0x10f: {  	v13 =	vld.idx.msk [tilespmem:v2+s16+$0x0], $0xffff;
	v7 =	vcvt.f32.s32 v7;
	[tilespmem:s2+$0x90] =	vst v3  }
0x110: {  	v3 =	vadd.f32 $-8.388608000e+06, v6;
	v6 =	vld [tilespmem:s8+$0x2A0];
	[tilespmem:s0+$0xFFFFFFA0] =	vst v11;
	v15 =	vadd.f32 $1.000000000e+00, v10  }
0x111: {  	s13 =	simm.s32 $0x400;
	vm5 =	vgt.s32 v7, $0x0;
	v11 =	vld.idx.msk [tilespmem:v4+s17+$0x0], $0xffff  }
0x112: {  	[tilespmem:s26+$0xFFFFFF50] =	vst v14;
	v3 =	vtrunc.f32 v3;
	v7 =	vnsel vm5, $0x0, v7;
	v14 =	vmul.f32 $5.000000000e-01, v15;
	v15 =	vld [tilespmem:s13+$0x280]  }
0x113: {  	v3 =	vcvt.f32.s32 v3;
	v7 =	vmin.u32 v7, $0x1F;
	[tilespmem:s28+$0x40] =	vst v12;
	v12 =	vld.idx.msk [tilespmem:v9+s16+$0x0], $0xffff  }
0x114: {  	[tilespmem:s12+$0xFFFFFF80] =	vst v13;
	v1 =	vld.idx.msk [tilespmem:v1+s18+$0x0], $0xffff  }
0x115: {  	[tilespmem:s30+$0xFFFFFF30] =	vst v8;
	vm6 =	vgt.s32 v3, $0x0;
	v13 =	vmul.f32 $3.100000000e+01, v14;
	v14 =	vld.idx.msk [tilespmem:v2+s17+$0x0], $0xffff  }
0x116: {  	v16 =	vadd.f32 $1.000000000e+00, v6;
	v3 =	vnsel vm6, $0x0, v3;
	[tilespmem:s0+$0x20] =	vst v11  }
0x117: {  	[tilespmem:s9+$0xFFFFFF10] =	vst v5;
	v3 =	vmin.u32 v3, $0x1F;
	v4 =	vld.idx.msk [tilespmem:v4+s18+$0x0], $0xffff;
	v8 =	vadd.f32 $8.388608000e+06, v13  }
0x118: {  	v11 =	vld.idx.msk [tilespmem:v7+s16+$0x0], $0xffff;
	[tilespmem:s26+$0xFFFFFFD0] =	vst v12;
	v12 =	vmul.f32 $5.000000000e-01, v16  }
0x119: {  	[tilespmem:s28+$0xC0] =	vst v1;
	v8 =	vadd.f32 $-8.388608000e+06, v8;
	v1 =	vld.idx.msk [tilespmem:v9+s17+$0x0], $0xffff  }
0x11a: {  	v13 =	vld [tilespmem:s7+$0x2D0];
	[tilespmem:s12+$0x0] =	vst v14;
	v5 =	vmul.f32 $3.100000000e+01, v12;
	v12 =	vadd.f32 $1.000000000e+00, v15  }
0x11b: {  	v8 =	vtrunc.f32 v8;
	v2 =	vld.idx.msk [tilespmem:v2+s18+$0x0], $0xffff  }
0x11c: {  	v14 =	vld.idx.msk [tilespmem:v3+s16+$0x0], $0xffff;
	v8 =	vcvt.f32.s32 v8;
	[tilespmem:s0+$0xA0] =	vst v4;
	v4 =	vmul.f32 $5.000000000e-01, v12  }
0x11d: {  	v5 =	vadd.f32 $8.388608000e+06, v5;
	[tilespmem:s30+$0xFFFFFFB0] =	vst v11;
	v11 =	vld [tilespmem:s10+$0x2B0]  }
0x11e: {  	v12 =	vld.idx.msk [tilespmem:v7+s17+$0x0], $0xffff;
	vm7 =	vgt.s32 v8, $0x0;
	v4 =	vmul.f32 $3.100000000e+01, v4  }
0x11f: {  	v5 =	vadd.f32 $-8.388608000e+06, v5;
	v16 =	vadd.f32 $1.000000000e+00, v13;
	[tilespmem:s26+$0x50] =	vst v1;
	v1 =	vnsel vm7, $0x0, v8  }
0x120: {  	v1 =	vmin.u32 v1, $0x1F;
	v8 =	vld.idx.msk [tilespmem:v9+s18+$0x0], $0xffff;
	[tilespmem:s12+$0x80] =	vst v2;
	v4 =	vadd.f32 $8.388608000e+06, v4  }
0x121: {  	v5 =	vtrunc.f32 v5;
	v9 =	vmul.f32 $5.000000000e-01, v16;
	v16 =	vld [tilespmem:s11+$0x290]  }
0x122: {  	[tilespmem:s9+$0xFFFFFF90] =	vst v14;
	v5 =	vcvt.f32.s32 v5;
	v14 =	vadd.f32 $1.000000000e+00, v11;
	v4 =	vadd.f32 $-8.388608000e+06, v4  }
0x123: {  	v2 =	vld.idx.msk [tilespmem:v3+s17+$0x0], $0xffff;
	v9 =	vmul.f32 $3.100000000e+01, v9;
	[tilespmem:s30+$0x30] =	vst v12  }
0x124: {  	[tilespmem:s29+$0xFFFFFF40] =	vst v10;
	vm8 =	vgt.s32 v5, $0x0;
	v7 =	vld.idx.msk [tilespmem:v7+s18+$0x0], $0xffff;
	v10 =	vmul.f32 $5.000000000e-01, v14;
	v4 =	vtrunc.f32 v4  }
0x125: {  	v5 =	vnsel vm8, $0x0, v5;
	v9 =	vadd.f32 $8.388608000e+06, v9;
	v12 =	vld.idx.msk [tilespmem:v1+s16+$0x0], $0xffff;
	[tilespmem:s26+$0xD0] =	vst v8;
	v4 =	vcvt.f32.s32 v4  }
0x126: {  	v5 =	vmin.u32 v5, $0x1F;
	v8 =	vmul.f32 $3.100000000e+01, v10;
	v10 =	vld [tilespmem:s1+$0x2E0];
	v14 =	vadd.f32 $1.000000000e+00, v16  }
0x127: {  	[tilespmem:s2+$0xFFFFFF20] =	vst v6;
	v9 =	vadd.f32 $-8.388608000e+06, v9;
	vm9 =	vgt.s32 v4, $0x0  }
0x128: {  	[tilespmem:s9+$0x10] =	vst v2;
	v2 =	vadd.f32 $8.388608000e+06, v8;
	v6 =	vmul.f32 $5.000000000e-01, v14;
	v4 =	vnsel vm9, $0x0, v4  }
0x129: {  	v3 =	vld.idx.msk [tilespmem:v3+s18+$0x0], $0xffff;
	v8 =	vtrunc.f32 v9;
	[tilespmem:s30+$0xB0] =	vst v7;
	v4 =	vmin.u32 v4, $0x1F  }
0x12a: {  	v2 =	vadd.f32 $-8.388608000e+06, v2;
	v7 =	vcvt.f32.s32 v8;
	v8 =	vld [tilespmem:s3+$0x2C0];
	v6 =	vmul.f32 $3.100000000e+01, v6  }
0x12b: {  	[tilespmem:s29+$0xFFFFFFC0] =	vst v12;
	v9 =	vld.idx.msk [tilespmem:v5+s16+$0x0], $0xffff;
	v12 =	vadd.f32 $1.000000000e+00, v10  }
0x12c: {  	v14 =	vld.idx.msk [tilespmem:v1+s17+$0x0], $0xffff;
	v2 =	vtrunc.f32 v2;
	vm10 =	vgt.s32 v7, $0x0;
	v6 =	vadd.f32 $8.388608000e+06, v6  }
0x12d: {  	s24 =	simm.s32 $0x5380;
	v2 =	vcvt.f32.s32 v2;
	v12 =	vmul.f32 $5.000000000e-01, v12;
	v7 =	vnsel vm10, $0x0, v7  }
0x12e: {  	[tilespmem:s24+$0xFFFFFF00] =	vst v15;
	v7 =	vmin.u32 v7, $0x1F  }
0x12f: {  	[tilespmem:s9+$0x90] =	vst v3;
	v6 =	vadd.f32 $-8.388608000e+06, v6;
	v15 =	vld.idx.msk [tilespmem:v4+s16+$0x0], $0xffff;
	vm11 =	vgt.s32 v2, $0x0;
	v3 =	vmul.f32 $3.100000000e+01, v12  }
0x130: {  	v12 =	vld [tilespmem:s23+$0x2A0];
	v17 =	vadd.f32 $1.000000000e+00, v8;
	[tilespmem:s2+$0xFFFFFFA0] =	vst v9;
	v2 =	vnsel vm11, $0x0, v2  }
0x131: {  	[tilespmem:s29+$0x40] =	vst v14;
	v6 =	vtrunc.f32 v6;
	v9 =	vld.idx.msk [tilespmem:v5+s17+$0x0], $0xffff;
	v2 =	vmin.u32 v2, $0x1F;
	v3 =	vadd.f32 $8.388608000e+06, v3  }
0x132: {  	s19 =	simm.s32 $0x480;
	[tilespmem:s28+$0xFFFFFF50] =	vst v13;
	v1 =	vld.idx.msk [tilespmem:v1+s18+$0x0], $0xffff;
	v6 =	vcvt.f32.s32 v6;
	v13 =	vmul.f32 $5.000000000e-01, v17  }
0x133: {  	[tilespmem:s0+$0xFFFFFF30] =	vst v11;
	v14 =	vld [tilespmem:s19+$0x280];
	v3 =	vadd.f32 $-8.388608000e+06, v3  }
0x134: {  	v17 =	vld.idx.msk [tilespmem:v7+s16+$0x0], $0xffff;
	vm12 =	vgt.s32 v6, $0x0;
	v11 =	vmul.f32 $3.100000000e+01, v13;
	[tilespmem:s24+$0xFFFFFF80] =	vst v15  }
0x135: {  	v6 =	vnsel vm12, $0x0, v6;
	v13 =	vadd.f32 $1.000000000e+00, v12;
	v15 =	vld.idx.msk [tilespmem:v4+s17+$0x0], $0xffff;
	v3 =	vtrunc.f32 v3  }
0x136: {  	v6 =	vmin.u32 v6, $0x1F;
	v11 =	vadd.f32 $8.388608000e+06, v11;
	[tilespmem:s2+$0x20] =	vst v9;
	v9 =	vld.idx.msk [tilespmem:v2+s16+$0x0], $0xffff;
	v3 =	vcvt.f32.s32 v3  }
0x137: {  	[tilespmem:s29+$0xC0] =	vst v1;
	v1 =	vmul.f32 $5.000000000e-01, v13;
	v5 =	vld.idx.msk [tilespmem:v5+s18+$0x0], $0xffff  }
0x138: {  	[tilespmem:s12+$0xFFFFFF10] =	vst v16;
	v18 =	vadd.f32 $1.000000000e+00, v14;
	v13 =	vld [tilespmem:s5+$0x2D0];
	v11 =	vadd.f32 $-8.388608000e+06, v11;
	vm13 =	vgt.s32 v3, $0x0  }
0x139: {  	[tilespmem:s28+$0xFFFFFFD0] =	vst v17;
	v1 =	vmul.f32 $3.100000000e+01, v1;
	v3 =	vnsel vm13, $0x0, v3  }
0x13a: {  	v17 =	vld.idx.msk [tilespmem:v7+s17+$0x0], $0xffff;
	v11 =	vtrunc.f32 v11;
	[tilespmem:s24+$0x0] =	vst v15;
	v3 =	vmin.u32 v3, $0x1F;
	v15 =	vmul.f32 $5.000000000e-01, v18  }
0x13b: {  	v16 =	vld.idx.msk [tilespmem:v6+s16+$0x0], $0xffff;
	v1 =	vadd.f32 $8.388608000e+06, v1;
	v11 =	vcvt.f32.s32 v11  }
0x13c: {  	v4 =	vld.idx.msk [tilespmem:v4+s18+$0x0], $0xffff;
	[tilespmem:s2+$0xA0] =	vst v5;
	v5 =	vmul.f32 $3.100000000e+01, v15  }
0x13d: {  	[tilespmem:s0+$0xFFFFFFB0] =	vst v9;
	v15 =	vadd.f32 $1.000000000e+00, v13;
	v1 =	vadd.f32 $-8.388608000e+06, v1;
	vm14 =	vgt.s32 v11, $0x0;
	v9 =	vld [tilespmem:s8+$0x2B0]  }
0x13e: {  	[tilespmem:s26+$0xFFFFFF60] =	vst v10;
	v18 =	vld.idx.msk [tilespmem:v2+s17+$0x0], $0xffff;
	v10 =	vnsel vm14, $0x0, v11;
	v5 =	vadd.f32 $8.388608000e+06, v5  }
0x13f: {  	[tilespmem:s28+$0x50] =	vst v17;
	v11 =	vmul.f32 $5.000000000e-01, v15;
	v1 =	vtrunc.f32 v1;
	v10 =	vmin.u32 v10, $0x1F;
	v15 =	vld.idx.msk [tilespmem:v3+s16+$0x0], $0xffff  }
0x140: {  	v7 =	vld.idx.msk [tilespmem:v7+s18+$0x0], $0xffff;
	v1 =	vcvt.f32.s32 v1;
	[tilespmem:s12+$0xFFFFFF90] =	vst v16  }
0x141: {  	[tilespmem:s24+$0x80] =	vst v4;
	v4 =	vadd.f32 $-8.388608000e+06, v5;
	v5 =	vmul.f32 $3.100000000e+01, v11;
	v17 =	vld.idx.msk [tilespmem:v6+s17+$0x0], $0xffff  }
0x142: {  	v11 =	vld [tilespmem:s13+$0x290];
	vm15 =	vgt.s32 v1, $0x0;
	v16 =	vadd.f32 $1.000000000e+00, v9  }
0x143: {  	[tilespmem:s30+$0xFFFFFF40] =	vst v8;
	v4 =	vtrunc.f32 v4;
	v5 =	vadd.f32 $8.388608000e+06, v5;
	v1 =	vnsel vm15, $0x0, v1  }
0x144: {  	[tilespmem:s0+$0x30] =	vst v18;
	v4 =	vcvt.f32.s32 v4;
	v18 =	vld.idx.msk [tilespmem:v10+s16+$0x0], $0xffff;
	v8 =	vmul.f32 $5.000000000e-01, v16;
	v16 =	vmin.u32 v1, $0x1F  }
0x145: {  	v2 =	vld.idx.msk [tilespmem:v2+s18+$0x0], $0xffff;
	[tilespmem:s26+$0xFFFFFFE0] =	vst v15  }
0x146: {  	v1 =	vadd.f32 $-8.388608000e+06, v5;
	[tilespmem:s28+$0xD0] =	vst v7;
	vm4 =	vgt.s32 v4, $0x0;
	v15 =	vld.idx.msk [tilespmem:v3+s17+$0x0], $0xffff  }
0x147: {  	[tilespmem:s12+$0x10] =	vst v17;
	v5 =	vmul.f32 $3.100000000e+01, v8;
	v7 =	vadd.f32 $1.000000000e+00, v11;
	v8 =	vld [tilespmem:s7+$0x2E0];
	v4 =	vnsel vm4, $0x0, v4  }
0x148: {  	[tilespmem:s9+$0xFFFFFF20] =	vst v12;
	v19 =	vtrunc.f32 v1;
	v6 =	vld.idx.msk [tilespmem:v6+s18+$0x0], $0xffff;
	v4 =	vmin.u32 v4, $0x1F  }
0x149: {  	v17 =	vcvt.f32.s32 v19;
	v5 =	vadd.f32 $8.388608000e+06, v5;
	v7 =	vmul.f32 $5.000000000e-01, v7;
	[tilespmem:s30+$0xFFFFFFC0] =	vst v18;
	v12 =	vld.idx.msk [tilespmem:v16+s16+$0x0], $0xffff  }
0x14a: {  	[tilespmem:s0+$0xB0] =	vst v2;
	v19 =	vld.idx.msk [tilespmem:v10+s17+$0x0], $0xffff  }
0x14b: {  	s14 =	simm.s32 $0x5580;
	vm5 =	vgt.s32 v17, $0x0;
	v2 =	vadd.f32 $-8.388608000e+06, v5;
	v5 =	vmul.f32 $3.100000000e+01, v7;
	v7 =	vld [tilespmem:s10+$0x2C0];
	[tilespmem:s26+$0x60] =	vst v15  }
0x14c: {  	[tilespmem:s14+$0xFFFFFF00] =	vst v14;
	v17 =	vnsel vm5, $0x0, v17;
	v18 =	vadd.f32 $1.000000000e+00, v8;
	v3 =	vld.idx.msk [tilespmem:v3+s18+$0x0], $0xffff  }
0x14d: {  	v17 =	vmin.u32 v17, $0x1F;
	[tilespmem:s12+$0x90] =	vst v6;
	v2 =	vtrunc.f32 v2;
	v5 =	vadd.f32 $8.388608000e+06, v5;
	v15 =	vld.idx.msk [tilespmem:v4+s16+$0x0], $0xffff  }
0x14e: {  	s22 =	simm.s32 $0x500;
	[tilespmem:s29+$0xFFFFFF50] =	vst v13;
	v6 =	vld [tilespmem:s11+$0x2A0];
	v2 =	vcvt.f32.s32 v2;
	v14 =	vmul.f32 $5.000000000e-01, v18  }
0x14f: {  	v1 =	vld [tilespmem:s22+$0x280];
	v5 =	vadd.f32 $-8.388608000e+06, v5;
	[tilespmem:s9+$0xFFFFFFA0] =	vst v12  }
0x150: {  	[tilespmem:s30+$0x40] =	vst v19;
	vm6 =	vgt.s32 v2, $0x0;
	v12 =	vmul.f32 $3.100000000e+01, v14;
	v14 =	vld.idx.msk [tilespmem:v16+s17+$0x0], $0xffff;
	v13 =	vadd.f32 $1.000000000e+00, v7  }
0x151: {  	[tilespmem:s2+$0xFFFFFF30] =	vst v9;
	v10 =	vld.idx.msk [tilespmem:v10+s18+$0x0], $0xffff;
	v2 =	vnsel vm6, $0x0, v2;
	v5 =	vtrunc.f32 v5  }
0x152: {  	v18 =	vld.idx.msk [tilespmem:v17+s16+$0x0], $0xffff;
	v2 =	vmin.u32 v2, $0x1F;
	v12 =	vadd.f32 $8.388608000e+06, v12;
	v13 =	vmul.f32 $5.000000000e-01, v13;
	[tilespmem:s14+$0xFFFFFF80] =	vst v15  }
0x153: {  	[tilespmem:s26+$0xE0] =	vst v3;
	v5 =	vcvt.f32.s32 v5;
	v9 =	vadd.f32 $1.000000000e+00, v6;
	v15 =	vld.idx.msk [tilespmem:v4+s17+$0x0], $0xffff  }
0x154: {  	v19 =	vld [tilespmem:s1+$0x2F0];
	v3 =	vadd.f32 $-8.388608000e+06, v12;
	v13 =	vmul.f32 $3.100000000e+01, v13  }
0x155: {  	vm7 =	vgt.s32 v5, $0x0;
	v9 =	vmul.f32 $5.000000000e-01, v9;
	[tilespmem:s9+$0x20] =	vst v14  }
0x156: {  	v5 =	vnsel vm7, $0x0, v5;
	v3 =	vtrunc.f32 v3;
	v13 =	vadd.f32 $8.388608000e+06, v13;
	v16 =	vld.idx.msk [tilespmem:v16+s18+$0x0], $0xffff  }
0x157: {  	v12 =	vadd.f32 $1.000000000e+00, v1;
	[tilespmem:s30+$0xC0] =	vst v10;
	v5 =	vmin.u32 v5, $0x1F;
	v14 =	vld.idx.msk [tilespmem:v2+s16+$0x0], $0xffff;
	v3 =	vcvt.f32.s32 v3  }
0x158: {  	v9 =	vmul.f32 $3.100000000e+01, v9;
	v10 =	vadd.f32 $-8.388608000e+06, v13;
	v13 =	vld [tilespmem:s3+$0x2D0];
	[tilespmem:s14+$0x0] =	vst v15  }
0x159: {  	v12 =	vmul.f32 $5.000000000e-01, v12;
	[tilespmem:s29+$0xFFFFFFD0] =	vst v18;
	v18 =	vadd.f32 $1.000000000e+00, v19;
	vm8 =	vgt.s32 v3, $0x0;
	v4 =	vld.idx.msk [tilespmem:v4+s18+$0x0], $0xffff  }
0x15a: {  	[tilespmem:s24+$0xFFFFFF10] =	vst v11;
	v9 =	vadd.f32 $8.388608000e+06, v9;
	v3 =	vnsel vm8, $0x0, v3;
	v10 =	vtrunc.f32 v10  }
0x15b: {  	[tilespmem:s28+$0xFFFFFF60] =	vst v8;
	v20 =	vld.idx.msk [tilespmem:v17+s17+$0x0], $0xffff;
	v21 =	vmin.u32 v3, $0x1F;
	v3 =	vmul.f32 $5.000000000e-01, v18;
	v10 =	vcvt.f32.s32 v10  }
0x15c: {  	v12 =	vmul.f32 $3.100000000e+01, v12;
	v9 =	vadd.f32 $-8.388608000e+06, v9;
	v11 =	vld.idx.msk [tilespmem:v5+s16+$0x0], $0xffff;
	[tilespmem:s9+$0xA0] =	vst v16  }
0x15d: {  	[tilespmem:s2+$0xFFFFFFB0] =	vst v14;
	v16 =	vld [tilespmem:s23+$0x2B0];
	v3 =	vmul.f32 $3.100000000e+01, v3;
	vm9 =	vgt.s32 v10, $0x0;
	v15 =	vadd.f32 $1.000000000e+00, v13  }
0x15e: {  	v12 =	vadd.f32 $8.388608000e+06, v12;
	v8 =	vtrunc.f32 v9;
	v14 =	vld.idx.msk [tilespmem:v2+s17+$0x0], $0xffff;
	v10 =	vnsel vm9, $0x0, v10;
	[tilespmem:s14+$0x80] =	vst v4  }
0x15f: {  	v3 =	vadd.f32 $8.388608000e+06, v3;
	v9 =	vmin.u32 v10, $0x1F;
	v10 =	vmul.f32 $5.000000000e-01, v15;
	v18 =	vld [tilespmem:s19+$0x290]  }
0x160: {  	v12 =	vadd.f32 $-8.388608000e+06, v12;
	[tilespmem:s29+$0x50] =	vst v20;
	v8 =	vcvt.f32.s32 v8;
	v15 =	vld.idx.msk [tilespmem:v21+s16+$0x0], $0xffff  }
0x161: {  	[tilespmem:s24+$0xFFFFFF90] =	vst v11;
	v11 =	vld.idx.msk [tilespmem:v17+s18+$0x0], $0xffff;
	v3 =	vadd.f32 $-8.388608000e+06, v3;
	v10 =	vmul.f32 $3.100000000e+01, v10  }
0x162: {  	[tilespmem:s0+$0xFFFFFF40] =	vst v7;
	v12 =	vtrunc.f32 v12;
	vm10 =	vgt.s32 v8, $0x0;
	v4 =	vld.idx.msk [tilespmem:v5+s17+$0x0], $0xffff;
	v17 =	vadd.f32 $1.000000000e+00, v16  }
0x163: {  	v8 =	vnsel vm10, $0x0, v8;
	[tilespmem:s2+$0x30] =	vst v14;
	v3 =	vtrunc.f32 v3;
	v7 =	vadd.f32 $8.388608000e+06, v10  }
0x164: {  	s4 =	simm.s32 $0x580;
	v20 =	vmin.u32 v8, $0x1F;
	v2 =	vld.idx.msk [tilespmem:v2+s18+$0x0], $0xffff;
	v8 =	vmul.f32 $5.000000000e-01, v17;
	v3 =	vcvt.f32.s32 v3  }
0x165: {  	v10 =	vcvt.f32.s32 v12;
	v12 =	vld [tilespmem:s4+$0x280];
	v7 =	vadd.f32 $-8.388608000e+06, v7;
	[tilespmem:s28+$0xFFFFFFE0] =	vst v15  }
0x166: {  	v14 =	vld.idx.msk [tilespmem:v9+s16+$0x0], $0xffff;
	v17 =	vadd.f32 $1.000000000e+00, v18;
	v8 =	vmul.f32 $3.100000000e+01, v8;
	[tilespmem:s29+$0xD0] =	vst v11;
	vm11 =	vgt.s32 v3, $0x0  }
0x167: {  	vm1 =	vgt.s32 v10, $0x0;
	v11 =	vld.idx.msk [tilespmem:v21+s17+$0x0], $0xffff;
	[tilespmem:s24+$0x10] =	vst v4;
	v15 =	vnsel vm11, $0x0, v3;
	v4 =	vtrunc.f32 v7  }
0x168: {  	[tilespmem:s12+$0xFFFFFF20] =	vst v6;
	s1 =	simm.s32 $0x5780;
	v3 =	vld [tilespmem:s5+$0x2E0];
	v7 =	vnsel vm1, $0x0, v10;
	v6 =	vadd.f32 $8.388608000e+06, v8;
	v22 =	vmin.u32 v15, $0x1F  }
0x169: {  	[tilespmem:s1+$0xFFFFFF00] =	vst v1;
	v5 =	vld.idx.msk [tilespmem:v5+s18+$0x0], $0xffff;
	v4 =	vcvt.f32.s32 v4;
	v15 =	vmin.u32 v7, $0x1F;
	v7 =	vmul.f32 $5.000000000e-01, v17  }
0x16a: {  	v10 =	vld.idx.msk [tilespmem:v20+s16+$0x0], $0xffff;
	[tilespmem:s2+$0xB0] =	vst v2;
	v2 =	vadd.f32 $-8.388608000e+06, v6  }
0x16b: {  	v8 =	vld [tilespmem:s8+$0x2C0];
	[tilespmem:s0+$0xFFFFFFC0] =	vst v14;
	vm12 =	vgt.s32 v4, $0x0;
	v7 =	vmul.f32 $3.100000000e+01, v7  }
0x16c: {  	v14 =	vld.idx.msk [tilespmem:v9+s17+$0x0], $0xffff;
	v4 =	vnsel vm12, $0x0, v4;
	v2 =	vtrunc.f32 v2;
	[tilespmem:s28+$0x60] =	vst v11  }
0x16d: {  	[tilespmem:s26+$0xFFFFFF70] =	vst v19;
	v6 =	vmin.u32 v4, $0x1F;
	v4 =	vadd.f32 $1.000000000e+00, v3;
	v1 =	vadd.f32 $8.388608000e+06, v7;
	v7 =	vld.idx.msk [tilespmem:v21+s18+$0x0], $0xffff  }
0x16e: {  	v2 =	vcvt.f32.s32 v2;
	v17 =	vld.idx.msk [tilespmem:v22+s16+$0x0], $0xffff  }
0x16f: {  	[tilespmem:s24+$0x90] =	vst v5;
	v19 =	vld.idx.msk [tilespmem:v15+s16+$0x0], $0xffff;
	v4 =	vmul.f32 $5.000000000e-01, v4  }
0x170: {  	[tilespmem:s12+$0xFFFFFFA0] =	vst v10;
	v11 =	vld [tilespmem:s13+$0x2A0];
	v1 =	vadd.f32 $-8.388608000e+06, v1;
	vm13 =	vgt.s32 v2, $0x0  }
0x171: {  	v5 =	vld.idx.msk [tilespmem:v20+s17+$0x0], $0xffff;
	v2 =	vnsel vm13, $0x0, v2;
	[tilespmem:s0+$0x40] =	vst v14;
	v4 =	vmul.f32 $3.100000000e+01, v4  }
0x172: {  	[tilespmem:s30+$0xFFFFFF50] =	vst v13;
	v1 =	vtrunc.f32 v1;
	v10 =	vmin.u32 v2, $0x1F;
	v2 =	vadd.f32 $1.000000000e+00, v8;
	v9 =	vld.idx.msk [tilespmem:v9+s18+$0x0], $0xffff  }
0x173: {  	v13 =	vld.idx.msk [tilespmem:v6+s16+$0x0], $0xffff;
	v14 =	vcvt.f32.s32 v1;
	v1 =	vadd.f32 $8.388608000e+06, v4;
	[tilespmem:s26+$0xFFFFFFF0] =	vst v17  }
0x174: {  	[tilespmem:s28+$0xE0] =	vst v7;
	v2 =	vmul.f32 $5.000000000e-01, v2;
	v4 =	vld.idx.msk [tilespmem:v22+s17+$0x0], $0xffff  }
0x175: {  	[tilespmem:s1+$0xFFFFFF80] =	vst v19;
	vm14 =	vgt.s32 v14, $0x0;
	v7 =	vadd.f32 $-8.388608000e+06, v1;
	v1 =	vld [tilespmem:s7+$0x2F0]  }
0x176: {  	v19 =	vadd.f32 $1.000000000e+00, v12;
	[tilespmem:s12+$0x20] =	vst v5;
	v21 =	vld.idx.msk [tilespmem:v15+s17+$0x0], $0xffff;
	v14 =	vnsel vm14, $0x0, v14;
	v2 =	vmul.f32 $3.100000000e+01, v2  }
0x177: {  	[tilespmem:s9+$0xFFFFFF30] =	vst v16;
	v23 =	vadd.f32 $1.000000000e+00, v11;
	v17 =	vld.idx.msk [tilespmem:v20+s18+$0x0], $0xffff;
	v16 =	vmin.u32 v14, $0x1F;
	v5 =	vtrunc.f32 v7  }
0x178: {  	v14 =	vld.idx.msk [tilespmem:v10+s16+$0x0], $0xffff;
	[tilespmem:s0+$0xC0] =	vst v9;
	v2 =	vadd.f32 $8.388608000e+06, v2;
	v5 =	vcvt.f32.s32 v5  }
0x179: {  	[tilespmem:s30+$0xFFFFFFD0] =	vst v13;
	v13 =	vmul.f32 $5.000000000e-01, v19;
	v19 =	vmul.f32 $5.000000000e-01, v23;
	v7 =	vld [tilespmem:s10+$0x2D0]  }
0x17a: {  	v9 =	vld.idx.msk [tilespmem:v6+s17+$0x0], $0xffff;
	v23 =	vadd.f32 $-8.388608000e+06, v2;
	[tilespmem:s26+$0x70] =	vst v4;
	vm15 =	vgt.s32 v5, $0x0;
	v24 =	vadd.f32 $1.000000000e+00, v1  }
0x17b: {  	[tilespmem:s14+$0xFFFFFF10] =	vst v18;
	v20 =	vmul.f32 $3.100000000e+01, v13;
	v18 =	vmul.f32 $3.100000000e+01, v19;
	v2 =	vld.idx.msk [tilespmem:v22+s18+$0x0], $0xffff;
	v4 =	vnsel vm15, $0x0, v5  }
0x17c: {  	s7 =	simm.s32 $0x1800;
	[tilespmem:s1+$0x0] =	vst v21;
	v19 =	vld.idx.msk [tilespmem:v16+s16+$0x0], $0xffff;
	v13 =	vtrunc.f32 v23;
	v4 =	vmin.u32 v4, $0x1F;
	v5 =	vmul.f32 $5.000000000e-01, v24  }
.LBB2_3:
0x17d: {  	p1 =	sne.s32 s7, $0x7E00;
	v15 =	vld.idx.msk [tilespmem:v15+s18+$0x0], $0xffff;
	v18 =	vadd.f32 $8.388608000e+06, v18;
	[tilespmem:s9+$0xFFFFFFB0] =	vst v14;
	v13 =	vcvt.f32.s32 v13  }
0x17e: {  	v14 =	vadd.f32 $8.388608000e+06, v20;
	[tilespmem:s12+$0xA0] =	vst v17;
	v17 =	vld.idx.msk [tilespmem:v10+s17+$0x0], $0xffff;
	v20 =	vmul.f32 $3.100000000e+01, v5  }
0x17f: {  	v18 =	vadd.f32 $-8.388608000e+06, v18;
	v5 =	vld [tilespmem:s11+$0x2B0];
	vm0 =	vgt.s32 v13, $0x0;
	v21 =	vadd.f32 $1.000000000e+00, v7;
	[tilespmem:s30+$0x50] =	vst v9  }
0x180: {  	v9 =	vadd.f32 $-8.388608000e+06, v14;
	v13 =	vnsel vm0, $0x0, v13;
	[tilespmem:s29+$0xFFFFFF60] =	vst v3;
	v3 =	vadd.f32 $8.388608000e+06, v20  }
0x181: {  	v14 =	vtrunc.f32 v18;
	v13 =	vmin.u32 v13, $0x1F;
	v18 =	vmul.f32 $5.000000000e-01, v21;
	v20 =	vld.idx.msk [tilespmem:v4+s16+$0x0], $0xffff;
	[tilespmem:s26+$0xF0] =	vst v2;
	s26 =	smov.u32 s28;
	s28 =	smov.u32 s29;
	s29 =	smov.u32 s30  }
0x182: {  	s30 =	smov.u32 s0;
	s0 =	smov.u32 s2;
	s2 =	smov.u32 s9;
	[tilespmem:s14+$0xFFFFFF90] =	vst v19;
	v14 =	vcvt.f32.s32 v14;
	v6 =	vld.idx.msk [tilespmem:v6+s18+$0x0], $0xffff;
	v3 =	vadd.f32 $-8.388608000e+06, v3  }
0x183: {  	v9 =	vtrunc.f32 v9;
	s9 =	smov.u32 s12;
	s12 =	smov.u32 s24;
	s24 =	smov.u32 s14;
	[tilespmem:s1+$0x80] =	vst v15;
	v15 =	vld.idx.msk [tilespmem:v16+s17+$0x0], $0xffff;
	v18 =	vmul.f32 $3.100000000e+01, v18  }
0x184: {  	s14 =	smov.u32 s1;
	v2 =	vld [tilespmem:s22+$0x290];
	vm0 =	vgt.s32 v14, $0x0;
	v19 =	vadd.f32 $1.000000000e+00, v5;
	[tilespmem:s2+$0x30] =	vst v17;
	v3 =	vtrunc.f32 v3  }
0x185: {  	v14 =	vnsel vm0, $0x0, v14;
	v10 =	vld.idx.msk [tilespmem:v10+s18+$0x0], $0xffff;
	[tilespmem:s0+$0xFFFFFF40] =	vst v8;
	v8 =	vadd.f32 $8.388608000e+06, v18;
	v3 =	vcvt.f32.s32 v3  }
0x186: {  	s21 =	sshra.s32 s7, $0x2;
	v9 =	vcvt.f32.s32 v9;
	v17 =	vmin.u32 v14, $0x1F;
	v14 =	vmul.f32 $5.000000000e-01, v19;
	v18 =	vld.idx.msk [tilespmem:v13+s16+$0x0], $0xffff  }
0x187: {  	v19 =	vld [tilespmem:s21+$0x280];
	v8 =	vadd.f32 $-8.388608000e+06, v8;
	[tilespmem:s28+$0xFFFFFFE0] =	vst v20;
	vm0 =	vgt.s32 v3, $0x0  }
0x188: {  	vm1 =	vgt.s32 v9, $0x0;
	v14 =	vmul.f32 $3.100000000e+01, v14;
	[tilespmem:s29+$0xD0] =	vst v6;
	v20 =	vld.idx.msk [tilespmem:v4+s17+$0x0], $0xffff;
	v6 =	vnsel vm0, $0x0, v3  }
0x189: {  	v21 =	vadd.f32 $1.000000000e+00, v2;
	[tilespmem:s24+$0x10] =	vst v15;
	v8 =	vtrunc.f32 v8;
	v3 =	vld [tilespmem:s3+$0x2E0];
	v22 =	vmin.u32 v6, $0x1F  }
0x18a: {  	v6 =	vnsel vm1, $0x0, v9;
	v9 =	vld.idx.msk [tilespmem:v16+s18+$0x0], $0xffff;
	[tilespmem:s12+$0xFFFFFF20] =	vst v11;
	v11 =	vadd.f32 $8.388608000e+06, v14;
	v14 =	vcvt.f32.s32 v8  }
0x18b: {  	v15 =	vmin.u32 v6, $0x1F;
	v6 =	vmul.f32 $5.000000000e-01, v21;
	v16 =	vld.idx.msk [tilespmem:v17+s16+$0x0], $0xffff;
	[tilespmem:s2+$0xB0] =	vst v10  }
0x18c: {  	v10 =	vadd.f32 $-8.388608000e+06, v11;
	v8 =	vld [tilespmem:s23+$0x2C0];
	[tilespmem:s0+$0xFFFFFFC0] =	vst v18;
	vm0 =	vgt.s32 v14, $0x0  }
0x18d: {  	v11 =	vmul.f32 $3.100000000e+01, v6;
	v18 =	vld.idx.msk [tilespmem:v13+s17+$0x0], $0xffff;
	v6 =	vnsel vm0, $0x0, v14;
	[tilespmem:s26+$0xFFFFFF70] =	vst v1  }
0x18e: {  	s1 =	sadd.s32 $0x200, s1;
	v1 =	vtrunc.f32 v10;
	v6 =	vmin.u32 v6, $0x1F;
	v10 =	vadd.f32 $1.000000000e+00, v3;
	[tilespmem:s28+$0x60] =	vst v20;
	v14 =	vld.idx.msk [tilespmem:v22+s16+$0x0], $0xffff  }
0x18f: {  	[tilespmem:s1+$0xFFFFFF00] =	vst v12;
	v11 =	vadd.f32 $8.388608000e+06, v11;
	v1 =	vcvt.f32.s32 v1;
	v4 =	vld.idx.msk [tilespmem:v4+s18+$0x0], $0xffff;
	v12 =	vmov v19  }
0x190: {  	v19 =	vld.idx.msk [tilespmem:v15+s16+$0x0], $0xffff;
	[tilespmem:s24+$0x90] =	vst v9;
	v9 =	vmul.f32 $5.000000000e-01, v10  }
0x191: {  	v10 =	vadd.f32 $-8.388608000e+06, v11;
	v11 =	vld [tilespmem:s19+$0x2A0];
	[tilespmem:s12+$0xFFFFFFA0] =	vst v16;
	vm0 =	vgt.s32 v1, $0x0  }
0x192: {  	v20 =	vld.idx.msk [tilespmem:v17+s17+$0x0], $0xffff;
	v1 =	vnsel vm0, $0x0, v1;
	[tilespmem:s30+$0xFFFFFF50] =	vst v7;
	v7 =	vmul.f32 $3.100000000e+01, v9  }
0x193: {  	v9 =	vtrunc.f32 v10;
	v10 =	vmin.u32 v1, $0x1F;
	v1 =	vadd.f32 $1.000000000e+00, v8;
	[tilespmem:s0+$0x40] =	vst v18;
	v18 =	vld.idx.msk [tilespmem:v6+s16+$0x0], $0xffff  }
0x194: {  	v9 =	vcvt.f32.s32 v9;
	v13 =	vld.idx.msk [tilespmem:v13+s18+$0x0], $0xffff;
	v7 =	vadd.f32 $8.388608000e+06, v7;
	[tilespmem:s26+$0xFFFFFFF0] =	vst v14  }
0x195: {  	v14 =	vmul.f32 $5.000000000e-01, v1;
	[tilespmem:s28+$0xE0] =	vst v4;
	v4 =	vld.idx.msk [tilespmem:v22+s17+$0x0], $0xffff  }
0x196: {  	[tilespmem:s1+$0xFFFFFF80] =	vst v19;
	vm0 =	vgt.s32 v9, $0x0;
	v7 =	vadd.f32 $-8.388608000e+06, v7;
	v1 =	vld [tilespmem:s5+$0x2F0];
	s5 =	smov.u32 s3;
	s3 =	smov.u32 s10;
	s10 =	smov.u32 s8  }
0x197: {  	v19 =	vadd.f32 $1.000000000e+00, v12;
	s8 =	smov.u32 s23;
	s23 =	smov.u32 s11;
	s11 =	smov.u32 s13;
	v21 =	vld.idx.msk [tilespmem:v15+s17+$0x0], $0xffff;
	v9 =	vnsel vm0, $0x0, v9;
	[tilespmem:s9+$0xFFFFFF30] =	vst v5;
	v5 =	vmul.f32 $3.100000000e+01, v14  }
0x198: {  	s13 =	smov.u32 s19;
	s19 =	smov.u32 s22;
	s22 =	smov.u32 s4;
	v16 =	vmin.u32 v9, $0x1F;
	v9 =	vadd.f32 $1.000000000e+00, v11;
	[tilespmem:s12+$0x20] =	vst v20;
	v14 =	vld.idx.msk [tilespmem:v10+s16+$0x0], $0xffff;
	v7 =	vtrunc.f32 v7  }
.Ltmp2:
0x199: {  	s4 =	smov.u32 s21;
	v17 =	vld.idx.msk [tilespmem:v17+s18+$0x0], $0xffff;
	v5 =	vadd.f32 $8.388608000e+06, v5;
	[tilespmem:s30+$0xFFFFFFD0] =	vst v18;
	v23 =	vcvt.f32.s32 v7;
	(pc) =	sbr.rel @p1 .LBB2_3-.Ltmp2, $4  }
0x19a: {  	v18 =	vmul.f32 $5.000000000e-01, v19;
	v19 =	vmul.f32 $5.000000000e-01, v9;
	[tilespmem:s0+$0xC0] =	vst v13;
	v9 =	vld.idx.msk [tilespmem:v6+s17+$0x0], $0xffff  }
0x19b: {  	v5 =	vadd.f32 $-8.388608000e+06, v5;
	v7 =	vld [tilespmem:s10+$0x2D0];
	vm0 =	vgt.s32 v23, $0x0;
	v24 =	vadd.f32 $1.000000000e+00, v1;
	[tilespmem:s26+$0x70] =	vst v4  }
0x19c: {  	v20 =	vmul.f32 $3.100000000e+01, v18;
	[tilespmem:s14+$0xFFFFFF10] =	vst v2;
	v18 =	vmul.f32 $3.100000000e+01, v19;
	v4 =	vnsel vm0, $0x0, v23;
	v2 =	vld.idx.msk [tilespmem:v22+s18+$0x0], $0xffff  }
0x19d: {  	s7 =	sadd.s32 $0x200, s7;
	[tilespmem:s1+$0x0] =	vst v21;
	v19 =	vld.idx.msk [tilespmem:v16+s16+$0x0], $0xffff;
	v13 =	vtrunc.f32 v5;
	v4 =	vmin.u32 v4, $0x1F;
	v5 =	vmul.f32 $5.000000000e-01, v24  }
0x19e: {  	v20 =	vadd.f32 $8.388608000e+06, v20;
	_ =	sdelay $0x1  }
0x19f: {  	v20 =	vadd.f32 $-8.388608000e+06, v20;
	_ =	sdelay $0x1  }
0x1a0: {  	v20 =	vtrunc.f32 v20  }
0x1a1: {  	v20 =	vcvt.f32.s32 v20;
	_ =	sdelay $0x1  }
0x1a2: {  	vm0 =	vgt.s32 v20, $0x0  }
0x1a3: {  	v20 =	vnsel vm0, $0x0, v20  }
0x1a4: {  	v20 =	vmin.u32 v20, $0x1F;
	_ =	sdelay $0x2  }
0x1a5: {  	s7 =	sadd.s32 $0x200, s1  }
0x1a6: {  	[tilespmem:s7+$0xFFFFFF00] =	vst v12  }
0x1a7: {  	v12 =	vld.idx.msk [tilespmem:v20+s16+$0x0], $0xffff;
	_ =	sdelay $0x2  }
0x1a8: {  	v15 =	vld.idx.msk [tilespmem:v15+s18+$0x0], $0xffff;
	_ =	sdelay $0x1  }
0x1a9: {  	[tilespmem:s7+$0xFFFFFF80] =	vst v12  }
0x1aa: {  	v12 =	vld.idx.msk [tilespmem:v20+s17+$0x0], $0xffff;
	_ =	sdelay $0x1  }
0x1ab: {  	[tilespmem:s1+$0x80] =	vst v15  }
0x1ac: {  	v15 =	vld [tilespmem:s22+$0x290];
	_ =	sdelay $0x1  }
0x1ad: {  	[tilespmem:s7+$0x0] =	vst v12  }
0x1ae: {  	v12 =	vld.idx.msk [tilespmem:v20+s18+$0x0], $0xffff;
	_ =	sdelay $0x1  }
0x1af: {  	v54 =	vadd.f32 $1.000000000e+00, v15;
	_ =	sdelay $0x1  }
0x1b0: {  	v20 =	vmul.f32 $5.000000000e-01, v54  }
0x1b1: {  	[tilespmem:s7+$0x80] =	vst v12  }
0x1b2: {  	v20 =	vmul.f32 $3.100000000e+01, v20;
	v12 =	vld [tilespmem:s4+$0x290];
	_ =	sdelay $0x1  }
0x1b3: {  	v20 =	vadd.f32 $8.388608000e+06, v20;
	_ =	sdelay $0x1  }
0x1b4: {  	v20 =	vadd.f32 $-8.388608000e+06, v20  }
0x1b5: {  	v21 =	vadd.f32 $1.000000000e+00, v12  }
0x1b6: {  	v20 =	vtrunc.f32 v20  }
0x1b7: {  	v20 =	vcvt.f32.s32 v20;
	v21 =	vmul.f32 $5.000000000e-01, v21;
	_ =	sdelay $0x1  }
0x1b8: {  	vm6 =	vgt.s32 v20, $0x0;
	v21 =	vmul.f32 $3.100000000e+01, v21  }
0x1b9: {  	v20 =	vnsel vm6, $0x0, v20  }
0x1ba: {  	v20 =	vmin.u32 v20, $0x1F;
	v21 =	vadd.f32 $8.388608000e+06, v21;
	_ =	sdelay $0x1  }
0x1bb: {  	v21 =	vadd.f32 $-8.388608000e+06, v21;
	_ =	sdelay $0x1  }
0x1bc: {  	[tilespmem:s1+$0xFFFFFF10] =	vst v15;
	v21 =	vtrunc.f32 v21  }
0x1bd: {  	v15 =	vld.idx.msk [tilespmem:v20+s16+$0x0], $0xffff;
	v21 =	vcvt.f32.s32 v21;
	_ =	sdelay $0x1  }
0x1be: {  	vm7 =	vgt.s32 v21, $0x0  }
0x1bf: {  	[tilespmem:s14+$0xFFFFFF90] =	vst v19;
	v21 =	vnsel vm7, $0x0, v21  }
0x1c0: {  	v19 =	vld.idx.msk [tilespmem:v16+s17+$0x0], $0xffff;
	v21 =	vmin.u32 v21, $0x1F  }
0x1c1: {  	[tilespmem:s1+$0xFFFFFF90] =	vst v15  }
0x1c2: {  	v15 =	vld.idx.msk [tilespmem:v20+s17+$0x0], $0xffff;
	_ =	sdelay $0x1  }
0x1c3: {  	[tilespmem:s7+$0xFFFFFF10] =	vst v12  }
0x1c4: {  	[tilespmem:s14+$0x10] =	vst v19;
	v12 =	vld.idx.msk [tilespmem:v21+s16+$0x0], $0xffff  }
0x1c5: {  	v55 =	vld.idx.msk [tilespmem:v16+s18+$0x0], $0xffff  }
0x1c6: {  	[tilespmem:s1+$0x10] =	vst v15  }
0x1c7: {  	v15 =	vld.idx.msk [tilespmem:v20+s18+$0x0], $0xffff;
	_ =	sdelay $0x1  }
0x1c8: {  	[tilespmem:s7+$0xFFFFFF90] =	vst v12  }
0x1c9: {  	[tilespmem:s14+$0x90] =	vst v55;
	v12 =	vld.idx.msk [tilespmem:v21+s17+$0x0], $0xffff  }
0x1ca: {  	v16 =	vld [tilespmem:s19+$0x2A0]  }
0x1cb: {  	[tilespmem:s1+$0x90] =	vst v15  }
0x1cc: {  	v15 =	vld [tilespmem:s22+$0x2A0];
	_ =	sdelay $0x1  }
0x1cd: {  	[tilespmem:s7+$0x10] =	vst v12  }
0x1ce: {  	v56 =	vadd.f32 $1.000000000e+00, v16;
	v12 =	vld.idx.msk [tilespmem:v21+s18+$0x0], $0xffff;
	_ =	sdelay $0x1  }
0x1cf: {  	v19 =	vmul.f32 $5.000000000e-01, v56;
	v57 =	vadd.f32 $1.000000000e+00, v15  }
0x1d0: {  	v18 =	vadd.f32 $8.388608000e+06, v18  }
0x1d1: {  	v19 =	vmul.f32 $3.100000000e+01, v19;
	v20 =	vmul.f32 $5.000000000e-01, v57  }
0x1d2: {  	v18 =	vadd.f32 $-8.388608000e+06, v18;
	[tilespmem:s7+$0x90] =	vst v12  }
0x1d3: {  	v19 =	vadd.f32 $8.388608000e+06, v19;
	v20 =	vmul.f32 $3.100000000e+01, v20;
	v12 =	vld [tilespmem:s4+$0x2A0]  }
0x1d4: {  	v18 =	vtrunc.f32 v18  }
0x1d5: {  	v18 =	vcvt.f32.s32 v18;
	v19 =	vadd.f32 $-8.388608000e+06, v19;
	v20 =	vadd.f32 $8.388608000e+06, v20;
	_ =	sdelay $0x1  }
0x1d6: {  	vm8 =	vgt.s32 v18, $0x0;
	v19 =	vtrunc.f32 v19;
	v20 =	vadd.f32 $-8.388608000e+06, v20  }
0x1d7: {  	v18 =	vnsel vm8, $0x0, v18;
	v19 =	vcvt.f32.s32 v19;
	v58 =	vadd.f32 $1.000000000e+00, v12  }
0x1d8: {  	v18 =	vmin.u32 v18, $0x1F;
	v20 =	vtrunc.f32 v20  }
0x1d9: {  	vm9 =	vgt.s32 v19, $0x0;
	v20 =	vcvt.f32.s32 v20;
	v21 =	vmul.f32 $5.000000000e-01, v58  }
0x1da: {  	v19 =	vnsel vm9, $0x0, v19  }
0x1db: {  	v19 =	vmin.u32 v19, $0x1F;
	vm10 =	vgt.s32 v20, $0x0;
	v21 =	vmul.f32 $3.100000000e+01, v21  }
0x1dc: {  	[tilespmem:s24+$0xFFFFFF20] =	vst v11;
	v20 =	vnsel vm10, $0x0, v20  }
0x1dd: {  	v11 =	vld.idx.msk [tilespmem:v18+s16+$0x0], $0xffff;
	v20 =	vmin.u32 v20, $0x1F;
	v21 =	vadd.f32 $8.388608000e+06, v21;
	_ =	sdelay $0x1  }
0x1de: {  	[tilespmem:s14+$0xFFFFFF20] =	vst v16;
	v21 =	vadd.f32 $-8.388608000e+06, v21  }
0x1df: {  	v16 =	vld.idx.msk [tilespmem:v19+s16+$0x0], $0xffff  }
0x1e0: {  	[tilespmem:s1+$0xFFFFFF20] =	vst v15;
	v21 =	vtrunc.f32 v21  }
0x1e1: {  	[tilespmem:s24+$0xFFFFFFA0] =	vst v11;
	v15 =	vld.idx.msk [tilespmem:v20+s16+$0x0], $0xffff;
	v21 =	vcvt.f32.s32 v21  }
0x1e2: {  	v11 =	vld.idx.msk [tilespmem:v18+s17+$0x0], $0xffff  }
0x1e3: {  	vm11 =	vgt.s32 v21, $0x0  }
0x1e4: {  	[tilespmem:s14+$0xFFFFFFA0] =	vst v16;
	v21 =	vnsel vm11, $0x0, v21  }
0x1e5: {  	v16 =	vld.idx.msk [tilespmem:v19+s17+$0x0], $0xffff;
	v21 =	vmin.u32 v21, $0x1F  }
0x1e6: {  	[tilespmem:s1+$0xFFFFFFA0] =	vst v15  }
0x1e7: {  	[tilespmem:s24+$0x20] =	vst v11;
	v15 =	vld.idx.msk [tilespmem:v20+s17+$0x0], $0xffff  }
0x1e8: {  	v11 =	vld.idx.msk [tilespmem:v18+s18+$0x0], $0xffff  }
0x1e9: {  	[tilespmem:s7+$0xFFFFFF20] =	vst v12  }
0x1ea: {  	[tilespmem:s14+$0x20] =	vst v16;
	v12 =	vld.idx.msk [tilespmem:v21+s16+$0x0], $0xffff  }
0x1eb: {  	[tilespmem:s12+$0xA0] =	vst v17;
	v16 =	vld.idx.msk [tilespmem:v19+s18+$0x0], $0xffff  }
0x1ec: {  	v17 =	vld [tilespmem:s11+$0x2B0];
	[tilespmem:s1+$0x20] =	vst v15  }
0x1ed: {  	[tilespmem:s24+$0xA0] =	vst v11;
	v15 =	vld.idx.msk [tilespmem:v20+s18+$0x0], $0xffff  }
0x1ee: {  	v11 =	vld [tilespmem:s13+$0x2B0]  }
0x1ef: {  	[tilespmem:s7+$0xFFFFFFA0] =	vst v12  }
0x1f0: {  	[tilespmem:s14+$0xA0] =	vst v16;
	v12 =	vld.idx.msk [tilespmem:v21+s17+$0x0], $0xffff  }
0x1f1: {  	v16 =	vld [tilespmem:s19+$0x2B0]  }
0x1f2: {  	[tilespmem:s1+$0xA0] =	vst v15  }
0x1f3: {  	v59 =	vadd.f32 $1.000000000e+00, v17;
	v61 =	vadd.f32 $1.000000000e+00, v11;
	v15 =	vld [tilespmem:s22+$0x2B0];
	_ =	sdelay $0x1  }
0x1f4: {  	v19 =	vmul.f32 $5.000000000e-01, v61;
	[tilespmem:s7+$0x20] =	vst v12;
	v12 =	vmul.f32 $5.000000000e-01, v59  }
0x1f5: {  	v62 =	vadd.f32 $1.000000000e+00, v16  }
0x1f6: {  	v19 =	vmul.f32 $3.100000000e+01, v19;
	v12 =	vmul.f32 $3.100000000e+01, v12  }
0x1f7: {  	v20 =	vmul.f32 $5.000000000e-01, v62;
	v63 =	vadd.f32 $1.000000000e+00, v15;
	v60 =	vld.idx.msk [tilespmem:v21+s18+$0x0], $0xffff  }
0x1f8: {  	v24 =	vadd.f32 $8.388608000e+06, v19;
	v12 =	vadd.f32 $8.388608000e+06, v12  }
0x1f9: {  	v20 =	vmul.f32 $3.100000000e+01, v20;
	v21 =	vmul.f32 $5.000000000e-01, v63  }
0x1fa: {  	[tilespmem:s9+$0xFFFFFFB0] =	vst v14;
	v14 =	vadd.f32 $-8.388608000e+06, v24;
	v12 =	vadd.f32 $-8.388608000e+06, v12  }
0x1fb: {  	v20 =	vadd.f32 $8.388608000e+06, v20;
	v25 =	vmul.f32 $3.100000000e+01, v21  }
0x1fc: {  	v14 =	vtrunc.f32 v14;
	[tilespmem:s7+$0xA0] =	vst v60;
	v12 =	vtrunc.f32 v12  }
0x1fd: {  	v20 =	vadd.f32 $-8.388608000e+06, v20;
	v19 =	vadd.f32 $8.388608000e+06, v25;
	v18 =	vld [tilespmem:s4+$0x2B0];
	v12 =	vcvt.f32.s32 v12  }
0x1fe: {  	v14 =	vcvt.f32.s32 v14  }
0x1ff: {  	v27 =	vtrunc.f32 v20;
	v19 =	vadd.f32 $-8.388608000e+06, v19;
	vm12 =	vgt.s32 v12, $0x0  }
0x200: {  	[tilespmem:s12+$0xFFFFFF30] =	vst v17;
	vm13 =	vgt.s32 v14, $0x0;
	v17 =	vcvt.f32.s32 v27;
	v12 =	vnsel vm12, $0x0, v12  }
0x201: {  	v26 =	vld.idx.msk [tilespmem:v10+s17+$0x0], $0xffff;
	v14 =	vnsel vm13, $0x0, v14;
	v19 =	vtrunc.f32 v19;
	v12 =	vmin.u32 v12, $0x1F  }
0x202: {  	vm14 =	vgt.s32 v17, $0x0;
	v19 =	vcvt.f32.s32 v19;
	v22 =	vadd.f32 $1.000000000e+00, v18  }
0x203: {  	v14 =	vmin.u32 v14, $0x1F;
	v17 =	vnsel vm14, $0x0, v17  }
0x204: {  	v17 =	vmin.u32 v17, $0x1F;
	vm15 =	vgt.s32 v19, $0x0;
	v22 =	vmul.f32 $5.000000000e-01, v22  }
0x205: {  	v19 =	vnsel vm15, $0x0, v19  }
0x206: {  	[tilespmem:s9+$0x30] =	vst v26;
	v19 =	vmin.u32 v19, $0x1F;
	v22 =	vmul.f32 $3.100000000e+01, v22;
	v29 =	vld.idx.msk [tilespmem:v12+s16+$0x0], $0xffff  }
0x207: {  	v30 =	vld.idx.msk [tilespmem:v10+s18+$0x0], $0xffff;
	[tilespmem:s24+$0xFFFFFF30] =	vst v11  }
0x208: {  	[tilespmem:s14+$0xFFFFFF30] =	vst v16;
	v11 =	vld.idx.msk [tilespmem:v14+s16+$0x0], $0xffff;
	v22 =	vadd.f32 $8.388608000e+06, v22  }
0x209: {  	v16 =	vld.idx.msk [tilespmem:v17+s16+$0x0], $0xffff  }
0x20a: {  	[tilespmem:s1+$0xFFFFFF30] =	vst v15;
	v28 =	vadd.f32 $-8.388608000e+06, v22  }
0x20b: {  	v15 =	vld.idx.msk [tilespmem:v19+s16+$0x0], $0xffff;
	[tilespmem:s12+$0xFFFFFFB0] =	vst v29  }
0x20c: {  	[tilespmem:s9+$0xB0] =	vst v30;
	v20 =	vtrunc.f32 v28;
	v31 =	vld.idx.msk [tilespmem:v12+s17+$0x0], $0xffff  }
0x20d: {  	v32 =	vld [tilespmem:s23+$0x2C0];
	[tilespmem:s24+$0xFFFFFFB0] =	vst v11;
	v20 =	vcvt.f32.s32 v20  }
0x20e: {  	v36 =	vld.idx.msk [tilespmem:v14+s17+$0x0], $0xffff;
	[tilespmem:s14+$0xFFFFFFB0] =	vst v16  }
0x20f: {  	v16 =	vld.idx.msk [tilespmem:v17+s17+$0x0], $0xffff;
	vm4 =	vgt.s32 v20, $0x0  }
0x210: {  	[tilespmem:s1+$0xFFFFFFB0] =	vst v15;
	v20 =	vnsel vm4, $0x0, v20  }
0x211: {  	v15 =	vld.idx.msk [tilespmem:v19+s17+$0x0], $0xffff;
	v20 =	vmin.u32 v20, $0x1F;
	[tilespmem:s12+$0x30] =	vst v31  }
0x212: {  	v12 =	vld.idx.msk [tilespmem:v12+s18+$0x0], $0xffff  }
0x213: {  	[tilespmem:s24+$0x30] =	vst v36  }
0x214: {  	v34 =	vadd.f32 $1.000000000e+00, v32;
	v14 =	vld.idx.msk [tilespmem:v14+s18+$0x0], $0xffff;
	[tilespmem:s14+$0x30] =	vst v16  }
0x215: {  	[tilespmem:s7+$0xFFFFFF30] =	vst v18;
	v16 =	vld.idx.msk [tilespmem:v17+s18+$0x0], $0xffff  }
0x216: {  	v35 =	vmul.f32 $5.000000000e-01, v34;
	[tilespmem:s1+$0x30] =	vst v15;
	v33 =	vld.idx.msk [tilespmem:v20+s16+$0x0], $0xffff  }
0x217: {  	v13 =	vcvt.f32.s32 v13;
	v15 =	vld.idx.msk [tilespmem:v19+s18+$0x0], $0xffff;
	[tilespmem:s12+$0xB0] =	vst v12  }
0x218: {  	v11 =	vmul.f32 $3.100000000e+01, v35;
	v12 =	vld [tilespmem:s11+$0x2C0]  }
0x219: {  	vm5 =	vgt.s32 v13, $0x0;
	[tilespmem:s24+$0xB0] =	vst v14  }
0x21a: {  	v13 =	vnsel vm5, $0x0, v13;
	v11 =	vadd.f32 $8.388608000e+06, v11;
	v14 =	vld [tilespmem:s13+$0x2C0];
	[tilespmem:s14+$0xB0] =	vst v16  }
0x21b: {  	v13 =	vmin.u32 v13, $0x1F;
	v16 =	vld [tilespmem:s19+$0x2C0];
	[tilespmem:s7+$0xFFFFFFB0] =	vst v33  }
0x21c: {  	v11 =	vadd.f32 $-8.388608000e+06, v11;
	[tilespmem:s1+$0xB0] =	vst v15;
	v10 =	vld.idx.msk [tilespmem:v20+s17+$0x0], $0xffff  }
0x21d: {  	v15 =	vld [tilespmem:s22+$0x2C0];
	v38 =	vadd.f32 $1.000000000e+00, v12  }
0x21e: {  	v11 =	vtrunc.f32 v11  }
0x21f: {  	[tilespmem:s2+$0xFFFFFF40] =	vst v8;
	v37 =	vcvt.f32.s32 v11;
	v43 =	vadd.f32 $1.000000000e+00, v14;
	v11 =	vmul.f32 $5.000000000e-01, v38  }
0x220: {  	v42 =	vld.idx.msk [tilespmem:v13+s16+$0x0], $0xffff;
	v45 =	vadd.f32 $1.000000000e+00, v16  }
0x221: {  	v18 =	vmul.f32 $5.000000000e-01, v43;
	[tilespmem:s7+$0x30] =	vst v10;
	v11 =	vmul.f32 $3.100000000e+01, v11  }
0x222: {  	v46 =	vadd.f32 $1.000000000e+00, v15;
	v39 =	vld.idx.msk [tilespmem:v20+s18+$0x0], $0xffff;
	v20 =	vmul.f32 $5.000000000e-01, v45  }
0x223: {  	v48 =	vmul.f32 $3.100000000e+01, v18;
	v40 =	vadd.f32 $8.388608000e+06, v11  }
0x224: {  	v49 =	vmul.f32 $5.000000000e-01, v46;
	v20 =	vmul.f32 $3.100000000e+01, v20  }
0x225: {  	[tilespmem:s2+$0xFFFFFFC0] =	vst v42;
	vm6 =	vgt.s32 v37, $0x0;
	v17 =	vadd.f32 $8.388608000e+06, v48;
	v8 =	vadd.f32 $-8.388608000e+06, v40  }
0x226: {  	v50 =	vld.idx.msk [tilespmem:v13+s17+$0x0], $0xffff;
	v10 =	vnsel vm6, $0x0, v37;
	v18 =	vmul.f32 $3.100000000e+01, v49;
	v20 =	vadd.f32 $8.388608000e+06, v20  }
0x227: {  	v17 =	vadd.f32 $-8.388608000e+06, v17;
	v10 =	vmin.u32 v10, $0x1F;
	[tilespmem:s7+$0xB0] =	vst v39;
	v8 =	vtrunc.f32 v8  }
0x228: {  	v18 =	vadd.f32 $8.388608000e+06, v18;
	v41 =	vld [tilespmem:s4+$0x2C0];
	v20 =	vadd.f32 $-8.388608000e+06, v20;
	v8 =	vcvt.f32.s32 v8  }
0x229: {  	v17 =	vtrunc.f32 v17  }
0x22a: {  	v18 =	vadd.f32 $-8.388608000e+06, v18;
	v52 =	vtrunc.f32 v20;
	vm7 =	vgt.s32 v8, $0x0  }
0x22b: {  	[tilespmem:s2+$0x40] =	vst v50;
	v51 =	vcvt.f32.s32 v17;
	v17 =	vcvt.f32.s32 v52;
	v8 =	vnsel vm7, $0x0, v8  }
0x22c: {  	[tilespmem:s9+$0xFFFFFF40] =	vst v32;
	v13 =	vld.idx.msk [tilespmem:v13+s18+$0x0], $0xffff;
	v18 =	vtrunc.f32 v18;
	v8 =	vmin.u32 v8, $0x1F  }
0x22d: {  	v44 =	vld.idx.msk [tilespmem:v10+s16+$0x0], $0xffff;
	v18 =	vcvt.f32.s32 v18;
	v47 =	vadd.f32 $1.000000000e+00, v41;
	vm9 =	vgt.s32 v17, $0x0  }
0x22e: {  	v17 =	vnsel vm9, $0x0, v17  }
0x22f: {  	vm10 =	vgt.s32 v18, $0x0;
	v22 =	vmul.f32 $5.000000000e-01, v47;
	v55 =	vmin.u32 v17, $0x1F  }
0x230: {  	[tilespmem:s12+$0xFFFFFF40] =	vst v12;
	v56 =	vnsel vm10, $0x0, v18  }
0x231: {  	[tilespmem:s2+$0xC0] =	vst v13;
	vm8 =	vgt.s32 v51, $0x0;
	v17 =	vmin.u32 v56, $0x1F;
	v22 =	vmul.f32 $3.100000000e+01, v22;
	v54 =	vld.idx.msk [tilespmem:v8+s16+$0x0], $0xffff  }
0x232: {  	v21 =	vld [tilespmem:s8+$0x2D0];
	v12 =	vnsel vm8, $0x0, v51;
	[tilespmem:s9+$0xFFFFFFC0] =	vst v44  }
0x233: {  	[tilespmem:s14+$0xFFFFFF40] =	vst v16;
	v12 =	vmin.u32 v12, $0x1F;
	v19 =	vld.idx.msk [tilespmem:v10+s17+$0x0], $0xffff;
	v22 =	vadd.f32 $8.388608000e+06, v22  }
0x234: {  	v62 =	vld.idx.msk [tilespmem:v55+s16+$0x0], $0xffff  }
0x235: {  	[tilespmem:s1+$0xFFFFFF40] =	vst v15;
	v53 =	vadd.f32 $-8.388608000e+06, v22  }
0x236: {  	v25 =	vld.idx.msk [tilespmem:v17+s16+$0x0], $0xffff;
	[tilespmem:s12+$0xFFFFFFC0] =	vst v54  }
0x237: {  	[tilespmem:s24+$0xFFFFFF40] =	vst v14;
	v20 =	vtrunc.f32 v53;
	v59 =	vld.idx.msk [tilespmem:v8+s17+$0x0], $0xffff  }
0x238: {  	v24 =	vadd.f32 $1.000000000e+00, v21;
	v14 =	vld.idx.msk [tilespmem:v12+s16+$0x0], $0xffff;
	[tilespmem:s9+$0x40] =	vst v19;
	v20 =	vcvt.f32.s32 v20  }
0x239: {  	v10 =	vld.idx.msk [tilespmem:v10+s18+$0x0], $0xffff;
	[tilespmem:s14+$0xFFFFFFC0] =	vst v62  }
0x23a: {  	v23 =	vadd.f32 $1.000000000e+00, v7;
	[tilespmem:s0+$0xFFFFFF50] =	vst v7;
	v27 =	vmul.f32 $5.000000000e-01, v24;
	vm11 =	vgt.s32 v20, $0x0;
	v30 =	vld.idx.msk [tilespmem:v55+s17+$0x0], $0xffff  }
0x23b: {  	[tilespmem:s1+$0xFFFFFFC0] =	vst v25;
	v58 =	vnsel vm11, $0x0, v20  }
0x23c: {  	v23 =	vmul.f32 $5.000000000e-01, v23;
	v11 =	vmul.f32 $3.100000000e+01, v27;
	v31 =	vld.idx.msk [tilespmem:v17+s17+$0x0], $0xffff;
	v19 =	vmin.u32 v58, $0x1F;
	[tilespmem:s12+$0x40] =	vst v59  }
0x23d: {  	[tilespmem:s24+$0xFFFFFFC0] =	vst v14;
	v8 =	vld.idx.msk [tilespmem:v8+s18+$0x0], $0xffff  }
0x23e: {  	v23 =	vmul.f32 $3.100000000e+01, v23;
	v11 =	vadd.f32 $8.388608000e+06, v11;
	v29 =	vld.idx.msk [tilespmem:v12+s17+$0x0], $0xffff;
	[tilespmem:s9+$0xC0] =	vst v10  }
0x23f: {  	v60 =	vld [tilespmem:s23+$0x2D0];
	[tilespmem:s14+$0x40] =	vst v30  }
0x240: {  	v57 =	vadd.f32 $8.388608000e+06, v23;
	v34 =	vadd.f32 $-8.388608000e+06, v11;
	[tilespmem:s7+$0xFFFFFF40] =	vst v41;
	v13 =	vld.idx.msk [tilespmem:v55+s18+$0x0], $0xffff  }
0x241: {  	[tilespmem:s1+$0x40] =	vst v31;
	v26 =	vld.idx.msk [tilespmem:v19+s16+$0x0], $0xffff  }
0x242: {  	v7 =	vtrunc.f32 v34;
	v18 =	vadd.f32 $-8.388608000e+06, v57;
	v37 =	vld.idx.msk [tilespmem:v17+s18+$0x0], $0xffff;
	[tilespmem:s12+$0xC0] =	vst v8  }
0x243: {  	v7 =	vcvt.f32.s32 v7;
	[tilespmem:s24+$0x40] =	vst v29;
	v35 =	vld [tilespmem:s11+$0x2D0]  }
0x244: {  	v61 =	vtrunc.f32 v18;
	v12 =	vld.idx.msk [tilespmem:v12+s18+$0x0], $0xffff;
	v32 =	vadd.f32 $1.000000000e+00, v60  }
0x245: {  	vm13 =	vgt.s32 v7, $0x0;
	v63 =	vcvt.f32.s32 v61  }
0x246: {  	v7 =	vnsel vm13, $0x0, v7;
	v10 =	vmul.f32 $5.000000000e-01, v32;
	[tilespmem:s7+$0xFFFFFFC0] =	vst v26  }
0x247: {  	v7 =	vmin.u32 v7, $0x1F;
	vm12 =	vgt.s32 v63, $0x0;
	[tilespmem:s14+$0xC0] =	vst v13;
	v33 =	vld.idx.msk [tilespmem:v19+s17+$0x0], $0xffff  }
0x248: {  	v15 =	vnsel vm12, $0x0, v63;
	v10 =	vmul.f32 $3.100000000e+01, v10;
	[tilespmem:s1+$0xC0] =	vst v37;
	v13 =	vld [tilespmem:s19+$0x2D0];
	v39 =	vadd.f32 $1.000000000e+00, v35  }
0x249: {  	v28 =	vmin.u32 v15, $0x1F;
	[tilespmem:s24+$0xC0] =	vst v12;
	v15 =	vld [tilespmem:s22+$0x2D0]  }
0x24a: {  	v12 =	vld [tilespmem:s13+$0x2D0];
	v38 =	vadd.f32 $8.388608000e+06, v10;
	v10 =	vmul.f32 $5.000000000e-01, v39  }
0x24b: {  	[tilespmem:s2+$0xFFFFFF50] =	vst v21  }
0x24c: {  	v42 =	vld.idx.msk [tilespmem:v7+s16+$0x0], $0xffff;
	[tilespmem:s7+$0x40] =	vst v33;
	v10 =	vmul.f32 $3.100000000e+01, v10  }
0x24d: {  	v8 =	vadd.f32 $-8.388608000e+06, v38;
	v45 =	vadd.f32 $1.000000000e+00, v13;
	v40 =	vld.idx.msk [tilespmem:v19+s18+$0x0], $0xffff  }
0x24e: {  	v36 =	vld.idx.msk [tilespmem:v28+s16+$0x0], $0xffff;
	v46 =	vadd.f32 $1.000000000e+00, v15;
	v10 =	vadd.f32 $8.388608000e+06, v10  }
0x24f: {  	v44 =	vadd.f32 $1.000000000e+00, v12;
	v8 =	vtrunc.f32 v8;
	v47 =	vmul.f32 $5.000000000e-01, v45  }
0x250: {  	[tilespmem:s30+$0x50] =	vst v9;
	v8 =	vcvt.f32.s32 v8;
	v49 =	vmul.f32 $5.000000000e-01, v46;
	v43 =	vadd.f32 $-8.388608000e+06, v10  }
0x251: {  	[tilespmem:s2+$0xFFFFFFD0] =	vst v42;
	v17 =	vmul.f32 $3.100000000e+01, v47;
	v10 =	vmul.f32 $5.000000000e-01, v44  }
0x252: {  	v50 =	vld.idx.msk [tilespmem:v7+s17+$0x0], $0xffff;
	v18 =	vmul.f32 $3.100000000e+01, v49;
	[tilespmem:s7+$0xC0] =	vst v40;
	v9 =	vtrunc.f32 v43  }
0x253: {  	[tilespmem:s0+$0xFFFFFFD0] =	vst v36;
	vm14 =	vgt.s32 v8, $0x0;
	v16 =	vld [tilespmem:s4+$0x2D0];
	v10 =	vmul.f32 $3.100000000e+01, v10;
	v9 =	vcvt.f32.s32 v9  }
0x254: {  	v41 =	vld.idx.msk [tilespmem:v28+s17+$0x0], $0xffff;
	v8 =	vnsel vm14, $0x0, v8;
	v17 =	vadd.f32 $8.388608000e+06, v17  }
0x255: {  	v18 =	vadd.f32 $8.388608000e+06, v18;
	v10 =	vadd.f32 $8.388608000e+06, v10;
	vm15 =	vgt.s32 v9, $0x0  }
0x256: {  	v8 =	vmin.u32 v8, $0x1F;
	v53 =	vadd.f32 $-8.388608000e+06, v17;
	v9 =	vnsel vm15, $0x0, v9  }
0x257: {  	v18 =	vadd.f32 $-8.388608000e+06, v18;
	v10 =	vadd.f32 $-8.388608000e+06, v10;
	v9 =	vmin.u32 v9, $0x1F  }
0x258: {  	v6 =	vld.idx.msk [tilespmem:v6+s18+$0x0], $0xffff;
	[tilespmem:s2+$0x50] =	vst v50;
	v57 =	vtrunc.f32 v53;
	v48 =	vadd.f32 $1.000000000e+00, v16  }
0x259: {  	v7 =	vld.idx.msk [tilespmem:v7+s18+$0x0], $0xffff;
	[tilespmem:s0+$0x50] =	vst v41;
	v61 =	vtrunc.f32 v18;
	v10 =	vtrunc.f32 v10  }
0x25a: {  	[tilespmem:s9+$0xFFFFFF50] =	vst v60;
	v14 =	vld.idx.msk [tilespmem:v28+s18+$0x0], $0xffff;
	v19 =	vmul.f32 $5.000000000e-01, v48;
	v56 =	vcvt.f32.s32 v10  }
0x25b: {  	[tilespmem:s12+$0xFFFFFF50] =	vst v35;
	v51 =	vld.idx.msk [tilespmem:v8+s16+$0x0], $0xffff;
	v11 =	vcvt.f32.s32 v61;
	v10 =	vcvt.f32.s32 v57  }
0x25c: {  	v19 =	vmul.f32 $3.100000000e+01, v19;
	vm4 =	vgt.s32 v56, $0x0;
	v62 =	vld.idx.msk [tilespmem:v9+s16+$0x0], $0xffff  }
0x25d: {  	[tilespmem:s30+$0xD0] =	vst v6;
	vm6 =	vgt.s32 v11, $0x0;
	vm5 =	vgt.s32 v10, $0x0;
	v6 =	vnsel vm4, $0x0, v56  }
0x25e: {  	v52 =	vld [tilespmem:s3+$0x2E0];
	[tilespmem:s2+$0xD0] =	vst v7;
	v54 =	vadd.f32 $8.388608000e+06, v19;
	v10 =	vnsel vm5, $0x0, v10;
	v6 =	vmin.u32 v6, $0x1F  }
0x25f: {  	v26 =	vld [tilespmem:s8+$0x2E0];
	[tilespmem:s0+$0xD0] =	vst v14;
	v24 =	vnsel vm6, $0x0, v11;
	v63 =	vmin.u32 v10, $0x1F  }
0x260: {  	v55 =	vld [tilespmem:s10+$0x2E0];
	[tilespmem:s9+$0xFFFFFFD0] =	vst v51;
	v10 =	vmin.u32 v24, $0x1F;
	v58 =	vadd.f32 $-8.388608000e+06, v54  }
0x261: {  	v60 =	vld.idx.msk [tilespmem:v8+s17+$0x0], $0xffff;
	[tilespmem:s12+$0xFFFFFFD0] =	vst v62  }
0x262: {  	[tilespmem:s24+$0xFFFFFF50] =	vst v12;
	v14 =	vtrunc.f32 v58;
	v18 =	vld.idx.msk [tilespmem:v9+s17+$0x0], $0xffff  }
0x263: {  	[tilespmem:s14+$0xFFFFFF50] =	vst v13;
	v14 =	vcvt.f32.s32 v14;
	v28 =	vld.idx.msk [tilespmem:v6+s16+$0x0], $0xffff  }
0x264: {  	[tilespmem:s1+$0xFFFFFF50] =	vst v15;
	v13 =	vld.idx.msk [tilespmem:v63+s16+$0x0], $0xffff  }
0x265: {  	v59 =	vadd.f32 $1.000000000e+00, v52;
	v30 =	vld.idx.msk [tilespmem:v10+s16+$0x0], $0xffff;
	vm7 =	vgt.s32 v14, $0x0  }
0x266: {  	v25 =	vadd.f32 $1.000000000e+00, v55;
	[tilespmem:s9+$0x50] =	vst v60;
	v14 =	vnsel vm7, $0x0, v14  }
0x267: {  	v29 =	vadd.f32 $1.000000000e+00, v26;
	v17 =	vmul.f32 $5.000000000e-01, v59;
	v8 =	vld.idx.msk [tilespmem:v8+s18+$0x0], $0xffff;
	v14 =	vmin.u32 v14, $0x1F;
	[tilespmem:s12+$0x50] =	vst v18  }
0x268: {  	v11 =	vmul.f32 $5.000000000e-01, v25;
	[tilespmem:s24+$0xFFFFFFD0] =	vst v28;
	v9 =	vld.idx.msk [tilespmem:v9+s18+$0x0], $0xffff  }
0x269: {  	v15 =	vmul.f32 $5.000000000e-01, v29;
	v27 =	vmul.f32 $3.100000000e+01, v17;
	[tilespmem:s14+$0xFFFFFFD0] =	vst v13;
	v17 =	vld.idx.msk [tilespmem:v6+s17+$0x0], $0xffff  }
0x26a: {  	v11 =	vmul.f32 $3.100000000e+01, v11;
	[tilespmem:s1+$0xFFFFFFD0] =	vst v30;
	v13 =	vld.idx.msk [tilespmem:v63+s17+$0x0], $0xffff  }
0x26b: {  	v15 =	vmul.f32 $3.100000000e+01, v15;
	v12 =	vadd.f32 $8.388608000e+06, v27;
	[tilespmem:s7+$0xFFFFFF50] =	vst v16;
	v33 =	vld.idx.msk [tilespmem:v10+s17+$0x0], $0xffff  }
0x26c: {  	v11 =	vadd.f32 $8.388608000e+06, v11;
	[tilespmem:s9+$0xD0] =	vst v8;
	v31 =	vld.idx.msk [tilespmem:v14+s16+$0x0], $0xffff  }
0x26d: {  	v15 =	vadd.f32 $8.388608000e+06, v15;
	v12 =	vadd.f32 $-8.388608000e+06, v12;
	v32 =	vld [tilespmem:s23+$0x2E0];
	[tilespmem:s12+$0xD0] =	vst v9  }
0x26e: {  	v11 =	vadd.f32 $-8.388608000e+06, v11;
	[tilespmem:s24+$0x50] =	vst v17;
	v37 =	vld [tilespmem:s11+$0x2E0]  }
0x26f: {  	v15 =	vadd.f32 $-8.388608000e+06, v15;
	v12 =	vtrunc.f32 v12;
	[tilespmem:s14+$0x50] =	vst v13;
	v6 =	vld.idx.msk [tilespmem:v6+s18+$0x0], $0xffff  }
0x270: {  	v12 =	vcvt.f32.s32 v12;
	v11 =	vtrunc.f32 v11;
	[tilespmem:s1+$0x50] =	vst v33;
	v7 =	vld.idx.msk [tilespmem:v63+s18+$0x0], $0xffff  }
0x271: {  	v15 =	vtrunc.f32 v15;
	v11 =	vcvt.f32.s32 v11;
	v10 =	vld.idx.msk [tilespmem:v10+s18+$0x0], $0xffff;
	[tilespmem:s7+$0xFFFFFFD0] =	vst v31  }
0x272: {  	[tilespmem:s29+$0xFFFFFF60] =	vst v3;
	v5 =	vmul.f32 $3.100000000e+01, v5;
	v38 =	vcvt.f32.s32 v15;
	vm8 =	vgt.s32 v12, $0x0;
	v3 =	vld.idx.msk [tilespmem:v14+s17+$0x0], $0xffff  }
0x273: {  	v12 =	vnsel vm8, $0x0, v12;
	vm9 =	vgt.s32 v11, $0x0;
	v36 =	vadd.f32 $1.000000000e+00, v32  }
0x274: {  	v34 =	vld.idx.msk [tilespmem:v4+s16+$0x0], $0xffff;
	vm10 =	vgt.s32 v38, $0x0;
	v35 =	vmin.u32 v12, $0x1F;
	v11 =	vnsel vm9, $0x0, v11;
	[tilespmem:s24+$0xD0] =	vst v6  }
0x275: {  	v11 =	vmin.u32 v11, $0x1F;
	v12 =	vmul.f32 $5.000000000e-01, v36;
	v13 =	vnsel vm10, $0x0, v38;
	[tilespmem:s14+$0xD0] =	vst v7;
	v6 =	vld [tilespmem:s13+$0x2E0]  }
0x276: {  	v13 =	vmin.u32 v13, $0x1F;
	[tilespmem:s1+$0xD0] =	vst v10;
	v43 =	vld [tilespmem:s19+$0x2E0]  }
0x277: {  	v5 =	vadd.f32 $8.388608000e+06, v5;
	v42 =	vadd.f32 $1.000000000e+00, v37;
	v10 =	vld [tilespmem:s22+$0x2E0];
	[tilespmem:s7+$0x50] =	vst v3;
	v3 =	vmul.f32 $3.100000000e+01, v12  }
0x278: {  	[tilespmem:s30+$0xFFFFFF60] =	vst v52;
	v39 =	vld.idx.msk [tilespmem:v14+s18+$0x0], $0xffff  }
0x279: {  	v5 =	vadd.f32 $-8.388608000e+06, v5;
	[tilespmem:s0+$0xFFFFFF60] =	vst v55;
	v40 =	vld.idx.msk [tilespmem:v35+s16+$0x0], $0xffff;
	v7 =	vmul.f32 $5.000000000e-01, v42;
	v3 =	vadd.f32 $8.388608000e+06, v3  }
0x27a: {  	[tilespmem:s2+$0xFFFFFF60] =	vst v26;
	v41 =	vld.idx.msk [tilespmem:v11+s16+$0x0], $0xffff  }
0x27b: {  	v5 =	vtrunc.f32 v5;
	v44 =	vld.idx.msk [tilespmem:v13+s16+$0x0], $0xffff;
	v7 =	vmul.f32 $3.100000000e+01, v7;
	v3 =	vadd.f32 $-8.388608000e+06, v3  }
0x27c: {  	v5 =	vcvt.f32.s32 v5;
	[tilespmem:s29+$0xFFFFFFE0] =	vst v34;
	v45 =	vadd.f32 $1.000000000e+00, v6;
	v46 =	vadd.f32 $1.000000000e+00, v43  }
0x27d: {  	v47 =	vld.idx.msk [tilespmem:v4+s17+$0x0], $0xffff;
	v7 =	vadd.f32 $8.388608000e+06, v7;
	v49 =	vadd.f32 $1.000000000e+00, v10;
	[tilespmem:s7+$0xD0] =	vst v39;
	v3 =	vtrunc.f32 v3  }
0x27e: {  	[tilespmem:s30+$0xFFFFFFE0] =	vst v40;
	v48 =	vmul.f32 $5.000000000e-01, v45;
	v8 =	vmul.f32 $5.000000000e-01, v46;
	v12 =	vld [tilespmem:s4+$0x2E0]  }
0x27f: {  	v50 =	vld.idx.msk [tilespmem:v35+s17+$0x0], $0xffff;
	[tilespmem:s0+$0xFFFFFFE0] =	vst v41;
	v7 =	vadd.f32 $-8.388608000e+06, v7;
	v53 =	vmul.f32 $5.000000000e-01, v49;
	v3 =	vcvt.f32.s32 v3  }
0x280: {  	v52 =	vld.idx.msk [tilespmem:v11+s17+$0x0], $0xffff;
	[tilespmem:s2+$0xFFFFFFE0] =	vst v44;
	v14 =	vmul.f32 $3.100000000e+01, v48;
	v8 =	vmul.f32 $3.100000000e+01, v8  }
0x281: {  	v54 =	vld.idx.msk [tilespmem:v13+s17+$0x0], $0xffff;
	v7 =	vtrunc.f32 v7;
	v18 =	vmul.f32 $3.100000000e+01, v53  }
0x282: {  	vm11 =	vgt.s32 v3, $0x0;
	v14 =	vadd.f32 $8.388608000e+06, v14;
	v8 =	vadd.f32 $8.388608000e+06, v8  }
0x283: {  	[tilespmem:s29+$0x60] =	vst v47;
	v3 =	vnsel vm11, $0x0, v3;
	v18 =	vadd.f32 $8.388608000e+06, v18;
	v51 =	vadd.f32 $1.000000000e+00, v12  }
0x284: {  	v55 =	vld.idx.msk [tilespmem:v4+s18+$0x0], $0xffff;
	[tilespmem:s30+$0x60] =	vst v50;
	v3 =	vmin.u32 v3, $0x1F;
	v14 =	vadd.f32 $-8.388608000e+06, v14;
	v8 =	vadd.f32 $-8.388608000e+06, v8  }
0x285: {  	v9 =	vld.idx.msk [tilespmem:v35+s18+$0x0], $0xffff;
	[tilespmem:s0+$0x60] =	vst v52;
	v7 =	vcvt.f32.s32 v7;
	v18 =	vadd.f32 $-8.388608000e+06, v18;
	v15 =	vmul.f32 $5.000000000e-01, v51  }
0x286: {  	vm5 =	vgt.s32 v5, $0x0;
	v11 =	vld.idx.msk [tilespmem:v11+s18+$0x0], $0xffff;
	[tilespmem:s2+$0x60] =	vst v54;
	v14 =	vtrunc.f32 v14;
	v8 =	vtrunc.f32 v8  }
0x287: {  	[tilespmem:s28+$0xFFFFFF70] =	vst v1;
	v13 =	vld.idx.msk [tilespmem:v13+s18+$0x0], $0xffff;
	vm12 =	vgt.s32 v7, $0x0;
	v18 =	vtrunc.f32 v18;
	v14 =	vcvt.f32.s32 v14  }
0x288: {  	[tilespmem:s9+$0xFFFFFF60] =	vst v32;
	v7 =	vnsel vm12, $0x0, v7;
	v8 =	vcvt.f32.s32 v8;
	v15 =	vmul.f32 $3.100000000e+01, v15  }
0x289: {  	[tilespmem:s29+$0xE0] =	vst v55;
	v7 =	vmin.u32 v7, $0x1F;
	v56 =	vcvt.f32.s32 v18;
	v16 =	vld.idx.msk [tilespmem:v3+s16+$0x0], $0xffff;
	vm13 =	vgt.s32 v14, $0x0  }
0x28a: {  	v57 =	vld [tilespmem:s5+$0x2F0];
	[tilespmem:s30+$0xE0] =	vst v9;
	vm14 =	vgt.s32 v8, $0x0;
	v15 =	vadd.f32 $8.388608000e+06, v15;
	v58 =	vnsel vm13, $0x0, v14  }
0x28b: {  	v5 =	vnsel vm5, $0x0, v5;
	v60 =	vld [tilespmem:s3+$0x2F0];
	[tilespmem:s0+$0xE0] =	vst v11;
	v8 =	vnsel vm14, $0x0, v8;
	v9 =	vmin.u32 v58, $0x1F  }
0x28c: {  	v11 =	vld [tilespmem:s10+$0x2F0];
	[tilespmem:s2+$0xE0] =	vst v13;
	vm15 =	vgt.s32 v56, $0x0;
	v8 =	vmin.u32 v8, $0x1F;
	v15 =	vadd.f32 $-8.388608000e+06, v15  }
0x28d: {  	v5 =	vmin.u32 v5, $0x1F;
	[tilespmem:s12+$0xFFFFFF60] =	vst v37;
	v13 =	vld [tilespmem:s8+$0x2F0];
	v4 =	vnsel vm15, $0x0, v56  }
0x28e: {  	v61 =	vld.idx.msk [tilespmem:v7+s16+$0x0], $0xffff;
	v4 =	vmin.u32 v4, $0x1F;
	[tilespmem:s9+$0xFFFFFFE0] =	vst v16;
	v15 =	vtrunc.f32 v15  }
0x28f: {  	[tilespmem:s24+$0xFFFFFF60] =	vst v6;
	v16 =	vld.idx.msk [tilespmem:v3+s17+$0x0], $0xffff;
	v59 =	vcvt.f32.s32 v15  }
0x290: {  	[tilespmem:s14+$0xFFFFFF60] =	vst v43;
	v6 =	vld.idx.msk [tilespmem:v9+s16+$0x0], $0xffff  }
0x291: {  	[tilespmem:s1+$0xFFFFFF60] =	vst v10;
	v63 =	vld.idx.msk [tilespmem:v8+s16+$0x0], $0xffff;
	vm4 =	vgt.s32 v59, $0x0  }
0x292: {  	v62 =	vadd.f32 $1.000000000e+00, v57;
	v35 =	vld.idx.msk [tilespmem:v5+s16+$0x0], $0xffff;
	[tilespmem:s7+$0xFFFFFF60] =	vst v12;
	v14 =	vnsel vm4, $0x0, v59  }
0x293: {  	v23 =	vadd.f32 $1.000000000e+00, v60;
	[tilespmem:s12+$0xFFFFFFE0] =	vst v61;
	v10 =	vld.idx.msk [tilespmem:v4+s16+$0x0], $0xffff;
	v14 =	vmin.u32 v14, $0x1F  }
0x294: {  	v22 =	vmul.f32 $5.000000000e-01, v62;
	v25 =	vadd.f32 $1.000000000e+00, v11;
	v21 =	vld.idx.msk [tilespmem:v7+s17+$0x0], $0xffff;
	[tilespmem:s9+$0x60] =	vst v16  }
0x295: {  	v17 =	vmul.f32 $5.000000000e-01, v23;
	v26 =	vadd.f32 $1.000000000e+00, v13;
	v3 =	vld.idx.msk [tilespmem:v3+s18+$0x0], $0xffff;
	[tilespmem:s24+$0xFFFFFFE0] =	vst v6  }
0x296: {  	v12 =	vmul.f32 $3.100000000e+01, v22;
	v19 =	vmul.f32 $5.000000000e-01, v25;
	[tilespmem:s14+$0xFFFFFFE0] =	vst v63;
	v27 =	vld.idx.msk [tilespmem:v9+s17+$0x0], $0xffff  }
0x297: {  	v17 =	vmul.f32 $3.100000000e+01, v17;
	v6 =	vmul.f32 $5.000000000e-01, v26;
	v20 =	vld.idx.msk [tilespmem:v8+s17+$0x0], $0xffff  }
0x298: {  	v12 =	vadd.f32 $8.388608000e+06, v12;
	v29 =	vmul.f32 $3.100000000e+01, v19;
	[tilespmem:s1+$0xFFFFFFE0] =	vst v10;
	v24 =	vld.idx.msk [tilespmem:v14+s16+$0x0], $0xffff  }
0x299: {  	v28 =	vadd.f32 $8.388608000e+06, v17;
	[tilespmem:s12+$0x60] =	vst v21;
	v10 =	vld.idx.msk [tilespmem:v4+s17+$0x0], $0xffff;
	v6 =	vmul.f32 $3.100000000e+01, v6  }
0x29a: {  	v12 =	vadd.f32 $-8.388608000e+06, v12;
	v17 =	vadd.f32 $8.388608000e+06, v29;
	v7 =	vld.idx.msk [tilespmem:v7+s18+$0x0], $0xffff;
	[tilespmem:s9+$0xE0] =	vst v3  }
0x29b: {  	v16 =	vadd.f32 $-8.388608000e+06, v28;
	v6 =	vadd.f32 $8.388608000e+06, v6;
	v3 =	vld [tilespmem:s23+$0x2F0];
	[tilespmem:s24+$0x60] =	vst v27  }
0x29c: {  	v12 =	vtrunc.f32 v12;
	v17 =	vadd.f32 $-8.388608000e+06, v17;
	[tilespmem:s14+$0x60] =	vst v20;
	v9 =	vld.idx.msk [tilespmem:v9+s18+$0x0], $0xffff  }
0x29d: {  	v12 =	vcvt.f32.s32 v12;
	v16 =	vtrunc.f32 v16;
	v6 =	vadd.f32 $-8.388608000e+06, v6;
	v8 =	vld.idx.msk [tilespmem:v8+s18+$0x0], $0xffff;
	[tilespmem:s7+$0xFFFFFFE0] =	vst v24  }
0x29e: {  	v32 =	vtrunc.f32 v17;
	v31 =	vcvt.f32.s32 v16;
	[tilespmem:s1+$0x60] =	vst v10;
	v30 =	vld.idx.msk [tilespmem:v14+s17+$0x0], $0xffff  }
0x29f: {  	v16 =	vcvt.f32.s32 v32;
	[tilespmem:s12+$0xE0] =	vst v7;
	v4 =	vld.idx.msk [tilespmem:v4+s18+$0x0], $0xffff;
	v6 =	vtrunc.f32 v6  }
0x2a0: {  	vm6 =	vgt.s32 v12, $0x0;
	v7 =	vld [tilespmem:s11+$0x2F0];
	v6 =	vcvt.f32.s32 v6  }
0x2a1: {  	[tilespmem:s28+$0xFFFFFFF0] =	vst v35;
	v12 =	vnsel vm6, $0x0, v12;
	vm8 =	vgt.s32 v16, $0x0;
	v33 =	vadd.f32 $1.000000000e+00, v3  }
0x2a2: {  	v41 =	vld.idx.msk [tilespmem:v5+s17+$0x0], $0xffff;
	v12 =	vmin.u32 v12, $0x1F;
	v16 =	vnsel vm8, $0x0, v16;
	vm9 =	vgt.s32 v6, $0x0;
	[tilespmem:s24+$0xE0] =	vst v9  }
0x2a3: {  	v16 =	vmin.u32 v16, $0x1F;
	v17 =	vmul.f32 $5.000000000e-01, v33;
	v6 =	vnsel vm9, $0x0, v6;
	v9 =	vld [tilespmem:s13+$0x2F0];
	[tilespmem:s7+$0x60] =	vst v30  }
0x2a4: {  	[tilespmem:s14+$0xE0] =	vst v8;
	v1 =	vmin.u32 v6, $0x1F;
	v14 =	vld.idx.msk [tilespmem:v14+s18+$0x0], $0xffff  }
0x2a5: {  	vm7 =	vgt.s32 v31, $0x0;
	[tilespmem:s1+$0xE0] =	vst v4;
	v36 =	vadd.f32 $1.000000000e+00, v7;
	v8 =	vld [tilespmem:s19+$0x2F0];
	v34 =	vmul.f32 $3.100000000e+01, v17  }
0x2a6: {  	[tilespmem:s29+$0xFFFFFF70] =	vst v57;
	v10 =	vnsel vm7, $0x0, v31;
	v4 =	vld [tilespmem:s22+$0x2F0]  }
0x2a7: {  	[tilespmem:s0+$0xFFFFFF70] =	vst v11;
	v18 =	vld.idx.msk [tilespmem:v12+s16+$0x0], $0xffff;
	v10 =	vmin.u32 v10, $0x1F;
	v38 =	vmul.f32 $5.000000000e-01, v36;
	v6 =	vadd.f32 $8.388608000e+06, v34  }
0x2a8: {  	[tilespmem:s2+$0xFFFFFF70] =	vst v13;
	v11 =	vld.idx.msk [tilespmem:v16+s16+$0x0], $0xffff  }
0x2a9: {  	v13 =	vmul.f32 $3.100000000e+01, v38;
	v6 =	vadd.f32 $-8.388608000e+06, v6;
	v39 =	vld.idx.msk [tilespmem:v1+s16+$0x0], $0xffff;
	[tilespmem:s7+$0xE0] =	vst v14  }
0x2aa: {  	[tilespmem:s30+$0xFFFFFF70] =	vst v60;
	v40 =	vadd.f32 $1.000000000e+00, v9;
	v42 =	vadd.f32 $1.000000000e+00, v8;
	v14 =	vld [tilespmem:s4+$0x2F0]  }
0x2ab: {  	[tilespmem:s28+$0x70] =	vst v41;
	v13 =	vadd.f32 $8.388608000e+06, v13;
	v44 =	vadd.f32 $1.000000000e+00, v4;
	v6 =	vtrunc.f32 v6  }
0x2ac: {  	[tilespmem:s29+$0xFFFFFFF0] =	vst v18;
	v37 =	vld.idx.msk [tilespmem:v10+s16+$0x0], $0xffff;
	v17 =	vmul.f32 $5.000000000e-01, v40;
	v46 =	vmul.f32 $5.000000000e-01, v42  }
0x2ad: {  	v43 =	vld.idx.msk [tilespmem:v12+s17+$0x0], $0xffff;
	[tilespmem:s0+$0xFFFFFFF0] =	vst v11;
	v13 =	vadd.f32 $-8.388608000e+06, v13;
	v19 =	vmul.f32 $5.000000000e-01, v44;
	v6 =	vcvt.f32.s32 v6  }
0x2ae: {  	v5 =	vld.idx.msk [tilespmem:v5+s18+$0x0], $0xffff;
	v17 =	vmul.f32 $3.100000000e+01, v17;
	v11 =	vmul.f32 $3.100000000e+01, v46;
	[tilespmem:s2+$0xFFFFFFF0] =	vst v39  }
0x2af: {  	v13 =	vtrunc.f32 v13;
	v19 =	vmul.f32 $3.100000000e+01, v19;
	v49 =	vld.idx.msk [tilespmem:v1+s17+$0x0], $0xffff;
	v47 =	vadd.f32 $1.000000000e+00, v14  }
0x2b0: {  	[tilespmem:s26+$0xF0] =	vst v2;
	vm10 =	vgt.s32 v6, $0x0;
	v13 =	vcvt.f32.s32 v13;
	v17 =	vadd.f32 $8.388608000e+06, v17  }
0x2b1: {  	[tilespmem:s30+$0xFFFFFFF0] =	vst v37;
	v6 =	vnsel vm10, $0x0, v6;
	v11 =	vadd.f32 $8.388608000e+06, v11;
	v18 =	vmul.f32 $5.000000000e-01, v47  }
0x2b2: {  	[tilespmem:s29+$0x70] =	vst v43;
	v45 =	vld.idx.msk [tilespmem:v10+s17+$0x0], $0xffff;
	v19 =	vadd.f32 $8.388608000e+06, v19;
	v6 =	vmin.u32 v6, $0x1F;
	v17 =	vadd.f32 $-8.388608000e+06, v17  }
0x2b3: {  	[tilespmem:s28+$0xF0] =	vst v5;
	v12 =	vld.idx.msk [tilespmem:v12+s18+$0x0], $0xffff;
	vm11 =	vgt.s32 v13, $0x0;
	v11 =	vadd.f32 $-8.388608000e+06, v11;
	v18 =	vmul.f32 $3.100000000e+01, v18  }
0x2b4: {  	v13 =	vnsel vm11, $0x0, v13;
	v51 =	vadd.f32 $-8.388608000e+06, v19;
	v17 =	vtrunc.f32 v17;
	[tilespmem:s2+$0x70] =	vst v49  }
0x2b5: {  	[tilespmem:s9+$0xFFFFFF70] =	vst v3;
	v11 =	vtrunc.f32 v11;
	v2 =	vcvt.f32.s32 v17;
	v1 =	vld.idx.msk [tilespmem:v1+s18+$0x0], $0xffff;
	v50 =	vadd.f32 $8.388608000e+06, v18  }
0x2b6: {  	[tilespmem:s12+$0xFFFFFF70] =	vst v7;
	v52 =	vmin.u32 v13, $0x1F;
	v11 =	vcvt.f32.s32 v11  }
0x2b7: {  	v48 =	vld.idx.msk [tilespmem:v16+s17+$0x0], $0xffff;
	[tilespmem:s30+$0x70] =	vst v45;
	v53 =	vtrunc.f32 v51;
	vm12 =	vgt.s32 v2, $0x0;
	v15 =	vadd.f32 $-8.388608000e+06, v50  }
0x2b8: {  	[tilespmem:s29+$0xF0] =	vst v12;
	v10 =	vld.idx.msk [tilespmem:v10+s18+$0x0], $0xffff;
	v54 =	vcvt.f32.s32 v53;
	vm13 =	vgt.s32 v11, $0x0;
	v2 =	vnsel vm12, $0x0, v2  }
0x2b9: {  	[tilespmem:s24+$0xFFFFFF70] =	vst v9;
	v11 =	vnsel vm13, $0x0, v11;
	v2 =	vmin.u32 v2, $0x1F;
	v55 =	vtrunc.f32 v15  }
0x2ba: {  	v58 =	vld.idx.msk [tilespmem:v6+s16+$0x0], $0xffff;
	vm14 =	vgt.s32 v54, $0x0;
	[tilespmem:s2+$0xF0] =	vst v1;
	v1 =	vmin.u32 v11, $0x1F;
	v56 =	vcvt.f32.s32 v55  }
0x2bb: {  	[tilespmem:s14+$0xFFFFFF70] =	vst v8;
	v57 =	vnsel vm14, $0x0, v54  }
0x2bc: {  	[tilespmem:s0+$0x70] =	vst v48;
	v60 =	vld.idx.msk [tilespmem:v52+s16+$0x0], $0xffff;
	v3 =	vmin.u32 v57, $0x1F;
	vm15 =	vgt.s32 v56, $0x0  }
0x2bd: {  	v16 =	vld.idx.msk [tilespmem:v16+s18+$0x0], $0xffff;
	[tilespmem:s30+$0xF0] =	vst v10;
	v10 =	vnsel vm15, $0x0, v56  }
0x2be: {  	[tilespmem:s1+$0xFFFFFF70] =	vst v4;
	v9 =	vld.idx.msk [tilespmem:v2+s16+$0x0], $0xffff;
	v59 =	vmin.u32 v10, $0x1F  }
0x2bf: {  	[tilespmem:s9+$0xFFFFFFF0] =	vst v58;
	v8 =	vld.idx.msk [tilespmem:v1+s16+$0x0], $0xffff  }
0x2c0: {  	[tilespmem:s7+$0xFFFFFF70] =	vst v14;
	v62 =	vld.idx.msk [tilespmem:v6+s17+$0x0], $0xffff  }
0x2c1: {  	[tilespmem:s12+$0xFFFFFFF0] =	vst v60;
	v4 =	vld.idx.msk [tilespmem:v3+s16+$0x0], $0xffff  }
0x2c2: {  	[tilespmem:s0+$0xF0] =	vst v16;
	v10 =	vld.idx.msk [tilespmem:v52+s17+$0x0], $0xffff  }
0x2c3: {  	[tilespmem:s24+$0xFFFFFFF0] =	vst v9;
	v61 =	vld.idx.msk [tilespmem:v59+s16+$0x0], $0xffff  }
0x2c4: {  	v9 =	vld.idx.msk [tilespmem:v2+s17+$0x0], $0xffff;
	[tilespmem:s14+$0xFFFFFFF0] =	vst v8  }
0x2c5: {  	[tilespmem:s9+$0x70] =	vst v62;
	v8 =	vld.idx.msk [tilespmem:v1+s17+$0x0], $0xffff  }
0x2c6: {  	v6 =	vld.idx.msk [tilespmem:v6+s18+$0x0], $0xffff;
	[tilespmem:s1+$0xFFFFFFF0] =	vst v4  }
0x2c7: {  	v4 =	vld.idx.msk [tilespmem:v3+s17+$0x0], $0xffff;
	[tilespmem:s12+$0x70] =	vst v10  }
0x2c8: {  	v5 =	vld.idx.msk [tilespmem:v52+s18+$0x0], $0xffff;
	[tilespmem:s7+$0xFFFFFFF0] =	vst v61  }
0x2c9: {  	[tilespmem:s24+$0x70] =	vst v9;
	v11 =	vld.idx.msk [tilespmem:v59+s17+$0x0], $0xffff  }
0x2ca: {  	v2 =	vld.idx.msk [tilespmem:v2+s18+$0x0], $0xffff;
	[tilespmem:s14+$0x70] =	vst v8  }
0x2cb: {  	[tilespmem:s9+$0xF0] =	vst v6;
	v1 =	vld.idx.msk [tilespmem:v1+s18+$0x0], $0xffff  }
0x2cc: {  	[tilespmem:s1+$0x70] =	vst v4  }
0x2cd: {  	[tilespmem:s12+$0xF0] =	vst v5  }
0x2ce: {  	v3 =	vld.idx.msk [tilespmem:v3+s18+$0x0], $0xffff;
	[tilespmem:s7+$0x70] =	vst v11  }
0x2cf: {  	[tilespmem:s24+$0xF0] =	vst v2;
	v63 =	vld.idx.msk [tilespmem:v59+s18+$0x0], $0xffff  }
0x2d0: {  	p1 =	sne.s32 s25, $0x1F;
	[tilespmem:s14+$0xF0] =	vst v1  }
.Ltmp3:
0x2d1: {  	s29 =	sshll.u32 s25, $0xE;
	s2 =	rddreg [dreg:$0x5];
	(pc) =	sbr.rel @p1 .LBB2_6-.Ltmp3, $4  }
0x2d2: {  	s26 =	sor.u32 s2, s29  }
0x2d3: {  	[tilespmem:s1+$0xF0] =	vst v3;
	s28 =	sshrl.u32 s26, $0x1  }
0x2d4: {  	s31 =	simm.s32 $0x4280;
	s30 =	sadd.s32 s15, s28;
	[tilespmem:s7+$0xF0] =	vst v63  }
0x2d5: {  	[hbm4b:s30+s6] =	stream.linear.scatter [tilespmem:s31], [sflag:$0x3], $0x8000, $0x38;
	[tilespmem:$0x14280] =	vst v63  }
.Ltmp4:
0x2d6: {  	(pc) =	sbr.rel .LBB2_7-.Ltmp4, $4  }
0x2d7: {  	_ = 	snop  }
0x2d8: {  	_ =	swait.ge [sflag:s20], $0x2000  }
0x2d9: {  	[sflag:s20] =	ssyncset.done $0x0  }
0x2da: {  	[sflag:s20] =	ssyncadd.s32 $0xFFFFE000  }
.LBB2_6:
0x2db: {  	s0 =	sshrl.u32 s26, $0x3;
	s1 =	rddreg [dreg:$0x0]  }
0x2dc: {  	s0 =	sadd.s32 s1, s0  }
.Ltmp5:
0x2dd: {  	s31 =	simm.s32 $0x280;
	s0 =	sadd.s32 $0x800, s0;
	(pc) =	sbr.rel @p0 .LBB2_8-.Ltmp5, $4  }
0x2de: {  	[tilespmem:s31], [sflag:$0x1] =	stream.linear.gather [hbm4b:s0+s6], $0x2000, $0x38;
	[tilespmem:$0x14280] =	vst v63  }
0x2df: {  	_ =	swait.ge [sflag:s20], $0x2000  }
0x2e0: {  	[sflag:s20] =	ssyncset.done $0x0  }
0x2e1: {  	[sflag:s20] =	ssyncadd.s32 $0xFFFFE000  }
.LBB2_7:
0x2e2: {  	s0 =	simm.s32 $0x4  }
0x2e3: {  	_ =	swait.ge [sflag:s0], $0x8000  }
0x2e4: {  	[sflag:s0] =	ssyncset.done $0x0  }
0x2e5: {  	[sflag:s0] =	ssyncadd.s32 $0xFFFF8000  }
.LBB2_8:
0x2e6: {  	s4 =	simm.s32 $0x0  }
0x2e7: {  	v1 =	vld [tilespmem:s4+$0x2280];
	_ =	sdelay $0x4  }
0x2e8: {  	v2 =	vadd.f32 $1.000000000e+00, v1;
	_ =	sdelay $0x1  }
0x2e9: {  	v2 =	vmul.f32 $5.000000000e-01, v2;
	_ =	sdelay $0x1  }
0x2ea: {  	v2 =	vmul.f32 $3.100000000e+01, v2;
	_ =	sdelay $0x1  }
0x2eb: {  	v2 =	vadd.f32 $8.388608000e+06, v2;
	_ =	sdelay $0x1  }
0x2ec: {  	v2 =	vadd.f32 $-8.388608000e+06, v2;
	_ =	sdelay $0x1  }
0x2ed: {  	v2 =	vtrunc.f32 v2  }
0x2ee: {  	v2 =	vcvt.f32.s32 v2;
	_ =	sdelay $0x1  }
0x2ef: {  	vm0 =	vgt.s32 v2, $0x0  }
0x2f0: {  	v2 =	vnsel vm0, $0x0, v2  }
0x2f1: {  	v2 =	vmin.u32 v2, $0x1F;
	_ =	sdelay $0x2  }
0x2f2: {  	s29 =	simm.s32 $0xC380  }
0x2f3: {  	[tilespmem:s29+$0xFFFFFF00] =	vst v1  }
0x2f4: {  	v1 =	vld.idx.msk [tilespmem:v2+s16+$0x0], $0xffff;
	_ =	sdelay $0x4  }
0x2f5: {  	[tilespmem:s29+$0xFFFFFF80] =	vst v1  }
0x2f6: {  	s21 =	simm.s32 $0x80;
	v1 =	vld.idx.msk [tilespmem:v2+s17+$0x0], $0xffff  }
0x2f7: {  	v3 =	vld [tilespmem:s21+$0x2280];
	_ =	sdelay $0x3  }
0x2f8: {  	[tilespmem:s29+$0x0] =	vst v1  }
0x2f9: {  	v1 =	vadd.f32 $1.000000000e+00, v3;
	v2 =	vld.idx.msk [tilespmem:v2+s18+$0x0], $0xffff;
	_ =	sdelay $0x1  }
0x2fa: {  	v1 =	vmul.f32 $5.000000000e-01, v1;
	_ =	sdelay $0x1  }
0x2fb: {  	v1 =	vmul.f32 $3.100000000e+01, v1  }
0x2fc: {  	[tilespmem:s29+$0x80] =	vst v2  }
0x2fd: {  	v1 =	vadd.f32 $8.388608000e+06, v1;
	v2 =	vld [tilespmem:s4+$0x2290];
	_ =	sdelay $0x1  }
0x2fe: {  	v1 =	vadd.f32 $-8.388608000e+06, v1;
	_ =	sdelay $0x1  }
0x2ff: {  	v1 =	vtrunc.f32 v1  }
0x300: {  	v1 =	vcvt.f32.s32 v1;
	v4 =	vadd.f32 $1.000000000e+00, v2;
	_ =	sdelay $0x1  }
0x301: {  	vm5 =	vgt.s32 v1, $0x0;
	v4 =	vmul.f32 $5.000000000e-01, v4  }
0x302: {  	v1 =	vnsel vm5, $0x0, v1  }
0x303: {  	v1 =	vmin.u32 v1, $0x1F;
	v4 =	vmul.f32 $3.100000000e+01, v4;
	_ =	sdelay $0x1  }
0x304: {  	v4 =	vadd.f32 $8.388608000e+06, v4  }
0x305: {  	s30 =	simm.s32 $0xC580  }
0x306: {  	[tilespmem:s30+$0xFFFFFF00] =	vst v3;
	v3 =	vadd.f32 $-8.388608000e+06, v4  }
0x307: {  	v4 =	vld.idx.msk [tilespmem:v1+s16+$0x0], $0xffff  }
0x308: {  	s2 =	simm.s32 $0x100;
	v3 =	vtrunc.f32 v3  }
0x309: {  	v5 =	vld [tilespmem:s2+$0x2280];
	v3 =	vcvt.f32.s32 v3;
	_ =	sdelay $0x1  }
0x30a: {  	vm6 =	vgt.s32 v3, $0x0  }
0x30b: {  	[tilespmem:s30+$0xFFFFFF80] =	vst v4;
	v3 =	vnsel vm6, $0x0, v3  }
0x30c: {  	v4 =	vld.idx.msk [tilespmem:v1+s17+$0x0], $0xffff;
	v3 =	vmin.u32 v3, $0x1F  }
0x30d: {  	v6 =	vadd.f32 $1.000000000e+00, v5;
	_ =	sdelay $0x1  }
0x30e: {  	v6 =	vmul.f32 $5.000000000e-01, v6  }
0x30f: {  	[tilespmem:s29+$0xFFFFFF10] =	vst v2  }
0x310: {  	v2 =	vmul.f32 $3.100000000e+01, v6;
	[tilespmem:s30+$0x0] =	vst v4;
	v4 =	vld.idx.msk [tilespmem:v3+s16+$0x0], $0xffff  }
0x311: {  	v1 =	vld.idx.msk [tilespmem:v1+s18+$0x0], $0xffff  }
0x312: {  	v2 =	vadd.f32 $8.388608000e+06, v2;
	_ =	sdelay $0x1  }
0x313: {  	v2 =	vadd.f32 $-8.388608000e+06, v2  }
0x314: {  	[tilespmem:s29+$0xFFFFFF90] =	vst v4  }
0x315: {  	v2 =	vtrunc.f32 v2;
	[tilespmem:s30+$0x80] =	vst v1;
	v1 =	vld.idx.msk [tilespmem:v3+s17+$0x0], $0xffff  }
0x316: {  	v2 =	vcvt.f32.s32 v2;
	v4 =	vld [tilespmem:s21+$0x2290];
	_ =	sdelay $0x1  }
0x317: {  	vm7 =	vgt.s32 v2, $0x0  }
0x318: {  	v2 =	vnsel vm7, $0x0, v2  }
0x319: {  	[tilespmem:s29+$0x10] =	vst v1;
	v1 =	vmin.u32 v2, $0x1F  }
0x31a: {  	v2 =	vadd.f32 $1.000000000e+00, v4;
	v3 =	vld.idx.msk [tilespmem:v3+s18+$0x0], $0xffff;
	_ =	sdelay $0x1  }
0x31b: {  	s31 =	simm.s32 $0xC780;
	v2 =	vmul.f32 $5.000000000e-01, v2  }
0x31c: {  	[tilespmem:s31+$0xFFFFFF00] =	vst v5  }
0x31d: {  	v2 =	vmul.f32 $3.100000000e+01, v2;
	v5 =	vld.idx.msk [tilespmem:v1+s16+$0x0], $0xffff  }
0x31e: {  	[tilespmem:s29+$0x90] =	vst v3  }
0x31f: {  	v2 =	vadd.f32 $8.388608000e+06, v2;
	v3 =	vld [tilespmem:s4+$0x22A0];
	_ =	sdelay $0x1  }
0x320: {  	v2 =	vadd.f32 $-8.388608000e+06, v2  }
0x321: {  	[tilespmem:s31+$0xFFFFFF80] =	vst v5  }
0x322: {  	s9 =	simm.s32 $0x180;
	v2 =	vtrunc.f32 v2;
	v5 =	vld.idx.msk [tilespmem:v1+s17+$0x0], $0xffff  }
0x323: {  	v6 =	vld [tilespmem:s9+$0x2280];
	v2 =	vcvt.f32.s32 v2;
	v7 =	vadd.f32 $1.000000000e+00, v3;
	_ =	sdelay $0x1  }
0x324: {  	vm8 =	vgt.s32 v2, $0x0;
	v7 =	vmul.f32 $5.000000000e-01, v7  }
0x325: {  	v2 =	vnsel vm8, $0x0, v2  }
0x326: {  	v2 =	vmin.u32 v2, $0x1F;
	v7 =	vmul.f32 $3.100000000e+01, v7;
	[tilespmem:s31+$0x0] =	vst v5  }
0x327: {  	v5 =	vadd.f32 $1.000000000e+00, v6;
	v1 =	vld.idx.msk [tilespmem:v1+s18+$0x0], $0xffff  }
0x328: {  	v7 =	vadd.f32 $8.388608000e+06, v7  }
0x329: {  	v5 =	vmul.f32 $5.000000000e-01, v5  }
0x32a: {  	[tilespmem:s30+$0xFFFFFF10] =	vst v4;
	v4 =	vadd.f32 $-8.388608000e+06, v7  }
0x32b: {  	v5 =	vmul.f32 $3.100000000e+01, v5;
	v7 =	vld.idx.msk [tilespmem:v2+s16+$0x0], $0xffff  }
0x32c: {  	v4 =	vtrunc.f32 v4;
	[tilespmem:s31+$0x80] =	vst v1  }
0x32d: {  	v1 =	vadd.f32 $8.388608000e+06, v5;
	v4 =	vcvt.f32.s32 v4;
	v5 =	vld [tilespmem:s2+$0x2290];
	_ =	sdelay $0x1  }
0x32e: {  	v1 =	vadd.f32 $-8.388608000e+06, v1;
	vm9 =	vgt.s32 v4, $0x0  }
0x32f: {  	[tilespmem:s30+$0xFFFFFF90] =	vst v7;
	v4 =	vnsel vm9, $0x0, v4  }
0x330: {  	v1 =	vtrunc.f32 v1;
	v7 =	vld.idx.msk [tilespmem:v2+s17+$0x0], $0xffff;
	v4 =	vmin.u32 v4, $0x1F  }
0x331: {  	v1 =	vcvt.f32.s32 v1;
	v8 =	vadd.f32 $1.000000000e+00, v5;
	_ =	sdelay $0x1  }
0x332: {  	vm10 =	vgt.s32 v1, $0x0;
	v8 =	vmul.f32 $5.000000000e-01, v8  }
0x333: {  	[tilespmem:s29+$0xFFFFFF20] =	vst v3;
	v1 =	vnsel vm10, $0x0, v1  }
0x334: {  	[tilespmem:s30+$0x10] =	vst v7;
	v1 =	vmin.u32 v1, $0x1F;
	v3 =	vld.idx.msk [tilespmem:v4+s16+$0x0], $0xffff;
	v7 =	vmul.f32 $3.100000000e+01, v8  }
0x335: {  	v2 =	vld.idx.msk [tilespmem:v2+s18+$0x0], $0xffff  }
0x336: {  	v7 =	vadd.f32 $8.388608000e+06, v7  }
0x337: {  	s0 =	simm.s32 $0xC980  }
0x338: {  	[tilespmem:s0+$0xFFFFFF00] =	vst v6;
	v6 =	vadd.f32 $-8.388608000e+06, v7  }
0x339: {  	v7 =	vld.idx.msk [tilespmem:v1+s16+$0x0], $0xffff;
	[tilespmem:s29+$0xFFFFFFA0] =	vst v3  }
0x33a: {  	[tilespmem:s30+$0x90] =	vst v2;
	v2 =	vld.idx.msk [tilespmem:v4+s17+$0x0], $0xffff;
	v3 =	vtrunc.f32 v6  }
0x33b: {  	v6 =	vld [tilespmem:s21+$0x22A0];
	v3 =	vcvt.f32.s32 v3;
	_ =	sdelay $0x1  }
0x33c: {  	s8 =	simm.s32 $0x200;
	vm11 =	vgt.s32 v3, $0x0  }
0x33d: {  	v8 =	vld [tilespmem:s8+$0x2280];
	[tilespmem:s0+$0xFFFFFF80] =	vst v7;
	v3 =	vnsel vm11, $0x0, v3  }
0x33e: {  	v7 =	vld.idx.msk [tilespmem:v1+s17+$0x0], $0xffff;
	v3 =	vmin.u32 v3, $0x1F;
	[tilespmem:s29+$0x20] =	vst v2  }
0x33f: {  	v2 =	vadd.f32 $1.000000000e+00, v6;
	v4 =	vld.idx.msk [tilespmem:v4+s18+$0x0], $0xffff;
	_ =	sdelay $0x1  }
0x340: {  	v2 =	vmul.f32 $5.000000000e-01, v2  }
0x341: {  	[tilespmem:s31+$0xFFFFFF10] =	vst v5;
	v9 =	vadd.f32 $1.000000000e+00, v8  }
0x342: {  	v2 =	vmul.f32 $3.100000000e+01, v2;
	[tilespmem:s0+$0x0] =	vst v7;
	v5 =	vld.idx.msk [tilespmem:v3+s16+$0x0], $0xffff  }
0x343: {  	v7 =	vmul.f32 $5.000000000e-01, v9;
	v1 =	vld.idx.msk [tilespmem:v1+s18+$0x0], $0xffff;
	[tilespmem:s29+$0xA0] =	vst v4  }
0x344: {  	v2 =	vadd.f32 $8.388608000e+06, v2;
	v4 =	vld [tilespmem:s4+$0x22B0]  }
0x345: {  	v7 =	vmul.f32 $3.100000000e+01, v7  }
0x346: {  	v2 =	vadd.f32 $-8.388608000e+06, v2  }
0x347: {  	v7 =	vadd.f32 $8.388608000e+06, v7;
	[tilespmem:s31+$0xFFFFFF90] =	vst v5  }
0x348: {  	v2 =	vtrunc.f32 v2;
	[tilespmem:s0+$0x80] =	vst v1;
	v1 =	vld.idx.msk [tilespmem:v3+s17+$0x0], $0xffff  }
0x349: {  	v5 =	vadd.f32 $-8.388608000e+06, v7;
	v2 =	vcvt.f32.s32 v2;
	v7 =	vld [tilespmem:s9+$0x2290];
	v9 =	vadd.f32 $1.000000000e+00, v4;
	_ =	sdelay $0x1  }
0x34a: {  	v5 =	vtrunc.f32 v5;
	vm12 =	vgt.s32 v2, $0x0;
	v9 =	vmul.f32 $5.000000000e-01, v9  }
0x34b: {  	v5 =	vcvt.f32.s32 v5;
	v2 =	vnsel vm12, $0x0, v2  }
0x34c: {  	v2 =	vmin.u32 v2, $0x1F;
	v9 =	vmul.f32 $3.100000000e+01, v9;
	[tilespmem:s31+$0x10] =	vst v1  }
0x34d: {  	vm13 =	vgt.s32 v5, $0x0;
	v1 =	vadd.f32 $1.000000000e+00, v7;
	v3 =	vld.idx.msk [tilespmem:v3+s18+$0x0], $0xffff  }
0x34e: {  	v5 =	vnsel vm13, $0x0, v5;
	v9 =	vadd.f32 $8.388608000e+06, v9  }
0x34f: {  	v5 =	vmin.u32 v5, $0x1F;
	v1 =	vmul.f32 $5.000000000e-01, v1  }
0x350: {  	[tilespmem:s30+$0xFFFFFF20] =	vst v6;
	v6 =	vadd.f32 $-8.388608000e+06, v9  }
0x351: {  	v9 =	vld.idx.msk [tilespmem:v2+s16+$0x0], $0xffff;
	v1 =	vmul.f32 $3.100000000e+01, v1  }
0x352: {  	s5 =	simm.s32 $0xCB80;
	v6 =	vtrunc.f32 v6;
	[tilespmem:s31+$0x90] =	vst v3  }
0x353: {  	[tilespmem:s5+$0xFFFFFF00] =	vst v8;
	v1 =	vadd.f32 $8.388608000e+06, v1;
	v3 =	vcvt.f32.s32 v6;
	v6 =	vld [tilespmem:s2+$0x22A0]  }
0x354: {  	v8 =	vld.idx.msk [tilespmem:v5+s16+$0x0], $0xffff  }
0x355: {  	v1 =	vadd.f32 $-8.388608000e+06, v1;
	vm14 =	vgt.s32 v3, $0x0  }
0x356: {  	[tilespmem:s30+$0xFFFFFFA0] =	vst v9;
	v3 =	vnsel vm14, $0x0, v3  }
0x357: {  	s12 =	simm.s32 $0x280;
	v9 =	vld.idx.msk [tilespmem:v2+s17+$0x0], $0xffff;
	v1 =	vtrunc.f32 v1;
	v3 =	vmin.u32 v3, $0x1F  }
0x358: {  	v10 =	vld [tilespmem:s12+$0x2280];
	v1 =	vcvt.f32.s32 v1;
	v11 =	vadd.f32 $1.000000000e+00, v6  }
0x359: {  	[tilespmem:s5+$0xFFFFFF80] =	vst v8  }
0x35a: {  	v8 =	vld.idx.msk [tilespmem:v5+s17+$0x0], $0xffff;
	vm15 =	vgt.s32 v1, $0x0;
	v11 =	vmul.f32 $5.000000000e-01, v11  }
0x35b: {  	[tilespmem:s29+$0xFFFFFF30] =	vst v4;
	v1 =	vnsel vm15, $0x0, v1  }
0x35c: {  	v1 =	vmin.u32 v1, $0x1F;
	[tilespmem:s30+$0x20] =	vst v9;
	v4 =	vld.idx.msk [tilespmem:v3+s16+$0x0], $0xffff;
	v9 =	vmul.f32 $3.100000000e+01, v11  }
0x35d: {  	v11 =	vadd.f32 $1.000000000e+00, v10;
	v2 =	vld.idx.msk [tilespmem:v2+s18+$0x0], $0xffff  }
0x35e: {  	v9 =	vadd.f32 $8.388608000e+06, v9  }
0x35f: {  	[tilespmem:s5+$0x0] =	vst v8;
	v11 =	vmul.f32 $5.000000000e-01, v11  }
0x360: {  	[tilespmem:s0+$0xFFFFFF10] =	vst v7;
	v5 =	vld.idx.msk [tilespmem:v5+s18+$0x0], $0xffff;
	v7 =	vadd.f32 $-8.388608000e+06, v9  }
0x361: {  	v8 =	vmul.f32 $3.100000000e+01, v11;
	v9 =	vld.idx.msk [tilespmem:v1+s16+$0x0], $0xffff;
	[tilespmem:s29+$0xFFFFFFB0] =	vst v4  }
0x362: {  	[tilespmem:s30+$0xA0] =	vst v2;
	v2 =	vld.idx.msk [tilespmem:v3+s17+$0x0], $0xffff;
	v4 =	vtrunc.f32 v7  }
0x363: {  	v7 =	vadd.f32 $8.388608000e+06, v8;
	v8 =	vld [tilespmem:s21+$0x22B0];
	v4 =	vcvt.f32.s32 v4;
	_ =	sdelay $0x1  }
0x364: {  	[tilespmem:s5+$0x80] =	vst v5;
	v7 =	vadd.f32 $-8.388608000e+06, v7;
	vm4 =	vgt.s32 v4, $0x0  }
0x365: {  	v5 =	vld [tilespmem:s8+$0x2290];
	[tilespmem:s0+$0xFFFFFF90] =	vst v9;
	v4 =	vnsel vm4, $0x0, v4  }
0x366: {  	v7 =	vtrunc.f32 v7;
	v9 =	vld.idx.msk [tilespmem:v1+s17+$0x0], $0xffff;
	[tilespmem:s29+$0x30] =	vst v2;
	v2 =	vmin.u32 v4, $0x1F  }
0x367: {  	v4 =	vadd.f32 $1.000000000e+00, v8;
	v7 =	vcvt.f32.s32 v7;
	v3 =	vld.idx.msk [tilespmem:v3+s18+$0x0], $0xffff;
	_ =	sdelay $0x1  }
0x368: {  	v4 =	vmul.f32 $5.000000000e-01, v4;
	vm5 =	vgt.s32 v7, $0x0  }
0x369: {  	[tilespmem:s31+$0xFFFFFF20] =	vst v6;
	v11 =	vadd.f32 $1.000000000e+00, v5;
	v7 =	vnsel vm5, $0x0, v7  }
0x36a: {  	v4 =	vmul.f32 $3.100000000e+01, v4;
	[tilespmem:s0+$0x10] =	vst v9;
	v6 =	vmin.u32 v7, $0x1F;
	v7 =	vld.idx.msk [tilespmem:v2+s16+$0x0], $0xffff  }
0x36b: {  	v9 =	vmul.f32 $5.000000000e-01, v11;
	v1 =	vld.idx.msk [tilespmem:v1+s18+$0x0], $0xffff;
	[tilespmem:s29+$0xB0] =	vst v3  }
0x36c: {  	v3 =	vadd.f32 $8.388608000e+06, v4;
	v4 =	vld [tilespmem:s4+$0x22C0]  }
0x36d: {  	s3 =	simm.s32 $0xCD80;
	v9 =	vmul.f32 $3.100000000e+01, v9  }
0x36e: {  	[tilespmem:s3+$0xFFFFFF00] =	vst v10;
	v3 =	vadd.f32 $-8.388608000e+06, v3  }
0x36f: {  	v9 =	vadd.f32 $8.388608000e+06, v9;
	v10 =	vld.idx.msk [tilespmem:v6+s16+$0x0], $0xffff;
	[tilespmem:s31+$0xFFFFFFA0] =	vst v7  }
0x370: {  	v3 =	vtrunc.f32 v3;
	[tilespmem:s0+$0x90] =	vst v1;
	v1 =	vld.idx.msk [tilespmem:v2+s17+$0x0], $0xffff  }
0x371: {  	v7 =	vadd.f32 $-8.388608000e+06, v9;
	v3 =	vcvt.f32.s32 v3;
	v9 =	vld [tilespmem:s9+$0x22A0];
	v11 =	vadd.f32 $1.000000000e+00, v4;
	_ =	sdelay $0x1  }
0x372: {  	s11 =	simm.s32 $0x300;
	v7 =	vtrunc.f32 v7;
	vm6 =	vgt.s32 v3, $0x0;
	v11 =	vmul.f32 $5.000000000e-01, v11  }
0x373: {  	v12 =	vld [tilespmem:s11+$0x2280];
	v7 =	vcvt.f32.s32 v7;
	v3 =	vnsel vm6, $0x0, v3  }
0x374: {  	[tilespmem:s3+$0xFFFFFF80] =	vst v10;
	v3 =	vmin.u32 v3, $0x1F;
	v11 =	vmul.f32 $3.100000000e+01, v11  }
0x375: {  	v10 =	vld.idx.msk [tilespmem:v6+s17+$0x0], $0xffff;
	vm7 =	vgt.s32 v7, $0x0;
	[tilespmem:s31+$0x20] =	vst v1;
	v1 =	vadd.f32 $1.000000000e+00, v9  }
0x376: {  	v7 =	vnsel vm7, $0x0, v7;
	v2 =	vld.idx.msk [tilespmem:v2+s18+$0x0], $0xffff;
	v11 =	vadd.f32 $8.388608000e+06, v11  }
0x377: {  	v7 =	vmin.u32 v7, $0x1F;
	v1 =	vmul.f32 $5.000000000e-01, v1  }
0x378: {  	v13 =	vadd.f32 $1.000000000e+00, v12;
	[tilespmem:s30+$0xFFFFFF30] =	vst v8;
	v8 =	vadd.f32 $-8.388608000e+06, v11  }
0x379: {  	[tilespmem:s5+$0xFFFFFF10] =	vst v5;
	v11 =	vld.idx.msk [tilespmem:v3+s16+$0x0], $0xffff;
	v1 =	vmul.f32 $3.100000000e+01, v1  }
0x37a: {  	[tilespmem:s3+$0x0] =	vst v10;
	v10 =	vmul.f32 $5.000000000e-01, v13;
	v8 =	vtrunc.f32 v8  }
0x37b: {  	v6 =	vld.idx.msk [tilespmem:v6+s18+$0x0], $0xffff;
	[tilespmem:s31+$0xA0] =	vst v2;
	v1 =	vadd.f32 $8.388608000e+06, v1;
	v2 =	vcvt.f32.s32 v8  }
0x37c: {  	v8 =	vmul.f32 $3.100000000e+01, v10;
	v10 =	vld.idx.msk [tilespmem:v7+s16+$0x0], $0xffff  }
0x37d: {  	v5 =	vld [tilespmem:s2+$0x22B0];
	v1 =	vadd.f32 $-8.388608000e+06, v1;
	vm8 =	vgt.s32 v2, $0x0  }
0x37e: {  	[tilespmem:s30+$0xFFFFFFB0] =	vst v11;
	v2 =	vnsel vm8, $0x0, v2  }
0x37f: {  	v8 =	vadd.f32 $8.388608000e+06, v8;
	v11 =	vld.idx.msk [tilespmem:v3+s17+$0x0], $0xffff;
	v1 =	vtrunc.f32 v1;
	v2 =	vmin.u32 v2, $0x1F  }
0x380: {  	[tilespmem:s3+$0x80] =	vst v6;
	v1 =	vcvt.f32.s32 v1  }
0x381: {  	v8 =	vadd.f32 $-8.388608000e+06, v8;
	[tilespmem:s5+$0xFFFFFF90] =	vst v10;
	v10 =	vld [tilespmem:s12+$0x2290]  }
0x382: {  	v6 =	vadd.f32 $1.000000000e+00, v5;
	v13 =	vld.idx.msk [tilespmem:v7+s17+$0x0], $0xffff;
	vm9 =	vgt.s32 v1, $0x0  }
0x383: {  	[tilespmem:s29+$0xFFFFFF40] =	vst v4;
	v8 =	vtrunc.f32 v8;
	v1 =	vnsel vm9, $0x0, v1  }
0x384: {  	v6 =	vmul.f32 $5.000000000e-01, v6;
	v4 =	vcvt.f32.s32 v8;
	[tilespmem:s30+$0x30] =	vst v11;
	v1 =	vmin.u32 v1, $0x1F;
	v8 =	vld.idx.msk [tilespmem:v2+s16+$0x0], $0xffff  }
0x385: {  	v3 =	vld.idx.msk [tilespmem:v3+s18+$0x0], $0xffff  }
0x386: {  	v6 =	vmul.f32 $3.100000000e+01, v6;
	vm10 =	vgt.s32 v4, $0x0;
	v11 =	vadd.f32 $1.000000000e+00, v10  }
0x387: {  	v4 =	vnsel vm10, $0x0, v4;
	[tilespmem:s5+$0x10] =	vst v13  }
0x388: {  	[tilespmem:s0+$0xFFFFFF20] =	vst v9;
	v6 =	vadd.f32 $8.388608000e+06, v6;
	v4 =	vmin.u32 v4, $0x1F;
	v7 =	vld.idx.msk [tilespmem:v7+s18+$0x0], $0xffff;
	v9 =	vmul.f32 $5.000000000e-01, v11  }
0x389: {  	v11 =	vld.idx.msk [tilespmem:v1+s16+$0x0], $0xffff;
	[tilespmem:s29+$0xFFFFFFC0] =	vst v8  }
0x38a: {  	v6 =	vadd.f32 $-8.388608000e+06, v6;
	[tilespmem:s30+$0xB0] =	vst v3;
	v3 =	vmul.f32 $3.100000000e+01, v9;
	v8 =	vld.idx.msk [tilespmem:v2+s17+$0x0], $0xffff  }
0x38b: {  	s10 =	simm.s32 $0xCF80;
	v9 =	vld [tilespmem:s21+$0x22C0]  }
0x38c: {  	[tilespmem:s10+$0xFFFFFF00] =	vst v12;
	v6 =	vtrunc.f32 v6;
	v3 =	vadd.f32 $8.388608000e+06, v3  }
0x38d: {  	v6 =	vcvt.f32.s32 v6;
	v12 =	vld.idx.msk [tilespmem:v4+s16+$0x0], $0xffff;
	[tilespmem:s5+$0x90] =	vst v7  }
0x38e: {  	v3 =	vadd.f32 $-8.388608000e+06, v3;
	v7 =	vld [tilespmem:s8+$0x22A0];
	[tilespmem:s0+$0xFFFFFFA0] =	vst v11  }
0x38f: {  	vm11 =	vgt.s32 v6, $0x0;
	v11 =	vld.idx.msk [tilespmem:v1+s17+$0x0], $0xffff  }
0x390: {  	v6 =	vnsel vm11, $0x0, v6;
	[tilespmem:s29+$0x40] =	vst v8;
	v3 =	vtrunc.f32 v3;
	v8 =	vadd.f32 $1.000000000e+00, v9  }
0x391: {  	s24 =	simm.s32 $0x380;
	v6 =	vmin.u32 v6, $0x1F;
	v2 =	vld.idx.msk [tilespmem:v2+s18+$0x0], $0xffff;
	v3 =	vcvt.f32.s32 v3  }
0x392: {  	v13 =	vld [tilespmem:s24+$0x2280];
	[tilespmem:s10+$0xFFFFFF80] =	vst v12;
	v8 =	vmul.f32 $5.000000000e-01, v8  }
0x393: {  	[tilespmem:s31+$0xFFFFFF30] =	vst v5;
	v12 =	vld.idx.msk [tilespmem:v4+s17+$0x0], $0xffff;
	vm12 =	vgt.s32 v3, $0x0;
	v5 =	vadd.f32 $1.000000000e+00, v7  }
0x394: {  	v3 =	vnsel vm12, $0x0, v3;
	v8 =	vmul.f32 $3.100000000e+01, v8;
	[tilespmem:s0+$0x20] =	vst v11  }
0x395: {  	v3 =	vmin.u32 v3, $0x1F;
	v1 =	vld.idx.msk [tilespmem:v1+s18+$0x0], $0xffff;
	v5 =	vmul.f32 $5.000000000e-01, v5  }
0x396: {  	v11 =	vld.idx.msk [tilespmem:v6+s16+$0x0], $0xffff;
	[tilespmem:s29+$0xC0] =	vst v2;
	v8 =	vadd.f32 $8.388608000e+06, v8  }
0x397: {  	v2 =	vadd.f32 $1.000000000e+00, v13;
	v14 =	vld [tilespmem:s4+$0x22D0];
	v5 =	vmul.f32 $3.100000000e+01, v5  }
0x398: {  	[tilespmem:s10+$0x0] =	vst v12;
	v8 =	vadd.f32 $-8.388608000e+06, v8  }
0x399: {  	[tilespmem:s3+$0xFFFFFF10] =	vst v10;
	v2 =	vmul.f32 $5.000000000e-01, v2;
	v4 =	vld.idx.msk [tilespmem:v4+s18+$0x0], $0xffff;
	v5 =	vadd.f32 $8.388608000e+06, v5  }
0x39a: {  	v10 =	vld.idx.msk [tilespmem:v3+s16+$0x0], $0xffff;
	v8 =	vtrunc.f32 v8;
	[tilespmem:s0+$0xA0] =	vst v1  }
0x39b: {  	v2 =	vmul.f32 $3.100000000e+01, v2;
	[tilespmem:s31+$0xFFFFFFB0] =	vst v11;
	v1 =	vcvt.f32.s32 v8;
	v5 =	vadd.f32 $-8.388608000e+06, v5;
	v8 =	vld [tilespmem:s9+$0x22B0]  }
0x39c: {  	v12 =	vld.idx.msk [tilespmem:v6+s17+$0x0], $0xffff;
	v11 =	vadd.f32 $1.000000000e+00, v14  }
0x39d: {  	v2 =	vadd.f32 $8.388608000e+06, v2;
	v5 =	vtrunc.f32 v5  }
0x39e: {  	vm13 =	vgt.s32 v1, $0x0;
	[tilespmem:s10+$0x80] =	vst v4;
	v11 =	vmul.f32 $5.000000000e-01, v11;
	v4 =	vcvt.f32.s32 v5  }
0x39f: {  	v1 =	vnsel vm13, $0x0, v1;
	v5 =	vld [tilespmem:s11+$0x2290];
	v2 =	vadd.f32 $-8.388608000e+06, v2;
	[tilespmem:s3+$0xFFFFFF90] =	vst v10  }
0x3a0: {  	v1 =	vmin.u32 v1, $0x1F;
	v10 =	vmul.f32 $3.100000000e+01, v11;
	v11 =	vld.idx.msk [tilespmem:v3+s17+$0x0], $0xffff;
	vm14 =	vgt.s32 v4, $0x0  }
0x3a1: {  	v15 =	vadd.f32 $1.000000000e+00, v8;
	[tilespmem:s31+$0x30] =	vst v12;
	v4 =	vnsel vm14, $0x0, v4  }
0x3a2: {  	v2 =	vtrunc.f32 v2;
	v6 =	vld.idx.msk [tilespmem:v6+s18+$0x0], $0xffff;
	v10 =	vadd.f32 $8.388608000e+06, v10;
	v4 =	vmin.u32 v4, $0x1F  }
0x3a3: {  	v2 =	vcvt.f32.s32 v2;
	v12 =	vmul.f32 $5.000000000e-01, v15  }
0x3a4: {  	[tilespmem:s30+$0xFFFFFF40] =	vst v9;
	v9 =	vadd.f32 $-8.388608000e+06, v10;
	v10 =	vadd.f32 $1.000000000e+00, v5  }
0x3a5: {  	vm15 =	vgt.s32 v2, $0x0;
	v15 =	vld.idx.msk [tilespmem:v1+s16+$0x0], $0xffff;
	v12 =	vmul.f32 $3.100000000e+01, v12;
	[tilespmem:s3+$0x10] =	vst v11  }
0x3a6: {  	[tilespmem:s5+$0xFFFFFF20] =	vst v7;
	v2 =	vnsel vm15, $0x0, v2;
	v9 =	vtrunc.f32 v9;
	v10 =	vmul.f32 $5.000000000e-01, v10;
	v3 =	vld.idx.msk [tilespmem:v3+s18+$0x0], $0xffff  }
0x3a7: {  	v2 =	vmin.u32 v2, $0x1F;
	v7 =	vadd.f32 $8.388608000e+06, v12;
	[tilespmem:s31+$0xB0] =	vst v6;
	v9 =	vcvt.f32.s32 v9;
	v11 =	vld.idx.msk [tilespmem:v4+s16+$0x0], $0xffff  }
0x3a8: {  	v6 =	vmul.f32 $3.100000000e+01, v10;
	v10 =	vld [tilespmem:s2+$0x22C0]  }
0x3a9: {  	v7 =	vadd.f32 $-8.388608000e+06, v7;
	vm4 =	vgt.s32 v9, $0x0  }
0x3aa: {  	s23 =	simm.s32 $0xD180;
	[tilespmem:s30+$0xFFFFFFC0] =	vst v15;
	v9 =	vnsel vm4, $0x0, v9  }
0x3ab: {  	[tilespmem:s23+$0xFFFFFF00] =	vst v13;
	v6 =	vadd.f32 $8.388608000e+06, v6;
	v12 =	vld.idx.msk [tilespmem:v1+s17+$0x0], $0xffff;
	v7 =	vtrunc.f32 v7;
	v9 =	vmin.u32 v9, $0x1F  }
0x3ac: {  	v13 =	vld.idx.msk [tilespmem:v2+s16+$0x0], $0xffff;
	v7 =	vcvt.f32.s32 v7;
	[tilespmem:s3+$0x90] =	vst v3  }
0x3ad: {  	v3 =	vadd.f32 $-8.388608000e+06, v6;
	v6 =	vld [tilespmem:s12+$0x22A0];
	[tilespmem:s5+$0xFFFFFFA0] =	vst v11;
	v15 =	vadd.f32 $1.000000000e+00, v10  }
0x3ae: {  	s14 =	simm.s32 $0x400;
	vm5 =	vgt.s32 v7, $0x0;
	v11 =	vld.idx.msk [tilespmem:v4+s17+$0x0], $0xffff  }
0x3af: {  	[tilespmem:s29+$0xFFFFFF50] =	vst v14;
	v3 =	vtrunc.f32 v3;
	v7 =	vnsel vm5, $0x0, v7;
	v14 =	vmul.f32 $5.000000000e-01, v15;
	v15 =	vld [tilespmem:s14+$0x2280]  }
0x3b0: {  	v3 =	vcvt.f32.s32 v3;
	v7 =	vmin.u32 v7, $0x1F;
	[tilespmem:s30+$0x40] =	vst v12;
	v12 =	vld.idx.msk [tilespmem:v9+s16+$0x0], $0xffff  }
0x3b1: {  	[tilespmem:s23+$0xFFFFFF80] =	vst v13;
	v1 =	vld.idx.msk [tilespmem:v1+s18+$0x0], $0xffff  }
0x3b2: {  	[tilespmem:s0+$0xFFFFFF30] =	vst v8;
	vm6 =	vgt.s32 v3, $0x0;
	v13 =	vmul.f32 $3.100000000e+01, v14;
	v14 =	vld.idx.msk [tilespmem:v2+s17+$0x0], $0xffff  }
0x3b3: {  	v16 =	vadd.f32 $1.000000000e+00, v6;
	v3 =	vnsel vm6, $0x0, v3;
	[tilespmem:s5+$0x20] =	vst v11  }
0x3b4: {  	[tilespmem:s10+$0xFFFFFF10] =	vst v5;
	v3 =	vmin.u32 v3, $0x1F;
	v4 =	vld.idx.msk [tilespmem:v4+s18+$0x0], $0xffff;
	v8 =	vadd.f32 $8.388608000e+06, v13  }
0x3b5: {  	v11 =	vld.idx.msk [tilespmem:v7+s16+$0x0], $0xffff;
	[tilespmem:s29+$0xFFFFFFD0] =	vst v12;
	v12 =	vmul.f32 $5.000000000e-01, v16  }
0x3b6: {  	[tilespmem:s30+$0xC0] =	vst v1;
	v8 =	vadd.f32 $-8.388608000e+06, v8;
	v1 =	vld.idx.msk [tilespmem:v9+s17+$0x0], $0xffff  }
0x3b7: {  	v13 =	vld [tilespmem:s21+$0x22D0];
	[tilespmem:s23+$0x0] =	vst v14;
	v5 =	vmul.f32 $3.100000000e+01, v12;
	v12 =	vadd.f32 $1.000000000e+00, v15  }
0x3b8: {  	v8 =	vtrunc.f32 v8;
	v2 =	vld.idx.msk [tilespmem:v2+s18+$0x0], $0xffff  }
0x3b9: {  	v14 =	vld.idx.msk [tilespmem:v3+s16+$0x0], $0xffff;
	v8 =	vcvt.f32.s32 v8;
	[tilespmem:s5+$0xA0] =	vst v4;
	v4 =	vmul.f32 $5.000000000e-01, v12  }
0x3ba: {  	v5 =	vadd.f32 $8.388608000e+06, v5;
	[tilespmem:s0+$0xFFFFFFB0] =	vst v11;
	v11 =	vld [tilespmem:s8+$0x22B0]  }
0x3bb: {  	v12 =	vld.idx.msk [tilespmem:v7+s17+$0x0], $0xffff;
	vm7 =	vgt.s32 v8, $0x0;
	v4 =	vmul.f32 $3.100000000e+01, v4  }
0x3bc: {  	v5 =	vadd.f32 $-8.388608000e+06, v5;
	v16 =	vadd.f32 $1.000000000e+00, v13;
	[tilespmem:s29+$0x50] =	vst v1;
	v1 =	vnsel vm7, $0x0, v8  }
0x3bd: {  	v1 =	vmin.u32 v1, $0x1F;
	v8 =	vld.idx.msk [tilespmem:v9+s18+$0x0], $0xffff;
	[tilespmem:s23+$0x80] =	vst v2;
	v4 =	vadd.f32 $8.388608000e+06, v4  }
0x3be: {  	v5 =	vtrunc.f32 v5;
	v9 =	vmul.f32 $5.000000000e-01, v16;
	v16 =	vld [tilespmem:s24+$0x2290]  }
0x3bf: {  	[tilespmem:s10+$0xFFFFFF90] =	vst v14;
	v5 =	vcvt.f32.s32 v5;
	v14 =	vadd.f32 $1.000000000e+00, v11;
	v4 =	vadd.f32 $-8.388608000e+06, v4  }
0x3c0: {  	v2 =	vld.idx.msk [tilespmem:v3+s17+$0x0], $0xffff;
	v9 =	vmul.f32 $3.100000000e+01, v9;
	[tilespmem:s0+$0x30] =	vst v12  }
0x3c1: {  	[tilespmem:s31+$0xFFFFFF40] =	vst v10;
	vm8 =	vgt.s32 v5, $0x0;
	v7 =	vld.idx.msk [tilespmem:v7+s18+$0x0], $0xffff;
	v10 =	vmul.f32 $5.000000000e-01, v14;
	v4 =	vtrunc.f32 v4  }
0x3c2: {  	v5 =	vnsel vm8, $0x0, v5;
	v9 =	vadd.f32 $8.388608000e+06, v9;
	v12 =	vld.idx.msk [tilespmem:v1+s16+$0x0], $0xffff;
	[tilespmem:s29+$0xD0] =	vst v8;
	v4 =	vcvt.f32.s32 v4  }
0x3c3: {  	v5 =	vmin.u32 v5, $0x1F;
	v8 =	vmul.f32 $3.100000000e+01, v10;
	v10 =	vld [tilespmem:s4+$0x22E0];
	v14 =	vadd.f32 $1.000000000e+00, v16  }
0x3c4: {  	[tilespmem:s3+$0xFFFFFF20] =	vst v6;
	v9 =	vadd.f32 $-8.388608000e+06, v9;
	vm9 =	vgt.s32 v4, $0x0  }
0x3c5: {  	[tilespmem:s10+$0x10] =	vst v2;
	v2 =	vadd.f32 $8.388608000e+06, v8;
	v6 =	vmul.f32 $5.000000000e-01, v14;
	v4 =	vnsel vm9, $0x0, v4  }
0x3c6: {  	v3 =	vld.idx.msk [tilespmem:v3+s18+$0x0], $0xffff;
	v8 =	vtrunc.f32 v9;
	[tilespmem:s0+$0xB0] =	vst v7;
	v4 =	vmin.u32 v4, $0x1F  }
0x3c7: {  	v2 =	vadd.f32 $-8.388608000e+06, v2;
	v7 =	vcvt.f32.s32 v8;
	v8 =	vld [tilespmem:s9+$0x22C0];
	v6 =	vmul.f32 $3.100000000e+01, v6  }
0x3c8: {  	[tilespmem:s31+$0xFFFFFFC0] =	vst v12;
	v9 =	vld.idx.msk [tilespmem:v5+s16+$0x0], $0xffff;
	v12 =	vadd.f32 $1.000000000e+00, v10  }
0x3c9: {  	v14 =	vld.idx.msk [tilespmem:v1+s17+$0x0], $0xffff;
	v2 =	vtrunc.f32 v2;
	vm10 =	vgt.s32 v7, $0x0;
	v6 =	vadd.f32 $8.388608000e+06, v6  }
0x3ca: {  	s13 =	simm.s32 $0xD380;
	v2 =	vcvt.f32.s32 v2;
	v12 =	vmul.f32 $5.000000000e-01, v12;
	v7 =	vnsel vm10, $0x0, v7  }
0x3cb: {  	[tilespmem:s13+$0xFFFFFF00] =	vst v15;
	v7 =	vmin.u32 v7, $0x1F  }
0x3cc: {  	[tilespmem:s10+$0x90] =	vst v3;
	v6 =	vadd.f32 $-8.388608000e+06, v6;
	v15 =	vld.idx.msk [tilespmem:v4+s16+$0x0], $0xffff;
	vm11 =	vgt.s32 v2, $0x0;
	v3 =	vmul.f32 $3.100000000e+01, v12  }
0x3cd: {  	v12 =	vld [tilespmem:s11+$0x22A0];
	v17 =	vadd.f32 $1.000000000e+00, v8;
	[tilespmem:s3+$0xFFFFFFA0] =	vst v9;
	v2 =	vnsel vm11, $0x0, v2  }
0x3ce: {  	[tilespmem:s31+$0x40] =	vst v14;
	v6 =	vtrunc.f32 v6;
	v9 =	vld.idx.msk [tilespmem:v5+s17+$0x0], $0xffff;
	v2 =	vmin.u32 v2, $0x1F;
	v3 =	vadd.f32 $8.388608000e+06, v3  }
0x3cf: {  	s22 =	simm.s32 $0x480;
	[tilespmem:s30+$0xFFFFFF50] =	vst v13;
	v1 =	vld.idx.msk [tilespmem:v1+s18+$0x0], $0xffff;
	v6 =	vcvt.f32.s32 v6;
	v13 =	vmul.f32 $5.000000000e-01, v17  }
0x3d0: {  	[tilespmem:s5+$0xFFFFFF30] =	vst v11;
	v14 =	vld [tilespmem:s22+$0x2280];
	v3 =	vadd.f32 $-8.388608000e+06, v3  }
0x3d1: {  	v17 =	vld.idx.msk [tilespmem:v7+s16+$0x0], $0xffff;
	vm12 =	vgt.s32 v6, $0x0;
	v11 =	vmul.f32 $3.100000000e+01, v13;
	[tilespmem:s13+$0xFFFFFF80] =	vst v15  }
0x3d2: {  	v6 =	vnsel vm12, $0x0, v6;
	v13 =	vadd.f32 $1.000000000e+00, v12;
	v15 =	vld.idx.msk [tilespmem:v4+s17+$0x0], $0xffff;
	v3 =	vtrunc.f32 v3  }
0x3d3: {  	v6 =	vmin.u32 v6, $0x1F;
	v11 =	vadd.f32 $8.388608000e+06, v11;
	[tilespmem:s3+$0x20] =	vst v9;
	v9 =	vld.idx.msk [tilespmem:v2+s16+$0x0], $0xffff;
	v3 =	vcvt.f32.s32 v3  }
0x3d4: {  	[tilespmem:s31+$0xC0] =	vst v1;
	v1 =	vmul.f32 $5.000000000e-01, v13;
	v5 =	vld.idx.msk [tilespmem:v5+s18+$0x0], $0xffff  }
0x3d5: {  	[tilespmem:s23+$0xFFFFFF10] =	vst v16;
	v18 =	vadd.f32 $1.000000000e+00, v14;
	v13 =	vld [tilespmem:s2+$0x22D0];
	v11 =	vadd.f32 $-8.388608000e+06, v11;
	vm13 =	vgt.s32 v3, $0x0  }
0x3d6: {  	[tilespmem:s30+$0xFFFFFFD0] =	vst v17;
	v1 =	vmul.f32 $3.100000000e+01, v1;
	v3 =	vnsel vm13, $0x0, v3  }
0x3d7: {  	v17 =	vld.idx.msk [tilespmem:v7+s17+$0x0], $0xffff;
	v11 =	vtrunc.f32 v11;
	[tilespmem:s13+$0x0] =	vst v15;
	v3 =	vmin.u32 v3, $0x1F;
	v15 =	vmul.f32 $5.000000000e-01, v18  }
0x3d8: {  	v16 =	vld.idx.msk [tilespmem:v6+s16+$0x0], $0xffff;
	v1 =	vadd.f32 $8.388608000e+06, v1;
	v11 =	vcvt.f32.s32 v11  }
0x3d9: {  	v4 =	vld.idx.msk [tilespmem:v4+s18+$0x0], $0xffff;
	[tilespmem:s3+$0xA0] =	vst v5;
	v5 =	vmul.f32 $3.100000000e+01, v15  }
0x3da: {  	[tilespmem:s5+$0xFFFFFFB0] =	vst v9;
	v15 =	vadd.f32 $1.000000000e+00, v13;
	v1 =	vadd.f32 $-8.388608000e+06, v1;
	vm14 =	vgt.s32 v11, $0x0;
	v9 =	vld [tilespmem:s12+$0x22B0]  }
0x3db: {  	[tilespmem:s29+$0xFFFFFF60] =	vst v10;
	v18 =	vld.idx.msk [tilespmem:v2+s17+$0x0], $0xffff;
	v10 =	vnsel vm14, $0x0, v11;
	v5 =	vadd.f32 $8.388608000e+06, v5  }
0x3dc: {  	[tilespmem:s30+$0x50] =	vst v17;
	v11 =	vmul.f32 $5.000000000e-01, v15;
	v1 =	vtrunc.f32 v1;
	v10 =	vmin.u32 v10, $0x1F;
	v15 =	vld.idx.msk [tilespmem:v3+s16+$0x0], $0xffff  }
0x3dd: {  	v7 =	vld.idx.msk [tilespmem:v7+s18+$0x0], $0xffff;
	v1 =	vcvt.f32.s32 v1;
	[tilespmem:s23+$0xFFFFFF90] =	vst v16  }
0x3de: {  	[tilespmem:s13+$0x80] =	vst v4;
	v4 =	vadd.f32 $-8.388608000e+06, v5;
	v5 =	vmul.f32 $3.100000000e+01, v11;
	v17 =	vld.idx.msk [tilespmem:v6+s17+$0x0], $0xffff  }
0x3df: {  	v11 =	vld [tilespmem:s14+$0x2290];
	vm15 =	vgt.s32 v1, $0x0;
	v16 =	vadd.f32 $1.000000000e+00, v9  }
0x3e0: {  	[tilespmem:s0+$0xFFFFFF40] =	vst v8;
	v4 =	vtrunc.f32 v4;
	v5 =	vadd.f32 $8.388608000e+06, v5;
	v1 =	vnsel vm15, $0x0, v1  }
0x3e1: {  	[tilespmem:s5+$0x30] =	vst v18;
	v4 =	vcvt.f32.s32 v4;
	v18 =	vld.idx.msk [tilespmem:v10+s16+$0x0], $0xffff;
	v8 =	vmul.f32 $5.000000000e-01, v16;
	v16 =	vmin.u32 v1, $0x1F  }
0x3e2: {  	v2 =	vld.idx.msk [tilespmem:v2+s18+$0x0], $0xffff;
	[tilespmem:s29+$0xFFFFFFE0] =	vst v15  }
0x3e3: {  	v1 =	vadd.f32 $-8.388608000e+06, v5;
	[tilespmem:s30+$0xD0] =	vst v7;
	vm4 =	vgt.s32 v4, $0x0;
	v15 =	vld.idx.msk [tilespmem:v3+s17+$0x0], $0xffff  }
0x3e4: {  	[tilespmem:s23+$0x10] =	vst v17;
	v5 =	vmul.f32 $3.100000000e+01, v8;
	v7 =	vadd.f32 $1.000000000e+00, v11;
	v8 =	vld [tilespmem:s21+$0x22E0];
	v4 =	vnsel vm4, $0x0, v4  }
0x3e5: {  	[tilespmem:s10+$0xFFFFFF20] =	vst v12;
	v19 =	vtrunc.f32 v1;
	v6 =	vld.idx.msk [tilespmem:v6+s18+$0x0], $0xffff;
	v4 =	vmin.u32 v4, $0x1F  }
0x3e6: {  	v17 =	vcvt.f32.s32 v19;
	v5 =	vadd.f32 $8.388608000e+06, v5;
	v7 =	vmul.f32 $5.000000000e-01, v7;
	[tilespmem:s0+$0xFFFFFFC0] =	vst v18;
	v12 =	vld.idx.msk [tilespmem:v16+s16+$0x0], $0xffff  }
0x3e7: {  	[tilespmem:s5+$0xB0] =	vst v2;
	v19 =	vld.idx.msk [tilespmem:v10+s17+$0x0], $0xffff  }
0x3e8: {  	s19 =	simm.s32 $0xD580;
	vm5 =	vgt.s32 v17, $0x0;
	v2 =	vadd.f32 $-8.388608000e+06, v5;
	v5 =	vmul.f32 $3.100000000e+01, v7;
	v7 =	vld [tilespmem:s8+$0x22C0];
	[tilespmem:s29+$0x60] =	vst v15  }
0x3e9: {  	[tilespmem:s19+$0xFFFFFF00] =	vst v14;
	v17 =	vnsel vm5, $0x0, v17;
	v18 =	vadd.f32 $1.000000000e+00, v8;
	v3 =	vld.idx.msk [tilespmem:v3+s18+$0x0], $0xffff  }
0x3ea: {  	v17 =	vmin.u32 v17, $0x1F;
	[tilespmem:s23+$0x90] =	vst v6;
	v2 =	vtrunc.f32 v2;
	v5 =	vadd.f32 $8.388608000e+06, v5;
	v15 =	vld.idx.msk [tilespmem:v4+s16+$0x0], $0xffff  }
0x3eb: {  	s1 =	simm.s32 $0x500;
	[tilespmem:s31+$0xFFFFFF50] =	vst v13;
	v6 =	vld [tilespmem:s24+$0x22A0];
	v2 =	vcvt.f32.s32 v2;
	v14 =	vmul.f32 $5.000000000e-01, v18  }
0x3ec: {  	v1 =	vld [tilespmem:s1+$0x2280];
	v5 =	vadd.f32 $-8.388608000e+06, v5;
	[tilespmem:s10+$0xFFFFFFA0] =	vst v12  }
0x3ed: {  	[tilespmem:s0+$0x40] =	vst v19;
	vm6 =	vgt.s32 v2, $0x0;
	v12 =	vmul.f32 $3.100000000e+01, v14;
	v14 =	vld.idx.msk [tilespmem:v16+s17+$0x0], $0xffff;
	v13 =	vadd.f32 $1.000000000e+00, v7  }
0x3ee: {  	[tilespmem:s3+$0xFFFFFF30] =	vst v9;
	v10 =	vld.idx.msk [tilespmem:v10+s18+$0x0], $0xffff;
	v2 =	vnsel vm6, $0x0, v2;
	v5 =	vtrunc.f32 v5  }
0x3ef: {  	v18 =	vld.idx.msk [tilespmem:v17+s16+$0x0], $0xffff;
	v2 =	vmin.u32 v2, $0x1F;
	v12 =	vadd.f32 $8.388608000e+06, v12;
	v13 =	vmul.f32 $5.000000000e-01, v13;
	[tilespmem:s19+$0xFFFFFF80] =	vst v15  }
0x3f0: {  	[tilespmem:s29+$0xE0] =	vst v3;
	v5 =	vcvt.f32.s32 v5;
	v9 =	vadd.f32 $1.000000000e+00, v6;
	v15 =	vld.idx.msk [tilespmem:v4+s17+$0x0], $0xffff  }
0x3f1: {  	v19 =	vld [tilespmem:s4+$0x22F0];
	v3 =	vadd.f32 $-8.388608000e+06, v12;
	v13 =	vmul.f32 $3.100000000e+01, v13  }
0x3f2: {  	vm7 =	vgt.s32 v5, $0x0;
	v9 =	vmul.f32 $5.000000000e-01, v9;
	[tilespmem:s10+$0x20] =	vst v14  }
0x3f3: {  	v5 =	vnsel vm7, $0x0, v5;
	v3 =	vtrunc.f32 v3;
	v13 =	vadd.f32 $8.388608000e+06, v13;
	v16 =	vld.idx.msk [tilespmem:v16+s18+$0x0], $0xffff  }
0x3f4: {  	v12 =	vadd.f32 $1.000000000e+00, v1;
	[tilespmem:s0+$0xC0] =	vst v10;
	v5 =	vmin.u32 v5, $0x1F;
	v14 =	vld.idx.msk [tilespmem:v2+s16+$0x0], $0xffff;
	v3 =	vcvt.f32.s32 v3  }
0x3f5: {  	v9 =	vmul.f32 $3.100000000e+01, v9;
	v10 =	vadd.f32 $-8.388608000e+06, v13;
	v13 =	vld [tilespmem:s9+$0x22D0];
	[tilespmem:s19+$0x0] =	vst v15  }
0x3f6: {  	v12 =	vmul.f32 $5.000000000e-01, v12;
	[tilespmem:s31+$0xFFFFFFD0] =	vst v18;
	v18 =	vadd.f32 $1.000000000e+00, v19;
	vm8 =	vgt.s32 v3, $0x0;
	v4 =	vld.idx.msk [tilespmem:v4+s18+$0x0], $0xffff  }
0x3f7: {  	[tilespmem:s13+$0xFFFFFF10] =	vst v11;
	v9 =	vadd.f32 $8.388608000e+06, v9;
	v3 =	vnsel vm8, $0x0, v3;
	v10 =	vtrunc.f32 v10  }
0x3f8: {  	[tilespmem:s30+$0xFFFFFF60] =	vst v8;
	v20 =	vld.idx.msk [tilespmem:v17+s17+$0x0], $0xffff;
	v21 =	vmin.u32 v3, $0x1F;
	v3 =	vmul.f32 $5.000000000e-01, v18;
	v10 =	vcvt.f32.s32 v10  }
0x3f9: {  	v12 =	vmul.f32 $3.100000000e+01, v12;
	v9 =	vadd.f32 $-8.388608000e+06, v9;
	v11 =	vld.idx.msk [tilespmem:v5+s16+$0x0], $0xffff;
	[tilespmem:s10+$0xA0] =	vst v16  }
0x3fa: {  	[tilespmem:s3+$0xFFFFFFB0] =	vst v14;
	v16 =	vld [tilespmem:s11+$0x22B0];
	v3 =	vmul.f32 $3.100000000e+01, v3;
	vm9 =	vgt.s32 v10, $0x0;
	v15 =	vadd.f32 $1.000000000e+00, v13  }
0x3fb: {  	v12 =	vadd.f32 $8.388608000e+06, v12;
	v8 =	vtrunc.f32 v9;
	v14 =	vld.idx.msk [tilespmem:v2+s17+$0x0], $0xffff;
	v10 =	vnsel vm9, $0x0, v10;
	[tilespmem:s19+$0x80] =	vst v4  }
0x3fc: {  	v3 =	vadd.f32 $8.388608000e+06, v3;
	v9 =	vmin.u32 v10, $0x1F;
	v10 =	vmul.f32 $5.000000000e-01, v15;
	v18 =	vld [tilespmem:s22+$0x2290]  }
0x3fd: {  	v12 =	vadd.f32 $-8.388608000e+06, v12;
	[tilespmem:s31+$0x50] =	vst v20;
	v8 =	vcvt.f32.s32 v8;
	v15 =	vld.idx.msk [tilespmem:v21+s16+$0x0], $0xffff  }
0x3fe: {  	[tilespmem:s13+$0xFFFFFF90] =	vst v11;
	v11 =	vld.idx.msk [tilespmem:v17+s18+$0x0], $0xffff;
	v3 =	vadd.f32 $-8.388608000e+06, v3;
	v10 =	vmul.f32 $3.100000000e+01, v10  }
0x3ff: {  	[tilespmem:s5+$0xFFFFFF40] =	vst v7;
	v12 =	vtrunc.f32 v12;
	vm10 =	vgt.s32 v8, $0x0;
	v4 =	vld.idx.msk [tilespmem:v5+s17+$0x0], $0xffff;
	v17 =	vadd.f32 $1.000000000e+00, v16  }
0x400: {  	v8 =	vnsel vm10, $0x0, v8;
	[tilespmem:s3+$0x30] =	vst v14;
	v3 =	vtrunc.f32 v3;
	v7 =	vadd.f32 $8.388608000e+06, v10  }
0x401: {  	s7 =	simm.s32 $0x580;
	v20 =	vmin.u32 v8, $0x1F;
	v2 =	vld.idx.msk [tilespmem:v2+s18+$0x0], $0xffff;
	v8 =	vmul.f32 $5.000000000e-01, v17;
	v3 =	vcvt.f32.s32 v3  }
0x402: {  	v10 =	vcvt.f32.s32 v12;
	v12 =	vld [tilespmem:s7+$0x2280];
	v7 =	vadd.f32 $-8.388608000e+06, v7;
	[tilespmem:s30+$0xFFFFFFE0] =	vst v15  }
0x403: {  	v14 =	vld.idx.msk [tilespmem:v9+s16+$0x0], $0xffff;
	v17 =	vadd.f32 $1.000000000e+00, v18;
	v8 =	vmul.f32 $3.100000000e+01, v8;
	[tilespmem:s31+$0xD0] =	vst v11;
	vm11 =	vgt.s32 v3, $0x0  }
0x404: {  	vm1 =	vgt.s32 v10, $0x0;
	v11 =	vld.idx.msk [tilespmem:v21+s17+$0x0], $0xffff;
	[tilespmem:s13+$0x10] =	vst v4;
	v15 =	vnsel vm11, $0x0, v3;
	v4 =	vtrunc.f32 v7  }
0x405: {  	[tilespmem:s23+$0xFFFFFF20] =	vst v6;
	s4 =	simm.s32 $0xD780;
	v3 =	vld [tilespmem:s2+$0x22E0];
	v7 =	vnsel vm1, $0x0, v10;
	v6 =	vadd.f32 $8.388608000e+06, v8;
	v22 =	vmin.u32 v15, $0x1F  }
0x406: {  	[tilespmem:s4+$0xFFFFFF00] =	vst v1;
	v5 =	vld.idx.msk [tilespmem:v5+s18+$0x0], $0xffff;
	v4 =	vcvt.f32.s32 v4;
	v15 =	vmin.u32 v7, $0x1F;
	v7 =	vmul.f32 $5.000000000e-01, v17  }
0x407: {  	v10 =	vld.idx.msk [tilespmem:v20+s16+$0x0], $0xffff;
	[tilespmem:s3+$0xB0] =	vst v2;
	v2 =	vadd.f32 $-8.388608000e+06, v6  }
0x408: {  	v8 =	vld [tilespmem:s12+$0x22C0];
	[tilespmem:s5+$0xFFFFFFC0] =	vst v14;
	vm12 =	vgt.s32 v4, $0x0;
	v7 =	vmul.f32 $3.100000000e+01, v7  }
0x409: {  	v14 =	vld.idx.msk [tilespmem:v9+s17+$0x0], $0xffff;
	v4 =	vnsel vm12, $0x0, v4;
	v2 =	vtrunc.f32 v2;
	[tilespmem:s30+$0x60] =	vst v11  }
0x40a: {  	[tilespmem:s29+$0xFFFFFF70] =	vst v19;
	v6 =	vmin.u32 v4, $0x1F;
	v4 =	vadd.f32 $1.000000000e+00, v3;
	v1 =	vadd.f32 $8.388608000e+06, v7;
	v7 =	vld.idx.msk [tilespmem:v21+s18+$0x0], $0xffff  }
0x40b: {  	v2 =	vcvt.f32.s32 v2;
	v17 =	vld.idx.msk [tilespmem:v22+s16+$0x0], $0xffff  }
0x40c: {  	[tilespmem:s13+$0x90] =	vst v5;
	v19 =	vld.idx.msk [tilespmem:v15+s16+$0x0], $0xffff;
	v4 =	vmul.f32 $5.000000000e-01, v4  }
0x40d: {  	[tilespmem:s23+$0xFFFFFFA0] =	vst v10;
	v11 =	vld [tilespmem:s14+$0x22A0];
	v1 =	vadd.f32 $-8.388608000e+06, v1;
	vm13 =	vgt.s32 v2, $0x0  }
0x40e: {  	v5 =	vld.idx.msk [tilespmem:v20+s17+$0x0], $0xffff;
	v2 =	vnsel vm13, $0x0, v2;
	[tilespmem:s5+$0x40] =	vst v14;
	v4 =	vmul.f32 $3.100000000e+01, v4  }
0x40f: {  	[tilespmem:s0+$0xFFFFFF50] =	vst v13;
	v1 =	vtrunc.f32 v1;
	v10 =	vmin.u32 v2, $0x1F;
	v2 =	vadd.f32 $1.000000000e+00, v8;
	v9 =	vld.idx.msk [tilespmem:v9+s18+$0x0], $0xffff  }
0x410: {  	v13 =	vld.idx.msk [tilespmem:v6+s16+$0x0], $0xffff;
	v14 =	vcvt.f32.s32 v1;
	v1 =	vadd.f32 $8.388608000e+06, v4;
	[tilespmem:s29+$0xFFFFFFF0] =	vst v17  }
0x411: {  	[tilespmem:s30+$0xE0] =	vst v7;
	v2 =	vmul.f32 $5.000000000e-01, v2;
	v4 =	vld.idx.msk [tilespmem:v22+s17+$0x0], $0xffff  }
0x412: {  	[tilespmem:s4+$0xFFFFFF80] =	vst v19;
	vm14 =	vgt.s32 v14, $0x0;
	v7 =	vadd.f32 $-8.388608000e+06, v1;
	v1 =	vld [tilespmem:s21+$0x22F0]  }
0x413: {  	v19 =	vadd.f32 $1.000000000e+00, v12;
	[tilespmem:s23+$0x20] =	vst v5;
	v21 =	vld.idx.msk [tilespmem:v15+s17+$0x0], $0xffff;
	v14 =	vnsel vm14, $0x0, v14;
	v2 =	vmul.f32 $3.100000000e+01, v2  }
0x414: {  	[tilespmem:s10+$0xFFFFFF30] =	vst v16;
	v23 =	vadd.f32 $1.000000000e+00, v11;
	v17 =	vld.idx.msk [tilespmem:v20+s18+$0x0], $0xffff;
	v16 =	vmin.u32 v14, $0x1F;
	v5 =	vtrunc.f32 v7  }
0x415: {  	v14 =	vld.idx.msk [tilespmem:v10+s16+$0x0], $0xffff;
	[tilespmem:s5+$0xC0] =	vst v9;
	v2 =	vadd.f32 $8.388608000e+06, v2;
	v5 =	vcvt.f32.s32 v5  }
0x416: {  	[tilespmem:s0+$0xFFFFFFD0] =	vst v13;
	v13 =	vmul.f32 $5.000000000e-01, v19;
	v19 =	vmul.f32 $5.000000000e-01, v23;
	v7 =	vld [tilespmem:s8+$0x22D0]  }
0x417: {  	v9 =	vld.idx.msk [tilespmem:v6+s17+$0x0], $0xffff;
	v23 =	vadd.f32 $-8.388608000e+06, v2;
	[tilespmem:s29+$0x70] =	vst v4;
	vm15 =	vgt.s32 v5, $0x0;
	v24 =	vadd.f32 $1.000000000e+00, v1  }
0x418: {  	[tilespmem:s19+$0xFFFFFF10] =	vst v18;
	v20 =	vmul.f32 $3.100000000e+01, v13;
	v18 =	vmul.f32 $3.100000000e+01, v19;
	v2 =	vld.idx.msk [tilespmem:v22+s18+$0x0], $0xffff;
	v4 =	vnsel vm15, $0x0, v5  }
0x419: {  	s21 =	simm.s32 $0x1800;
	[tilespmem:s4+$0x0] =	vst v21;
	v19 =	vld.idx.msk [tilespmem:v16+s16+$0x0], $0xffff;
	v13 =	vtrunc.f32 v23;
	v4 =	vmin.u32 v4, $0x1F;
	v5 =	vmul.f32 $5.000000000e-01, v24  }
.LBB2_9:
0x41a: {  	p0 =	sne.s32 s21, $0x7E00;
	v15 =	vld.idx.msk [tilespmem:v15+s18+$0x0], $0xffff;
	v18 =	vadd.f32 $8.388608000e+06, v18;
	[tilespmem:s10+$0xFFFFFFB0] =	vst v14;
	v13 =	vcvt.f32.s32 v13  }
0x41b: {  	v14 =	vadd.f32 $8.388608000e+06, v20;
	[tilespmem:s23+$0xA0] =	vst v17;
	v17 =	vld.idx.msk [tilespmem:v10+s17+$0x0], $0xffff;
	v20 =	vmul.f32 $3.100000000e+01, v5  }
0x41c: {  	v18 =	vadd.f32 $-8.388608000e+06, v18;
	v5 =	vld [tilespmem:s24+$0x22B0];
	vm0 =	vgt.s32 v13, $0x0;
	v21 =	vadd.f32 $1.000000000e+00, v7;
	[tilespmem:s0+$0x50] =	vst v9  }
0x41d: {  	v9 =	vadd.f32 $-8.388608000e+06, v14;
	v13 =	vnsel vm0, $0x0, v13;
	[tilespmem:s31+$0xFFFFFF60] =	vst v3;
	v3 =	vadd.f32 $8.388608000e+06, v20  }
0x41e: {  	v14 =	vtrunc.f32 v18;
	v13 =	vmin.u32 v13, $0x1F;
	v18 =	vmul.f32 $5.000000000e-01, v21;
	v20 =	vld.idx.msk [tilespmem:v4+s16+$0x0], $0xffff;
	[tilespmem:s29+$0xF0] =	vst v2;
	s29 =	smov.u32 s30;
	s30 =	smov.u32 s31;
	s31 =	smov.u32 s0  }
0x41f: {  	s0 =	smov.u32 s5;
	s5 =	smov.u32 s3;
	s3 =	smov.u32 s10;
	[tilespmem:s19+$0xFFFFFF90] =	vst v19;
	v14 =	vcvt.f32.s32 v14;
	v6 =	vld.idx.msk [tilespmem:v6+s18+$0x0], $0xffff;
	v3 =	vadd.f32 $-8.388608000e+06, v3  }
0x420: {  	v9 =	vtrunc.f32 v9;
	s10 =	smov.u32 s23;
	s23 =	smov.u32 s13;
	s13 =	smov.u32 s19;
	[tilespmem:s4+$0x80] =	vst v15;
	v15 =	vld.idx.msk [tilespmem:v16+s17+$0x0], $0xffff;
	v18 =	vmul.f32 $3.100000000e+01, v18  }
0x421: {  	s19 =	smov.u32 s4;
	v2 =	vld [tilespmem:s1+$0x2290];
	vm0 =	vgt.s32 v14, $0x0;
	v19 =	vadd.f32 $1.000000000e+00, v5;
	[tilespmem:s3+$0x30] =	vst v17;
	v3 =	vtrunc.f32 v3  }
0x422: {  	v14 =	vnsel vm0, $0x0, v14;
	v10 =	vld.idx.msk [tilespmem:v10+s18+$0x0], $0xffff;
	[tilespmem:s5+$0xFFFFFF40] =	vst v8;
	v8 =	vadd.f32 $8.388608000e+06, v18;
	v3 =	vcvt.f32.s32 v3  }
0x423: {  	s15 =	sshra.s32 s21, $0x2;
	v9 =	vcvt.f32.s32 v9;
	v17 =	vmin.u32 v14, $0x1F;
	v14 =	vmul.f32 $5.000000000e-01, v19;
	v18 =	vld.idx.msk [tilespmem:v13+s16+$0x0], $0xffff  }
0x424: {  	v19 =	vld [tilespmem:s15+$0x2280];
	v8 =	vadd.f32 $-8.388608000e+06, v8;
	[tilespmem:s30+$0xFFFFFFE0] =	vst v20;
	vm0 =	vgt.s32 v3, $0x0  }
0x425: {  	vm1 =	vgt.s32 v9, $0x0;
	v14 =	vmul.f32 $3.100000000e+01, v14;
	[tilespmem:s31+$0xD0] =	vst v6;
	v20 =	vld.idx.msk [tilespmem:v4+s17+$0x0], $0xffff;
	v6 =	vnsel vm0, $0x0, v3  }
0x426: {  	v21 =	vadd.f32 $1.000000000e+00, v2;
	[tilespmem:s13+$0x10] =	vst v15;
	v8 =	vtrunc.f32 v8;
	v3 =	vld [tilespmem:s9+$0x22E0];
	v22 =	vmin.u32 v6, $0x1F  }
0x427: {  	v6 =	vnsel vm1, $0x0, v9;
	v9 =	vld.idx.msk [tilespmem:v16+s18+$0x0], $0xffff;
	[tilespmem:s23+$0xFFFFFF20] =	vst v11;
	v11 =	vadd.f32 $8.388608000e+06, v14;
	v14 =	vcvt.f32.s32 v8  }
0x428: {  	v15 =	vmin.u32 v6, $0x1F;
	v6 =	vmul.f32 $5.000000000e-01, v21;
	v16 =	vld.idx.msk [tilespmem:v17+s16+$0x0], $0xffff;
	[tilespmem:s3+$0xB0] =	vst v10  }
0x429: {  	v10 =	vadd.f32 $-8.388608000e+06, v11;
	v8 =	vld [tilespmem:s11+$0x22C0];
	[tilespmem:s5+$0xFFFFFFC0] =	vst v18;
	vm0 =	vgt.s32 v14, $0x0  }
0x42a: {  	v11 =	vmul.f32 $3.100000000e+01, v6;
	v18 =	vld.idx.msk [tilespmem:v13+s17+$0x0], $0xffff;
	v6 =	vnsel vm0, $0x0, v14;
	[tilespmem:s29+$0xFFFFFF70] =	vst v1  }
0x42b: {  	s4 =	sadd.s32 $0x200, s4;
	v1 =	vtrunc.f32 v10;
	v6 =	vmin.u32 v6, $0x1F;
	v10 =	vadd.f32 $1.000000000e+00, v3;
	[tilespmem:s30+$0x60] =	vst v20;
	v14 =	vld.idx.msk [tilespmem:v22+s16+$0x0], $0xffff  }
0x42c: {  	[tilespmem:s4+$0xFFFFFF00] =	vst v12;
	v11 =	vadd.f32 $8.388608000e+06, v11;
	v1 =	vcvt.f32.s32 v1;
	v4 =	vld.idx.msk [tilespmem:v4+s18+$0x0], $0xffff;
	v12 =	vmov v19  }
0x42d: {  	v19 =	vld.idx.msk [tilespmem:v15+s16+$0x0], $0xffff;
	[tilespmem:s13+$0x90] =	vst v9;
	v9 =	vmul.f32 $5.000000000e-01, v10  }
0x42e: {  	v10 =	vadd.f32 $-8.388608000e+06, v11;
	v11 =	vld [tilespmem:s22+$0x22A0];
	[tilespmem:s23+$0xFFFFFFA0] =	vst v16;
	vm0 =	vgt.s32 v1, $0x0  }
0x42f: {  	v20 =	vld.idx.msk [tilespmem:v17+s17+$0x0], $0xffff;
	v1 =	vnsel vm0, $0x0, v1;
	[tilespmem:s0+$0xFFFFFF50] =	vst v7;
	v7 =	vmul.f32 $3.100000000e+01, v9  }
0x430: {  	v9 =	vtrunc.f32 v10;
	v10 =	vmin.u32 v1, $0x1F;
	v1 =	vadd.f32 $1.000000000e+00, v8;
	[tilespmem:s5+$0x40] =	vst v18;
	v18 =	vld.idx.msk [tilespmem:v6+s16+$0x0], $0xffff  }
0x431: {  	v9 =	vcvt.f32.s32 v9;
	v13 =	vld.idx.msk [tilespmem:v13+s18+$0x0], $0xffff;
	v7 =	vadd.f32 $8.388608000e+06, v7;
	[tilespmem:s29+$0xFFFFFFF0] =	vst v14  }
0x432: {  	v14 =	vmul.f32 $5.000000000e-01, v1;
	[tilespmem:s30+$0xE0] =	vst v4;
	v4 =	vld.idx.msk [tilespmem:v22+s17+$0x0], $0xffff  }
0x433: {  	[tilespmem:s4+$0xFFFFFF80] =	vst v19;
	vm0 =	vgt.s32 v9, $0x0;
	v7 =	vadd.f32 $-8.388608000e+06, v7;
	v1 =	vld [tilespmem:s2+$0x22F0];
	s2 =	smov.u32 s9;
	s9 =	smov.u32 s8;
	s8 =	smov.u32 s12  }
0x434: {  	v19 =	vadd.f32 $1.000000000e+00, v12;
	s12 =	smov.u32 s11;
	s11 =	smov.u32 s24;
	s24 =	smov.u32 s14;
	v21 =	vld.idx.msk [tilespmem:v15+s17+$0x0], $0xffff;
	v9 =	vnsel vm0, $0x0, v9;
	[tilespmem:s10+$0xFFFFFF30] =	vst v5;
	v5 =	vmul.f32 $3.100000000e+01, v14  }
0x435: {  	s14 =	smov.u32 s22;
	s22 =	smov.u32 s1;
	s1 =	smov.u32 s7;
	v16 =	vmin.u32 v9, $0x1F;
	v9 =	vadd.f32 $1.000000000e+00, v11;
	[tilespmem:s23+$0x20] =	vst v20;
	v14 =	vld.idx.msk [tilespmem:v10+s16+$0x0], $0xffff;
	v7 =	vtrunc.f32 v7  }
.Ltmp6:
0x436: {  	s7 =	smov.u32 s15;
	v17 =	vld.idx.msk [tilespmem:v17+s18+$0x0], $0xffff;
	v5 =	vadd.f32 $8.388608000e+06, v5;
	[tilespmem:s0+$0xFFFFFFD0] =	vst v18;
	v23 =	vcvt.f32.s32 v7;
	(pc) =	sbr.rel @p0 .LBB2_9-.Ltmp6, $4  }
0x437: {  	v18 =	vmul.f32 $5.000000000e-01, v19;
	v19 =	vmul.f32 $5.000000000e-01, v9;
	[tilespmem:s5+$0xC0] =	vst v13;
	v9 =	vld.idx.msk [tilespmem:v6+s17+$0x0], $0xffff  }
0x438: {  	v5 =	vadd.f32 $-8.388608000e+06, v5;
	v7 =	vld [tilespmem:s8+$0x22D0];
	vm0 =	vgt.s32 v23, $0x0;
	v24 =	vadd.f32 $1.000000000e+00, v1;
	[tilespmem:s29+$0x70] =	vst v4  }
0x439: {  	v20 =	vmul.f32 $3.100000000e+01, v18;
	[tilespmem:s19+$0xFFFFFF10] =	vst v2;
	v18 =	vmul.f32 $3.100000000e+01, v19;
	v4 =	vnsel vm0, $0x0, v23;
	v2 =	vld.idx.msk [tilespmem:v22+s18+$0x0], $0xffff  }
0x43a: {  	s21 =	sadd.s32 $0x200, s21;
	[tilespmem:s4+$0x0] =	vst v21;
	v19 =	vld.idx.msk [tilespmem:v16+s16+$0x0], $0xffff;
	v13 =	vtrunc.f32 v5;
	v4 =	vmin.u32 v4, $0x1F;
	v5 =	vmul.f32 $5.000000000e-01, v24  }
0x43b: {  	v20 =	vadd.f32 $8.388608000e+06, v20;
	_ =	sdelay $0x1  }
0x43c: {  	v20 =	vadd.f32 $-8.388608000e+06, v20;
	_ =	sdelay $0x1  }
0x43d: {  	v20 =	vtrunc.f32 v20  }
0x43e: {  	v20 =	vcvt.f32.s32 v20;
	_ =	sdelay $0x1  }
0x43f: {  	vm0 =	vgt.s32 v20, $0x0  }
0x440: {  	v20 =	vnsel vm0, $0x0, v20  }
0x441: {  	v20 =	vmin.u32 v20, $0x1F;
	_ =	sdelay $0x2  }
0x442: {  	s21 =	sadd.s32 $0x200, s4  }
0x443: {  	[tilespmem:s21+$0xFFFFFF00] =	vst v12  }
0x444: {  	v12 =	vld.idx.msk [tilespmem:v20+s16+$0x0], $0xffff;
	_ =	sdelay $0x2  }
0x445: {  	v15 =	vld.idx.msk [tilespmem:v15+s18+$0x0], $0xffff;
	_ =	sdelay $0x1  }
0x446: {  	[tilespmem:s21+$0xFFFFFF80] =	vst v12  }
0x447: {  	v12 =	vld.idx.msk [tilespmem:v20+s17+$0x0], $0xffff;
	_ =	sdelay $0x1  }
0x448: {  	[tilespmem:s4+$0x80] =	vst v15  }
0x449: {  	v15 =	vld [tilespmem:s1+$0x2290];
	_ =	sdelay $0x1  }
0x44a: {  	[tilespmem:s21+$0x0] =	vst v12  }
0x44b: {  	v12 =	vld.idx.msk [tilespmem:v20+s18+$0x0], $0xffff;
	_ =	sdelay $0x1  }
0x44c: {  	v54 =	vadd.f32 $1.000000000e+00, v15;
	_ =	sdelay $0x1  }
0x44d: {  	v20 =	vmul.f32 $5.000000000e-01, v54  }
0x44e: {  	[tilespmem:s21+$0x80] =	vst v12  }
0x44f: {  	v20 =	vmul.f32 $3.100000000e+01, v20;
	v12 =	vld [tilespmem:s7+$0x2290];
	_ =	sdelay $0x1  }
0x450: {  	v20 =	vadd.f32 $8.388608000e+06, v20;
	_ =	sdelay $0x1  }
0x451: {  	v20 =	vadd.f32 $-8.388608000e+06, v20  }
0x452: {  	v21 =	vadd.f32 $1.000000000e+00, v12  }
0x453: {  	v20 =	vtrunc.f32 v20  }
0x454: {  	v20 =	vcvt.f32.s32 v20;
	v21 =	vmul.f32 $5.000000000e-01, v21;
	_ =	sdelay $0x1  }
0x455: {  	vm6 =	vgt.s32 v20, $0x0;
	v21 =	vmul.f32 $3.100000000e+01, v21  }
0x456: {  	v20 =	vnsel vm6, $0x0, v20  }
0x457: {  	v20 =	vmin.u32 v20, $0x1F;
	v21 =	vadd.f32 $8.388608000e+06, v21;
	_ =	sdelay $0x1  }
0x458: {  	v21 =	vadd.f32 $-8.388608000e+06, v21;
	_ =	sdelay $0x1  }
0x459: {  	[tilespmem:s4+$0xFFFFFF10] =	vst v15;
	v21 =	vtrunc.f32 v21  }
0x45a: {  	v15 =	vld.idx.msk [tilespmem:v20+s16+$0x0], $0xffff;
	v21 =	vcvt.f32.s32 v21;
	_ =	sdelay $0x1  }
0x45b: {  	vm7 =	vgt.s32 v21, $0x0  }
0x45c: {  	[tilespmem:s19+$0xFFFFFF90] =	vst v19;
	v21 =	vnsel vm7, $0x0, v21  }
0x45d: {  	v19 =	vld.idx.msk [tilespmem:v16+s17+$0x0], $0xffff;
	v21 =	vmin.u32 v21, $0x1F  }
0x45e: {  	[tilespmem:s4+$0xFFFFFF90] =	vst v15  }
0x45f: {  	v15 =	vld.idx.msk [tilespmem:v20+s17+$0x0], $0xffff;
	_ =	sdelay $0x1  }
0x460: {  	[tilespmem:s21+$0xFFFFFF10] =	vst v12  }
0x461: {  	[tilespmem:s19+$0x10] =	vst v19;
	v12 =	vld.idx.msk [tilespmem:v21+s16+$0x0], $0xffff  }
0x462: {  	v55 =	vld.idx.msk [tilespmem:v16+s18+$0x0], $0xffff  }
0x463: {  	[tilespmem:s4+$0x10] =	vst v15  }
0x464: {  	v15 =	vld.idx.msk [tilespmem:v20+s18+$0x0], $0xffff;
	_ =	sdelay $0x1  }
0x465: {  	[tilespmem:s21+$0xFFFFFF90] =	vst v12  }
0x466: {  	[tilespmem:s19+$0x90] =	vst v55;
	v12 =	vld.idx.msk [tilespmem:v21+s17+$0x0], $0xffff  }
0x467: {  	v16 =	vld [tilespmem:s22+$0x22A0]  }
0x468: {  	[tilespmem:s4+$0x90] =	vst v15  }
0x469: {  	v15 =	vld [tilespmem:s1+$0x22A0];
	_ =	sdelay $0x1  }
0x46a: {  	[tilespmem:s21+$0x10] =	vst v12  }
0x46b: {  	v56 =	vadd.f32 $1.000000000e+00, v16;
	v12 =	vld.idx.msk [tilespmem:v21+s18+$0x0], $0xffff;
	_ =	sdelay $0x1  }
0x46c: {  	v19 =	vmul.f32 $5.000000000e-01, v56;
	v57 =	vadd.f32 $1.000000000e+00, v15  }
0x46d: {  	v18 =	vadd.f32 $8.388608000e+06, v18  }
0x46e: {  	v19 =	vmul.f32 $3.100000000e+01, v19;
	v20 =	vmul.f32 $5.000000000e-01, v57  }
0x46f: {  	v18 =	vadd.f32 $-8.388608000e+06, v18;
	[tilespmem:s21+$0x90] =	vst v12  }
0x470: {  	v19 =	vadd.f32 $8.388608000e+06, v19;
	v20 =	vmul.f32 $3.100000000e+01, v20;
	v12 =	vld [tilespmem:s7+$0x22A0]  }
0x471: {  	v18 =	vtrunc.f32 v18  }
0x472: {  	v18 =	vcvt.f32.s32 v18;
	v19 =	vadd.f32 $-8.388608000e+06, v19;
	v20 =	vadd.f32 $8.388608000e+06, v20;
	_ =	sdelay $0x1  }
0x473: {  	vm8 =	vgt.s32 v18, $0x0;
	v19 =	vtrunc.f32 v19;
	v20 =	vadd.f32 $-8.388608000e+06, v20  }
0x474: {  	v18 =	vnsel vm8, $0x0, v18;
	v19 =	vcvt.f32.s32 v19;
	v58 =	vadd.f32 $1.000000000e+00, v12  }
0x475: {  	v18 =	vmin.u32 v18, $0x1F;
	v20 =	vtrunc.f32 v20  }
0x476: {  	vm9 =	vgt.s32 v19, $0x0;
	v20 =	vcvt.f32.s32 v20;
	v21 =	vmul.f32 $5.000000000e-01, v58  }
0x477: {  	v19 =	vnsel vm9, $0x0, v19  }
0x478: {  	v19 =	vmin.u32 v19, $0x1F;
	vm10 =	vgt.s32 v20, $0x0;
	v21 =	vmul.f32 $3.100000000e+01, v21  }
0x479: {  	[tilespmem:s13+$0xFFFFFF20] =	vst v11;
	v20 =	vnsel vm10, $0x0, v20  }
0x47a: {  	v11 =	vld.idx.msk [tilespmem:v18+s16+$0x0], $0xffff;
	v20 =	vmin.u32 v20, $0x1F;
	v21 =	vadd.f32 $8.388608000e+06, v21;
	_ =	sdelay $0x1  }
0x47b: {  	[tilespmem:s19+$0xFFFFFF20] =	vst v16;
	v21 =	vadd.f32 $-8.388608000e+06, v21  }
0x47c: {  	v16 =	vld.idx.msk [tilespmem:v19+s16+$0x0], $0xffff  }
0x47d: {  	[tilespmem:s4+$0xFFFFFF20] =	vst v15;
	v21 =	vtrunc.f32 v21  }
0x47e: {  	[tilespmem:s13+$0xFFFFFFA0] =	vst v11;
	v15 =	vld.idx.msk [tilespmem:v20+s16+$0x0], $0xffff;
	v21 =	vcvt.f32.s32 v21  }
0x47f: {  	v11 =	vld.idx.msk [tilespmem:v18+s17+$0x0], $0xffff  }
0x480: {  	vm11 =	vgt.s32 v21, $0x0  }
0x481: {  	[tilespmem:s19+$0xFFFFFFA0] =	vst v16;
	v21 =	vnsel vm11, $0x0, v21  }
0x482: {  	v16 =	vld.idx.msk [tilespmem:v19+s17+$0x0], $0xffff;
	v21 =	vmin.u32 v21, $0x1F  }
0x483: {  	[tilespmem:s4+$0xFFFFFFA0] =	vst v15  }
0x484: {  	[tilespmem:s13+$0x20] =	vst v11;
	v15 =	vld.idx.msk [tilespmem:v20+s17+$0x0], $0xffff  }
0x485: {  	v11 =	vld.idx.msk [tilespmem:v18+s18+$0x0], $0xffff  }
0x486: {  	[tilespmem:s21+$0xFFFFFF20] =	vst v12  }
0x487: {  	[tilespmem:s19+$0x20] =	vst v16;
	v12 =	vld.idx.msk [tilespmem:v21+s16+$0x0], $0xffff  }
0x488: {  	[tilespmem:s23+$0xA0] =	vst v17;
	v16 =	vld.idx.msk [tilespmem:v19+s18+$0x0], $0xffff  }
0x489: {  	v17 =	vld [tilespmem:s24+$0x22B0];
	[tilespmem:s4+$0x20] =	vst v15  }
0x48a: {  	[tilespmem:s13+$0xA0] =	vst v11;
	v15 =	vld.idx.msk [tilespmem:v20+s18+$0x0], $0xffff  }
0x48b: {  	v11 =	vld [tilespmem:s14+$0x22B0]  }
0x48c: {  	[tilespmem:s21+$0xFFFFFFA0] =	vst v12  }
0x48d: {  	[tilespmem:s19+$0xA0] =	vst v16;
	v12 =	vld.idx.msk [tilespmem:v21+s17+$0x0], $0xffff  }
0x48e: {  	v16 =	vld [tilespmem:s22+$0x22B0]  }
0x48f: {  	[tilespmem:s4+$0xA0] =	vst v15  }
0x490: {  	v59 =	vadd.f32 $1.000000000e+00, v17;
	v61 =	vadd.f32 $1.000000000e+00, v11;
	v15 =	vld [tilespmem:s1+$0x22B0];
	_ =	sdelay $0x1  }
0x491: {  	v19 =	vmul.f32 $5.000000000e-01, v61;
	[tilespmem:s21+$0x20] =	vst v12;
	v12 =	vmul.f32 $5.000000000e-01, v59  }
0x492: {  	v62 =	vadd.f32 $1.000000000e+00, v16  }
0x493: {  	v19 =	vmul.f32 $3.100000000e+01, v19;
	v12 =	vmul.f32 $3.100000000e+01, v12  }
0x494: {  	v20 =	vmul.f32 $5.000000000e-01, v62;
	v63 =	vadd.f32 $1.000000000e+00, v15;
	v60 =	vld.idx.msk [tilespmem:v21+s18+$0x0], $0xffff  }
0x495: {  	v24 =	vadd.f32 $8.388608000e+06, v19;
	v12 =	vadd.f32 $8.388608000e+06, v12  }
0x496: {  	v20 =	vmul.f32 $3.100000000e+01, v20;
	v21 =	vmul.f32 $5.000000000e-01, v63  }
0x497: {  	[tilespmem:s10+$0xFFFFFFB0] =	vst v14;
	v14 =	vadd.f32 $-8.388608000e+06, v24;
	v12 =	vadd.f32 $-8.388608000e+06, v12  }
0x498: {  	v20 =	vadd.f32 $8.388608000e+06, v20;
	v25 =	vmul.f32 $3.100000000e+01, v21  }
0x499: {  	v14 =	vtrunc.f32 v14;
	[tilespmem:s21+$0xA0] =	vst v60;
	v12 =	vtrunc.f32 v12  }
0x49a: {  	v20 =	vadd.f32 $-8.388608000e+06, v20;
	v19 =	vadd.f32 $8.388608000e+06, v25;
	v18 =	vld [tilespmem:s7+$0x22B0];
	v12 =	vcvt.f32.s32 v12  }
0x49b: {  	v14 =	vcvt.f32.s32 v14  }
0x49c: {  	v27 =	vtrunc.f32 v20;
	v19 =	vadd.f32 $-8.388608000e+06, v19;
	vm12 =	vgt.s32 v12, $0x0  }
0x49d: {  	[tilespmem:s23+$0xFFFFFF30] =	vst v17;
	vm13 =	vgt.s32 v14, $0x0;
	v17 =	vcvt.f32.s32 v27;
	v12 =	vnsel vm12, $0x0, v12  }
0x49e: {  	v26 =	vld.idx.msk [tilespmem:v10+s17+$0x0], $0xffff;
	v14 =	vnsel vm13, $0x0, v14;
	v19 =	vtrunc.f32 v19;
	v12 =	vmin.u32 v12, $0x1F  }
0x49f: {  	vm14 =	vgt.s32 v17, $0x0;
	v19 =	vcvt.f32.s32 v19;
	v22 =	vadd.f32 $1.000000000e+00, v18  }
0x4a0: {  	v14 =	vmin.u32 v14, $0x1F;
	v17 =	vnsel vm14, $0x0, v17  }
0x4a1: {  	v17 =	vmin.u32 v17, $0x1F;
	vm15 =	vgt.s32 v19, $0x0;
	v22 =	vmul.f32 $5.000000000e-01, v22  }
0x4a2: {  	v19 =	vnsel vm15, $0x0, v19  }
0x4a3: {  	[tilespmem:s10+$0x30] =	vst v26;
	v19 =	vmin.u32 v19, $0x1F;
	v22 =	vmul.f32 $3.100000000e+01, v22;
	v29 =	vld.idx.msk [tilespmem:v12+s16+$0x0], $0xffff  }
0x4a4: {  	v30 =	vld.idx.msk [tilespmem:v10+s18+$0x0], $0xffff;
	[tilespmem:s13+$0xFFFFFF30] =	vst v11  }
0x4a5: {  	[tilespmem:s19+$0xFFFFFF30] =	vst v16;
	v11 =	vld.idx.msk [tilespmem:v14+s16+$0x0], $0xffff;
	v22 =	vadd.f32 $8.388608000e+06, v22  }
0x4a6: {  	v16 =	vld.idx.msk [tilespmem:v17+s16+$0x0], $0xffff  }
0x4a7: {  	[tilespmem:s4+$0xFFFFFF30] =	vst v15;
	v28 =	vadd.f32 $-8.388608000e+06, v22  }
0x4a8: {  	v15 =	vld.idx.msk [tilespmem:v19+s16+$0x0], $0xffff;
	[tilespmem:s23+$0xFFFFFFB0] =	vst v29  }
0x4a9: {  	[tilespmem:s10+$0xB0] =	vst v30;
	v20 =	vtrunc.f32 v28;
	v31 =	vld.idx.msk [tilespmem:v12+s17+$0x0], $0xffff  }
0x4aa: {  	v32 =	vld [tilespmem:s11+$0x22C0];
	[tilespmem:s13+$0xFFFFFFB0] =	vst v11;
	v20 =	vcvt.f32.s32 v20  }
0x4ab: {  	v36 =	vld.idx.msk [tilespmem:v14+s17+$0x0], $0xffff;
	[tilespmem:s19+$0xFFFFFFB0] =	vst v16  }
0x4ac: {  	v16 =	vld.idx.msk [tilespmem:v17+s17+$0x0], $0xffff;
	vm4 =	vgt.s32 v20, $0x0  }
0x4ad: {  	[tilespmem:s4+$0xFFFFFFB0] =	vst v15;
	v20 =	vnsel vm4, $0x0, v20  }
0x4ae: {  	v15 =	vld.idx.msk [tilespmem:v19+s17+$0x0], $0xffff;
	v20 =	vmin.u32 v20, $0x1F;
	[tilespmem:s23+$0x30] =	vst v31  }
0x4af: {  	v12 =	vld.idx.msk [tilespmem:v12+s18+$0x0], $0xffff  }
0x4b0: {  	[tilespmem:s13+$0x30] =	vst v36  }
0x4b1: {  	v34 =	vadd.f32 $1.000000000e+00, v32;
	v14 =	vld.idx.msk [tilespmem:v14+s18+$0x0], $0xffff;
	[tilespmem:s19+$0x30] =	vst v16  }
0x4b2: {  	[tilespmem:s21+$0xFFFFFF30] =	vst v18;
	v16 =	vld.idx.msk [tilespmem:v17+s18+$0x0], $0xffff  }
0x4b3: {  	v35 =	vmul.f32 $5.000000000e-01, v34;
	[tilespmem:s4+$0x30] =	vst v15;
	v33 =	vld.idx.msk [tilespmem:v20+s16+$0x0], $0xffff  }
0x4b4: {  	v13 =	vcvt.f32.s32 v13;
	v15 =	vld.idx.msk [tilespmem:v19+s18+$0x0], $0xffff;
	[tilespmem:s23+$0xB0] =	vst v12  }
0x4b5: {  	v11 =	vmul.f32 $3.100000000e+01, v35;
	v12 =	vld [tilespmem:s24+$0x22C0]  }
0x4b6: {  	vm5 =	vgt.s32 v13, $0x0;
	[tilespmem:s13+$0xB0] =	vst v14  }
0x4b7: {  	v13 =	vnsel vm5, $0x0, v13;
	v11 =	vadd.f32 $8.388608000e+06, v11;
	v14 =	vld [tilespmem:s14+$0x22C0];
	[tilespmem:s19+$0xB0] =	vst v16  }
0x4b8: {  	v13 =	vmin.u32 v13, $0x1F;
	v16 =	vld [tilespmem:s22+$0x22C0];
	[tilespmem:s21+$0xFFFFFFB0] =	vst v33  }
0x4b9: {  	v11 =	vadd.f32 $-8.388608000e+06, v11;
	[tilespmem:s4+$0xB0] =	vst v15;
	v10 =	vld.idx.msk [tilespmem:v20+s17+$0x0], $0xffff  }
0x4ba: {  	v15 =	vld [tilespmem:s1+$0x22C0];
	v38 =	vadd.f32 $1.000000000e+00, v12  }
0x4bb: {  	v11 =	vtrunc.f32 v11  }
0x4bc: {  	[tilespmem:s3+$0xFFFFFF40] =	vst v8;
	v37 =	vcvt.f32.s32 v11;
	v43 =	vadd.f32 $1.000000000e+00, v14;
	v11 =	vmul.f32 $5.000000000e-01, v38  }
0x4bd: {  	v42 =	vld.idx.msk [tilespmem:v13+s16+$0x0], $0xffff;
	v45 =	vadd.f32 $1.000000000e+00, v16  }
0x4be: {  	v18 =	vmul.f32 $5.000000000e-01, v43;
	[tilespmem:s21+$0x30] =	vst v10;
	v11 =	vmul.f32 $3.100000000e+01, v11  }
0x4bf: {  	v46 =	vadd.f32 $1.000000000e+00, v15;
	v39 =	vld.idx.msk [tilespmem:v20+s18+$0x0], $0xffff;
	v20 =	vmul.f32 $5.000000000e-01, v45  }
0x4c0: {  	v48 =	vmul.f32 $3.100000000e+01, v18;
	v40 =	vadd.f32 $8.388608000e+06, v11  }
0x4c1: {  	v49 =	vmul.f32 $5.000000000e-01, v46;
	v20 =	vmul.f32 $3.100000000e+01, v20  }
0x4c2: {  	[tilespmem:s3+$0xFFFFFFC0] =	vst v42;
	vm6 =	vgt.s32 v37, $0x0;
	v17 =	vadd.f32 $8.388608000e+06, v48;
	v8 =	vadd.f32 $-8.388608000e+06, v40  }
0x4c3: {  	v50 =	vld.idx.msk [tilespmem:v13+s17+$0x0], $0xffff;
	v10 =	vnsel vm6, $0x0, v37;
	v18 =	vmul.f32 $3.100000000e+01, v49;
	v20 =	vadd.f32 $8.388608000e+06, v20  }
0x4c4: {  	v17 =	vadd.f32 $-8.388608000e+06, v17;
	v10 =	vmin.u32 v10, $0x1F;
	[tilespmem:s21+$0xB0] =	vst v39;
	v8 =	vtrunc.f32 v8  }
0x4c5: {  	v18 =	vadd.f32 $8.388608000e+06, v18;
	v41 =	vld [tilespmem:s7+$0x22C0];
	v20 =	vadd.f32 $-8.388608000e+06, v20;
	v8 =	vcvt.f32.s32 v8  }
0x4c6: {  	v17 =	vtrunc.f32 v17  }
0x4c7: {  	v18 =	vadd.f32 $-8.388608000e+06, v18;
	v52 =	vtrunc.f32 v20;
	vm7 =	vgt.s32 v8, $0x0  }
0x4c8: {  	[tilespmem:s3+$0x40] =	vst v50;
	v51 =	vcvt.f32.s32 v17;
	v17 =	vcvt.f32.s32 v52;
	v8 =	vnsel vm7, $0x0, v8  }
0x4c9: {  	[tilespmem:s10+$0xFFFFFF40] =	vst v32;
	v13 =	vld.idx.msk [tilespmem:v13+s18+$0x0], $0xffff;
	v18 =	vtrunc.f32 v18;
	v8 =	vmin.u32 v8, $0x1F  }
0x4ca: {  	v44 =	vld.idx.msk [tilespmem:v10+s16+$0x0], $0xffff;
	v18 =	vcvt.f32.s32 v18;
	v47 =	vadd.f32 $1.000000000e+00, v41;
	vm9 =	vgt.s32 v17, $0x0  }
0x4cb: {  	v17 =	vnsel vm9, $0x0, v17  }
0x4cc: {  	vm10 =	vgt.s32 v18, $0x0;
	v22 =	vmul.f32 $5.000000000e-01, v47;
	v55 =	vmin.u32 v17, $0x1F  }
0x4cd: {  	[tilespmem:s23+$0xFFFFFF40] =	vst v12;
	v56 =	vnsel vm10, $0x0, v18  }
0x4ce: {  	[tilespmem:s3+$0xC0] =	vst v13;
	vm8 =	vgt.s32 v51, $0x0;
	v17 =	vmin.u32 v56, $0x1F;
	v22 =	vmul.f32 $3.100000000e+01, v22;
	v54 =	vld.idx.msk [tilespmem:v8+s16+$0x0], $0xffff  }
0x4cf: {  	v21 =	vld [tilespmem:s12+$0x22D0];
	v12 =	vnsel vm8, $0x0, v51;
	[tilespmem:s10+$0xFFFFFFC0] =	vst v44  }
0x4d0: {  	[tilespmem:s19+$0xFFFFFF40] =	vst v16;
	v12 =	vmin.u32 v12, $0x1F;
	v19 =	vld.idx.msk [tilespmem:v10+s17+$0x0], $0xffff;
	v22 =	vadd.f32 $8.388608000e+06, v22  }
0x4d1: {  	v62 =	vld.idx.msk [tilespmem:v55+s16+$0x0], $0xffff  }
0x4d2: {  	[tilespmem:s4+$0xFFFFFF40] =	vst v15;
	v53 =	vadd.f32 $-8.388608000e+06, v22  }
0x4d3: {  	v25 =	vld.idx.msk [tilespmem:v17+s16+$0x0], $0xffff;
	[tilespmem:s23+$0xFFFFFFC0] =	vst v54  }
0x4d4: {  	[tilespmem:s13+$0xFFFFFF40] =	vst v14;
	v20 =	vtrunc.f32 v53;
	v59 =	vld.idx.msk [tilespmem:v8+s17+$0x0], $0xffff  }
0x4d5: {  	v24 =	vadd.f32 $1.000000000e+00, v21;
	v14 =	vld.idx.msk [tilespmem:v12+s16+$0x0], $0xffff;
	[tilespmem:s10+$0x40] =	vst v19;
	v20 =	vcvt.f32.s32 v20  }
0x4d6: {  	v10 =	vld.idx.msk [tilespmem:v10+s18+$0x0], $0xffff;
	[tilespmem:s19+$0xFFFFFFC0] =	vst v62  }
0x4d7: {  	v23 =	vadd.f32 $1.000000000e+00, v7;
	[tilespmem:s5+$0xFFFFFF50] =	vst v7;
	v27 =	vmul.f32 $5.000000000e-01, v24;
	vm11 =	vgt.s32 v20, $0x0;
	v30 =	vld.idx.msk [tilespmem:v55+s17+$0x0], $0xffff  }
0x4d8: {  	[tilespmem:s4+$0xFFFFFFC0] =	vst v25;
	v58 =	vnsel vm11, $0x0, v20  }
0x4d9: {  	v23 =	vmul.f32 $5.000000000e-01, v23;
	v11 =	vmul.f32 $3.100000000e+01, v27;
	v31 =	vld.idx.msk [tilespmem:v17+s17+$0x0], $0xffff;
	v19 =	vmin.u32 v58, $0x1F;
	[tilespmem:s23+$0x40] =	vst v59  }
0x4da: {  	[tilespmem:s13+$0xFFFFFFC0] =	vst v14;
	v8 =	vld.idx.msk [tilespmem:v8+s18+$0x0], $0xffff  }
0x4db: {  	v23 =	vmul.f32 $3.100000000e+01, v23;
	v11 =	vadd.f32 $8.388608000e+06, v11;
	v29 =	vld.idx.msk [tilespmem:v12+s17+$0x0], $0xffff;
	[tilespmem:s10+$0xC0] =	vst v10  }
0x4dc: {  	v60 =	vld [tilespmem:s11+$0x22D0];
	[tilespmem:s19+$0x40] =	vst v30  }
0x4dd: {  	v57 =	vadd.f32 $8.388608000e+06, v23;
	v34 =	vadd.f32 $-8.388608000e+06, v11;
	[tilespmem:s21+$0xFFFFFF40] =	vst v41;
	v13 =	vld.idx.msk [tilespmem:v55+s18+$0x0], $0xffff  }
0x4de: {  	[tilespmem:s4+$0x40] =	vst v31;
	v26 =	vld.idx.msk [tilespmem:v19+s16+$0x0], $0xffff  }
0x4df: {  	v7 =	vtrunc.f32 v34;
	v18 =	vadd.f32 $-8.388608000e+06, v57;
	v37 =	vld.idx.msk [tilespmem:v17+s18+$0x0], $0xffff;
	[tilespmem:s23+$0xC0] =	vst v8  }
0x4e0: {  	v7 =	vcvt.f32.s32 v7;
	[tilespmem:s13+$0x40] =	vst v29;
	v35 =	vld [tilespmem:s24+$0x22D0]  }
0x4e1: {  	v61 =	vtrunc.f32 v18;
	v12 =	vld.idx.msk [tilespmem:v12+s18+$0x0], $0xffff;
	v32 =	vadd.f32 $1.000000000e+00, v60  }
0x4e2: {  	vm13 =	vgt.s32 v7, $0x0;
	v63 =	vcvt.f32.s32 v61  }
0x4e3: {  	v7 =	vnsel vm13, $0x0, v7;
	v10 =	vmul.f32 $5.000000000e-01, v32;
	[tilespmem:s21+$0xFFFFFFC0] =	vst v26  }
0x4e4: {  	v7 =	vmin.u32 v7, $0x1F;
	vm12 =	vgt.s32 v63, $0x0;
	[tilespmem:s19+$0xC0] =	vst v13;
	v33 =	vld.idx.msk [tilespmem:v19+s17+$0x0], $0xffff  }
0x4e5: {  	v15 =	vnsel vm12, $0x0, v63;
	v10 =	vmul.f32 $3.100000000e+01, v10;
	[tilespmem:s4+$0xC0] =	vst v37;
	v13 =	vld [tilespmem:s22+$0x22D0];
	v39 =	vadd.f32 $1.000000000e+00, v35  }
0x4e6: {  	v28 =	vmin.u32 v15, $0x1F;
	[tilespmem:s13+$0xC0] =	vst v12;
	v15 =	vld [tilespmem:s1+$0x22D0]  }
0x4e7: {  	v12 =	vld [tilespmem:s14+$0x22D0];
	v38 =	vadd.f32 $8.388608000e+06, v10;
	v10 =	vmul.f32 $5.000000000e-01, v39  }
0x4e8: {  	[tilespmem:s3+$0xFFFFFF50] =	vst v21  }
0x4e9: {  	v42 =	vld.idx.msk [tilespmem:v7+s16+$0x0], $0xffff;
	[tilespmem:s21+$0x40] =	vst v33;
	v10 =	vmul.f32 $3.100000000e+01, v10  }
0x4ea: {  	v8 =	vadd.f32 $-8.388608000e+06, v38;
	v45 =	vadd.f32 $1.000000000e+00, v13;
	v40 =	vld.idx.msk [tilespmem:v19+s18+$0x0], $0xffff  }
0x4eb: {  	v36 =	vld.idx.msk [tilespmem:v28+s16+$0x0], $0xffff;
	v46 =	vadd.f32 $1.000000000e+00, v15;
	v10 =	vadd.f32 $8.388608000e+06, v10  }
0x4ec: {  	v44 =	vadd.f32 $1.000000000e+00, v12;
	v8 =	vtrunc.f32 v8;
	v47 =	vmul.f32 $5.000000000e-01, v45  }
0x4ed: {  	[tilespmem:s0+$0x50] =	vst v9;
	v8 =	vcvt.f32.s32 v8;
	v49 =	vmul.f32 $5.000000000e-01, v46;
	v43 =	vadd.f32 $-8.388608000e+06, v10  }
0x4ee: {  	[tilespmem:s3+$0xFFFFFFD0] =	vst v42;
	v17 =	vmul.f32 $3.100000000e+01, v47;
	v10 =	vmul.f32 $5.000000000e-01, v44  }
0x4ef: {  	v50 =	vld.idx.msk [tilespmem:v7+s17+$0x0], $0xffff;
	v18 =	vmul.f32 $3.100000000e+01, v49;
	[tilespmem:s21+$0xC0] =	vst v40;
	v9 =	vtrunc.f32 v43  }
0x4f0: {  	[tilespmem:s5+$0xFFFFFFD0] =	vst v36;
	vm14 =	vgt.s32 v8, $0x0;
	v16 =	vld [tilespmem:s7+$0x22D0];
	v10 =	vmul.f32 $3.100000000e+01, v10;
	v9 =	vcvt.f32.s32 v9  }
0x4f1: {  	v41 =	vld.idx.msk [tilespmem:v28+s17+$0x0], $0xffff;
	v8 =	vnsel vm14, $0x0, v8;
	v17 =	vadd.f32 $8.388608000e+06, v17  }
0x4f2: {  	v18 =	vadd.f32 $8.388608000e+06, v18;
	v10 =	vadd.f32 $8.388608000e+06, v10;
	vm15 =	vgt.s32 v9, $0x0  }
0x4f3: {  	v8 =	vmin.u32 v8, $0x1F;
	v53 =	vadd.f32 $-8.388608000e+06, v17;
	v9 =	vnsel vm15, $0x0, v9  }
0x4f4: {  	v18 =	vadd.f32 $-8.388608000e+06, v18;
	v10 =	vadd.f32 $-8.388608000e+06, v10;
	v9 =	vmin.u32 v9, $0x1F  }
0x4f5: {  	v6 =	vld.idx.msk [tilespmem:v6+s18+$0x0], $0xffff;
	[tilespmem:s3+$0x50] =	vst v50;
	v57 =	vtrunc.f32 v53;
	v48 =	vadd.f32 $1.000000000e+00, v16  }
0x4f6: {  	v7 =	vld.idx.msk [tilespmem:v7+s18+$0x0], $0xffff;
	[tilespmem:s5+$0x50] =	vst v41;
	v61 =	vtrunc.f32 v18;
	v10 =	vtrunc.f32 v10  }
0x4f7: {  	[tilespmem:s10+$0xFFFFFF50] =	vst v60;
	v14 =	vld.idx.msk [tilespmem:v28+s18+$0x0], $0xffff;
	v19 =	vmul.f32 $5.000000000e-01, v48;
	v56 =	vcvt.f32.s32 v10  }
0x4f8: {  	[tilespmem:s23+$0xFFFFFF50] =	vst v35;
	v51 =	vld.idx.msk [tilespmem:v8+s16+$0x0], $0xffff;
	v11 =	vcvt.f32.s32 v61;
	v10 =	vcvt.f32.s32 v57  }
0x4f9: {  	v19 =	vmul.f32 $3.100000000e+01, v19;
	vm4 =	vgt.s32 v56, $0x0;
	v62 =	vld.idx.msk [tilespmem:v9+s16+$0x0], $0xffff  }
0x4fa: {  	[tilespmem:s0+$0xD0] =	vst v6;
	vm6 =	vgt.s32 v11, $0x0;
	vm5 =	vgt.s32 v10, $0x0;
	v6 =	vnsel vm4, $0x0, v56  }
0x4fb: {  	v52 =	vld [tilespmem:s9+$0x22E0];
	[tilespmem:s3+$0xD0] =	vst v7;
	v54 =	vadd.f32 $8.388608000e+06, v19;
	v10 =	vnsel vm5, $0x0, v10;
	v6 =	vmin.u32 v6, $0x1F  }
0x4fc: {  	v26 =	vld [tilespmem:s12+$0x22E0];
	[tilespmem:s5+$0xD0] =	vst v14;
	v24 =	vnsel vm6, $0x0, v11;
	v63 =	vmin.u32 v10, $0x1F  }
0x4fd: {  	v55 =	vld [tilespmem:s8+$0x22E0];
	[tilespmem:s10+$0xFFFFFFD0] =	vst v51;
	v10 =	vmin.u32 v24, $0x1F;
	v58 =	vadd.f32 $-8.388608000e+06, v54  }
0x4fe: {  	v60 =	vld.idx.msk [tilespmem:v8+s17+$0x0], $0xffff;
	[tilespmem:s23+$0xFFFFFFD0] =	vst v62  }
0x4ff: {  	[tilespmem:s13+$0xFFFFFF50] =	vst v12;
	v14 =	vtrunc.f32 v58;
	v18 =	vld.idx.msk [tilespmem:v9+s17+$0x0], $0xffff  }
0x500: {  	[tilespmem:s19+$0xFFFFFF50] =	vst v13;
	v14 =	vcvt.f32.s32 v14;
	v28 =	vld.idx.msk [tilespmem:v6+s16+$0x0], $0xffff  }
0x501: {  	[tilespmem:s4+$0xFFFFFF50] =	vst v15;
	v13 =	vld.idx.msk [tilespmem:v63+s16+$0x0], $0xffff  }
0x502: {  	v59 =	vadd.f32 $1.000000000e+00, v52;
	v30 =	vld.idx.msk [tilespmem:v10+s16+$0x0], $0xffff;
	vm7 =	vgt.s32 v14, $0x0  }
0x503: {  	[tilespmem:s10+$0x50] =	vst v60;
	v14 =	vnsel vm7, $0x0, v14  }
0x504: {  	v25 =	vadd.f32 $1.000000000e+00, v55;
	v17 =	vmul.f32 $5.000000000e-01, v59;
	v8 =	vld.idx.msk [tilespmem:v8+s18+$0x0], $0xffff;
	v14 =	vmin.u32 v14, $0x1F;
	[tilespmem:s23+$0x50] =	vst v18  }
0x505: {  	[tilespmem:s13+$0xFFFFFFD0] =	vst v28;
	v9 =	vld.idx.msk [tilespmem:v9+s18+$0x0], $0xffff  }
0x506: {  	v27 =	vmul.f32 $3.100000000e+01, v17;
	v11 =	vmul.f32 $5.000000000e-01, v25;
	[tilespmem:s19+$0xFFFFFFD0] =	vst v13;
	v17 =	vld.idx.msk [tilespmem:v6+s17+$0x0], $0xffff  }
0x507: {  	v29 =	vadd.f32 $1.000000000e+00, v26;
	[tilespmem:s4+$0xFFFFFFD0] =	vst v30;
	v13 =	vld.idx.msk [tilespmem:v63+s17+$0x0], $0xffff  }
0x508: {  	[tilespmem:s21+$0xFFFFFF50] =	vst v16;
	v11 =	vmul.f32 $3.100000000e+01, v11;
	v33 =	vld.idx.msk [tilespmem:v10+s17+$0x0], $0xffff  }
0x509: {  	v15 =	vmul.f32 $5.000000000e-01, v29;
	v12 =	vadd.f32 $8.388608000e+06, v27;
	[tilespmem:s10+$0xD0] =	vst v8;
	v31 =	vld.idx.msk [tilespmem:v14+s16+$0x0], $0xffff  }
0x50a: {  	v11 =	vadd.f32 $8.388608000e+06, v11;
	v32 =	vld [tilespmem:s11+$0x22E0];
	[tilespmem:s23+$0xD0] =	vst v9  }
0x50b: {  	v15 =	vmul.f32 $3.100000000e+01, v15;
	v12 =	vadd.f32 $-8.388608000e+06, v12;
	[tilespmem:s13+$0x50] =	vst v17;
	v37 =	vld [tilespmem:s24+$0x22E0]  }
0x50c: {  	v11 =	vadd.f32 $-8.388608000e+06, v11;
	[tilespmem:s19+$0x50] =	vst v13;
	v6 =	vld.idx.msk [tilespmem:v6+s18+$0x0], $0xffff  }
0x50d: {  	v15 =	vadd.f32 $8.388608000e+06, v15;
	v12 =	vtrunc.f32 v12;
	[tilespmem:s4+$0x50] =	vst v33;
	v7 =	vld.idx.msk [tilespmem:v63+s18+$0x0], $0xffff  }
0x50e: {  	v12 =	vcvt.f32.s32 v12;
	v11 =	vtrunc.f32 v11;
	v10 =	vld.idx.msk [tilespmem:v10+s18+$0x0], $0xffff;
	[tilespmem:s21+$0xFFFFFFD0] =	vst v31  }
0x50f: {  	[tilespmem:s31+$0xFFFFFF60] =	vst v3;
	v15 =	vadd.f32 $-8.388608000e+06, v15;
	v11 =	vcvt.f32.s32 v11;
	v3 =	vld.idx.msk [tilespmem:v14+s17+$0x0], $0xffff  }
0x510: {  	v5 =	vmul.f32 $3.100000000e+01, v5;
	vm8 =	vgt.s32 v12, $0x0;
	v36 =	vadd.f32 $1.000000000e+00, v32  }
0x511: {  	v34 =	vld.idx.msk [tilespmem:v4+s16+$0x0], $0xffff;
	v15 =	vtrunc.f32 v15;
	v12 =	vnsel vm8, $0x0, v12;
	vm9 =	vgt.s32 v11, $0x0;
	[tilespmem:s13+$0xD0] =	vst v6  }
0x512: {  	v35 =	vmin.u32 v12, $0x1F;
	v11 =	vnsel vm9, $0x0, v11;
	v12 =	vmul.f32 $5.000000000e-01, v36;
	[tilespmem:s19+$0xD0] =	vst v7;
	v6 =	vld [tilespmem:s14+$0x22E0]  }
0x513: {  	v5 =	vadd.f32 $8.388608000e+06, v5;
	v38 =	vcvt.f32.s32 v15;
	v11 =	vmin.u32 v11, $0x1F;
	[tilespmem:s4+$0xD0] =	vst v10;
	v43 =	vld [tilespmem:s22+$0x22E0]  }
0x514: {  	v42 =	vadd.f32 $1.000000000e+00, v37;
	v10 =	vld [tilespmem:s1+$0x22E0];
	[tilespmem:s21+$0x50] =	vst v3;
	v3 =	vmul.f32 $3.100000000e+01, v12  }
0x515: {  	v5 =	vadd.f32 $-8.388608000e+06, v5;
	vm10 =	vgt.s32 v38, $0x0;
	v39 =	vld.idx.msk [tilespmem:v14+s18+$0x0], $0xffff  }
0x516: {  	[tilespmem:s0+$0xFFFFFF60] =	vst v52;
	v13 =	vnsel vm10, $0x0, v38;
	v7 =	vmul.f32 $5.000000000e-01, v42;
	v3 =	vadd.f32 $8.388608000e+06, v3  }
0x517: {  	[tilespmem:s5+$0xFFFFFF60] =	vst v55;
	v40 =	vld.idx.msk [tilespmem:v35+s16+$0x0], $0xffff;
	v13 =	vmin.u32 v13, $0x1F  }
0x518: {  	v5 =	vtrunc.f32 v5;
	[tilespmem:s31+$0xFFFFFFE0] =	vst v34;
	v41 =	vld.idx.msk [tilespmem:v11+s16+$0x0], $0xffff;
	v7 =	vmul.f32 $3.100000000e+01, v7;
	v3 =	vadd.f32 $-8.388608000e+06, v3  }
0x519: {  	v5 =	vcvt.f32.s32 v5;
	v47 =	vld.idx.msk [tilespmem:v4+s17+$0x0], $0xffff;
	v45 =	vadd.f32 $1.000000000e+00, v6;
	v46 =	vadd.f32 $1.000000000e+00, v43  }
0x51a: {  	v7 =	vadd.f32 $8.388608000e+06, v7;
	v49 =	vadd.f32 $1.000000000e+00, v10;
	[tilespmem:s21+$0xD0] =	vst v39;
	v3 =	vtrunc.f32 v3  }
0x51b: {  	[tilespmem:s3+$0xFFFFFF60] =	vst v26;
	v48 =	vmul.f32 $5.000000000e-01, v45;
	v8 =	vmul.f32 $5.000000000e-01, v46;
	v12 =	vld [tilespmem:s7+$0x22E0]  }
0x51c: {  	[tilespmem:s0+$0xFFFFFFE0] =	vst v40;
	v44 =	vld.idx.msk [tilespmem:v13+s16+$0x0], $0xffff;
	v7 =	vadd.f32 $-8.388608000e+06, v7;
	v53 =	vmul.f32 $5.000000000e-01, v49;
	v3 =	vcvt.f32.s32 v3  }
0x51d: {  	vm5 =	vgt.s32 v5, $0x0;
	v50 =	vld.idx.msk [tilespmem:v35+s17+$0x0], $0xffff;
	[tilespmem:s5+$0xFFFFFFE0] =	vst v41;
	v14 =	vmul.f32 $3.100000000e+01, v48;
	v8 =	vmul.f32 $3.100000000e+01, v8  }
0x51e: {  	[tilespmem:s31+$0x60] =	vst v47;
	v5 =	vnsel vm5, $0x0, v5;
	v52 =	vld.idx.msk [tilespmem:v11+s17+$0x0], $0xffff;
	v7 =	vtrunc.f32 v7;
	v18 =	vmul.f32 $3.100000000e+01, v53  }
0x51f: {  	v55 =	vld.idx.msk [tilespmem:v4+s18+$0x0], $0xffff;
	vm11 =	vgt.s32 v3, $0x0;
	v7 =	vcvt.f32.s32 v7;
	v14 =	vadd.f32 $8.388608000e+06, v14  }
0x520: {  	[tilespmem:s30+$0xFFFFFF70] =	vst v1;
	v3 =	vnsel vm11, $0x0, v3;
	v8 =	vadd.f32 $8.388608000e+06, v8;
	v51 =	vadd.f32 $1.000000000e+00, v12  }
0x521: {  	[tilespmem:s3+$0xFFFFFFE0] =	vst v44;
	v18 =	vadd.f32 $8.388608000e+06, v18;
	v3 =	vmin.u32 v3, $0x1F;
	v14 =	vadd.f32 $-8.388608000e+06, v14  }
0x522: {  	v5 =	vmin.u32 v5, $0x1F;
	[tilespmem:s0+$0x60] =	vst v50;
	v54 =	vld.idx.msk [tilespmem:v13+s17+$0x0], $0xffff;
	vm12 =	vgt.s32 v7, $0x0;
	v15 =	vmul.f32 $5.000000000e-01, v51  }
0x523: {  	v9 =	vld.idx.msk [tilespmem:v35+s18+$0x0], $0xffff;
	[tilespmem:s5+$0x60] =	vst v52;
	v8 =	vadd.f32 $-8.388608000e+06, v8;
	v18 =	vadd.f32 $-8.388608000e+06, v18;
	v14 =	vtrunc.f32 v14  }
0x524: {  	[tilespmem:s31+$0xE0] =	vst v55;
	v11 =	vld.idx.msk [tilespmem:v11+s18+$0x0], $0xffff;
	v7 =	vnsel vm12, $0x0, v7;
	v14 =	vcvt.f32.s32 v14;
	v15 =	vmul.f32 $3.100000000e+01, v15  }
0x525: {  	v57 =	vld [tilespmem:s2+$0x22F0];
	[tilespmem:s10+$0xFFFFFF60] =	vst v32;
	v7 =	vmin.u32 v7, $0x1F;
	v8 =	vtrunc.f32 v8;
	v18 =	vtrunc.f32 v18  }
0x526: {  	[tilespmem:s23+$0xFFFFFF60] =	vst v37;
	v8 =	vcvt.f32.s32 v8;
	v16 =	vld.idx.msk [tilespmem:v3+s16+$0x0], $0xffff;
	vm13 =	vgt.s32 v14, $0x0;
	v15 =	vadd.f32 $8.388608000e+06, v15  }
0x527: {  	v35 =	vld.idx.msk [tilespmem:v5+s16+$0x0], $0xffff;
	[tilespmem:s3+$0x60] =	vst v54;
	v56 =	vcvt.f32.s32 v18;
	v58 =	vnsel vm13, $0x0, v14  }
0x528: {  	[tilespmem:s0+$0xE0] =	vst v9;
	v13 =	vld.idx.msk [tilespmem:v13+s18+$0x0], $0xffff;
	vm14 =	vgt.s32 v8, $0x0;
	v9 =	vmin.u32 v58, $0x1F;
	v15 =	vadd.f32 $-8.388608000e+06, v15  }
0x529: {  	v60 =	vld [tilespmem:s9+$0x22F0];
	[tilespmem:s5+$0xE0] =	vst v11;
	vm15 =	vgt.s32 v56, $0x0;
	v8 =	vnsel vm14, $0x0, v8  }
0x52a: {  	[tilespmem:s13+$0xFFFFFF60] =	vst v6;
	v11 =	vld [tilespmem:s8+$0x22F0];
	v4 =	vnsel vm15, $0x0, v56;
	v8 =	vmin.u32 v8, $0x1F;
	v15 =	vtrunc.f32 v15  }
0x52b: {  	v61 =	vld.idx.msk [tilespmem:v7+s16+$0x0], $0xffff;
	v4 =	vmin.u32 v4, $0x1F;
	[tilespmem:s10+$0xFFFFFFE0] =	vst v16;
	v59 =	vcvt.f32.s32 v15  }
0x52c: {  	[tilespmem:s19+$0xFFFFFF60] =	vst v43;
	v16 =	vld.idx.msk [tilespmem:v3+s17+$0x0], $0xffff  }
0x52d: {  	v62 =	vadd.f32 $1.000000000e+00, v57;
	[tilespmem:s3+$0xE0] =	vst v13;
	v6 =	vld.idx.msk [tilespmem:v9+s16+$0x0], $0xffff;
	vm4 =	vgt.s32 v59, $0x0  }
0x52e: {  	[tilespmem:s4+$0xFFFFFF60] =	vst v10;
	v13 =	vld [tilespmem:s12+$0x22F0];
	v14 =	vnsel vm4, $0x0, v59  }
0x52f: {  	v22 =	vmul.f32 $5.000000000e-01, v62;
	[tilespmem:s21+$0xFFFFFF60] =	vst v12;
	v63 =	vld.idx.msk [tilespmem:v8+s16+$0x0], $0xffff;
	v14 =	vmin.u32 v14, $0x1F  }
0x530: {  	[tilespmem:s23+$0xFFFFFFE0] =	vst v61;
	v10 =	vld.idx.msk [tilespmem:v4+s16+$0x0], $0xffff  }
0x531: {  	v23 =	vadd.f32 $1.000000000e+00, v60;
	v25 =	vadd.f32 $1.000000000e+00, v11;
	v12 =	vmul.f32 $3.100000000e+01, v22;
	v21 =	vld.idx.msk [tilespmem:v7+s17+$0x0], $0xffff;
	[tilespmem:s10+$0x60] =	vst v16  }
0x532: {  	v3 =	vld.idx.msk [tilespmem:v3+s18+$0x0], $0xffff;
	[tilespmem:s13+$0xFFFFFFE0] =	vst v6  }
0x533: {  	v17 =	vmul.f32 $5.000000000e-01, v23;
	v19 =	vmul.f32 $5.000000000e-01, v25;
	v12 =	vadd.f32 $8.388608000e+06, v12;
	v27 =	vld.idx.msk [tilespmem:v9+s17+$0x0], $0xffff  }
0x534: {  	v26 =	vadd.f32 $1.000000000e+00, v13;
	[tilespmem:s19+$0xFFFFFFE0] =	vst v63;
	v24 =	vld.idx.msk [tilespmem:v14+s16+$0x0], $0xffff  }
0x535: {  	v17 =	vmul.f32 $3.100000000e+01, v17;
	v29 =	vmul.f32 $3.100000000e+01, v19;
	v12 =	vadd.f32 $-8.388608000e+06, v12;
	[tilespmem:s4+$0xFFFFFFE0] =	vst v10;
	v20 =	vld.idx.msk [tilespmem:v8+s17+$0x0], $0xffff  }
0x536: {  	v6 =	vmul.f32 $5.000000000e-01, v26;
	[tilespmem:s23+$0x60] =	vst v21;
	v10 =	vld.idx.msk [tilespmem:v4+s17+$0x0], $0xffff  }
0x537: {  	v28 =	vadd.f32 $8.388608000e+06, v17;
	v17 =	vadd.f32 $8.388608000e+06, v29;
	v12 =	vtrunc.f32 v12;
	v7 =	vld.idx.msk [tilespmem:v7+s18+$0x0], $0xffff;
	[tilespmem:s10+$0xE0] =	vst v3  }
0x538: {  	v12 =	vcvt.f32.s32 v12;
	v6 =	vmul.f32 $3.100000000e+01, v6;
	v3 =	vld [tilespmem:s11+$0x22F0];
	[tilespmem:s13+$0x60] =	vst v27  }
0x539: {  	v17 =	vadd.f32 $-8.388608000e+06, v17;
	v16 =	vadd.f32 $-8.388608000e+06, v28;
	v9 =	vld.idx.msk [tilespmem:v9+s18+$0x0], $0xffff;
	[tilespmem:s21+$0xFFFFFFE0] =	vst v24  }
0x53a: {  	vm6 =	vgt.s32 v12, $0x0;
	v6 =	vadd.f32 $8.388608000e+06, v6;
	[tilespmem:s19+$0x60] =	vst v20;
	v30 =	vld.idx.msk [tilespmem:v14+s17+$0x0], $0xffff  }
0x53b: {  	v32 =	vtrunc.f32 v17;
	v12 =	vnsel vm6, $0x0, v12;
	v16 =	vtrunc.f32 v16;
	[tilespmem:s4+$0x60] =	vst v10;
	v8 =	vld.idx.msk [tilespmem:v8+s18+$0x0], $0xffff  }
0x53c: {  	v31 =	vcvt.f32.s32 v16;
	v16 =	vcvt.f32.s32 v32;
	v6 =	vadd.f32 $-8.388608000e+06, v6;
	[tilespmem:s23+$0xE0] =	vst v7;
	v4 =	vld.idx.msk [tilespmem:v4+s18+$0x0], $0xffff  }
0x53d: {  	[tilespmem:s31+$0xFFFFFF70] =	vst v57;
	v12 =	vmin.u32 v12, $0x1F;
	v7 =	vld [tilespmem:s24+$0x22F0]  }
0x53e: {  	[tilespmem:s30+$0xFFFFFFF0] =	vst v35;
	vm8 =	vgt.s32 v16, $0x0;
	v6 =	vtrunc.f32 v6;
	v33 =	vadd.f32 $1.000000000e+00, v3  }
0x53f: {  	v41 =	vld.idx.msk [tilespmem:v5+s17+$0x0], $0xffff;
	vm7 =	vgt.s32 v31, $0x0;
	v16 =	vnsel vm8, $0x0, v16;
	v6 =	vcvt.f32.s32 v6;
	[tilespmem:s21+$0x60] =	vst v30  }
0x540: {  	v16 =	vmin.u32 v16, $0x1F;
	v10 =	vnsel vm7, $0x0, v31;
	[tilespmem:s13+$0xE0] =	vst v9;
	v17 =	vmul.f32 $5.000000000e-01, v33;
	v14 =	vld.idx.msk [tilespmem:v14+s18+$0x0], $0xffff  }
0x541: {  	v10 =	vmin.u32 v10, $0x1F;
	vm9 =	vgt.s32 v6, $0x0;
	[tilespmem:s19+$0xE0] =	vst v8;
	v9 =	vld [tilespmem:s14+$0x22F0]  }
0x542: {  	[tilespmem:s4+$0xE0] =	vst v4;
	v6 =	vnsel vm9, $0x0, v6;
	v36 =	vadd.f32 $1.000000000e+00, v7;
	v8 =	vld [tilespmem:s22+$0x22F0];
	v34 =	vmul.f32 $3.100000000e+01, v17  }
0x543: {  	[tilespmem:s0+$0xFFFFFF70] =	vst v60;
	v4 =	vld [tilespmem:s1+$0x22F0];
	v1 =	vmin.u32 v6, $0x1F  }
0x544: {  	[tilespmem:s5+$0xFFFFFF70] =	vst v11;
	v18 =	vld.idx.msk [tilespmem:v12+s16+$0x0], $0xffff;
	v38 =	vmul.f32 $5.000000000e-01, v36;
	v6 =	vadd.f32 $8.388608000e+06, v34  }
0x545: {  	v11 =	vld.idx.msk [tilespmem:v16+s16+$0x0], $0xffff;
	[tilespmem:s21+$0xE0] =	vst v14  }
0x546: {  	[tilespmem:s3+$0xFFFFFF70] =	vst v13;
	v13 =	vmul.f32 $3.100000000e+01, v38;
	v6 =	vadd.f32 $-8.388608000e+06, v6;
	v14 =	vld [tilespmem:s7+$0x22F0]  }
0x547: {  	v37 =	vld.idx.msk [tilespmem:v10+s16+$0x0], $0xffff;
	v40 =	vadd.f32 $1.000000000e+00, v9;
	v42 =	vadd.f32 $1.000000000e+00, v8  }
0x548: {  	v39 =	vld.idx.msk [tilespmem:v1+s16+$0x0], $0xffff;
	v13 =	vadd.f32 $8.388608000e+06, v13;
	v44 =	vadd.f32 $1.000000000e+00, v4  }
0x549: {  	[tilespmem:s30+$0x70] =	vst v41;
	v6 =	vtrunc.f32 v6;
	v17 =	vmul.f32 $5.000000000e-01, v40  }
0x54a: {  	[tilespmem:s31+$0xFFFFFFF0] =	vst v18;
	v46 =	vmul.f32 $5.000000000e-01, v42;
	v13 =	vadd.f32 $-8.388608000e+06, v13;
	v19 =	vmul.f32 $5.000000000e-01, v44  }
0x54b: {  	v43 =	vld.idx.msk [tilespmem:v12+s17+$0x0], $0xffff;
	[tilespmem:s5+$0xFFFFFFF0] =	vst v11;
	v6 =	vcvt.f32.s32 v6;
	v17 =	vmul.f32 $3.100000000e+01, v17;
	v47 =	vadd.f32 $1.000000000e+00, v14  }
0x54c: {  	v5 =	vld.idx.msk [tilespmem:v5+s18+$0x0], $0xffff;
	[tilespmem:s0+$0xFFFFFFF0] =	vst v37;
	v11 =	vmul.f32 $3.100000000e+01, v46;
	v13 =	vtrunc.f32 v13  }
0x54d: {  	v45 =	vld.idx.msk [tilespmem:v10+s17+$0x0], $0xffff;
	v19 =	vmul.f32 $3.100000000e+01, v19;
	[tilespmem:s3+$0xFFFFFFF0] =	vst v39;
	v18 =	vmul.f32 $5.000000000e-01, v47  }
0x54e: {  	vm10 =	vgt.s32 v6, $0x0;
	v13 =	vcvt.f32.s32 v13;
	v49 =	vld.idx.msk [tilespmem:v1+s17+$0x0], $0xffff;
	v17 =	vadd.f32 $8.388608000e+06, v17  }
0x54f: {  	[tilespmem:s29+$0xF0] =	vst v2;
	v6 =	vnsel vm10, $0x0, v6;
	v19 =	vadd.f32 $8.388608000e+06, v19;
	v18 =	vmul.f32 $3.100000000e+01, v18  }
0x550: {  	[tilespmem:s31+$0x70] =	vst v43;
	v11 =	vadd.f32 $8.388608000e+06, v11;
	v6 =	vmin.u32 v6, $0x1F;
	v17 =	vadd.f32 $-8.388608000e+06, v17  }
0x551: {  	[tilespmem:s30+$0xF0] =	vst v5;
	v12 =	vld.idx.msk [tilespmem:v12+s18+$0x0], $0xffff;
	vm11 =	vgt.s32 v13, $0x0;
	v51 =	vadd.f32 $-8.388608000e+06, v19;
	v50 =	vadd.f32 $8.388608000e+06, v18  }
0x552: {  	v48 =	vld.idx.msk [tilespmem:v16+s17+$0x0], $0xffff;
	[tilespmem:s0+$0x70] =	vst v45;
	v11 =	vadd.f32 $-8.388608000e+06, v11;
	v13 =	vnsel vm11, $0x0, v13;
	v17 =	vtrunc.f32 v17  }
0x553: {  	v10 =	vld.idx.msk [tilespmem:v10+s18+$0x0], $0xffff;
	v53 =	vtrunc.f32 v51;
	[tilespmem:s3+$0x70] =	vst v49;
	v2 =	vcvt.f32.s32 v17;
	v15 =	vadd.f32 $-8.388608000e+06, v50  }
0x554: {  	[tilespmem:s10+$0xFFFFFF70] =	vst v3;
	v52 =	vmin.u32 v13, $0x1F;
	v11 =	vtrunc.f32 v11;
	v54 =	vcvt.f32.s32 v53;
	v1 =	vld.idx.msk [tilespmem:v1+s18+$0x0], $0xffff  }
0x555: {  	[tilespmem:s23+$0xFFFFFF70] =	vst v7;
	v11 =	vcvt.f32.s32 v11;
	vm12 =	vgt.s32 v2, $0x0;
	v55 =	vtrunc.f32 v15  }
0x556: {  	[tilespmem:s31+$0xF0] =	vst v12;
	vm14 =	vgt.s32 v54, $0x0;
	v2 =	vnsel vm12, $0x0, v2;
	v56 =	vcvt.f32.s32 v55  }
0x557: {  	[tilespmem:s5+$0x70] =	vst v48;
	vm13 =	vgt.s32 v11, $0x0;
	v57 =	vnsel vm14, $0x0, v54;
	v2 =	vmin.u32 v2, $0x1F  }
0x558: {  	[tilespmem:s0+$0xF0] =	vst v10;
	v11 =	vnsel vm13, $0x0, v11;
	v3 =	vmin.u32 v57, $0x1F;
	vm15 =	vgt.s32 v56, $0x0  }
0x559: {  	v16 =	vld.idx.msk [tilespmem:v16+s18+$0x0], $0xffff;
	[tilespmem:s3+$0xF0] =	vst v1;
	v1 =	vmin.u32 v11, $0x1F;
	v10 =	vnsel vm15, $0x0, v56  }
0x55a: {  	[tilespmem:s13+$0xFFFFFF70] =	vst v9;
	v58 =	vld.idx.msk [tilespmem:v6+s16+$0x0], $0xffff;
	v59 =	vmin.u32 v10, $0x1F  }
0x55b: {  	[tilespmem:s19+$0xFFFFFF70] =	vst v8;
	v60 =	vld.idx.msk [tilespmem:v52+s16+$0x0], $0xffff  }
0x55c: {  	[tilespmem:s4+$0xFFFFFF70] =	vst v4;
	v9 =	vld.idx.msk [tilespmem:v2+s16+$0x0], $0xffff  }
0x55d: {  	[tilespmem:s21+$0xFFFFFF70] =	vst v14;
	v4 =	vld.idx.msk [tilespmem:v3+s16+$0x0], $0xffff  }
0x55e: {  	[tilespmem:s5+$0xF0] =	vst v16;
	v8 =	vld.idx.msk [tilespmem:v1+s16+$0x0], $0xffff  }
0x55f: {  	[tilespmem:s10+$0xFFFFFFF0] =	vst v58;
	v61 =	vld.idx.msk [tilespmem:v59+s16+$0x0], $0xffff  }
0x560: {  	v62 =	vld.idx.msk [tilespmem:v6+s17+$0x0], $0xffff;
	[tilespmem:s23+$0xFFFFFFF0] =	vst v60  }
0x561: {  	v10 =	vld.idx.msk [tilespmem:v52+s17+$0x0], $0xffff;
	[tilespmem:s13+$0xFFFFFFF0] =	vst v9  }
0x562: {  	[tilespmem:s4+$0xFFFFFFF0] =	vst v4;
	v9 =	vld.idx.msk [tilespmem:v2+s17+$0x0], $0xffff  }
0x563: {  	v4 =	vld.idx.msk [tilespmem:v3+s17+$0x0], $0xffff;
	[tilespmem:s19+$0xFFFFFFF0] =	vst v8  }
0x564: {  	v8 =	vld.idx.msk [tilespmem:v1+s17+$0x0], $0xffff;
	[tilespmem:s21+$0xFFFFFFF0] =	vst v61  }
0x565: {  	[tilespmem:s10+$0x70] =	vst v62;
	v11 =	vld.idx.msk [tilespmem:v59+s17+$0x0], $0xffff  }
0x566: {  	v6 =	vld.idx.msk [tilespmem:v6+s18+$0x0], $0xffff;
	[tilespmem:s23+$0x70] =	vst v10  }
0x567: {  	v5 =	vld.idx.msk [tilespmem:v52+s18+$0x0], $0xffff;
	[tilespmem:s13+$0x70] =	vst v9  }
0x568: {  	[tilespmem:s4+$0x70] =	vst v4;
	v2 =	vld.idx.msk [tilespmem:v2+s18+$0x0], $0xffff  }
0x569: {  	v3 =	vld.idx.msk [tilespmem:v3+s18+$0x0], $0xffff;
	[tilespmem:s19+$0x70] =	vst v8  }
0x56a: {  	v1 =	vld.idx.msk [tilespmem:v1+s18+$0x0], $0xffff;
	[tilespmem:s21+$0x70] =	vst v11  }
0x56b: {  	[tilespmem:s10+$0xF0] =	vst v6;
	v63 =	vld.idx.msk [tilespmem:v59+s18+$0x0], $0xffff  }
0x56c: {  	p0 =	seq.s32 s25, $0x1F;
	[tilespmem:s23+$0xF0] =	vst v5  }
.Ltmp7:
0x56d: {  	[tilespmem:s13+$0xF0] =	vst v2;
	(pc) =	sbr.rel @p0 .LBB2_12-.Ltmp7, $4  }
0x56e: {  	s15 =	rddreg [dreg:$0x3];
	[tilespmem:s4+$0xF0] =	vst v3  }
0x56f: {  	s30 =	sadd.s32 s28, s15;
	[tilespmem:s19+$0xF0] =	vst v1  }
0x570: {  	s31 =	simm.s32 $0xC280;
	s0 =	sadd.s32 $0x1000, s30;
	[tilespmem:s21+$0xF0] =	vst v63  }
0x571: {  	[hbm4b:s0+s6] =	stream.linear.scatter [tilespmem:s31], [sflag:$0x4], $0x8000, $0x38;
	[tilespmem:$0x14280] =	vst v63  }
.Ltmp8:
0x572: {  	(pc) =	sbr.rel .LBB2_2-.Ltmp8, $4  }
0x573: {  	s0 =	sshrl.u32 s26, $0x3;
	s1 =	rddreg [dreg:$0x0]  }
0x574: {  	s0 =	sadd.s32 s1, s0  }
0x575: {  	s31 =	simm.s32 $0x2280;
	s25 =	sadd.s32 $0x1, s25;
	s0 =	sadd.s32 $0xC00, s0  }
0x576: {  	[tilespmem:s31], [sflag:$0x2] =	stream.linear.gather [hbm4b:s0+s6], $0x2000, $0x38;
	[tilespmem:$0x14280] =	vst v63  }
.LBB2_13:
0x577: {  	_ =	sfence.sel $0x180000  }
0x578: {  	[bflag:$0x0] =	sbarrier.arrive $0xFFFF  }
0x579: {  	_ =	strace $0x90000047  }
0x57a: {  	s0 =	stileid.u32;
	[bflag:$0x2] =	sbarrier.arrive $0xFFFF  }
0x57b: {  	p0 =	sne.s32 s0, $0x0;
	s0 =	rddreg [dreg:$0x4]  }
0x57c: {  	s0 =	sadd.s32 @!p0 $0x100000, s0  }
0x57d: {  	[sflag:s0] =	ssyncadd.tile.s32 @!p0 $0x1;
	_ =	shalt  }
.Lfunc_end2:
_tile_overlayer_lowered:
.L_overlay_start_2:
0x57e: {  	(tag) =	ssettag $0x2  }
0x57f: {  	s0 =	rddreg [dreg:$0x0];
	s2 =	stileid.u32  }
0x580: {  	s1 =	rddreg [dreg:$0x1];
	p0 =	sne.s32 s2, $0x0  }
0x581: {  	s3 =	rddreg [dreg:$0x2];
	[bflag:$0x3] =	sbarrier.arrive $0xFFFF;
	s2 =	simm.s32 @!p0 $0x1C05  }
0x582: {  	[timem:s3], [sflag:s2] =	dma.local @!p0 [hbm:s0], s1  }
0x583: {  	s0 =	simm.s32 @!p0 $0x5  }
0x584: {  	_ =	swait.ge @!p0 [sflag:s0], s1  }
0x585: {  	s1 =	ssub.s32 @!p0 $0x0, s1;
	[sflag:s0] =	ssyncset.done @!p0 $0x0  }
0x586: {  	[sflag:s0] =	ssyncadd.s32 @!p0 s1  }
0x587: {  	[bflag:$0x3] =	sbarrier.arrive $0xFFFF  }
0x588: {  	_ =	shalt  }

</sc_bundles>
